<compile_context>
chip_gen: v7x
topology: tpu7x:2x2x1
jax: 0.10.2.dev20260603
libtpu: 0.0.44.dev20260713+nightly
codegen_flags: <defaults>
</compile_context>

<pallas_src>
import functools

import jax
import jax.numpy as jnp
from jax import lax
from jax.experimental import pallas as pl
from jax.experimental.pallas import tpu as pltpu
from jax.experimental.pallas import tpu_sc as plsc

_NE = 8192
_D = 64
_BM = 576
_SB = 96
_LW = 128
_NC = _NE // _LW
_GROUP = 24
_NG = _BM // _GROUP

_NW = 32


def _vq_argmin_body(x_ref, xn_ref, emb_ref, en_ref, idx_ref, l_ref):
    x = x_ref[...]
    x2 = x + x
    mm2 = lax.dot_general(x2, emb_ref[...], (((1,), (1,)), ((), ())),
                          preferred_element_type=jnp.float32)
    en = en_ref[...]
    xn = xn_ref[...]
    lane_f = lax.broadcasted_iota(jnp.int32, (_SB, _LW), 1).astype(jnp.float32)
    idx_parts = []
    min_parts = []
    for sb in range(_BM // _SB):
        xn_s = xn[sb * _SB:(sb + 1) * _SB, :]
        acc_v = jnp.full((_SB, _LW), jnp.inf, dtype=jnp.float32)
        acc_c = jnp.zeros((_SB, _LW), dtype=jnp.float32)
        for c in range(_NC):
            en_c = en[:, c * _LW:(c + 1) * _LW]
            mm_c = mm2[sb * _SB:(sb + 1) * _SB, c * _LW:(c + 1) * _LW]
            d_c = (xn_s + en_c) - mm_c
            better = d_c < acc_v
            acc_v = jnp.where(better, d_c, acc_v)
            acc_c = jnp.where(better, float(c), acc_c)
        minval = jnp.min(acc_v, axis=1, keepdims=True)
        cand = jnp.where(acc_v == minval, acc_c * float(_LW) + lane_f,
                         float(_NE))
        idx_f = jnp.min(cand, axis=1, keepdims=True)
        idx_parts.append(idx_f.astype(jnp.int32))
        min_parts.append(minval)
    run_idx = jnp.concatenate(idx_parts, axis=0)
    run_min = jnp.concatenate(min_parts, axis=0)
    idx_ref[...] = run_idx
    gi = lax.broadcasted_iota(jnp.int32, (_NG, _BM), 0)
    ri = lax.broadcasted_iota(jnp.int32, (_NG, _BM), 1)
    gmat = (ri // _GROUP == gi).astype(jnp.float32)
    gsum = lax.dot_general(gmat, run_min, (((1,), (0,)), ((), ())),
                           precision=lax.Precision.HIGHEST,
                           preferred_element_type=jnp.float32)
    l_ref[...] = gsum * ((1.0 + 0.25) / (_GROUP * _D))


def _argmin_call(x_flat, xn, embeddings, en, M):
    return pl.pallas_call(
        _vq_argmin_body,
        grid=(M // _BM,),
        in_specs=[
            pl.BlockSpec((_BM, _D), lambda i: (i, 0)),
            pl.BlockSpec((_BM, 1), lambda i: (i, 0)),
            pl.BlockSpec((_NE, _D), lambda i: (0, 0)),
            pl.BlockSpec((1, _NE), lambda i: (0, 0)),
        ],
        out_specs=[
            pl.BlockSpec((_BM, 1), lambda i: (i, 0)),
            pl.BlockSpec((_NG, 1), lambda i: (i, 0)),
        ],
        out_shape=[
            jax.ShapeDtypeStruct((M, 1), jnp.int32),
            jax.ShapeDtypeStruct((M // _GROUP, 1), jnp.float32),
        ],
    )(x_flat, xn, embeddings, en)


def _make_sc_gather(M):
    b_per_w = M // _NW
    mesh = plsc.VectorSubcoreMesh(core_axis_name="c", subcore_axis_name="s")

    @functools.partial(
        pl.kernel,
        mesh=mesh,
        out_type=jax.ShapeDtypeStruct((M, _D), jnp.float32),
        scratch_types=[
            pltpu.VMEM((b_per_w // 2,), jnp.int32),
            pltpu.VMEM((b_per_w // 2,), jnp.int32),
            pltpu.VMEM((b_per_w // 2, _D), jnp.float32),
            pltpu.VMEM((b_per_w // 2, _D), jnp.float32),
            pltpu.SemaphoreType.DMA,
            pltpu.SemaphoreType.DMA,
        ],
        compiler_params=pltpu.CompilerParams(use_tc_tiling_on_sc=False),
    )
    def gather_st(emb_hbm, idx_hbm, out_hbm,
                  idx_a, idx_b, rows_a, rows_b, sem_a, sem_b):
        wid = lax.axis_index("s") * 2 + lax.axis_index("c")
        h = b_per_w // 2
        base = wid * b_per_w
        pltpu.sync_copy(idx_hbm.at[pl.ds(base, h)], idx_a)
        ga = pltpu.async_copy(emb_hbm.at[idx_a], rows_a, sem_a)
        pltpu.sync_copy(idx_hbm.at[pl.ds(base + h, h)], idx_b)
        gb = pltpu.async_copy(emb_hbm.at[idx_b], rows_b, sem_b)
        ga.wait()
        pltpu.sync_copy(rows_a, out_hbm.at[pl.ds(base, h)])
        gb.wait()
        pltpu.sync_copy(rows_b, out_hbm.at[pl.ds(base + h, h)])

    return gather_st


def kernel(x, embeddings):
    B, H, W, D = x.shape
    M = B * H * W
    x_flat = x.reshape(M, D)
    xn = jnp.sum(x_flat ** 2, axis=1, keepdims=True)
    en = jnp.sum(embeddings ** 2, axis=1).reshape(1, _NE)
    idx_col, l_col = _argmin_call(x_flat, xn, embeddings, en, M)
    xq_flat = _make_sc_gather(M)(embeddings, idx_col.reshape(M))
    x_q_st = xq_flat.reshape(B, H, W, D)
    l = l_col.reshape(B, H)
    return (x_q_st, l)

# --- scband reference (transcript-rebuilt; emitter-appended) ---
"""Pipeline reference for scband-vector-quantizer-16741782520497 (READ-ONLY COPY).

The authoritative reference and input builder live on the scoring server;
editing this copy changes nothing except your own understanding.
"""

import jax, jax.numpy as jnp
import numpy as np

NUM_EMBEDDINGS = 8192
EMBEDDING_DIM = 64
BETA = 0.25


def setup_inputs(seed: int = 0) -> dict:
    key = jax.random.key(seed)
    k1, k2 = jax.random.split(key)
    x = jax.random.normal(k1, (16, 24, 24, EMBEDDING_DIM), dtype=jnp.float32)
    embeddings = jax.random.normal(k2, (NUM_EMBEDDINGS, EMBEDDING_DIM), dtype=jnp.float32) * 0.02
    return {"x": x, "embeddings": embeddings}


def reference(x, embeddings):
    D = EMBEDDING_DIM
    x_flat = x.reshape(-1, D)
    # d[i, k] = ||x_i||^2 + ||e_k||^2 - 2 x_i . e_k
    d = (jnp.sum(x_flat ** 2, axis=1, keepdims=True)
         + jnp.sum(embeddings ** 2, axis=1)
         - 2.0 * jnp.matmul(x_flat, embeddings.T))
    min_encoding_indices = jnp.argmin(d, axis=1)
    x_q = jnp.take(embeddings, min_encoding_indices, axis=0)
    x_q = x_q.reshape(x.shape)
    # straight-through estimator
    x_q_st = x + jax.lax.stop_gradient(x_q - x)
    loss = (jax.lax.stop_gradient(x_q_st) - x) ** 2 + BETA * (x_q_st - jax.lax.stop_gradient(x)) ** 2
    l = loss.mean(-1)
    l = l.reshape(l.shape[0], l.shape[1], -1)
    l = l.mean(-1)
    return (x_q_st, l)

if __name__ == "__main__":
    import jax
    _d = setup_inputs()
    print(jax.jit(kernel)(*tuple(_d.values())))

</pallas_src>

<mosaic_0001>
#map = affine_map<(d0, d1) -> (0, 0)>
#map1 = affine_map<(d0, d1) -> (0)>
module attributes {stable_mosaic.version = 14 : i64} {
  func.func @gather_st(%arg0: i32, %arg1: i32, %arg2: memref<8192x64xf32, #tpu.memory_space<hbm>>, %arg3: memref<9216xi32, #tpu.memory_space<hbm>>, %arg4: memref<9216x64xf32, #tpu.memory_space<hbm>>, %arg5: memref<144xi32, #tpu.memory_space<vmem>>, %arg6: memref<144xi32, #tpu.memory_space<vmem>>, %arg7: memref<144x64xf32, #tpu.memory_space<vmem>>, %arg8: memref<144x64xf32, #tpu.memory_space<vmem>>, %arg9: memref<!tpu.dma_semaphore, #tpu.memory_space<semaphore_mem>>, %arg10: memref<!tpu.dma_semaphore, #tpu.memory_space<semaphore_mem>>) attributes {dimension_semantics = [#tpu.dimension_semantics<core_parallel>, #tpu.dimension_semantics<subcore_parallel>], iteration_bounds = array<i64: 2, 16>, scalar_prefetch = 0 : i64, scratch_operands = 6 : i64, tpu.core_type = #tpu.core_type<sc_vector_subcore>, window_params = [{transform_indices = #map}, {transform_indices = #map1}, {transform_indices = #map}]} {
    %mul3A = arith.constant 2 : i32
    %mul3A_0 = arith.muli %arg1, %mul3A : i32
    %add3A = arith.addi %mul3A_0, %arg0 : i32
    %mul3A_1 = arith.constant 288 : i32
    %mul3A_2 = arith.muli %add3A, %mul3A_1 : i32
    "tpu.region"() ({
      %run_scoped3A = tpu.sem_alloc : memref<!tpu.dma_semaphore, #tpu.memory_space<semaphore_mem>>
      %dma_start3A_17 = tpu.memref_slice %arg3[%mul3A_2] : memref<9216xi32, #tpu.memory_space<hbm>> -> memref<144xi32, #tpu.memory_space<hbm>>
      %dma_start3A_18 = tpu.memref_slice %arg3[%mul3A_2] : memref<9216xi32, #tpu.memory_space<hbm>> -> memref<144xi32, #tpu.memory_space<hbm>>
      tpu.enqueue_dma source(%dma_start3A_18 : memref<144xi32, #tpu.memory_space<hbm>>) target(%arg5 : memref<144xi32, #tpu.memory_space<vmem>>) target_semaphore(%run_scoped3A : memref<!tpu.dma_semaphore, #tpu.memory_space<semaphore_mem>>)
      %dma_wait3A_19 = tpu.memref_slice %arg3[%mul3A_2] : memref<9216xi32, #tpu.memory_space<hbm>> -> memref<144xi32, #tpu.memory_space<hbm>>
      %dma_wait3A_20 = tpu.memref_slice %arg3[%mul3A_2] : memref<9216xi32, #tpu.memory_space<hbm>> -> memref<144xi32, #tpu.memory_space<hbm>>
      tpu.wait_dma2 semaphore(%run_scoped3A : memref<!tpu.dma_semaphore, #tpu.memory_space<semaphore_mem>>) src(%dma_wait3A_20 : memref<144xi32, #tpu.memory_space<hbm>>) dst(%arg5 : memref<144xi32, #tpu.memory_space<vmem>>)
      tpu.yield
    }) : () -> ()
    %dma_start3A = arith.constant 0 : i32
    %dma_start3A_3 = arith.constant 0 : i32
    %dma_start3A_4 = tpu.memref_slice %arg2[%dma_start3A, %dma_start3A_3] : memref<8192x64xf32, #tpu.memory_space<hbm>> -> memref<8192x64xf32, #tpu.memory_space<hbm>>
    tpu.enqueue_indirect_dma source(%dma_start3A_4 : memref<8192x64xf32, #tpu.memory_space<hbm>>) target(%arg7 : memref<144x64xf32, #tpu.memory_space<vmem>>) offsets(%arg5 : memref<144xi32, #tpu.memory_space<vmem>>) semaphore(%arg9 : memref<!tpu.dma_semaphore, #tpu.memory_space<semaphore_mem>>)
    %add3A_5 = arith.constant 144 : i32
    %add3A_6 = arith.addi %mul3A_2, %add3A_5 : i32
    "tpu.region"() ({
      %run_scoped3A = tpu.sem_alloc : memref<!tpu.dma_semaphore, #tpu.memory_space<semaphore_mem>>
      %dma_start3A_17 = tpu.memref_slice %arg3[%add3A_6] : memref<9216xi32, #tpu.memory_space<hbm>> -> memref<144xi32, #tpu.memory_space<hbm>>
      %dma_start3A_18 = tpu.memref_slice %arg3[%add3A_6] : memref<9216xi32, #tpu.memory_space<hbm>> -> memref<144xi32, #tpu.memory_space<hbm>>
      tpu.enqueue_dma source(%dma_start3A_18 : memref<144xi32, #tpu.memory_space<hbm>>) target(%arg6 : memref<144xi32, #tpu.memory_space<vmem>>) target_semaphore(%run_scoped3A : memref<!tpu.dma_semaphore, #tpu.memory_space<semaphore_mem>>)
      %dma_wait3A_19 = tpu.memref_slice %arg3[%add3A_6] : memref<9216xi32, #tpu.memory_space<hbm>> -> memref<144xi32, #tpu.memory_space<hbm>>
      %dma_wait3A_20 = tpu.memref_slice %arg3[%add3A_6] : memref<9216xi32, #tpu.memory_space<hbm>> -> memref<144xi32, #tpu.memory_space<hbm>>
      tpu.wait_dma2 semaphore(%run_scoped3A : memref<!tpu.dma_semaphore, #tpu.memory_space<semaphore_mem>>) src(%dma_wait3A_20 : memref<144xi32, #tpu.memory_space<hbm>>) dst(%arg6 : memref<144xi32, #tpu.memory_space<vmem>>)
      tpu.yield
    }) : () -> ()
    %dma_start3A_7 = arith.constant 0 : i32
    %dma_start3A_8 = arith.constant 0 : i32
    %dma_start3A_9 = tpu.memref_slice %arg2[%dma_start3A_7, %dma_start3A_8] : memref<8192x64xf32, #tpu.memory_space<hbm>> -> memref<8192x64xf32, #tpu.memory_space<hbm>>
    tpu.enqueue_indirect_dma source(%dma_start3A_9 : memref<8192x64xf32, #tpu.memory_space<hbm>>) target(%arg8 : memref<144x64xf32, #tpu.memory_space<vmem>>) offsets(%arg6 : memref<144xi32, #tpu.memory_space<vmem>>) semaphore(%arg10 : memref<!tpu.dma_semaphore, #tpu.memory_space<semaphore_mem>>)
    %dma_wait3A = arith.constant 0 : i32
    %dma_wait3A_10 = arith.constant 0 : i32
    %dma_wait3A_11 = tpu.memref_slice %arg2[%dma_wait3A, %dma_wait3A_10] : memref<8192x64xf32, #tpu.memory_space<hbm>> -> memref<8192x64xf32, #tpu.memory_space<hbm>>
    tpu.wait_indirect_dma semaphore(%arg9 : memref<!tpu.dma_semaphore, #tpu.memory_space<semaphore_mem>>) src(%dma_wait3A_11 : memref<8192x64xf32, #tpu.memory_space<hbm>>) dst(%arg7 : memref<144x64xf32, #tpu.memory_space<vmem>>)
    "tpu.region"() ({
      %run_scoped3A = tpu.sem_alloc : memref<!tpu.dma_semaphore, #tpu.memory_space<semaphore_mem>>
      %dma_start3A_17 = arith.constant 0 : i32
      %dma_start3A_18 = tpu.memref_slice %arg4[%mul3A_2, %dma_start3A_17] : memref<9216x64xf32, #tpu.memory_space<hbm>> -> memref<144x64xf32, #tpu.memory_space<hbm>>
      %dma_start3A_19 = arith.constant 0 : i32
      %dma_start3A_20 = tpu.memref_slice %arg4[%mul3A_2, %dma_start3A_19] : memref<9216x64xf32, #tpu.memory_space<hbm>> -> memref<144x64xf32, #tpu.memory_space<hbm>>
      tpu.enqueue_dma source(%arg7 : memref<144x64xf32, #tpu.memory_space<vmem>>) target(%dma_start3A_20 : memref<144x64xf32, #tpu.memory_space<hbm>>) target_semaphore(%run_scoped3A : memref<!tpu.dma_semaphore, #tpu.memory_space<semaphore_mem>>)
      %dma_wait3A_21 = arith.constant 0 : i32
      %dma_wait3A_22 = tpu.memref_slice %arg4[%mul3A_2, %dma_wait3A_21] : memref<9216x64xf32, #tpu.memory_space<hbm>> -> memref<144x64xf32, #tpu.memory_space<hbm>>
      %dma_wait3A_23 = arith.constant 0 : i32
      %dma_wait3A_24 = tpu.memref_slice %arg4[%mul3A_2, %dma_wait3A_23] : memref<9216x64xf32, #tpu.memory_space<hbm>> -> memref<144x64xf32, #tpu.memory_space<hbm>>
      tpu.wait_dma2 semaphore(%run_scoped3A : memref<!tpu.dma_semaphore, #tpu.memory_space<semaphore_mem>>) src(%arg7 : memref<144x64xf32, #tpu.memory_space<vmem>>) dst(%dma_wait3A_24 : memref<144x64xf32, #tpu.memory_space<hbm>>)
      tpu.yield
    }) : () -> ()
    %dma_wait3A_12 = arith.constant 0 : i32
    %dma_wait3A_13 = arith.constant 0 : i32
    %dma_wait3A_14 = tpu.memref_slice %arg2[%dma_wait3A_12, %dma_wait3A_13] : memref<8192x64xf32, #tpu.memory_space<hbm>> -> memref<8192x64xf32, #tpu.memory_space<hbm>>
    tpu.wait_indirect_dma semaphore(%arg10 : memref<!tpu.dma_semaphore, #tpu.memory_space<semaphore_mem>>) src(%dma_wait3A_14 : memref<8192x64xf32, #tpu.memory_space<hbm>>) dst(%arg8 : memref<144x64xf32, #tpu.memory_space<vmem>>)
    %add3A_15 = arith.constant 144 : i32
    %add3A_16 = arith.addi %mul3A_2, %add3A_15 : i32
    "tpu.region"() ({
      %run_scoped3A = tpu.sem_alloc : memref<!tpu.dma_semaphore, #tpu.memory_space<semaphore_mem>>
      %dma_start3A_17 = arith.constant 0 : i32
      %dma_start3A_18 = tpu.memref_slice %arg4[%add3A_16, %dma_start3A_17] : memref<9216x64xf32, #tpu.memory_space<hbm>> -> memref<144x64xf32, #tpu.memory_space<hbm>>
      %dma_start3A_19 = arith.constant 0 : i32
      %dma_start3A_20 = tpu.memref_slice %arg4[%add3A_16, %dma_start3A_19] : memref<9216x64xf32, #tpu.memory_space<hbm>> -> memref<144x64xf32, #tpu.memory_space<hbm>>
      tpu.enqueue_dma source(%arg8 : memref<144x64xf32, #tpu.memory_space<vmem>>) target(%dma_start3A_20 : memref<144x64xf32, #tpu.memory_space<hbm>>) target_semaphore(%run_scoped3A : memref<!tpu.dma_semaphore, #tpu.memory_space<semaphore_mem>>)
      %dma_wait3A_21 = arith.constant 0 : i32
      %dma_wait3A_22 = tpu.memref_slice %arg4[%add3A_16, %dma_wait3A_21] : memref<9216x64xf32, #tpu.memory_space<hbm>> -> memref<144x64xf32, #tpu.memory_space<hbm>>
      %dma_wait3A_23 = arith.constant 0 : i32
      %dma_wait3A_24 = tpu.memref_slice %arg4[%add3A_16, %dma_wait3A_23] : memref<9216x64xf32, #tpu.memory_space<hbm>> -> memref<144x64xf32, #tpu.memory_space<hbm>>
      tpu.wait_dma2 semaphore(%run_scoped3A : memref<!tpu.dma_semaphore, #tpu.memory_space<semaphore_mem>>) src(%arg8 : memref<144x64xf32, #tpu.memory_space<vmem>>) dst(%dma_wait3A_24 : memref<144x64xf32, #tpu.memory_space<hbm>>)
      tpu.yield
    }) : () -> ()
    return
  }
}

module attributes {stable_mosaic.version = 14 : i64} {
  func.func @_vq_argmin_body(%arg0: i32, %arg1: memref<576x64xf32, #tpu.memory_space<vmem>>, %arg2: memref<576x1xf32, #tpu.memory_space<vmem>>, %arg3: memref<8192x64xf32, #tpu.memory_space<vmem>>, %arg4: memref<1x8192xf32, #tpu.memory_space<vmem>>, %arg5: memref<576x1xi32, #tpu.memory_space<vmem>>, %arg6: memref<24x1xf32, #tpu.memory_space<vmem>>) attributes {dimension_semantics = [#tpu.dimension_semantics<arbitrary>], iteration_bounds = array<i64: 16>, scalar_prefetch = 0 : i64, scratch_operands = 0 : i64, tpu.core_type = #tpu.core_type<tc>, window_params = [{transform_indices = @transform_0, window_bounds = array<i64: 576, 64>}, {transform_indices = @transform_1, window_bounds = array<i64: 576, 1>}, {pipeline_mode = #tpu.pipeline_mode<synchronous>, transform_indices = @transform_2, window_bounds = array<i64: 8192, 64>}, {pipeline_mode = #tpu.pipeline_mode<synchronous>, transform_indices = @transform_3, window_bounds = array<i64: 1, 8192>}, {transform_indices = @transform_4, window_bounds = array<i64: 576, 1>}, {transform_indices = @transform_5, window_bounds = array<i64: 24, 1>}]} {
    %get3A = arith.constant 0 : index
    %get3A_0 = arith.constant 0 : index
    %get3A_1 = vector.load %arg1[%get3A, %get3A_0] : memref<576x64xf32, #tpu.memory_space<vmem>>, vector<576x64xf32>
    %add3A = arith.addf %get3A_1, %get3A_1 : vector<576x64xf32>
    %get3A_2 = arith.constant 0 : index
    %get3A_3 = arith.constant 0 : index
    %get3A_4 = vector.load %arg3[%get3A_2, %get3A_3] : memref<8192x64xf32, #tpu.memory_space<vmem>>, vector<8192x64xf32>
    %dot_general3A = arith.constant dense<0.000000e+00> : vector<576x8192xf32>
    %dot_general3A_5 = tpu.matmul %add3A, %get3A_4, %dot_general3A {dimension_numbers = #tpu.dot_dimension_numbers<[1], [1], [0], [0], [0, 0, 1, 0], [], []>, transpose_lhs_hint = false} : vector<576x64xf32>, vector<8192x64xf32>, vector<576x8192xf32> -> vector<576x8192xf32>
    %get3A_6 = arith.constant 0 : index
    %get3A_7 = arith.constant 0 : index
    %get3A_8 = vector.load %arg4[%get3A_6, %get3A_7] : memref<1x8192xf32, #tpu.memory_space<vmem>>, vector<1x8192xf32>
    %get3A_9 = arith.constant 0 : index
    %get3A_10 = arith.constant 0 : index
    %get3A_11 = vector.load %arg2[%get3A_9, %get3A_10] : memref<576x1xf32, #tpu.memory_space<vmem>>, vector<576x1xf32>
    %iota3A = tpu.iota {dimensions = array<i32: 1>} : vector<96x128xi32>
    %convert_element_type3A = arith.sitofp %iota3A : vector<96x128xi32> to vector<96x128xf32>
    %slice3A = vector.extract_strided_slice %get3A_11 {offsets = [0, 0], sizes = [96, 1], strides = [1, 1]} : vector<576x1xf32> to vector<96x1xf32>
    %broadcast_in_dim3A = arith.constant 0x7F800000 : f32
    %broadcast_in_dim3A_12 = vector.broadcast %broadcast_in_dim3A : f32 to vector<96x128xf32>
    %broadcast_in_dim3A_13 = arith.constant 0.000000e+00 : f32
    %broadcast_in_dim3A_14 = vector.broadcast %broadcast_in_dim3A_13 : f32 to vector<96x128xf32>
    %slice3A_15 = vector.extract_strided_slice %get3A_8 {offsets = [0, 0], sizes = [1, 128], strides = [1, 1]} : vector<1x8192xf32> to vector<1x128xf32>
    %slice3A_16 = vector.extract_strided_slice %dot_general3A_5 {offsets = [0, 0], sizes = [96, 128], strides = [1, 1]} : vector<576x8192xf32> to vector<96x128xf32>
    %add3A_17 = vector.broadcast %slice3A : vector<96x1xf32> to vector<96x128xf32>
    %add3A_18 = vector.broadcast %slice3A_15 : vector<1x128xf32> to vector<96x128xf32>
    %add3A_19 = arith.addf %add3A_17, %add3A_18 : vector<96x128xf32>
    %sub3A = arith.subf %add3A_19, %slice3A_16 : vector<96x128xf32>
    %lt3A = arith.cmpf olt, %sub3A, %broadcast_in_dim3A_12 : vector<96x128xf32>
    %select_n3A = arith.select %lt3A, %sub3A, %broadcast_in_dim3A_12 : vector<96x128xi1>, vector<96x128xf32>
    %jit3A = arith.constant 0.000000e+00 : f32
    %broadcast_in_dim3A_20 = vector.broadcast %jit3A : f32 to vector<96x128xf32>
    %select_n3A_21 = arith.select %lt3A, %broadcast_in_dim3A_20, %broadcast_in_dim3A_14 : vector<96x128xi1>, vector<96x128xf32>
    %slice3A_22 = vector.extract_strided_slice %get3A_8 {offsets = [0, 128], sizes = [1, 128], strides = [1, 1]} : vector<1x8192xf32> to vector<1x128xf32>
    %slice3A_23 = vector.extract_strided_slice %dot_general3A_5 {offsets = [0, 128], sizes = [96, 128], strides = [1, 1]} : vector<576x8192xf32> to vector<96x128xf32>
    %add3A_24 = vector.broadcast %slice3A : vector<96x1xf32> to vector<96x128xf32>
    %add3A_25 = vector.broadcast %slice3A_22 : vector<1x128xf32> to vector<96x128xf32>
    %add3A_26 = arith.addf %add3A_24, %add3A_25 : vector<96x128xf32>
    %sub3A_27 = arith.subf %add3A_26, %slice3A_23 : vector<96x128xf32>
    %lt3A_28 = arith.cmpf olt, %sub3A_27, %select_n3A : vector<96x128xf32>
    %select_n3A_29 = arith.select %lt3A_28, %sub3A_27, %select_n3A : vector<96x128xi1>, vector<96x128xf32>
    %jit3A_30 = arith.constant 1.000000e+00 : f32
    %broadcast_in_dim3A_31 = vector.broadcast %jit3A_30 : f32 to vector<96x128xf32>
    %select_n3A_32 = arith.select %lt3A_28, %broadcast_in_dim3A_31, %select_n3A_21 : vector<96x128xi1>, vector<96x128xf32>
    %slice3A_33 = vector.extract_strided_slice %get3A_8 {offsets = [0, 256], sizes = [1, 128], strides = [1, 1]} : vector<1x8192xf32> to vector<1x128xf32>
    %slice3A_34 = vector.extract_strided_slice %dot_general3A_5 {offsets = [0, 256], sizes = [96, 128], strides = [1, 1]} : vector<576x8192xf32> to vector<96x128xf32>
    %add3A_35 = vector.broadcast %slice3A : vector<96x1xf32> to vector<96x128xf32>
    %add3A_36 = vector.broadcast %slice3A_33 : vector<1x128xf32> to vector<96x128xf32>
    %add3A_37 = arith.addf %add3A_35, %add3A_36 : vector<96x128xf32>
    %sub3A_38 = arith.subf %add3A_37, %slice3A_34 : vector<96x128xf32>
    %lt3A_39 = arith.cmpf olt, %sub3A_38, %select_n3A_29 : vector<96x128xf32>
    %select_n3A_40 = arith.select %lt3A_39, %sub3A_38, %select_n3A_29 : vector<96x128xi1>, vector<96x128xf32>
    %jit3A_41 = arith.constant 2.000000e+00 : f32
    %broadcast_in_dim3A_42 = vector.broadcast %jit3A_41 : f32 to vector<96x128xf32>
    %select_n3A_43 = arith.select %lt3A_39, %broadcast_in_dim3A_42, %select_n3A_32 : vector<96x128xi1>, vector<96x128xf32>
    %slice3A_44 = vector.extract_strided_slice %get3A_8 {offsets = [0, 384], sizes = [1, 128], strides = [1, 1]} : vector<1x8192xf32> to vector<1x128xf32>
    %slice3A_45 = vector.extract_strided_slice %dot_general3A_5 {offsets = [0, 384], sizes = [96, 128], strides = [1, 1]} : vector<576x8192xf32> to vector<96x128xf32>
    %add3A_46 = vector.broadcast %slice3A : vector<96x1xf32> to vector<96x128xf32>
    %add3A_47 = vector.broadcast %slice3A_44 : vector<1x128xf32> to vector<96x128xf32>
    %add3A_48 = arith.addf %add3A_46, %add3A_47 : vector<96x128xf32>
    %sub3A_49 = arith.subf %add3A_48, %slice3A_45 : vector<96x128xf32>
    %lt3A_50 = arith.cmpf olt, %sub3A_49, %select_n3A_40 : vector<96x128xf32>
    %select_n3A_51 = arith.select %lt3A_50, %sub3A_49, %select_n3A_40 : vector<96x128xi1>, vector<96x128xf32>
    %jit3A_52 = arith.constant 3.000000e+00 : f32
    %broadcast_in_dim3A_53 = vector.broadcast %jit3A_52 : f32 to vector<96x128xf32>
    %select_n3A_54 = arith.select %lt3A_50, %broadcast_in_dim3A_53, %select_n3A_43 : vector<96x128xi1>, vector<96x128xf32>
    %slice3A_55 = vector.extract_strided_slice %get3A_8 {offsets = [0, 512], sizes = [1, 128], strides = [1, 1]} : vector<1x8192xf32> to vector<1x128xf32>
    %slice3A_56 = vector.extract_strided_slice %dot_general3A_5 {offsets = [0, 512], sizes = [96, 128], strides = [1, 1]} : vector<576x8192xf32> to vector<96x128xf32>
    %add3A_57 = vector.broadcast %slice3A : vector<96x1xf32> to vector<96x128xf32>
    %add3A_58 = vector.broadcast %slice3A_55 : vector<1x128xf32> to vector<96x128xf32>
    %add3A_59 = arith.addf %add3A_57, %add3A_58 : vector<96x128xf32>
    %sub3A_60 = arith.subf %add3A_59, %slice3A_56 : vector<96x128xf32>
    %lt3A_61 = arith.cmpf olt, %sub3A_60, %select_n3A_51 : vector<96x128xf32>
    %select_n3A_62 = arith.select %lt3A_61, %sub3A_60, %select_n3A_51 : vector<96x128xi1>, vector<96x128xf32>
    %jit3A_63 = arith.constant 4.000000e+00 : f32
    %broadcast_in_dim3A_64 = vector.broadcast %jit3A_63 : f32 to vector<96x128xf32>
    %select_n3A_65 = arith.select %lt3A_61, %broadcast_in_dim3A_64, %select_n3A_54 : vector<96x128xi1>, vector<96x128xf32>
    %slice3A_66 = vector.extract_strided_slice %get3A_8 {offsets = [0, 640], sizes = [1, 128], strides = [1, 1]} : vector<1x8192xf32> to vector<1x128xf32>
    %slice3A_67 = vector.extract_strided_slice %dot_general3A_5 {offsets = [0, 640], sizes = [96, 128], strides = [1, 1]} : vector<576x8192xf32> to vector<96x128xf32>
    %add3A_68 = vector.broadcast %slice3A : vector<96x1xf32> to vector<96x128xf32>
    %add3A_69 = vector.broadcast %slice3A_66 : vector<1x128xf32> to vector<96x128xf32>
    %add3A_70 = arith.addf %add3A_68, %add3A_69 : vector<96x128xf32>
    %sub3A_71 = arith.subf %add3A_70, %slice3A_67 : vector<96x128xf32>
    %lt3A_72 = arith.cmpf olt, %sub3A_71, %select_n3A_62 : vector<96x128xf32>
    %select_n3A_73 = arith.select %lt3A_72, %sub3A_71, %select_n3A_62 : vector<96x128xi1>, vector<96x128xf32>
    %jit3A_74 = arith.constant 5.000000e+00 : f32
    %broadcast_in_dim3A_75 = vector.broadcast %jit3A_74 : f32 to vector<96x128xf32>
    %select_n3A_76 = arith.select %lt3A_72, %broadcast_in_dim3A_75, %select_n3A_65 : vector<96x128xi1>, vector<96x128xf32>
    %slice3A_77 = vector.extract_strided_slice %get3A_8 {offsets = [0, 768], sizes = [1, 128], strides = [1, 1]} : vector<1x8192xf32> to vector<1x128xf32>
    %slice3A_78 = vector.extract_strided_slice %dot_general3A_5 {offsets = [0, 768], sizes = [96, 128], strides = [1, 1]} : vector<576x8192xf32> to vector<96x128xf32>
    %add3A_79 = vector.broadcast %slice3A : vector<96x1xf32> to vector<96x128xf32>
    %add3A_80 = vector.broadcast %slice3A_77 : vector<1x128xf32> to vector<96x128xf32>
    %add3A_81 = arith.addf %add3A_79, %add3A_80 : vector<96x128xf32>
    %sub3A_82 = arith.subf %add3A_81, %slice3A_78 : vector<96x128xf32>
    %lt3A_83 = arith.cmpf olt, %sub3A_82, %select_n3A_73 : vector<96x128xf32>
    %select_n3A_84 = arith.select %lt3A_83, %sub3A_82, %select_n3A_73 : vector<96x128xi1>, vector<96x128xf32>
    %jit3A_85 = arith.constant 6.000000e+00 : f32
    %broadcast_in_dim3A_86 = vector.broadcast %jit3A_85 : f32 to vector<96x128xf32>
    %select_n3A_87 = arith.select %lt3A_83, %broadcast_in_dim3A_86, %select_n3A_76 : vector<96x128xi1>, vector<96x128xf32>
    %slice3A_88 = vector.extract_strided_slice %get3A_8 {offsets = [0, 896], sizes = [1, 128], strides = [1, 1]} : vector<1x8192xf32> to vector<1x128xf32>
    %slice3A_89 = vector.extract_strided_slice %dot_general3A_5 {offsets = [0, 896], sizes = [96, 128], strides = [1, 1]} : vector<576x8192xf32> to vector<96x128xf32>
    %add3A_90 = vector.broadcast %slice3A : vector<96x1xf32> to vector<96x128xf32>
    %add3A_91 = vector.broadcast %slice3A_88 : vector<1x128xf32> to vector<96x128xf32>
    %add3A_92 = arith.addf %add3A_90, %add3A_91 : vector<96x128xf32>
    %sub3A_93 = arith.subf %add3A_92, %slice3A_89 : vector<96x128xf32>
    %lt3A_94 = arith.cmpf olt, %sub3A_93, %select_n3A_84 : vector<96x128xf32>
    %select_n3A_95 = arith.select %lt3A_94, %sub3A_93, %select_n3A_84 : vector<96x128xi1>, vector<96x128xf32>
    %jit3A_96 = arith.constant 7.000000e+00 : f32
    %broadcast_in_dim3A_97 = vector.broadcast %jit3A_96 : f32 to vector<96x128xf32>
    %select_n3A_98 = arith.select %lt3A_94, %broadcast_in_dim3A_97, %select_n3A_87 : vector<96x128xi1>, vector<96x128xf32>
    %slice3A_99 = vector.extract_strided_slice %get3A_8 {offsets = [0, 1024], sizes = [1, 128], strides = [1, 1]} : vector<1x8192xf32> to vector<1x128xf32>
    %slice3A_100 = vector.extract_strided_slice %dot_general3A_5 {offsets = [0, 1024], sizes = [96, 128], strides = [1, 1]} : vector<576x8192xf32> to vector<96x128xf32>
    %add3A_101 = vector.broadcast %slice3A : vector<96x1xf32> to vector<96x128xf32>
    %add3A_102 = vector.broadcast %slice3A_99 : vector<1x128xf32> to vector<96x128xf32>
    %add3A_103 = arith.addf %add3A_101, %add3A_102 : vector<96x128xf32>
    %sub3A_104 = arith.subf %add3A_103, %slice3A_100 : vector<96x128xf32>
    %lt3A_105 = arith.cmpf olt, %sub3A_104, %select_n3A_95 : vector<96x128xf32>
    %select_n3A_106 = arith.select %lt3A_105, %sub3A_104, %select_n3A_95 : vector<96x128xi1>, vector<96x128xf32>
    %jit3A_107 = arith.constant 8.000000e+00 : f32
    %broadcast_in_dim3A_108 = vector.broadcast %jit3A_107 : f32 to vector<96x128xf32>
    %select_n3A_109 = arith.select %lt3A_105, %broadcast_in_dim3A_108, %select_n3A_98 : vector<96x128xi1>, vector<96x128xf32>
    %slice3A_110 = vector.extract_strided_slice %get3A_8 {offsets = [0, 1152], sizes = [1, 128], strides = [1, 1]} : vector<1x8192xf32> to vector<1x128xf32>
    %slice3A_111 = vector.extract_strided_slice %dot_general3A_5 {offsets = [0, 1152], sizes = [96, 128], strides = [1, 1]} : vector<576x8192xf32> to vector<96x128xf32>
    %add3A_112 = vector.broadcast %slice3A : vector<96x1xf32> to vector<96x128xf32>
    %add3A_113 = vector.broadcast %slice3A_110 : vector<1x128xf32> to vector<96x128xf32>
    %add3A_114 = arith.addf %add3A_112, %add3A_113 : vector<96x128xf32>
    %sub3A_115 = arith.subf %add3A_114, %slice3A_111 : vector<96x128xf32>
    %lt3A_116 = arith.cmpf olt, %sub3A_115, %select_n3A_106 : vector<96x128xf32>
    %select_n3A_117 = arith.select %lt3A_116, %sub3A_115, %select_n3A_106 : vector<96x128xi1>, vector<96x128xf32>
    %jit3A_118 = arith.constant 9.000000e+00 : f32
    %broadcast_in_dim3A_119 = vector.broadcast %jit3A_118 : f32 to vector<96x128xf32>
    %select_n3A_120 = arith.select %lt3A_116, %broadcast_in_dim3A_119, %select_n3A_109 : vector<96x128xi1>, vector<96x128xf32>
    %slice3A_121 = vector.extract_strided_slice %get3A_8 {offsets = [0, 1280], sizes = [1, 128], strides = [1, 1]} : vector<1x8192xf32> to vector<1x128xf32>
    %slice3A_122 = vector.extract_strided_slice %dot_general3A_5 {offsets = [0, 1280], sizes = [96, 128], strides = [1, 1]} : vector<576x8192xf32> to vector<96x128xf32>
    %add3A_123 = vector.broadcast %slice3A : vector<96x1xf32> to vector<96x128xf32>
    %add3A_124 = vector.broadcast %slice3A_121 : vector<1x128xf32> to vector<96x128xf32>
    %add3A_125 = arith.addf %add3A_123, %add3A_124 : vector<96x128xf32>
    %sub3A_126 = arith.subf %add3A_125, %slice3A_122 : vector<96x128xf32>
    %lt3A_127 = arith.cmpf olt, %sub3A_126, %select_n3A_117 : vector<96x128xf32>
    %select_n3A_128 = arith.select %lt3A_127, %sub3A_126, %select_n3A_117 : vector<96x128xi1>, vector<96x128xf32>
    %jit3A_129 = arith.constant 1.000000e+01 : f32
    %broadcast_in_dim3A_130 = vector.broadcast %jit3A_129 : f32 to vector<96x128xf32>
    %select_n3A_131 = arith.select %lt3A_127, %broadcast_in_dim3A_130, %select_n3A_120 : vector<96x128xi1>, vector<96x128xf32>
    %slice3A_132 = vector.extract_strided_slice %get3A_8 {offsets = [0, 1408], sizes = [1, 128], strides = [1, 1]} : vector<1x8192xf32> to vector<1x128xf32>
    %slice3A_133 = vector.extract_strided_slice %dot_general3A_5 {offsets = [0, 1408], sizes = [96, 128], strides = [1, 1]} : vector<576x8192xf32> to vector<96x128xf32>
    %add3A_134 = vector.broadcast %slice3A : vector<96x1xf32> to vector<96x128xf32>
    %add3A_135 = vector.broadcast %slice3A_132 : vector<1x128xf32> to vector<96x128xf32>
    %add3A_136 = arith.addf %add3A_134, %add3A_135 : vector<96x128xf32>
    %sub3A_137 = arith.subf %add3A_136, %slice3A_133 : vector<96x128xf32>
    %lt3A_138 = arith.cmpf olt, %sub3A_137, %select_n3A_128 : vector<96x128xf32>
    %select_n3A_139 = arith.select %lt3A_138, %sub3A_137, %select_n3A_128 : vector<96x128xi1>, vector<96x128xf32>
    %jit3A_140 = arith.constant 1.100000e+01 : f32
    %broadcast_in_dim3A_141 = vector.broadcast %jit3A_140 : f32 to vector<96x128xf32>
    %select_n3A_142 = arith.select %lt3A_138, %broadcast_in_dim3A_141, %select_n3A_131 : vector<96x128xi1>, vector<96x128xf32>
    %slice3A_143 = vector.extract_strided_slice %get3A_8 {offsets = [0, 1536], sizes = [1, 128], strides = [1, 1]} : vector<1x8192xf32> to vector<1x128xf32>
    %slice3A_144 = vector.extract_strided_slice %dot_general3A_5 {offsets = [0, 1536], sizes = [96, 128], strides = [1, 1]} : vector<576x8192xf32> to vector<96x128xf32>
    %add3A_145 = vector.broadcast %slice3A : vector<96x1xf32> to vector<96x128xf32>
    %add3A_146 = vector.broadcast %slice3A_143 : vector<1x128xf32> to vector<96x128xf32>
    %add3A_147 = arith.addf %add3A_145, %add3A_146 : vector<96x128xf32>
    %sub3A_148 = arith.subf %add3A_147, %slice3A_144 : vector<96x128xf32>
    %lt3A_149 = arith.cmpf olt, %sub3A_148, %select_n3A_139 : vector<96x128xf32>
    %select_n3A_150 = arith.select %lt3A_149, %sub3A_148, %select_n3A_139 : vector<96x128xi1>, vector<96x128xf32>
    %jit3A_151 = arith.constant 1.200000e+01 : f32
    %broadcast_in_dim3A_152 = vector.broadcast %jit3A_151 : f32 to vector<96x128xf32>
    %select_n3A_153 = arith.select %lt3A_149, %broadcast_in_dim3A_152, %select_n3A_142 : vector<96x128xi1>, vector<96x128xf32>
    %slice3A_154 = vector.extract_strided_slice %get3A_8 {offsets = [0, 1664], sizes = [1, 128], strides = [1, 1]} : vector<1x8192xf32> to vector<1x128xf32>
    %slice3A_155 = vector.extract_strided_slice %dot_general3A_5 {offsets = [0, 1664], sizes = [96, 128], strides = [1, 1]} : vector<576x8192xf32> to vector<96x128xf32>
    %add3A_156 = vector.broadcast %slice3A : vector<96x1xf32> to vector<96x128xf32>
    %add3A_157 = vector.broadcast %slice3A_154 : vector<1x128xf32> to vector<96x128xf32>
    %add3A_158 = arith.addf %add3A_156, %add3A_157 : vector<96x128xf32>
    %sub3A_159 = arith.subf %add3A_158, %slice3A_155 : vector<96x128xf32>
    %lt3A_160 = arith.cmpf olt, %sub3A_159, %select_n3A_150 : vector<96x128xf32>
    %select_n3A_161 = arith.select %lt3A_160, %sub3A_159, %select_n3A_150 : vector<96x128xi1>, vector<96x128xf32>
    %jit3A_162 = arith.constant 1.300000e+01 : f32
    %broadcast_in_dim3A_163 = vector.broadcast %jit3A_162 : f32 to vector<96x128xf32>
    %select_n3A_164 = arith.select %lt3A_160, %broadcast_in_dim3A_163, %select_n3A_153 : vector<96x128xi1>, vector<96x128xf32>
    %slice3A_165 = vector.extract_strided_slice %get3A_8 {offsets = [0, 1792], sizes = [1, 128], strides = [1, 1]} : vector<1x8192xf32> to vector<1x128xf32>
    %slice3A_166 = vector.extract_strided_slice %dot_general3A_5 {offsets = [0, 1792], sizes = [96, 128], strides = [1, 1]} : vector<576x8192xf32> to vector<96x128xf32>
    %add3A_167 = vector.broadcast %slice3A : vector<96x1xf32> to vector<96x128xf32>
    %add3A_168 = vector.broadcast %slice3A_165 : vector<1x128xf32> to vector<96x128xf32>
    %add3A_169 = arith.addf %add3A_167, %add3A_168 : vector<96x128xf32>
    %sub3A_170 = arith.subf %add3A_169, %slice3A_166 : vector<96x128xf32>
    %lt3A_171 = arith.cmpf olt, %sub3A_170, %select_n3A_161 : vector<96x128xf32>
    %select_n3A_172 = arith.select %lt3A_171, %sub3A_170, %select_n3A_161 : vector<96x128xi1>, vector<96x128xf32>
    %jit3A_173 = arith.constant 1.400000e+01 : f32
    %broadcast_in_dim3A_174 = vector.broadcast %jit3A_173 : f32 to vector<96x128xf32>
    %select_n3A_175 = arith.select %lt3A_171, %broadcast_in_dim3A_174, %select_n3A_164 : vector<96x128xi1>, vector<96x128xf32>
    %slice3A_176 = vector.extract_strided_slice %get3A_8 {offsets = [0, 1920], sizes = [1, 128], strides = [1, 1]} : vector<1x8192xf32> to vector<1x128xf32>
    %slice3A_177 = vector.extract_strided_slice %dot_general3A_5 {offsets = [0, 1920], sizes = [96, 128], strides = [1, 1]} : vector<576x8192xf32> to vector<96x128xf32>
    %add3A_178 = vector.broadcast %slice3A : vector<96x1xf32> to vector<96x128xf32>
    %add3A_179 = vector.broadcast %slice3A_176 : vector<1x128xf32> to vector<96x128xf32>
    %add3A_180 = arith.addf %add3A_178, %add3A_179 : vector<96x128xf32>
    %sub3A_181 = arith.subf %add3A_180, %slice3A_177 : vector<96x128xf32>
    %lt3A_182 = arith.cmpf olt, %sub3A_181, %select_n3A_172 : vector<96x128xf32>
    %select_n3A_183 = arith.select %lt3A_182, %sub3A_181, %select_n3A_172 : vector<96x128xi1>, vector<96x128xf32>
    %jit3A_184 = arith.constant 1.500000e+01 : f32
    %broadcast_in_dim3A_185 = vector.broadcast %jit3A_184 : f32 to vector<96x128xf32>
    %select_n3A_186 = arith.select %lt3A_182, %broadcast_in_dim3A_185, %select_n3A_175 : vector<96x128xi1>, vector<96x128xf32>
    %slice3A_187 = vector.extract_strided_slice %get3A_8 {offsets = [0, 2048], sizes = [1, 128], strides = [1, 1]} : vector<1x8192xf32> to vector<1x128xf32>
    %slice3A_188 = vector.extract_strided_slice %dot_general3A_5 {offsets = [0, 2048], sizes = [96, 128], strides = [1, 1]} : vector<576x8192xf32> to vector<96x128xf32>
    %add3A_189 = vector.broadcast %slice3A : vector<96x1xf32> to vector<96x128xf32>
    %add3A_190 = vector.broadcast %slice3A_187 : vector<1x128xf32> to vector<96x128xf32>
    %add3A_191 = arith.addf %add3A_189, %add3A_190 : vector<96x128xf32>
    %sub3A_192 = arith.subf %add3A_191, %slice3A_188 : vector<96x128xf32>
    %lt3A_193 = arith.cmpf olt, %sub3A_192, %select_n3A_183 : vector<96x128xf32>
    %select_n3A_194 = arith.select %lt3A_193, %sub3A_192, %select_n3A_183 : vector<96x128xi1>, vector<96x128xf32>
    %jit3A_195 = arith.constant 1.600000e+01 : f32
    %broadcast_in_dim3A_196 = vector.broadcast %jit3A_195 : f32 to vector<96x128xf32>
    %select_n3A_197 = arith.select %lt3A_193, %broadcast_in_dim3A_196, %select_n3A_186 : vector<96x128xi1>, vector<96x128xf32>
    %slice3A_198 = vector.extract_strided_slice %get3A_8 {offsets = [0, 2176], sizes = [1, 128], strides = [1, 1]} : vector<1x8192xf32> to vector<1x128xf32>
    %slice3A_199 = vector.extract_strided_slice %dot_general3A_5 {offsets = [0, 2176], sizes = [96, 128], strides = [1, 1]} : vector<576x8192xf32> to vector<96x128xf32>
    %add3A_200 = vector.broadcast %slice3A : vector<96x1xf32> to vector<96x128xf32>
    %add3A_201 = vector.broadcast %slice3A_198 : vector<1x128xf32> to vector<96x128xf32>
    %add3A_202 = arith.addf %add3A_200, %add3A_201 : vector<96x128xf32>
    %sub3A_203 = arith.subf %add3A_202, %slice3A_199 : vector<96x128xf32>
    %lt3A_204 = arith.cmpf olt, %sub3A_203, %select_n3A_194 : vector<96x128xf32>
    %select_n3A_205 = arith.select %lt3A_204, %sub3A_203, %select_n3A_194 : vector<96x128xi1>, vector<96x128xf32>
    %jit3A_206 = arith.constant 1.700000e+01 : f32
    %broadcast_in_dim3A_207 = vector.broadcast %jit3A_206 : f32 to vector<96x128xf32>
    %select_n3A_208 = arith.select %lt3A_204, %broadcast_in_dim3A_207, %select_n3A_197 : vector<96x128xi1>, vector<96x128xf32>
    %slice3A_209 = vector.extract_strided_slice %get3A_8 {offsets = [0, 2304], sizes = [1, 128], strides = [1, 1]} : vector<1x8192xf32> to vector<1x128xf32>
    %slice3A_210 = vector.extract_strided_slice %dot_general3A_5 {offsets = [0, 2304], sizes = [96, 128], strides = [1, 1]} : vector<576x8192xf32> to vector<96x128xf32>
    %add3A_211 = vector.broadcast %slice3A : vector<96x1xf32> to vector<96x128xf32>
    %add3A_212 = vector.broadcast %slice3A_209 : vector<1x128xf32> to vector<96x128xf32>
    %add3A_213 = arith.addf %add3A_211, %add3A_212 : vector<96x128xf32>
    %sub3A_214 = arith.subf %add3A_213, %slice3A_210 : vector<96x128xf32>
    %lt3A_215 = arith.cmpf olt, %sub3A_214, %select_n3A_205 : vector<96x128xf32>
    %select_n3A_216 = arith.select %lt3A_215, %sub3A_214, %select_n3A_205 : vector<96x128xi1>, vector<96x128xf32>
    %jit3A_217 = arith.constant 1.800000e+01 : f32
    %broadcast_in_dim3A_218 = vector.broadcast %jit3A_217 : f32 to vector<96x128xf32>
    %select_n3A_219 = arith.select %lt3A_215, %broadcast_in_dim3A_218, %select_n3A_208 : vector<96x128xi1>, vector<96x128xf32>
    %slice3A_220 = vector.extract_strided_slice %get3A_8 {offsets = [0, 2432], sizes = [1, 128], strides = [1, 1]} : vector<1x8192xf32> to vector<1x128xf32>
    %slice3A_221 = vector.extract_strided_slice %dot_general3A_5 {offsets = [0, 2432], sizes = [96, 128], strides = [1, 1]} : vector<576x8192xf32> to vector<96x128xf32>
    %add3A_222 = vector.broadcast %slice3A : vector<96x1xf32> to vector<96x128xf32>
    %add3A_223 = vector.broadcast %slice3A_220 : vector<1x128xf32> to vector<96x128xf32>
    %add3A_224 = arith.addf %add3A_222, %add3A_223 : vector<96x128xf32>
    %sub3A_225 = arith.subf %add3A_224, %slice3A_221 : vector<96x128xf32>
    %lt3A_226 = arith.cmpf olt, %sub3A_225, %select_n3A_216 : vector<96x128xf32>
    %select_n3A_227 = arith.select %lt3A_226, %sub3A_225, %select_n3A_216 : vector<96x128xi1>, vector<96x128xf32>
    %jit3A_228 = arith.constant 1.900000e+01 : f32
    %broadcast_in_dim3A_229 = vector.broadcast %jit3A_228 : f32 to vector<96x128xf32>
    %select_n3A_230 = arith.select %lt3A_226, %broadcast_in_dim3A_229, %select_n3A_219 : vector<96x128xi1>, vector<96x128xf32>
    %slice3A_231 = vector.extract_strided_slice %get3A_8 {offsets = [0, 2560], sizes = [1, 128], strides = [1, 1]} : vector<1x8192xf32> to vector<1x128xf32>
    %slice3A_232 = vector.extract_strided_slice %dot_general3A_5 {offsets = [0, 2560], sizes = [96, 128], strides = [1, 1]} : vector<576x8192xf32> to vector<96x128xf32>
    %add3A_233 = vector.broadcast %slice3A : vector<96x1xf32> to vector<96x128xf32>
    %add3A_234 = vector.broadcast %slice3A_231 : vector<1x128xf32> to vector<96x128xf32>
    %add3A_235 = arith.addf %add3A_233, %add3A_234 : vector<96x128xf32>
    %sub3A_236 = arith.subf %add3A_235, %slice3A_232 : vector<96x128xf32>
    %lt3A_237 = arith.cmpf olt, %sub3A_236, %select_n3A_227 : vector<96x128xf32>
    %select_n3A_238 = arith.select %lt3A_237, %sub3A_236, %select_n3A_227 : vector<96x128xi1>, vector<96x128xf32>
    %jit3A_239 = arith.constant 2.000000e+01 : f32
    %broadcast_in_dim3A_240 = vector.broadcast %jit3A_239 : f32 to vector<96x128xf32>
    %select_n3A_241 = arith.select %lt3A_237, %broadcast_in_dim3A_240, %select_n3A_230 : vector<96x128xi1>, vector<96x128xf32>
    %slice3A_242 = vector.extract_strided_slice %get3A_8 {offsets = [0, 2688], sizes = [1, 128], strides = [1, 1]} : vector<1x8192xf32> to vector<1x128xf32>
    %slice3A_243 = vector.extract_strided_slice %dot_general3A_5 {offsets = [0, 2688], sizes = [96, 128], strides = [1, 1]} : vector<576x8192xf32> to vector<96x128xf32>
    %add3A_244 = vector.broadcast %slice3A : vector<96x1xf32> to vector<96x128xf32>
    %add3A_245 = vector.broadcast %slice3A_242 : vector<1x128xf32> to vector<96x128xf32>
    %add3A_246 = arith.addf %add3A_244, %add3A_245 : vector<96x128xf32>
    %sub3A_247 = arith.subf %add3A_246, %slice3A_243 : vector<96x128xf32>
    %lt3A_248 = arith.cmpf olt, %sub3A_247, %select_n3A_238 : vector<96x128xf32>
    %select_n3A_249 = arith.select %lt3A_248, %sub3A_247, %select_n3A_238 : vector<96x128xi1>, vector<96x128xf32>
    %jit3A_250 = arith.constant 2.100000e+01 : f32
    %broadcast_in_dim3A_251 = vector.broadcast %jit3A_250 : f32 to vector<96x128xf32>
    %select_n3A_252 = arith.select %lt3A_248, %broadcast_in_dim3A_251, %select_n3A_241 : vector<96x128xi1>, vector<96x128xf32>
    %slice3A_253 = vector.extract_strided_slice %get3A_8 {offsets = [0, 2816], sizes = [1, 128], strides = [1, 1]} : vector<1x8192xf32> to vector<1x128xf32>
    %slice3A_254 = vector.extract_strided_slice %dot_general3A_5 {offsets = [0, 2816], sizes = [96, 128], strides = [1, 1]} : vector<576x8192xf32> to vector<96x128xf32>
    %add3A_255 = vector.broadcast %slice3A : vector<96x1xf32> to vector<96x128xf32>
    %add3A_256 = vector.broadcast %slice3A_253 : vector<1x128xf32> to vector<96x128xf32>
    %add3A_257 = arith.addf %add3A_255, %add3A_256 : vector<96x128xf32>
    %sub3A_258 = arith.subf %add3A_257, %slice3A_254 : vector<96x128xf32>
    %lt3A_259 = arith.cmpf olt, %sub3A_258, %select_n3A_249 : vector<96x128xf32>
    %select_n3A_260 = arith.select %lt3A_259, %sub3A_258, %select_n3A_249 : vector<96x128xi1>, vector<96x128xf32>
    %jit3A_261 = arith.constant 2.200000e+01 : f32
    %broadcast_in_dim3A_262 = vector.broadcast %jit3A_261 : f32 to vector<96x128xf32>
    %select_n3A_263 = arith.select %lt3A_259, %broadcast_in_dim3A_262, %select_n3A_252 : vector<96x128xi1>, vector<96x128xf32>
    %slice3A_264 = vector.extract_strided_slice %get3A_8 {offsets = [0, 2944], sizes = [1, 128], strides = [1, 1]} : vector<1x8192xf32> to vector<1x128xf32>
    %slice3A_265 = vector.extract_strided_slice %dot_general3A_5 {offsets = [0, 2944], sizes = [96, 128], strides = [1, 1]} : vector<576x8192xf32> to vector<96x128xf32>
    %add3A_266 = vector.broadcast %slice3A : vector<96x1xf32> to vector<96x128xf32>
    %add3A_267 = vector.broadcast %slice3A_264 : vector<1x128xf32> to vector<96x128xf32>
    %add3A_268 = arith.addf %add3A_266, %add3A_267 : vector<96x128xf32>
    %sub3A_269 = arith.subf %add3A_268, %slice3A_265 : vector<96x128xf32>
    %lt3A_270 = arith.cmpf olt, %sub3A_269, %select_n3A_260 : vector<96x128xf32>
    %select_n3A_271 = arith.select %lt3A_270, %sub3A_269, %select_n3A_260 : vector<96x128xi1>, vector<96x128xf32>
    %jit3A_272 = arith.constant 2.300000e+01 : f32
    %broadcast_in_dim3A_273 = vector.broadcast %jit3A_272 : f32 to vector<96x128xf32>
    %select_n3A_274 = arith.select %lt3A_270, %broadcast_in_dim3A_273, %select_n3A_263 : vector<96x128xi1>, vector<96x128xf32>
    %slice3A_275 = vector.extract_strided_slice %get3A_8 {offsets = [0, 3072], sizes = [1, 128], strides = [1, 1]} : vector<1x8192xf32> to vector<1x128xf32>
    %slice3A_276 = vector.extract_strided_slice %dot_general3A_5 {offsets = [0, 3072], sizes = [96, 128], strides = [1, 1]} : vector<576x8192xf32> to vector<96x128xf32>
    %add3A_277 = vector.broadcast %slice3A : vector<96x1xf32> to vector<96x128xf32>
    %add3A_278 = vector.broadcast %slice3A_275 : vector<1x128xf32> to vector<96x128xf32>
    %add3A_279 = arith.addf %add3A_277, %add3A_278 : vector<96x128xf32>
    %sub3A_280 = arith.subf %add3A_279, %slice3A_276 : vector<96x128xf32>
    %lt3A_281 = arith.cmpf olt, %sub3A_280, %select_n3A_271 : vector<96x128xf32>
    %select_n3A_282 = arith.select %lt3A_281, %sub3A_280, %select_n3A_271 : vector<96x128xi1>, vector<96x128xf32>
    %jit3A_283 = arith.constant 2.400000e+01 : f32
    %broadcast_in_dim3A_284 = vector.broadcast %jit3A_283 : f32 to vector<96x128xf32>
    %select_n3A_285 = arith.select %lt3A_281, %broadcast_in_dim3A_284, %select_n3A_274 : vector<96x128xi1>, vector<96x128xf32>
    %slice3A_286 = vector.extract_strided_slice %get3A_8 {offsets = [0, 3200], sizes = [1, 128], strides = [1, 1]} : vector<1x8192xf32> to vector<1x128xf32>
    %slice3A_287 = vector.extract_strided_slice %dot_general3A_5 {offsets = [0, 3200], sizes = [96, 128], strides = [1, 1]} : vector<576x8192xf32> to vector<96x128xf32>
    %add3A_288 = vector.broadcast %slice3A : vector<96x1xf32> to vector<96x128xf32>
    %add3A_289 = vector.broadcast %slice3A_286 : vector<1x128xf32> to vector<96x128xf32>
    %add3A_290 = arith.addf %add3A_288, %add3A_289 : vector<96x128xf32>
    %sub3A_291 = arith.subf %add3A_290, %slice3A_287 : vector<96x128xf32>
    %lt3A_292 = arith.cmpf olt, %sub3A_291, %select_n3A_282 : vector<96x128xf32>
    %select_n3A_293 = arith.select %lt3A_292, %sub3A_291, %select_n3A_282 : vector<96x128xi1>, vector<96x128xf32>
    %jit3A_294 = arith.constant 2.500000e+01 : f32
    %broadcast_in_dim3A_295 = vector.broadcast %jit3A_294 : f32 to vector<96x128xf32>
    %select_n3A_296 = arith.select %lt3A_292, %broadcast_in_dim3A_295, %select_n3A_285 : vector<96x128xi1>, vector<96x128xf32>
    %slice3A_297 = vector.extract_strided_slice %get3A_8 {offsets = [0, 3328], sizes = [1, 128], strides = [1, 1]} : vector<1x8192xf32> to vector<1x128xf32>
    %slice3A_298 = vector.extract_strided_slice %dot_general3A_5 {offsets = [0, 3328], sizes = [96, 128], strides = [1, 1]} : vector<576x8192xf32> to vector<96x128xf32>
    %add3A_299 = vector.broadcast %slice3A : vector<96x1xf32> to vector<96x128xf32>
    %add3A_300 = vector.broadcast %slice3A_297 : vector<1x128xf32> to vector<96x128xf32>
    %add3A_301 = arith.addf %add3A_299, %add3A_300 : vector<96x128xf32>
    %sub3A_302 = arith.subf %add3A_301, %slice3A_298 : vector<96x128xf32>
    %lt3A_303 = arith.cmpf olt, %sub3A_302, %select_n3A_293 : vector<96x128xf32>
    %select_n3A_304 = arith.select %lt3A_303, %sub3A_302, %select_n3A_293 : vector<96x128xi1>, vector<96x128xf32>
    %jit3A_305 = arith.constant 2.600000e+01 : f32
    %broadcast_in_dim3A_306 = vector.broadcast %jit3A_305 : f32 to vector<96x128xf32>
    %select_n3A_307 = arith.select %lt3A_303, %broadcast_in_dim3A_306, %select_n3A_296 : vector<96x128xi1>, vector<96x128xf32>
    %slice3A_308 = vector.extract_strided_slice %get3A_8 {offsets = [0, 3456], sizes = [1, 128], strides = [1, 1]} : vector<1x8192xf32> to vector<1x128xf32>
    %slice3A_309 = vector.extract_strided_slice %dot_general3A_5 {offsets = [0, 3456], sizes = [96, 128], strides = [1, 1]} : vector<576x8192xf32> to vector<96x128xf32>
    %add3A_310 = vector.broadcast %slice3A : vector<96x1xf32> to vector<96x128xf32>
    %add3A_311 = vector.broadcast %slice3A_308 : vector<1x128xf32> to vector<96x128xf32>
    %add3A_312 = arith.addf %add3A_310, %add3A_311 : vector<96x128xf32>
    %sub3A_313 = arith.subf %add3A_312, %slice3A_309 : vector<96x128xf32>
    %lt3A_314 = arith.cmpf olt, %sub3A_313, %select_n3A_304 : vector<96x128xf32>
    %select_n3A_315 = arith.select %lt3A_314, %sub3A_313, %select_n3A_304 : vector<96x128xi1>, vector<96x128xf32>
    %jit3A_316 = arith.constant 2.700000e+01 : f32
    %broadcast_in_dim3A_317 = vector.broadcast %jit3A_316 : f32 to vector<96x128xf32>
    %select_n3A_318 = arith.select %lt3A_314, %broadcast_in_dim3A_317, %select_n3A_307 : vector<96x128xi1>, vector<96x128xf32>
    %slice3A_319 = vector.extract_strided_slice %get3A_8 {offsets = [0, 3584], sizes = [1, 128], strides = [1, 1]} : vector<1x8192xf32> to vector<1x128xf32>
    %slice3A_320 = vector.extract_strided_slice %dot_general3A_5 {offsets = [0, 3584], sizes = [96, 128], strides = [1, 1]} : vector<576x8192xf32> to vector<96x128xf32>
    %add3A_321 = vector.broadcast %slice3A : vector<96x1xf32> to vector<96x128xf32>
    %add3A_322 = vector.broadcast %slice3A_319 : vector<1x128xf32> to vector<96x128xf32>
    %add3A_323 = arith.addf %add3A_321, %add3A_322 : vector<96x128xf32>
    %sub3A_324 = arith.subf %add3A_323, %slice3A_320 : vector<96x128xf32>
    %lt3A_325 = arith.cmpf olt, %sub3A_324, %select_n3A_315 : vector<96x128xf32>
    %select_n3A_326 = arith.select %lt3A_325, %sub3A_324, %select_n3A_315 : vector<96x128xi1>, vector<96x128xf32>
    %jit3A_327 = arith.constant 2.800000e+01 : f32
    %broadcast_in_dim3A_328 = vector.broadcast %jit3A_327 : f32 to vector<96x128xf32>
    %select_n3A_329 = arith.select %lt3A_325, %broadcast_in_dim3A_328, %select_n3A_318 : vector<96x128xi1>, vector<96x128xf32>
    %slice3A_330 = vector.extract_strided_slice %get3A_8 {offsets = [0, 3712], sizes = [1, 128], strides = [1, 1]} : vector<1x8192xf32> to vector<1x128xf32>
    %slice3A_331 = vector.extract_strided_slice %dot_general3A_5 {offsets = [0, 3712], sizes = [96, 128], strides = [1, 1]} : vector<576x8192xf32> to vector<96x128xf32>
    %add3A_332 = vector.broadcast %slice3A : vector<96x1xf32> to vector<96x128xf32>
    %add3A_333 = vector.broadcast %slice3A_330 : vector<1x128xf32> to vector<96x128xf32>
    %add3A_334 = arith.addf %add3A_332, %add3A_333 : vector<96x128xf32>
    %sub3A_335 = arith.subf %add3A_334, %slice3A_331 : vector<96x128xf32>
    %lt3A_336 = arith.cmpf olt, %sub3A_335, %select_n3A_326 : vector<96x128xf32>
    %select_n3A_337 = arith.select %lt3A_336, %sub3A_335, %select_n3A_326 : vector<96x128xi1>, vector<96x128xf32>
    %jit3A_338 = arith.constant 2.900000e+01 : f32
    %broadcast_in_dim3A_339 = vector.broadcast %jit3A_338 : f32 to vector<96x128xf32>
    %select_n3A_340 = arith.select %lt3A_336, %broadcast_in_dim3A_339, %select_n3A_329 : vector<96x128xi1>, vector<96x128xf32>
    %slice3A_341 = vector.extract_strided_slice %get3A_8 {offsets = [0, 3840], sizes = [1, 128], strides = [1, 1]} : vector<1x8192xf32> to vector<1x128xf32>
    %slice3A_342 = vector.extract_strided_slice %dot_general3A_5 {offsets = [0, 3840], sizes = [96, 128], strides = [1, 1]} : vector<576x8192xf32> to vector<96x128xf32>
    %add3A_343 = vector.broadcast %slice3A : vector<96x1xf32> to vector<96x128xf32>
    %add3A_344 = vector.broadcast %slice3A_341 : vector<1x128xf32> to vector<96x128xf32>
    %add3A_345 = arith.addf %add3A_343, %add3A_344 : vector<96x128xf32>
    %sub3A_346 = arith.subf %add3A_345, %slice3A_342 : vector<96x128xf32>
    %lt3A_347 = arith.cmpf olt, %sub3A_346, %select_n3A_337 : vector<96x128xf32>
    %select_n3A_348 = arith.select %lt3A_347, %sub3A_346, %select_n3A_337 : vector<96x128xi1>, vector<96x128xf32>
    %jit3A_349 = arith.constant 3.000000e+01 : f32
    %broadcast_in_dim3A_350 = vector.broadcast %jit3A_349 : f32 to vector<96x128xf32>
    %select_n3A_351 = arith.select %lt3A_347, %broadcast_in_dim3A_350, %select_n3A_340 : vector<96x128xi1>, vector<96x128xf32>
    %slice3A_352 = vector.extract_strided_slice %get3A_8 {offsets = [0, 3968], sizes = [1, 128], strides = [1, 1]} : vector<1x8192xf32> to vector<1x128xf32>
    %slice3A_353 = vector.extract_strided_slice %dot_general3A_5 {offsets = [0, 3968], sizes = [96, 128], strides = [1, 1]} : vector<576x8192xf32> to vector<96x128xf32>
    %add3A_354 = vector.broadcast %slice3A : vector<96x1xf32> to vector<96x128xf32>
    %add3A_355 = vector.broadcast %slice3A_352 : vector<1x128xf32> to vector<96x128xf32>
    %add3A_356 = arith.addf %add3A_354, %add3A_355 : vector<96x128xf32>
    %sub3A_357 = arith.subf %add3A_356, %slice3A_353 : vector<96x128xf32>
    %lt3A_358 = arith.cmpf olt, %sub3A_357, %select_n3A_348 : vector<96x128xf32>
    %select_n3A_359 = arith.select %lt3A_358, %sub3A_357, %select_n3A_348 : vector<96x128xi1>, vector<96x128xf32>
    %jit3A_360 = arith.constant 3.100000e+01 : f32
    %broadcast_in_dim3A_361 = vector.broadcast %jit3A_360 : f32 to vector<96x128xf32>
    %select_n3A_362 = arith.select %lt3A_358, %broadcast_in_dim3A_361, %select_n3A_351 : vector<96x128xi1>, vector<96x128xf32>
    %slice3A_363 = vector.extract_strided_slice %get3A_8 {offsets = [0, 4096], sizes = [1, 128], strides = [1, 1]} : vector<1x8192xf32> to vector<1x128xf32>
    %slice3A_364 = vector.extract_strided_slice %dot_general3A_5 {offsets = [0, 4096], sizes = [96, 128], strides = [1, 1]} : vector<576x8192xf32> to vector<96x128xf32>
    %add3A_365 = vector.broadcast %slice3A : vector<96x1xf32> to vector<96x128xf32>
    %add3A_366 = vector.broadcast %slice3A_363 : vector<1x128xf32> to vector<96x128xf32>
    %add3A_367 = arith.addf %add3A_365, %add3A_366 : vector<96x128xf32>
    %sub3A_368 = arith.subf %add3A_367, %slice3A_364 : vector<96x128xf32>
    %lt3A_369 = arith.cmpf olt, %sub3A_368, %select_n3A_359 : vector<96x128xf32>
    %select_n3A_370 = arith.select %lt3A_369, %sub3A_368, %select_n3A_359 : vector<96x128xi1>, vector<96x128xf32>
    %jit3A_371 = arith.constant 3.200000e+01 : f32
    %broadcast_in_dim3A_372 = vector.broadcast %jit3A_371 : f32 to vector<96x128xf32>
    %select_n3A_373 = arith.select %lt3A_369, %broadcast_in_dim3A_372, %select_n3A_362 : vector<96x128xi1>, vector<96x128xf32>
    %slice3A_374 = vector.extract_strided_slice %get3A_8 {offsets = [0, 4224], sizes = [1, 128], strides = [1, 1]} : vector<1x8192xf32> to vector<1x128xf32>
    %slice3A_375 = vector.extract_strided_slice %dot_general3A_5 {offsets = [0, 4224], sizes = [96, 128], strides = [1, 1]} : vector<576x8192xf32> to vector<96x128xf32>
    %add3A_376 = vector.broadcast %slice3A : vector<96x1xf32> to vector<96x128xf32>
    %add3A_377 = vector.broadcast %slice3A_374 : vector<1x128xf32> to vector<96x128xf32>
    %add3A_378 = arith.addf %add3A_376, %add3A_377 : vector<96x128xf32>
    %sub3A_379 = arith.subf %add3A_378, %slice3A_375 : vector<96x128xf32>
    %lt3A_380 = arith.cmpf olt, %sub3A_379, %select_n3A_370 : vector<96x128xf32>
    %select_n3A_381 = arith.select %lt3A_380, %sub3A_379, %select_n3A_370 : vector<96x128xi1>, vector<96x128xf32>
    %jit3A_382 = arith.constant 3.300000e+01 : f32
    %broadcast_in_dim3A_383 = vector.broadcast %jit3A_382 : f32 to vector<96x128xf32>
    %select_n3A_384 = arith.select %lt3A_380, %broadcast_in_dim3A_383, %select_n3A_373 : vector<96x128xi1>, vector<96x128xf32>
    %slice3A_385 = vector.extract_strided_slice %get3A_8 {offsets = [0, 4352], sizes = [1, 128], strides = [1, 1]} : vector<1x8192xf32> to vector<1x128xf32>
    %slice3A_386 = vector.extract_strided_slice %dot_general3A_5 {offsets = [0, 4352], sizes = [96, 128], strides = [1, 1]} : vector<576x8192xf32> to vector<96x128xf32>
    %add3A_387 = vector.broadcast %slice3A : vector<96x1xf32> to vector<96x128xf32>
    %add3A_388 = vector.broadcast %slice3A_385 : vector<1x128xf32> to vector<96x128xf32>
    %add3A_389 = arith.addf %add3A_387, %add3A_388 : vector<96x128xf32>
    %sub3A_390 = arith.subf %add3A_389, %slice3A_386 : vector<96x128xf32>
    %lt3A_391 = arith.cmpf olt, %sub3A_390, %select_n3A_381 : vector<96x128xf32>
    %select_n3A_392 = arith.select %lt3A_391, %sub3A_390, %select_n3A_381 : vector<96x128xi1>, vector<96x128xf32>
    %jit3A_393 = arith.constant 3.400000e+01 : f32
    %broadcast_in_dim3A_394 = vector.broadcast %jit3A_393 : f32 to vector<96x128xf32>
    %select_n3A_395 = arith.select %lt3A_391, %broadcast_in_dim3A_394, %select_n3A_384 : vector<96x128xi1>, vector<96x128xf32>
    %slice3A_396 = vector.extract_strided_slice %get3A_8 {offsets = [0, 4480], sizes = [1, 128], strides = [1, 1]} : vector<1x8192xf32> to vector<1x128xf32>
    %slice3A_397 = vector.extract_strided_slice %dot_general3A_5 {offsets = [0, 4480], sizes = [96, 128], strides = [1, 1]} : vector<576x8192xf32> to vector<96x128xf32>
    %add3A_398 = vector.broadcast %slice3A : vector<96x1xf32> to vector<96x128xf32>
    %add3A_399 = vector.broadcast %slice3A_396 : vector<1x128xf32> to vector<96x128xf32>
    %add3A_400 = arith.addf %add3A_398, %add3A_399 : vector<96x128xf32>
    %sub3A_401 = arith.subf %add3A_400, %slice3A_397 : vector<96x128xf32>
    %lt3A_402 = arith.cmpf olt, %sub3A_401, %select_n3A_392 : vector<96x128xf32>
    %select_n3A_403 = arith.select %lt3A_402, %sub3A_401, %select_n3A_392 : vector<96x128xi1>, vector<96x128xf32>
    %jit3A_404 = arith.constant 3.500000e+01 : f32
    %broadcast_in_dim3A_405 = vector.broadcast %jit3A_404 : f32 to vector<96x128xf32>
    %select_n3A_406 = arith.select %lt3A_402, %broadcast_in_dim3A_405, %select_n3A_395 : vector<96x128xi1>, vector<96x128xf32>
    %slice3A_407 = vector.extract_strided_slice %get3A_8 {offsets = [0, 4608], sizes = [1, 128], strides = [1, 1]} : vector<1x8192xf32> to vector<1x128xf32>
    %slice3A_408 = vector.extract_strided_slice %dot_general3A_5 {offsets = [0, 4608], sizes = [96, 128], strides = [1, 1]} : vector<576x8192xf32> to vector<96x128xf32>
    %add3A_409 = vector.broadcast %slice3A : vector<96x1xf32> to vector<96x128xf32>
    %add3A_410 = vector.broadcast %slice3A_407 : vector<1x128xf32> to vector<96x128xf32>
    %add3A_411 = arith.addf %add3A_409, %add3A_410 : vector<96x128xf32>
    %sub3A_412 = arith.subf %add3A_411, %slice3A_408 : vector<96x128xf32>
    %lt3A_413 = arith.cmpf olt, %sub3A_412, %select_n3A_403 : vector<96x128xf32>
    %select_n3A_414 = arith.select %lt3A_413, %sub3A_412, %select_n3A_403 : vector<96x128xi1>, vector<96x128xf32>
    %jit3A_415 = arith.constant 3.600000e+01 : f32
    %broadcast_in_dim3A_416 = vector.broadcast %jit3A_415 : f32 to vector<96x128xf32>
    %select_n3A_417 = arith.select %lt3A_413, %broadcast_in_dim3A_416, %select_n3A_406 : vector<96x128xi1>, vector<96x128xf32>
    %slice3A_418 = vector.extract_strided_slice %get3A_8 {offsets = [0, 4736], sizes = [1, 128], strides = [1, 1]} : vector<1x8192xf32> to vector<1x128xf32>
    %slice3A_419 = vector.extract_strided_slice %dot_general3A_5 {offsets = [0, 4736], sizes = [96, 128], strides = [1, 1]} : vector<576x8192xf32> to vector<96x128xf32>
    %add3A_420 = vector.broadcast %slice3A : vector<96x1xf32> to vector<96x128xf32>
    %add3A_421 = vector.broadcast %slice3A_418 : vector<1x128xf32> to vector<96x128xf32>
    %add3A_422 = arith.addf %add3A_420, %add3A_421 : vector<96x128xf32>
    %sub3A_423 = arith.subf %add3A_422, %slice3A_419 : vector<96x128xf32>
    %lt3A_424 = arith.cmpf olt, %sub3A_423, %select_n3A_414 : vector<96x128xf32>
    %select_n3A_425 = arith.select %lt3A_424, %sub3A_423, %select_n3A_414 : vector<96x128xi1>, vector<96x128xf32>
    %jit3A_426 = arith.constant 3.700000e+01 : f32
    %broadcast_in_dim3A_427 = vector.broadcast %jit3A_426 : f32 to vector<96x128xf32>
    %select_n3A_428 = arith.select %lt3A_424, %broadcast_in_dim3A_427, %select_n3A_417 : vector<96x128xi1>, vector<96x128xf32>
    %slice3A_429 = vector.extract_strided_slice %get3A_8 {offsets = [0, 4864], sizes = [1, 128], strides = [1, 1]} : vector<1x8192xf32> to vector<1x128xf32>
    %slice3A_430 = vector.extract_strided_slice %dot_general3A_5 {offsets = [0, 4864], sizes = [96, 128], strides = [1, 1]} : vector<576x8192xf32> to vector<96x128xf32>
    %add3A_431 = vector.broadcast %slice3A : vector<96x1xf32> to vector<96x128xf32>
    %add3A_432 = vector.broadcast %slice3A_429 : vector<1x128xf32> to vector<96x128xf32>
    %add3A_433 = arith.addf %add3A_431, %add3A_432 : vector<96x128xf32>
    %sub3A_434 = arith.subf %add3A_433, %slice3A_430 : vector<96x128xf32>
    %lt3A_435 = arith.cmpf olt, %sub3A_434, %select_n3A_425 : vector<96x128xf32>
    %select_n3A_436 = arith.select %lt3A_435, %sub3A_434, %select_n3A_425 : vector<96x128xi1>, vector<96x128xf32>
    %jit3A_437 = arith.constant 3.800000e+01 : f32
    %broadcast_in_dim3A_438 = vector.broadcast %jit3A_437 : f32 to vector<96x128xf32>
    %select_n3A_439 = arith.select %lt3A_435, %broadcast_in_dim3A_438, %select_n3A_428 : vector<96x128xi1>, vector<96x128xf32>
    %slice3A_440 = vector.extract_strided_slice %get3A_8 {offsets = [0, 4992], sizes = [1, 128], strides = [1, 1]} : vector<1x8192xf32> to vector<1x128xf32>
    %slice3A_441 = vector.extract_strided_slice %dot_general3A_5 {offsets = [0, 4992], sizes = [96, 128], strides = [1, 1]} : vector<576x8192xf32> to vector<96x128xf32>
    %add3A_442 = vector.broadcast %slice3A : vector<96x1xf32> to vector<96x128xf32>
    %add3A_443 = vector.broadcast %slice3A_440 : vector<1x128xf32> to vector<96x128xf32>
    %add3A_444 = arith.addf %add3A_442, %add3A_443 : vector<96x128xf32>
    %sub3A_445 = arith.subf %add3A_444, %slice3A_441 : vector<96x128xf32>
    %lt3A_446 = arith.cmpf olt, %sub3A_445, %select_n3A_436 : vector<96x128xf32>
    %select_n3A_447 = arith.select %lt3A_446, %sub3A_445, %select_n3A_436 : vector<96x128xi1>, vector<96x128xf32>
    %jit3A_448 = arith.constant 3.900000e+01 : f32
    %broadcast_in_dim3A_449 = vector.broadcast %jit3A_448 : f32 to vector<96x128xf32>
    %select_n3A_450 = arith.select %lt3A_446, %broadcast_in_dim3A_449, %select_n3A_439 : vector<96x128xi1>, vector<96x128xf32>
    %slice3A_451 = vector.extract_strided_slice %get3A_8 {offsets = [0, 5120], sizes = [1, 128], strides = [1, 1]} : vector<1x8192xf32> to vector<1x128xf32>
    %slice3A_452 = vector.extract_strided_slice %dot_general3A_5 {offsets = [0, 5120], sizes = [96, 128], strides = [1, 1]} : vector<576x8192xf32> to vector<96x128xf32>
    %add3A_453 = vector.broadcast %slice3A : vector<96x1xf32> to vector<96x128xf32>
    %add3A_454 = vector.broadcast %slice3A_451 : vector<1x128xf32> to vector<96x128xf32>
    %add3A_455 = arith.addf %add3A_453, %add3A_454 : vector<96x128xf32>
    %sub3A_456 = arith.subf %add3A_455, %slice3A_452 : vector<96x128xf32>
    %lt3A_457 = arith.cmpf olt, %sub3A_456, %select_n3A_447 : vector<96x128xf32>
    %select_n3A_458 = arith.select %lt3A_457, %sub3A_456, %select_n3A_447 : vector<96x128xi1>, vector<96x128xf32>
    %jit3A_459 = arith.constant 4.000000e+01 : f32
    %broadcast_in_dim3A_460 = vector.broadcast %jit3A_459 : f32 to vector<96x128xf32>
    %select_n3A_461 = arith.select %lt3A_457, %broadcast_in_dim3A_460, %select_n3A_450 : vector<96x128xi1>, vector<96x128xf32>
    %slice3A_462 = vector.extract_strided_slice %get3A_8 {offsets = [0, 5248], sizes = [1, 128], strides = [1, 1]} : vector<1x8192xf32> to vector<1x128xf32>
    %slice3A_463 = vector.extract_strided_slice %dot_general3A_5 {offsets = [0, 5248], sizes = [96, 128], strides = [1, 1]} : vector<576x8192xf32> to vector<96x128xf32>
    %add3A_464 = vector.broadcast %slice3A : vector<96x1xf32> to vector<96x128xf32>
    %add3A_465 = vector.broadcast %slice3A_462 : vector<1x128xf32> to vector<96x128xf32>
    %add3A_466 = arith.addf %add3A_464, %add3A_465 : vector<96x128xf32>
    %sub3A_467 = arith.subf %add3A_466, %slice3A_463 : vector<96x128xf32>
    %lt3A_468 = arith.cmpf olt, %sub3A_467, %select_n3A_458 : vector<96x128xf32>
    %select_n3A_469 = arith.select %lt3A_468, %sub3A_467, %select_n3A_458 : vector<96x128xi1>, vector<96x128xf32>
    %jit3A_470 = arith.constant 4.100000e+01 : f32
    %broadcast_in_dim3A_471 = vector.broadcast %jit3A_470 : f32 to vector<96x128xf32>
    %select_n3A_472 = arith.select %lt3A_468, %broadcast_in_dim3A_471, %select_n3A_461 : vector<96x128xi1>, vector<96x128xf32>
    %slice3A_473 = vector.extract_strided_slice %get3A_8 {offsets = [0, 5376], sizes = [1, 128], strides = [1, 1]} : vector<1x8192xf32> to vector<1x128xf32>
    %slice3A_474 = vector.extract_strided_slice %dot_general3A_5 {offsets = [0, 5376], sizes = [96, 128], strides = [1, 1]} : vector<576x8192xf32> to vector<96x128xf32>
    %add3A_475 = vector.broadcast %slice3A : vector<96x1xf32> to vector<96x128xf32>
    %add3A_476 = vector.broadcast %slice3A_473 : vector<1x128xf32> to vector<96x128xf32>
    %add3A_477 = arith.addf %add3A_475, %add3A_476 : vector<96x128xf32>
    %sub3A_478 = arith.subf %add3A_477, %slice3A_474 : vector<96x128xf32>
    %lt3A_479 = arith.cmpf olt, %sub3A_478, %select_n3A_469 : vector<96x128xf32>
    %select_n3A_480 = arith.select %lt3A_479, %sub3A_478, %select_n3A_469 : vector<96x128xi1>, vector<96x128xf32>
    %jit3A_481 = arith.constant 4.200000e+01 : f32
    %broadcast_in_dim3A_482 = vector.broadcast %jit3A_481 : f32 to vector<96x128xf32>
    %select_n3A_483 = arith.select %lt3A_479, %broadcast_in_dim3A_482, %select_n3A_472 : vector<96x128xi1>, vector<96x128xf32>
    %slice3A_484 = vector.extract_strided_slice %get3A_8 {offsets = [0, 5504], sizes = [1, 128], strides = [1, 1]} : vector<1x8192xf32> to vector<1x128xf32>
    %slice3A_485 = vector.extract_strided_slice %dot_general3A_5 {offsets = [0, 5504], sizes = [96, 128], strides = [1, 1]} : vector<576x8192xf32> to vector<96x128xf32>
    %add3A_486 = vector.broadcast %slice3A : vector<96x1xf32> to vector<96x128xf32>
    %add3A_487 = vector.broadcast %slice3A_484 : vector<1x128xf32> to vector<96x128xf32>
    %add3A_488 = arith.addf %add3A_486, %add3A_487 : vector<96x128xf32>
    %sub3A_489 = arith.subf %add3A_488, %slice3A_485 : vector<96x128xf32>
    %lt3A_490 = arith.cmpf olt, %sub3A_489, %select_n3A_480 : vector<96x128xf32>
    %select_n3A_491 = arith.select %lt3A_490, %sub3A_489, %select_n3A_480 : vector<96x128xi1>, vector<96x128xf32>
    %jit3A_492 = arith.constant 4.300000e+01 : f32
    %broadcast_in_dim3A_493 = vector.broadcast %jit3A_492 : f32 to vector<96x128xf32>
    %select_n3A_494 = arith.select %lt3A_490, %broadcast_in_dim3A_493, %select_n3A_483 : vector<96x128xi1>, vector<96x128xf32>
    %slice3A_495 = vector.extract_strided_slice %get3A_8 {offsets = [0, 5632], sizes = [1, 128], strides = [1, 1]} : vector<1x8192xf32> to vector<1x128xf32>
    %slice3A_496 = vector.extract_strided_slice %dot_general3A_5 {offsets = [0, 5632], sizes = [96, 128], strides = [1, 1]} : vector<576x8192xf32> to vector<96x128xf32>
    %add3A_497 = vector.broadcast %slice3A : vector<96x1xf32> to vector<96x128xf32>
    %add3A_498 = vector.broadcast %slice3A_495 : vector<1x128xf32> to vector<96x128xf32>
    %add3A_499 = arith.addf %add3A_497, %add3A_498 : vector<96x128xf32>
    %sub3A_500 = arith.subf %add3A_499, %slice3A_496 : vector<96x128xf32>
    %lt3A_501 = arith.cmpf olt, %sub3A_500, %select_n3A_491 : vector<96x128xf32>
    %select_n3A_502 = arith.select %lt3A_501, %sub3A_500, %select_n3A_491 : vector<96x128xi1>, vector<96x128xf32>
    %jit3A_503 = arith.constant 4.400000e+01 : f32
    %broadcast_in_dim3A_504 = vector.broadcast %jit3A_503 : f32 to vector<96x128xf32>
    %select_n3A_505 = arith.select %lt3A_501, %broadcast_in_dim3A_504, %select_n3A_494 : vector<96x128xi1>, vector<96x128xf32>
    %slice3A_506 = vector.extract_strided_slice %get3A_8 {offsets = [0, 5760], sizes = [1, 128], strides = [1, 1]} : vector<1x8192xf32> to vector<1x128xf32>
    %slice3A_507 = vector.extract_strided_slice %dot_general3A_5 {offsets = [0, 5760], sizes = [96, 128], strides = [1, 1]} : vector<576x8192xf32> to vector<96x128xf32>
    %add3A_508 = vector.broadcast %slice3A : vector<96x1xf32> to vector<96x128xf32>
    %add3A_509 = vector.broadcast %slice3A_506 : vector<1x128xf32> to vector<96x128xf32>
    %add3A_510 = arith.addf %add3A_508, %add3A_509 : vector<96x128xf32>
    %sub3A_511 = arith.subf %add3A_510, %slice3A_507 : vector<96x128xf32>
    %lt3A_512 = arith.cmpf olt, %sub3A_511, %select_n3A_502 : vector<96x128xf32>
    %select_n3A_513 = arith.select %lt3A_512, %sub3A_511, %select_n3A_502 : vector<96x128xi1>, vector<96x128xf32>
    %jit3A_514 = arith.constant 4.500000e+01 : f32
    %broadcast_in_dim3A_515 = vector.broadcast %jit3A_514 : f32 to vector<96x128xf32>
    %select_n3A_516 = arith.select %lt3A_512, %broadcast_in_dim3A_515, %select_n3A_505 : vector<96x128xi1>, vector<96x128xf32>
    %slice3A_517 = vector.extract_strided_slice %get3A_8 {offsets = [0, 5888], sizes = [1, 128], strides = [1, 1]} : vector<1x8192xf32> to vector<1x128xf32>
    %slice3A_518 = vector.extract_strided_slice %dot_general3A_5 {offsets = [0, 5888], sizes = [96, 128], strides = [1, 1]} : vector<576x8192xf32> to vector<96x128xf32>
    %add3A_519 = vector.broadcast %slice3A : vector<96x1xf32> to vector<96x128xf32>
    %add3A_520 = vector.broadcast %slice3A_517 : vector<1x128xf32> to vector<96x128xf32>
    %add3A_521 = arith.addf %add3A_519, %add3A_520 : vector<96x128xf32>
    %sub3A_522 = arith.subf %add3A_521, %slice3A_518 : vector<96x128xf32>
    %lt3A_523 = arith.cmpf olt, %sub3A_522, %select_n3A_513 : vector<96x128xf32>
    %select_n3A_524 = arith.select %lt3A_523, %sub3A_522, %select_n3A_513 : vector<96x128xi1>, vector<96x128xf32>
    %jit3A_525 = arith.constant 4.600000e+01 : f32
    %broadcast_in_dim3A_526 = vector.broadcast %jit3A_525 : f32 to vector<96x128xf32>
    %select_n3A_527 = arith.select %lt3A_523, %broadcast_in_dim3A_526, %select_n3A_516 : vector<96x128xi1>, vector<96x128xf32>
    %slice3A_528 = vector.extract_strided_slice %get3A_8 {offsets = [0, 6016], sizes = [1, 128], strides = [1, 1]} : vector<1x8192xf32> to vector<1x128xf32>
    %slice3A_529 = vector.extract_strided_slice %dot_general3A_5 {offsets = [0, 6016], sizes = [96, 128], strides = [1, 1]} : vector<576x8192xf32> to vector<96x128xf32>
    %add3A_530 = vector.broadcast %slice3A : vector<96x1xf32> to vector<96x128xf32>
    %add3A_531 = vector.broadcast %slice3A_528 : vector<1x128xf32> to vector<96x128xf32>
    %add3A_532 = arith.addf %add3A_530, %add3A_531 : vector<96x128xf32>
    %sub3A_533 = arith.subf %add3A_532, %slice3A_529 : vector<96x128xf32>
    %lt3A_534 = arith.cmpf olt, %sub3A_533, %select_n3A_524 : vector<96x128xf32>
    %select_n3A_535 = arith.select %lt3A_534, %sub3A_533, %select_n3A_524 : vector<96x128xi1>, vector<96x128xf32>
    %jit3A_536 = arith.constant 4.700000e+01 : f32
    %broadcast_in_dim3A_537 = vector.broadcast %jit3A_536 : f32 to vector<96x128xf32>
    %select_n3A_538 = arith.select %lt3A_534, %broadcast_in_dim3A_537, %select_n3A_527 : vector<96x128xi1>, vector<96x128xf32>
    %slice3A_539 = vector.extract_strided_slice %get3A_8 {offsets = [0, 6144], sizes = [1, 128], strides = [1, 1]} : vector<1x8192xf32> to vector<1x128xf32>
    %slice3A_540 = vector.extract_strided_slice %dot_general3A_5 {offsets = [0, 6144], sizes = [96, 128], strides = [1, 1]} : vector<576x8192xf32> to vector<96x128xf32>
    %add3A_541 = vector.broadcast %slice3A : vector<96x1xf32> to vector<96x128xf32>
    %add3A_542 = vector.broadcast %slice3A_539 : vector<1x128xf32> to vector<96x128xf32>
    %add3A_543 = arith.addf %add3A_541, %add3A_542 : vector<96x128xf32>
    %sub3A_544 = arith.subf %add3A_543, %slice3A_540 : vector<96x128xf32>
    %lt3A_545 = arith.cmpf olt, %sub3A_544, %select_n3A_535 : vector<96x128xf32>
    %select_n3A_546 = arith.select %lt3A_545, %sub3A_544, %select_n3A_535 : vector<96x128xi1>, vector<96x128xf32>
    %jit3A_547 = arith.constant 4.800000e+01 : f32
    %broadcast_in_dim3A_548 = vector.broadcast %jit3A_547 : f32 to vector<96x128xf32>
    %select_n3A_549 = arith.select %lt3A_545, %broadcast_in_dim3A_548, %select_n3A_538 : vector<96x128xi1>, vector<96x128xf32>
    %slice3A_550 = vector.extract_strided_slice %get3A_8 {offsets = [0, 6272], sizes = [1, 128], strides = [1, 1]} : vector<1x8192xf32> to vector<1x128xf32>
    %slice3A_551 = vector.extract_strided_slice %dot_general3A_5 {offsets = [0, 6272], sizes = [96, 128], strides = [1, 1]} : vector<576x8192xf32> to vector<96x128xf32>
    %add3A_552 = vector.broadcast %slice3A : vector<96x1xf32> to vector<96x128xf32>
    %add3A_553 = vector.broadcast %slice3A_550 : vector<1x128xf32> to vector<96x128xf32>
    %add3A_554 = arith.addf %add3A_552, %add3A_553 : vector<96x128xf32>
    %sub3A_555 = arith.subf %add3A_554, %slice3A_551 : vector<96x128xf32>
    %lt3A_556 = arith.cmpf olt, %sub3A_555, %select_n3A_546 : vector<96x128xf32>
    %select_n3A_557 = arith.select %lt3A_556, %sub3A_555, %select_n3A_546 : vector<96x128xi1>, vector<96x128xf32>
    %jit3A_558 = arith.constant 4.900000e+01 : f32
    %broadcast_in_dim3A_559 = vector.broadcast %jit3A_558 : f32 to vector<96x128xf32>
    %select_n3A_560 = arith.select %lt3A_556, %broadcast_in_dim3A_559, %select_n3A_549 : vector<96x128xi1>, vector<96x128xf32>
    %slice3A_561 = vector.extract_strided_slice %get3A_8 {offsets = [0, 6400], sizes = [1, 128], strides = [1, 1]} : vector<1x8192xf32> to vector<1x128xf32>
    %slice3A_562 = vector.extract_strided_slice %dot_general3A_5 {offsets = [0, 6400], sizes = [96, 128], strides = [1, 1]} : vector<576x8192xf32> to vector<96x128xf32>
    %add3A_563 = vector.broadcast %slice3A : vector<96x1xf32> to vector<96x128xf32>
    %add3A_564 = vector.broadcast %slice3A_561 : vector<1x128xf32> to vector<96x128xf32>
    %add3A_565 = arith.addf %add3A_563, %add3A_564 : vector<96x128xf32>
    %sub3A_566 = arith.subf %add3A_565, %slice3A_562 : vector<96x128xf32>
    %lt3A_567 = arith.cmpf olt, %sub3A_566, %select_n3A_557 : vector<96x128xf32>
    %select_n3A_568 = arith.select %lt3A_567, %sub3A_566, %select_n3A_557 : vector<96x128xi1>, vector<96x128xf32>
    %jit3A_569 = arith.constant 5.000000e+01 : f32
    %broadcast_in_dim3A_570 = vector.broadcast %jit3A_569 : f32 to vector<96x128xf32>
    %select_n3A_571 = arith.select %lt3A_567, %broadcast_in_dim3A_570, %select_n3A_560 : vector<96x128xi1>, vector<96x128xf32>
    %slice3A_572 = vector.extract_strided_slice %get3A_8 {offsets = [0, 6528], sizes = [1, 128], strides = [1, 1]} : vector<1x8192xf32> to vector<1x128xf32>
    %slice3A_573 = vector.extract_strided_slice %dot_general3A_5 {offsets = [0, 6528], sizes = [96, 128], strides = [1, 1]} : vector<576x8192xf32> to vector<96x128xf32>
    %add3A_574 = vector.broadcast %slice3A : vector<96x1xf32> to vector<96x128xf32>
    %add3A_575 = vector.broadcast %slice3A_572 : vector<1x128xf32> to vector<96x128xf32>
    %add3A_576 = arith.addf %add3A_574, %add3A_575 : vector<96x128xf32>
    %sub3A_577 = arith.subf %add3A_576, %slice3A_573 : vector<96x128xf32>
    %lt3A_578 = arith.cmpf olt, %sub3A_577, %select_n3A_568 : vector<96x128xf32>
    %select_n3A_579 = arith.select %lt3A_578, %sub3A_577, %select_n3A_568 : vector<96x128xi1>, vector<96x128xf32>
    %jit3A_580 = arith.constant 5.100000e+01 : f32
    %broadcast_in_dim3A_581 = vector.broadcast %jit3A_580 : f32 to vector<96x128xf32>
    %select_n3A_582 = arith.select %lt3A_578, %broadcast_in_dim3A_581, %select_n3A_571 : vector<96x128xi1>, vector<96x128xf32>
    %slice3A_583 = vector.extract_strided_slice %get3A_8 {offsets = [0, 6656], sizes = [1, 128], strides = [1, 1]} : vector<1x8192xf32> to vector<1x128xf32>
    %slice3A_584 = vector.extract_strided_slice %dot_general3A_5 {offsets = [0, 6656], sizes = [96, 128], strides = [1, 1]} : vector<576x8192xf32> to vector<96x128xf32>
    %add3A_585 = vector.broadcast %slice3A : vector<96x1xf32> to vector<96x128xf32>
    %add3A_586 = vector.broadcast %slice3A_583 : vector<1x128xf32> to vector<96x128xf32>
    %add3A_587 = arith.addf %add3A_585, %add3A_586 : vector<96x128xf32>
    %sub3A_588 = arith.subf %add3A_587, %slice3A_584 : vector<96x128xf32>
    %lt3A_589 = arith.cmpf olt, %sub3A_588, %select_n3A_579 : vector<96x128xf32>
    %select_n3A_590 = arith.select %lt3A_589, %sub3A_588, %select_n3A_579 : vector<96x128xi1>, vector<96x128xf32>
    %jit3A_591 = arith.constant 5.200000e+01 : f32
    %broadcast_in_dim3A_592 = vector.broadcast %jit3A_591 : f32 to vector<96x128xf32>
    %select_n3A_593 = arith.select %lt3A_589, %broadcast_in_dim3A_592, %select_n3A_582 : vector<96x128xi1>, vector<96x128xf32>
    %slice3A_594 = vector.extract_strided_slice %get3A_8 {offsets = [0, 6784], sizes = [1, 128], strides = [1, 1]} : vector<1x8192xf32> to vector<1x128xf32>
    %slice3A_595 = vector.extract_strided_slice %dot_general3A_5 {offsets = [0, 6784], sizes = [96, 128], strides = [1, 1]} : vector<576x8192xf32> to vector<96x128xf32>
    %add3A_596 = vector.broadcast %slice3A : vector<96x1xf32> to vector<96x128xf32>
    %add3A_597 = vector.broadcast %slice3A_594 : vector<1x128xf32> to vector<96x128xf32>
    %add3A_598 = arith.addf %add3A_596, %add3A_597 : vector<96x128xf32>
    %sub3A_599 = arith.subf %add3A_598, %slice3A_595 : vector<96x128xf32>
    %lt3A_600 = arith.cmpf olt, %sub3A_599, %select_n3A_590 : vector<96x128xf32>
    %select_n3A_601 = arith.select %lt3A_600, %sub3A_599, %select_n3A_590 : vector<96x128xi1>, vector<96x128xf32>
    %jit3A_602 = arith.constant 5.300000e+01 : f32
    %broadcast_in_dim3A_603 = vector.broadcast %jit3A_602 : f32 to vector<96x128xf32>
    %select_n3A_604 = arith.select %lt3A_600, %broadcast_in_dim3A_603, %select_n3A_593 : vector<96x128xi1>, vector<96x128xf32>
    %slice3A_605 = vector.extract_strided_slice %get3A_8 {offsets = [0, 6912], sizes = [1, 128], strides = [1, 1]} : vector<1x8192xf32> to vector<1x128xf32>
    %slice3A_606 = vector.extract_strided_slice %dot_general3A_5 {offsets = [0, 6912], sizes = [96, 128], strides = [1, 1]} : vector<576x8192xf32> to vector<96x128xf32>
    %add3A_607 = vector.broadcast %slice3A : vector<96x1xf32> to vector<96x128xf32>
    %add3A_608 = vector.broadcast %slice3A_605 : vector<1x128xf32> to vector<96x128xf32>
    %add3A_609 = arith.addf %add3A_607, %add3A_608 : vector<96x128xf32>
    %sub3A_610 = arith.subf %add3A_609, %slice3A_606 : vector<96x128xf32>
    %lt3A_611 = arith.cmpf olt, %sub3A_610, %select_n3A_601 : vector<96x128xf32>
    %select_n3A_612 = arith.select %lt3A_611, %sub3A_610, %select_n3A_601 : vector<96x128xi1>, vector<96x128xf32>
    %jit3A_613 = arith.constant 5.400000e+01 : f32
    %broadcast_in_dim3A_614 = vector.broadcast %jit3A_613 : f32 to vector<96x128xf32>
    %select_n3A_615 = arith.select %lt3A_611, %broadcast_in_dim3A_614, %select_n3A_604 : vector<96x128xi1>, vector<96x128xf32>
    %slice3A_616 = vector.extract_strided_slice %get3A_8 {offsets = [0, 7040], sizes = [1, 128], strides = [1, 1]} : vector<1x8192xf32> to vector<1x128xf32>
    %slice3A_617 = vector.extract_strided_slice %dot_general3A_5 {offsets = [0, 7040], sizes = [96, 128], strides = [1, 1]} : vector<576x8192xf32> to vector<96x128xf32>
    %add3A_618 = vector.broadcast %slice3A : vector<96x1xf32> to vector<96x128xf32>
    %add3A_619 = vector.broadcast %slice3A_616 : vector<1x128xf32> to vector<96x128xf32>
    %add3A_620 = arith.addf %add3A_618, %add3A_619 : vector<96x128xf32>
    %sub3A_621 = arith.subf %add3A_620, %slice3A_617 : vector<96x128xf32>
    %lt3A_622 = arith.cmpf olt, %sub3A_621, %select_n3A_612 : vector<96x128xf32>
    %select_n3A_623 = arith.select %lt3A_622, %sub3A_621, %select_n3A_612 : vector<96x128xi1>, vector<96x128xf32>
    %jit3A_624 = arith.constant 5.500000e+01 : f32
    %broadcast_in_dim3A_625 = vector.broadcast %jit3A_624 : f32 to vector<96x128xf32>
    %select_n3A_626 = arith.select %lt3A_622, %broadcast_in_dim3A_625, %select_n3A_615 : vector<96x128xi1>, vector<96x128xf32>
    %slice3A_627 = vector.extract_strided_slice %get3A_8 {offsets = [0, 7168], sizes = [1, 128], strides = [1, 1]} : vector<1x8192xf32> to vector<1x128xf32>
    %slice3A_628 = vector.extract_strided_slice %dot_general3A_5 {offsets = [0, 7168], sizes = [96, 128], strides = [1, 1]} : vector<576x8192xf32> to vector<96x128xf32>
    %add3A_629 = vector.broadcast %slice3A : vector<96x1xf32> to vector<96x128xf32>
    %add3A_630 = vector.broadcast %slice3A_627 : vector<1x128xf32> to vector<96x128xf32>
    %add3A_631 = arith.addf %add3A_629, %add3A_630 : vector<96x128xf32>
    %sub3A_632 = arith.subf %add3A_631, %slice3A_628 : vector<96x128xf32>
    %lt3A_633 = arith.cmpf olt, %sub3A_632, %select_n3A_623 : vector<96x128xf32>
    %select_n3A_634 = arith.select %lt3A_633, %sub3A_632, %select_n3A_623 : vector<96x128xi1>, vector<96x128xf32>
    %jit3A_635 = arith.constant 5.600000e+01 : f32
    %broadcast_in_dim3A_636 = vector.broadcast %jit3A_635 : f32 to vector<96x128xf32>
    %select_n3A_637 = arith.select %lt3A_633, %broadcast_in_dim3A_636, %select_n3A_626 : vector<96x128xi1>, vector<96x128xf32>
    %slice3A_638 = vector.extract_strided_slice %get3A_8 {offsets = [0, 7296], sizes = [1, 128], strides = [1, 1]} : vector<1x8192xf32> to vector<1x128xf32>
    %slice3A_639 = vector.extract_strided_slice %dot_general3A_5 {offsets = [0, 7296], sizes = [96, 128], strides = [1, 1]} : vector<576x8192xf32> to vector<96x128xf32>
    %add3A_640 = vector.broadcast %slice3A : vector<96x1xf32> to vector<96x128xf32>
    %add3A_641 = vector.broadcast %slice3A_638 : vector<1x128xf32> to vector<96x128xf32>
    %add3A_642 = arith.addf %add3A_640, %add3A_641 : vector<96x128xf32>
    %sub3A_643 = arith.subf %add3A_642, %slice3A_639 : vector<96x128xf32>
    %lt3A_644 = arith.cmpf olt, %sub3A_643, %select_n3A_634 : vector<96x128xf32>
    %select_n3A_645 = arith.select %lt3A_644, %sub3A_643, %select_n3A_634 : vector<96x128xi1>, vector<96x128xf32>
    %jit3A_646 = arith.constant 5.700000e+01 : f32
    %broadcast_in_dim3A_647 = vector.broadcast %jit3A_646 : f32 to vector<96x128xf32>
    %select_n3A_648 = arith.select %lt3A_644, %broadcast_in_dim3A_647, %select_n3A_637 : vector<96x128xi1>, vector<96x128xf32>
    %slice3A_649 = vector.extract_strided_slice %get3A_8 {offsets = [0, 7424], sizes = [1, 128], strides = [1, 1]} : vector<1x8192xf32> to vector<1x128xf32>
    %slice3A_650 = vector.extract_strided_slice %dot_general3A_5 {offsets = [0, 7424], sizes = [96, 128], strides = [1, 1]} : vector<576x8192xf32> to vector<96x128xf32>
    %add3A_651 = vector.broadcast %slice3A : vector<96x1xf32> to vector<96x128xf32>
    %add3A_652 = vector.broadcast %slice3A_649 : vector<1x128xf32> to vector<96x128xf32>
    %add3A_653 = arith.addf %add3A_651, %add3A_652 : vector<96x128xf32>
    %sub3A_654 = arith.subf %add3A_653, %slice3A_650 : vector<96x128xf32>
    %lt3A_655 = arith.cmpf olt, %sub3A_654, %select_n3A_645 : vector<96x128xf32>
    %select_n3A_656 = arith.select %lt3A_655, %sub3A_654, %select_n3A_645 : vector<96x128xi1>, vector<96x128xf32>
    %jit3A_657 = arith.constant 5.800000e+01 : f32
    %broadcast_in_dim3A_658 = vector.broadcast %jit3A_657 : f32 to vector<96x128xf32>
    %select_n3A_659 = arith.select %lt3A_655, %broadcast_in_dim3A_658, %select_n3A_648 : vector<96x128xi1>, vector<96x128xf32>
    %slice3A_660 = vector.extract_strided_slice %get3A_8 {offsets = [0, 7552], sizes = [1, 128], strides = [1, 1]} : vector<1x8192xf32> to vector<1x128xf32>
    %slice3A_661 = vector.extract_strided_slice %dot_general3A_5 {offsets = [0, 7552], sizes = [96, 128], strides = [1, 1]} : vector<576x8192xf32> to vector<96x128xf32>
    %add3A_662 = vector.broadcast %slice3A : vector<96x1xf32> to vector<96x128xf32>
    %add3A_663 = vector.broadcast %slice3A_660 : vector<1x128xf32> to vector<96x128xf32>
    %add3A_664 = arith.addf %add3A_662, %add3A_663 : vector<96x128xf32>
    %sub3A_665 = arith.subf %add3A_664, %slice3A_661 : vector<96x128xf32>
    %lt3A_666 = arith.cmpf olt, %sub3A_665, %select_n3A_656 : vector<96x128xf32>
    %select_n3A_667 = arith.select %lt3A_666, %sub3A_665, %select_n3A_656 : vector<96x128xi1>, vector<96x128xf32>
    %jit3A_668 = arith.constant 5.900000e+01 : f32
    %broadcast_in_dim3A_669 = vector.broadcast %jit3A_668 : f32 to vector<96x128xf32>
    %select_n3A_670 = arith.select %lt3A_666, %broadcast_in_dim3A_669, %select_n3A_659 : vector<96x128xi1>, vector<96x128xf32>
    %slice3A_671 = vector.extract_strided_slice %get3A_8 {offsets = [0, 7680], sizes = [1, 128], strides = [1, 1]} : vector<1x8192xf32> to vector<1x128xf32>
    %slice3A_672 = vector.extract_strided_slice %dot_general3A_5 {offsets = [0, 7680], sizes = [96, 128], strides = [1, 1]} : vector<576x8192xf32> to vector<96x128xf32>
    %add3A_673 = vector.broadcast %slice3A : vector<96x1xf32> to vector<96x128xf32>
    %add3A_674 = vector.broadcast %slice3A_671 : vector<1x128xf32> to vector<96x128xf32>
    %add3A_675 = arith.addf %add3A_673, %add3A_674 : vector<96x128xf32>
    %sub3A_676 = arith.subf %add3A_675, %slice3A_672 : vector<96x128xf32>
    %lt3A_677 = arith.cmpf olt, %sub3A_676, %select_n3A_667 : vector<96x128xf32>
    %select_n3A_678 = arith.select %lt3A_677, %sub3A_676, %select_n3A_667 : vector<96x128xi1>, vector<96x128xf32>
    %jit3A_679 = arith.constant 6.000000e+01 : f32
    %broadcast_in_dim3A_680 = vector.broadcast %jit3A_679 : f32 to vector<96x128xf32>
    %select_n3A_681 = arith.select %lt3A_677, %broadcast_in_dim3A_680, %select_n3A_670 : vector<96x128xi1>, vector<96x128xf32>
    %slice3A_682 = vector.extract_strided_slice %get3A_8 {offsets = [0, 7808], sizes = [1, 128], strides = [1, 1]} : vector<1x8192xf32> to vector<1x128xf32>
    %slice3A_683 = vector.extract_strided_slice %dot_general3A_5 {offsets = [0, 7808], sizes = [96, 128], strides = [1, 1]} : vector<576x8192xf32> to vector<96x128xf32>
    %add3A_684 = vector.broadcast %slice3A : vector<96x1xf32> to vector<96x128xf32>
    %add3A_685 = vector.broadcast %slice3A_682 : vector<1x128xf32> to vector<96x128xf32>
    %add3A_686 = arith.addf %add3A_684, %add3A_685 : vector<96x128xf32>
    %sub3A_687 = arith.subf %add3A_686, %slice3A_683 : vector<96x128xf32>
    %lt3A_688 = arith.cmpf olt, %sub3A_687, %select_n3A_678 : vector<96x128xf32>
    %select_n3A_689 = arith.select %lt3A_688, %sub3A_687, %select_n3A_678 : vector<96x128xi1>, vector<96x128xf32>
    %jit3A_690 = arith.constant 6.100000e+01 : f32
    %broadcast_in_dim3A_691 = vector.broadcast %jit3A_690 : f32 to vector<96x128xf32>
    %select_n3A_692 = arith.select %lt3A_688, %broadcast_in_dim3A_691, %select_n3A_681 : vector<96x128xi1>, vector<96x128xf32>
    %slice3A_693 = vector.extract_strided_slice %get3A_8 {offsets = [0, 7936], sizes = [1, 128], strides = [1, 1]} : vector<1x8192xf32> to vector<1x128xf32>
    %slice3A_694 = vector.extract_strided_slice %dot_general3A_5 {offsets = [0, 7936], sizes = [96, 128], strides = [1, 1]} : vector<576x8192xf32> to vector<96x128xf32>
    %add3A_695 = vector.broadcast %slice3A : vector<96x1xf32> to vector<96x128xf32>
    %add3A_696 = vector.broadcast %slice3A_693 : vector<1x128xf32> to vector<96x128xf32>
    %add3A_697 = arith.addf %add3A_695, %add3A_696 : vector<96x128xf32>
    %sub3A_698 = arith.subf %add3A_697, %slice3A_694 : vector<96x128xf32>
    %lt3A_699 = arith.cmpf olt, %sub3A_698, %select_n3A_689 : vector<96x128xf32>
    %select_n3A_700 = arith.select %lt3A_699, %sub3A_698, %select_n3A_689 : vector<96x128xi1>, vector<96x128xf32>
    %jit3A_701 = arith.constant 6.200000e+01 : f32
    %broadcast_in_dim3A_702 = vector.broadcast %jit3A_701 : f32 to vector<96x128xf32>
    %select_n3A_703 = arith.select %lt3A_699, %broadcast_in_dim3A_702, %select_n3A_692 : vector<96x128xi1>, vector<96x128xf32>
    %slice3A_704 = vector.extract_strided_slice %get3A_8 {offsets = [0, 8064], sizes = [1, 128], strides = [1, 1]} : vector<1x8192xf32> to vector<1x128xf32>
    %slice3A_705 = vector.extract_strided_slice %dot_general3A_5 {offsets = [0, 8064], sizes = [96, 128], strides = [1, 1]} : vector<576x8192xf32> to vector<96x128xf32>
    %add3A_706 = vector.broadcast %slice3A : vector<96x1xf32> to vector<96x128xf32>
    %add3A_707 = vector.broadcast %slice3A_704 : vector<1x128xf32> to vector<96x128xf32>
    %add3A_708 = arith.addf %add3A_706, %add3A_707 : vector<96x128xf32>
    %sub3A_709 = arith.subf %add3A_708, %slice3A_705 : vector<96x128xf32>
    %lt3A_710 = arith.cmpf olt, %sub3A_709, %select_n3A_700 : vector<96x128xf32>
    %select_n3A_711 = arith.select %lt3A_710, %sub3A_709, %select_n3A_700 : vector<96x128xi1>, vector<96x128xf32>
    %jit3A_712 = arith.constant 6.300000e+01 : f32
    %broadcast_in_dim3A_713 = vector.broadcast %jit3A_712 : f32 to vector<96x128xf32>
    %select_n3A_714 = arith.select %lt3A_710, %broadcast_in_dim3A_713, %select_n3A_703 : vector<96x128xi1>, vector<96x128xf32>
    %reduce_min3A = arith.constant dense<0x7F800000> : vector<96xf32>
    %reduce_min3A_715 = vector.multi_reduction <minimumf>, %select_n3A_711, %reduce_min3A [1] : vector<96x128xf32> to vector<96xf32>
    %broadcast_in_dim3A_716 = vector.shape_cast %reduce_min3A_715 : vector<96xf32> to vector<96x1xf32>
    %eq3A = vector.broadcast %broadcast_in_dim3A_716 : vector<96x1xf32> to vector<96x128xf32>
    %eq3A_717 = arith.cmpf oeq, %select_n3A_711, %eq3A : vector<96x128xf32>
    %mul3A = arith.constant 1.280000e+02 : f32
    %mul3A_718 = vector.broadcast %mul3A : f32 to vector<96x128xf32>
    %mul3A_719 = arith.mulf %select_n3A_714, %mul3A_718 : vector<96x128xf32>
    %add3A_720 = arith.addf %mul3A_719, %convert_element_type3A : vector<96x128xf32>
    %jit3A_721 = arith.constant 8.192000e+03 : f32
    %broadcast_in_dim3A_722 = vector.broadcast %jit3A_721 : f32 to vector<96x128xf32>
    %select_n3A_723 = arith.select %eq3A_717, %add3A_720, %broadcast_in_dim3A_722 : vector<96x128xi1>, vector<96x128xf32>
    %reduce_min3A_724 = arith.constant dense<0x7F800000> : vector<96xf32>
    %reduce_min3A_725 = vector.multi_reduction <minimumf>, %select_n3A_723, %reduce_min3A_724 [1] : vector<96x128xf32> to vector<96xf32>
    %broadcast_in_dim3A_726 = vector.shape_cast %reduce_min3A_725 : vector<96xf32> to vector<96x1xf32>
    %convert_element_type3A_727 = arith.fptosi %broadcast_in_dim3A_726 : vector<96x1xf32> to vector<96x1xi32>
    %slice3A_728 = vector.extract_strided_slice %get3A_11 {offsets = [96, 0], sizes = [96, 1], strides = [1, 1]} : vector<576x1xf32> to vector<96x1xf32>
    %broadcast_in_dim3A_729 = arith.constant 0x7F800000 : f32
    %broadcast_in_dim3A_730 = vector.broadcast %broadcast_in_dim3A_729 : f32 to vector<96x128xf32>
    %broadcast_in_dim3A_731 = arith.constant 0.000000e+00 : f32
    %broadcast_in_dim3A_732 = vector.broadcast %broadcast_in_dim3A_731 : f32 to vector<96x128xf32>
    %slice3A_733 = vector.extract_strided_slice %get3A_8 {offsets = [0, 0], sizes = [1, 128], strides = [1, 1]} : vector<1x8192xf32> to vector<1x128xf32>
    %slice3A_734 = vector.extract_strided_slice %dot_general3A_5 {offsets = [96, 0], sizes = [96, 128], strides = [1, 1]} : vector<576x8192xf32> to vector<96x128xf32>
    %add3A_735 = vector.broadcast %slice3A_728 : vector<96x1xf32> to vector<96x128xf32>
    %add3A_736 = vector.broadcast %slice3A_733 : vector<1x128xf32> to vector<96x128xf32>
    %add3A_737 = arith.addf %add3A_735, %add3A_736 : vector<96x128xf32>
    %sub3A_738 = arith.subf %add3A_737, %slice3A_734 : vector<96x128xf32>
    %lt3A_739 = arith.cmpf olt, %sub3A_738, %broadcast_in_dim3A_730 : vector<96x128xf32>
    %select_n3A_740 = arith.select %lt3A_739, %sub3A_738, %broadcast_in_dim3A_730 : vector<96x128xi1>, vector<96x128xf32>
    %jit3A_741 = arith.constant 0.000000e+00 : f32
    %broadcast_in_dim3A_742 = vector.broadcast %jit3A_741 : f32 to vector<96x128xf32>
    %select_n3A_743 = arith.select %lt3A_739, %broadcast_in_dim3A_742, %broadcast_in_dim3A_732 : vector<96x128xi1>, vector<96x128xf32>
    %slice3A_744 = vector.extract_strided_slice %get3A_8 {offsets = [0, 128], sizes = [1, 128], strides = [1, 1]} : vector<1x8192xf32> to vector<1x128xf32>
    %slice3A_745 = vector.extract_strided_slice %dot_general3A_5 {offsets = [96, 128], sizes = [96, 128], strides = [1, 1]} : vector<576x8192xf32> to vector<96x128xf32>
    %add3A_746 = vector.broadcast %slice3A_728 : vector<96x1xf32> to vector<96x128xf32>
    %add3A_747 = vector.broadcast %slice3A_744 : vector<1x128xf32> to vector<96x128xf32>
    %add3A_748 = arith.addf %add3A_746, %add3A_747 : vector<96x128xf32>
    %sub3A_749 = arith.subf %add3A_748, %slice3A_745 : vector<96x128xf32>
    %lt3A_750 = arith.cmpf olt, %sub3A_749, %select_n3A_740 : vector<96x128xf32>
    %select_n3A_751 = arith.select %lt3A_750, %sub3A_749, %select_n3A_740 : vector<96x128xi1>, vector<96x128xf32>
    %jit3A_752 = arith.constant 1.000000e+00 : f32
    %broadcast_in_dim3A_753 = vector.broadcast %jit3A_752 : f32 to vector<96x128xf32>
    %select_n3A_754 = arith.select %lt3A_750, %broadcast_in_dim3A_753, %select_n3A_743 : vector<96x128xi1>, vector<96x128xf32>
    %slice3A_755 = vector.extract_strided_slice %get3A_8 {offsets = [0, 256], sizes = [1, 128], strides = [1, 1]} : vector<1x8192xf32> to vector<1x128xf32>
    %slice3A_756 = vector.extract_strided_slice %dot_general3A_5 {offsets = [96, 256], sizes = [96, 128], strides = [1, 1]} : vector<576x8192xf32> to vector<96x128xf32>
    %add3A_757 = vector.broadcast %slice3A_728 : vector<96x1xf32> to vector<96x128xf32>
    %add3A_758 = vector.broadcast %slice3A_755 : vector<1x128xf32> to vector<96x128xf32>
    %add3A_759 = arith.addf %add3A_757, %add3A_758 : vector<96x128xf32>
    %sub3A_760 = arith.subf %add3A_759, %slice3A_756 : vector<96x128xf32>
    %lt3A_761 = arith.cmpf olt, %sub3A_760, %select_n3A_751 : vector<96x128xf32>
    %select_n3A_762 = arith.select %lt3A_761, %sub3A_760, %select_n3A_751 : vector<96x128xi1>, vector<96x128xf32>
    %jit3A_763 = arith.constant 2.000000e+00 : f32
    %broadcast_in_dim3A_764 = vector.broadcast %jit3A_763 : f32 to vector<96x128xf32>
    %select_n3A_765 = arith.select %lt3A_761, %broadcast_in_dim3A_764, %select_n3A_754 : vector<96x128xi1>, vector<96x128xf32>
    %slice3A_766 = vector.extract_strided_slice %get3A_8 {offsets = [0, 384], sizes = [1, 128], strides = [1, 1]} : vector<1x8192xf32> to vector<1x128xf32>
    %slice3A_767 = vector.extract_strided_slice %dot_general3A_5 {offsets = [96, 384], sizes = [96, 128], strides = [1, 1]} : vector<576x8192xf32> to vector<96x128xf32>
    %add3A_768 = vector.broadcast %slice3A_728 : vector<96x1xf32> to vector<96x128xf32>
    %add3A_769 = vector.broadcast %slice3A_766 : vector<1x128xf32> to vector<96x128xf32>
    %add3A_770 = arith.addf %add3A_768, %add3A_769 : vector<96x128xf32>
    %sub3A_771 = arith.subf %add3A_770, %slice3A_767 : vector<96x128xf32>
    %lt3A_772 = arith.cmpf olt, %sub3A_771, %select_n3A_762 : vector<96x128xf32>
    %select_n3A_773 = arith.select %lt3A_772, %sub3A_771, %select_n3A_762 : vector<96x128xi1>, vector<96x128xf32>
    %jit3A_774 = arith.constant 3.000000e+00 : f32
    %broadcast_in_dim3A_775 = vector.broadcast %jit3A_774 : f32 to vector<96x128xf32>
    %select_n3A_776 = arith.select %lt3A_772, %broadcast_in_dim3A_775, %select_n3A_765 : vector<96x128xi1>, vector<96x128xf32>
    %slice3A_777 = vector.extract_strided_slice %get3A_8 {offsets = [0, 512], sizes = [1, 128], strides = [1, 1]} : vector<1x8192xf32> to vector<1x128xf32>
    %slice3A_778 = vector.extract_strided_slice %dot_general3A_5 {offsets = [96, 512], sizes = [96, 128], strides = [1, 1]} : vector<576x8192xf32> to vector<96x128xf32>
    %add3A_779 = vector.broadcast %slice3A_728 : vector<96x1xf32> to vector<96x128xf32>
    %add3A_780 = vector.broadcast %slice3A_777 : vector<1x128xf32> to vector<96x128xf32>
    %add3A_781 = arith.addf %add3A_779, %add3A_780 : vector<96x128xf32>
    %sub3A_782 = arith.subf %add3A_781, %slice3A_778 : vector<96x128xf32>
    %lt3A_783 = arith.cmpf olt, %sub3A_782, %select_n3A_773 : vector<96x128xf32>
    %select_n3A_784 = arith.select %lt3A_783, %sub3A_782, %select_n3A_773 : vector<96x128xi1>, vector<96x128xf32>
    %jit3A_785 = arith.constant 4.000000e+00 : f32
    %broadcast_in_dim3A_786 = vector.broadcast %jit3A_785 : f32 to vector<96x128xf32>
    %select_n3A_787 = arith.select %lt3A_783, %broadcast_in_dim3A_786, %select_n3A_776 : vector<96x128xi1>, vector<96x128xf32>
    %slice3A_788 = vector.extract_strided_slice %get3A_8 {offsets = [0, 640], sizes = [1, 128], strides = [1, 1]} : vector<1x8192xf32> to vector<1x128xf32>
    %slice3A_789 = vector.extract_strided_slice %dot_general3A_5 {offsets = [96, 640], sizes = [96, 128], strides = [1, 1]} : vector<576x8192xf32> to vector<96x128xf32>
    %add3A_790 = vector.broadcast %slice3A_728 : vector<96x1xf32> to vector<96x128xf32>
    %add3A_791 = vector.broadcast %slice3A_788 : vector<1x128xf32> to vector<96x128xf32>
    %add3A_792 = arith.addf %add3A_790, %add3A_791 : vector<96x128xf32>
    %sub3A_793 = arith.subf %add3A_792, %slice3A_789 : vector<96x128xf32>
    %lt3A_794 = arith.cmpf olt, %sub3A_793, %select_n3A_784 : vector<96x128xf32>
    %select_n3A_795 = arith.select %lt3A_794, %sub3A_793, %select_n3A_784 : vector<96x128xi1>, vector<96x128xf32>
    %jit3A_796 = arith.constant 5.000000e+00 : f32
    %broadcast_in_dim3A_797 = vector.broadcast %jit3A_796 : f32 to vector<96x128xf32>
    %select_n3A_798 = arith.select %lt3A_794, %broadcast_in_dim3A_797, %select_n3A_787 : vector<96x128xi1>, vector<96x128xf32>
    %slice3A_799 = vector.extract_strided_slice %get3A_8 {offsets = [0, 768], sizes = [1, 128], strides = [1, 1]} : vector<1x8192xf32> to vector<1x128xf32>
    %slice3A_800 = vector.extract_strided_slice %dot_general3A_5 {offsets = [96, 768], sizes = [96, 128], strides = [1, 1]} : vector<576x8192xf32> to vector<96x128xf32>
    %add3A_801 = vector.broadcast %slice3A_728 : vector<96x1xf32> to vector<96x128xf32>
    %add3A_802 = vector.broadcast %slice3A_799 : vector<1x128xf32> to vector<96x128xf32>
    %add3A_803 = arith.addf %add3A_801, %add3A_802 : vector<96x128xf32>
    %sub3A_804 = arith.subf %add3A_803, %slice3A_800 : vector<96x128xf32>
    %lt3A_805 = arith.cmpf olt, %sub3A_804, %select_n3A_795 : vector<96x128xf32>
    %select_n3A_806 = arith.select %lt3A_805, %sub3A_804, %select_n3A_795 : vector<96x128xi1>, vector<96x128xf32>
    %jit3A_807 = arith.constant 6.000000e+00 : f32
    %broadcast_in_dim3A_808 = vector.broadcast %jit3A_807 : f32 to vector<96x128xf32>
    %select_n3A_809 = arith.select %lt3A_805, %broadcast_in_dim3A_808, %select_n3A_798 : vector<96x128xi1>, vector<96x128xf32>
    %slice3A_810 = vector.extract_strided_slice %get3A_8 {offsets = [0, 896], sizes = [1, 128], strides = [1, 1]} : vector<1x8192xf32> to vector<1x128xf32>
    %slice3A_811 = vector.extract_strided_slice %dot_general3A_5 {offsets = [96, 896], sizes = [96, 128], strides = [1, 1]} : vector<576x8192xf32> to vector<96x128xf32>
    %add3A_812 = vector.broadcast %slice3A_728 : vector<96x1xf32> to vector<96x128xf32>
    %add3A_813 = vector.broadcast %slice3A_810 : vector<1x128xf32> to vector<96x128xf32>
    %add3A_814 = arith.addf %add3A_812, %add3A_813 : vector<96x128xf32>
    %sub3A_815 = arith.subf %add3A_814, %slice3A_811 : vector<96x128xf32>
    %lt3A_816 = arith.cmpf olt, %sub3A_815, %select_n3A_806 : vector<96x128xf32>
    %select_n3A_817 = arith.select %lt3A_816, %sub3A_815, %select_n3A_806 : vector<96x128xi1>, vector<96x128xf32>
    %jit3A_818 = arith.constant 7.000000e+00 : f32
    %broadcast_in_dim3A_819 = vector.broadcast %jit3A_818 : f32 to vector<96x128xf32>
    %select_n3A_820 = arith.select %lt3A_816, %broadcast_in_dim3A_819, %select_n3A_809 : vector<96x128xi1>, vector<96x128xf32>
    %slice3A_821 = vector.extract_strided_slice %get3A_8 {offsets = [0, 1024], sizes = [1, 128], strides = [1, 1]} : vector<1x8192xf32> to vector<1x128xf32>
    %slice3A_822 = vector.extract_strided_slice %dot_general3A_5 {offsets = [96, 1024], sizes = [96, 128], strides = [1, 1]} : vector<576x8192xf32> to vector<96x128xf32>
    %add3A_823 = vector.broadcast %slice3A_728 : vector<96x1xf32> to vector<96x128xf32>
    %add3A_824 = vector.broadcast %slice3A_821 : vector<1x128xf32> to vector<96x128xf32>
    %add3A_825 = arith.addf %add3A_823, %add3A_824 : vector<96x128xf32>
    %sub3A_826 = arith.subf %add3A_825, %slice3A_822 : vector<96x128xf32>
    %lt3A_827 = arith.cmpf olt, %sub3A_826, %select_n3A_817 : vector<96x128xf32>
    %select_n3A_828 = arith.select %lt3A_827, %sub3A_826, %select_n3A_817 : vector<96x128xi1>, vector<96x128xf32>
    %jit3A_829 = arith.constant 8.000000e+00 : f32
    %broadcast_in_dim3A_830 = vector.broadcast %jit3A_829 : f32 to vector<96x128xf32>
    %select_n3A_831 = arith.select %lt3A_827, %broadcast_in_dim3A_830, %select_n3A_820 : vector<96x128xi1>, vector<96x128xf32>
    %slice3A_832 = vector.extract_strided_slice %get3A_8 {offsets = [0, 1152], sizes = [1, 128], strides = [1, 1]} : vector<1x8192xf32> to vector<1x128xf32>
    %slice3A_833 = vector.extract_strided_slice %dot_general3A_5 {offsets = [96, 1152], sizes = [96, 128], strides = [1, 1]} : vector<576x8192xf32> to vector<96x128xf32>
    %add3A_834 = vector.broadcast %slice3A_728 : vector<96x1xf32> to vector<96x128xf32>
    %add3A_835 = vector.broadcast %slice3A_832 : vector<1x128xf32> to vector<96x128xf32>
    %add3A_836 = arith.addf %add3A_834, %add3A_835 : vector<96x128xf32>
    %sub3A_837 = arith.subf %add3A_836, %slice3A_833 : vector<96x128xf32>
    %lt3A_838 = arith.cmpf olt, %sub3A_837, %select_n3A_828 : vector<96x128xf32>
    %select_n3A_839 = arith.select %lt3A_838, %sub3A_837, %select_n3A_828 : vector<96x128xi1>, vector<96x128xf32>
    %jit3A_840 = arith.constant 9.000000e+00 : f32
    %broadcast_in_dim3A_841 = vector.broadcast %jit3A_840 : f32 to vector<96x128xf32>
    %select_n3A_842 = arith.select %lt3A_838, %broadcast_in_dim3A_841, %select_n3A_831 : vector<96x128xi1>, vector<96x128xf32>
    %slice3A_843 = vector.extract_strided_slice %get3A_8 {offsets = [0, 1280], sizes = [1, 128], strides = [1, 1]} : vector<1x8192xf32> to vector<1x128xf32>
    %slice3A_844 = vector.extract_strided_slice %dot_general3A_5 {offsets = [96, 1280], sizes = [96, 128], strides = [1, 1]} : vector<576x8192xf32> to vector<96x128xf32>
    %add3A_845 = vector.broadcast %slice3A_728 : vector<96x1xf32> to vector<96x128xf32>
    %add3A_846 = vector.broadcast %slice3A_843 : vector<1x128xf32> to vector<96x128xf32>
    %add3A_847 = arith.addf %add3A_845, %add3A_846 : vector<96x128xf32>
    %sub3A_848 = arith.subf %add3A_847, %slice3A_844 : vector<96x128xf32>
    %lt3A_849 = arith.cmpf olt, %sub3A_848, %select_n3A_839 : vector<96x128xf32>
    %select_n3A_850 = arith.select %lt3A_849, %sub3A_848, %select_n3A_839 : vector<96x128xi1>, vector<96x128xf32>
    %jit3A_851 = arith.constant 1.000000e+01 : f32
    %broadcast_in_dim3A_852 = vector.broadcast %jit3A_851 : f32 to vector<96x128xf32>
    %select_n3A_853 = arith.select %lt3A_849, %broadcast_in_dim3A_852, %select_n3A_842 : vector<96x128xi1>, vector<96x128xf32>
    %slice3A_854 = vector.extract_strided_slice %get3A_8 {offsets = [0, 1408], sizes = [1, 128], strides = [1, 1]} : vector<1x8192xf32> to vector<1x128xf32>
    %slice3A_855 = vector.extract_strided_slice %dot_general3A_5 {offsets = [96, 1408], sizes = [96, 128], strides = [1, 1]} : vector<576x8192xf32> to vector<96x128xf32>
    %add3A_856 = vector.broadcast %slice3A_728 : vector<96x1xf32> to vector<96x128xf32>
    %add3A_857 = vector.broadcast %slice3A_854 : vector<1x128xf32> to vector<96x128xf32>
    %add3A_858 = arith.addf %add3A_856, %add3A_857 : vector<96x128xf32>
    %sub3A_859 = arith.subf %add3A_858, %slice3A_855 : vector<96x128xf32>
    %lt3A_860 = arith.cmpf olt, %sub3A_859, %select_n3A_850 : vector<96x128xf32>
    %select_n3A_861 = arith.select %lt3A_860, %sub3A_859, %select_n3A_850 : vector<96x128xi1>, vector<96x128xf32>
    %jit3A_862 = arith.constant 1.100000e+01 : f32
    %broadcast_in_dim3A_863 = vector.broadcast %jit3A_862 : f32 to vector<96x128xf32>
    %select_n3A_864 = arith.select %lt3A_860, %broadcast_in_dim3A_863, %select_n3A_853 : vector<96x128xi1>, vector<96x128xf32>
    %slice3A_865 = vector.extract_strided_slice %get3A_8 {offsets = [0, 1536], sizes = [1, 128], strides = [1, 1]} : vector<1x8192xf32> to vector<1x128xf32>
    %slice3A_866 = vector.extract_strided_slice %dot_general3A_5 {offsets = [96, 1536], sizes = [96, 128], strides = [1, 1]} : vector<576x8192xf32> to vector<96x128xf32>
    %add3A_867 = vector.broadcast %slice3A_728 : vector<96x1xf32> to vector<96x128xf32>
    %add3A_868 = vector.broadcast %slice3A_865 : vector<1x128xf32> to vector<96x128xf32>
    %add3A_869 = arith.addf %add3A_867, %add3A_868 : vector<96x128xf32>
    %sub3A_870 = arith.subf %add3A_869, %slice3A_866 : vector<96x128xf32>
    %lt3A_871 = arith.cmpf olt, %sub3A_870, %select_n3A_861 : vector<96x128xf32>
    %select_n3A_872 = arith.select %lt3A_871, %sub3A_870, %select_n3A_861 : vector<96x128xi1>, vector<96x128xf32>
    %jit3A_873 = arith.constant 1.200000e+01 : f32
    %broadcast_in_dim3A_874 = vector.broadcast %jit3A_873 : f32 to vector<96x128xf32>
    %select_n3A_875 = arith.select %lt3A_871, %broadcast_in_dim3A_874, %select_n3A_864 : vector<96x128xi1>, vector<96x128xf32>
    %slice3A_876 = vector.extract_strided_slice %get3A_8 {offsets = [0, 1664], sizes = [1, 128], strides = [1, 1]} : vector<1x8192xf32> to vector<1x128xf32>
    %slice3A_877 = vector.extract_strided_slice %dot_general3A_5 {offsets = [96, 1664], sizes = [96, 128], strides = [1, 1]} : vector<576x8192xf32> to vector<96x128xf32>
    %add3A_878 = vector.broadcast %slice3A_728 : vector<96x1xf32> to vector<96x128xf32>
    %add3A_879 = vector.broadcast %slice3A_876 : vector<1x128xf32> to vector<96x128xf32>
    %add3A_880 = arith.addf %add3A_878, %add3A_879 : vector<96x128xf32>
    %sub3A_881 = arith.subf %add3A_880, %slice3A_877 : vector<96x128xf32>
    %lt3A_882 = arith.cmpf olt, %sub3A_881, %select_n3A_872 : vector<96x128xf32>
    %select_n3A_883 = arith.select %lt3A_882, %sub3A_881, %select_n3A_872 : vector<96x128xi1>, vector<96x128xf32>
    %jit3A_884 = arith.constant 1.300000e+01 : f32
    %broadcast_in_dim3A_885 = vector.broadcast %jit3A_884 : f32 to vector<96x128xf32>
    %select_n3A_886 = arith.select %lt3A_882, %broadcast_in_dim3A_885, %select_n3A_875 : vector<96x128xi1>, vector<96x128xf32>
    %slice3A_887 = vector.extract_strided_slice %get3A_8 {offsets = [0, 1792], sizes = [1, 128], strides = [1, 1]} : vector<1x8192xf32> to vector<1x128xf32>
    %slice3A_888 = vector.extract_strided_slice %dot_general3A_5 {offsets = [96, 1792], sizes = [96, 128], strides = [1, 1]} : vector<576x8192xf32> to vector<96x128xf32>
    %add3A_889 = vector.broadcast %slice3A_728 : vector<96x1xf32> to vector<96x128xf32>
    %add3A_890 = vector.broadcast %slice3A_887 : vector<1x128xf32> to vector<96x128xf32>
    %add3A_891 = arith.addf %add3A_889, %add3A_890 : vector<96x128xf32>
    %sub3A_892 = arith.subf %add3A_891, %slice3A_888 : vector<96x128xf32>
    %lt3A_893 = arith.cmpf olt, %sub3A_892, %select_n3A_883 : vector<96x128xf32>
    %select_n3A_894 = arith.select %lt3A_893, %sub3A_892, %select_n3A_883 : vector<96x128xi1>, vector<96x128xf32>
    %jit3A_895 = arith.constant 1.400000e+01 : f32
    %broadcast_in_dim3A_896 = vector.broadcast %jit3A_895 : f32 to vector<96x128xf32>
    %select_n3A_897 = arith.select %lt3A_893, %broadcast_in_dim3A_896, %select_n3A_886 : vector<96x128xi1>, vector<96x128xf32>
    %slice3A_898 = vector.extract_strided_slice %get3A_8 {offsets = [0, 1920], sizes = [1, 128], strides = [1, 1]} : vector<1x8192xf32> to vector<1x128xf32>
    %slice3A_899 = vector.extract_strided_slice %dot_general3A_5 {offsets = [96, 1920], sizes = [96, 128], strides = [1, 1]} : vector<576x8192xf32> to vector<96x128xf32>
    %add3A_900 = vector.broadcast %slice3A_728 : vector<96x1xf32> to vector<96x128xf32>
    %add3A_901 = vector.broadcast %slice3A_898 : vector<1x128xf32> to vector<96x128xf32>
    %add3A_902 = arith.addf %add3A_900, %add3A_901 : vector<96x128xf32>
    %sub3A_903 = arith.subf %add3A_902, %slice3A_899 : vector<96x128xf32>
    %lt3A_904 = arith.cmpf olt, %sub3A_903, %select_n3A_894 : vector<96x128xf32>
    %select_n3A_905 = arith.select %lt3A_904, %sub3A_903, %select_n3A_894 : vector<96x128xi1>, vector<96x128xf32>
    %jit3A_906 = arith.constant 1.500000e+01 : f32
    %broadcast_in_dim3A_907 = vector.broadcast %jit3A_906 : f32 to vector<96x128xf32>
    %select_n3A_908 = arith.select %lt3A_904, %broadcast_in_dim3A_907, %select_n3A_897 : vector<96x128xi1>, vector<96x128xf32>
    %slice3A_909 = vector.extract_strided_slice %get3A_8 {offsets = [0, 2048], sizes = [1, 128], strides = [1, 1]} : vector<1x8192xf32> to vector<1x128xf32>
    %slice3A_910 = vector.extract_strided_slice %dot_general3A_5 {offsets = [96, 2048], sizes = [96, 128], strides = [1, 1]} : vector<576x8192xf32> to vector<96x128xf32>
    %add3A_911 = vector.broadcast %slice3A_728 : vector<96x1xf32> to vector<96x128xf32>
    %add3A_912 = vector.broadcast %slice3A_909 : vector<1x128xf32> to vector<96x128xf32>
    %add3A_913 = arith.addf %add3A_911, %add3A_912 : vector<96x128xf32>
    %sub3A_914 = arith.subf %add3A_913, %slice3A_910 : vector<96x128xf32>
    %lt3A_915 = arith.cmpf olt, %sub3A_914, %select_n3A_905 : vector<96x128xf32>
    %select_n3A_916 = arith.select %lt3A_915, %sub3A_914, %select_n3A_905 : vector<96x128xi1>, vector<96x128xf32>
    %jit3A_917 = arith.constant 1.600000e+01 : f32
    %broadcast_in_dim3A_918 = vector.broadcast %jit3A_917 : f32 to vector<96x128xf32>
    %select_n3A_919 = arith.select %lt3A_915, %broadcast_in_dim3A_918, %select_n3A_908 : vector<96x128xi1>, vector<96x128xf32>
    %slice3A_920 = vector.extract_strided_slice %get3A_8 {offsets = [0, 2176], sizes = [1, 128], strides = [1, 1]} : vector<1x8192xf32> to vector<1x128xf32>
    %slice3A_921 = vector.extract_strided_slice %dot_general3A_5 {offsets = [96, 2176], sizes = [96, 128], strides = [1, 1]} : vector<576x8192xf32> to vector<96x128xf32>
    %add3A_922 = vector.broadcast %slice3A_728 : vector<96x1xf32> to vector<96x128xf32>
    %add3A_923 = vector.broadcast %slice3A_920 : vector<1x128xf32> to vector<96x128xf32>
    %add3A_924 = arith.addf %add3A_922, %add3A_923 : vector<96x128xf32>
    %sub3A_925 = arith.subf %add3A_924, %slice3A_921 : vector<96x128xf32>
    %lt3A_926 = arith.cmpf olt, %sub3A_925, %select_n3A_916 : vector<96x128xf32>
    %select_n3A_927 = arith.select %lt3A_926, %sub3A_925, %select_n3A_916 : vector<96x128xi1>, vector<96x128xf32>
    %jit3A_928 = arith.constant 1.700000e+01 : f32
    %broadcast_in_dim3A_929 = vector.broadcast %jit3A_928 : f32 to vector<96x128xf32>
    %select_n3A_930 = arith.select %lt3A_926, %broadcast_in_dim3A_929, %select_n3A_919 : vector<96x128xi1>, vector<96x128xf32>
    %slice3A_931 = vector.extract_strided_slice %get3A_8 {offsets = [0, 2304], sizes = [1, 128], strides = [1, 1]} : vector<1x8192xf32> to vector<1x128xf32>
    %slice3A_932 = vector.extract_strided_slice %dot_general3A_5 {offsets = [96, 2304], sizes = [96, 128], strides = [1, 1]} : vector<576x8192xf32> to vector<96x128xf32>
    %add3A_933 = vector.broadcast %slice3A_728 : vector<96x1xf32> to vector<96x128xf32>
    %add3A_934 = vector.broadcast %slice3A_931 : vector<1x128xf32> to vector<96x128xf32>
    %add3A_935 = arith.addf %add3A_933, %add3A_934 : vector<96x128xf32>
    %sub3A_936 = arith.subf %add3A_935, %slice3A_932 : vector<96x128xf32>
    %lt3A_937 = arith.cmpf olt, %sub3A_936, %select_n3A_927 : vector<96x128xf32>
    %select_n3A_938 = arith.select %lt3A_937, %sub3A_936, %select_n3A_927 : vector<96x128xi1>, vector<96x128xf32>
    %jit3A_939 = arith.constant 1.800000e+01 : f32
    %broadcast_in_dim3A_940 = vector.broadcast %jit3A_939 : f32 to vector<96x128xf32>
    %select_n3A_941 = arith.select %lt3A_937, %broadcast_in_dim3A_940, %select_n3A_930 : vector<96x128xi1>, vector<96x128xf32>
    %slice3A_942 = vector.extract_strided_slice %get3A_8 {offsets = [0, 2432], sizes = [1, 128], strides = [1, 1]} : vector<1x8192xf32> to vector<1x128xf32>
    %slice3A_943 = vector.extract_strided_slice %dot_general3A_5 {offsets = [96, 2432], sizes = [96, 128], strides = [1, 1]} : vector<576x8192xf32> to vector<96x128xf32>
    %add3A_944 = vector.broadcast %slice3A_728 : vector<96x1xf32> to vector<96x128xf32>
    %add3A_945 = vector.broadcast %slice3A_942 : vector<1x128xf32> to vector<96x128xf32>
    %add3A_946 = arith.addf %add3A_944, %add3A_945 : vector<96x128xf32>
    %sub3A_947 = arith.subf %add3A_946, %slice3A_943 : vector<96x128xf32>
    %lt3A_948 = arith.cmpf olt, %sub3A_947, %select_n3A_938 : vector<96x128xf32>
    %select_n3A_949 = arith.select %lt3A_948, %sub3A_947, %select_n3A_938 : vector<96x128xi1>, vector<96x128xf32>
    %jit3A_950 = arith.constant 1.900000e+01 : f32
    %broadcast_in_dim3A_951 = vector.broadcast %jit3A_950 : f32 to vector<96x128xf32>
    %select_n3A_952 = arith.select %lt3A_948, %broadcast_in_dim3A_951, %select_n3A_941 : vector<96x128xi1>, vector<96x128xf32>
    %slice3A_953 = vector.extract_strided_slice %get3A_8 {offsets = [0, 2560], sizes = [1, 128], strides = [1, 1]} : vector<1x8192xf32> to vector<1x128xf32>
    %slice3A_954 = vector.extract_strided_slice %dot_general3A_5 {offsets = [96, 2560], sizes = [96, 128], strides = [1, 1]} : vector<576x8192xf32> to vector<96x128xf32>
    %add3A_955 = vector.broadcast %slice3A_728 : vector<96x1xf32> to vector<96x128xf32>
    %add3A_956 = vector.broadcast %slice3A_953 : vector<1x128xf32> to vector<96x128xf32>
    %add3A_957 = arith.addf %add3A_955, %add3A_956 : vector<96x128xf32>
    %sub3A_958 = arith.subf %add3A_957, %slice3A_954 : vector<96x128xf32>
    %lt3A_959 = arith.cmpf olt, %sub3A_958, %select_n3A_949 : vector<96x128xf32>
    %select_n3A_960 = arith.select %lt3A_959, %sub3A_958, %select_n3A_949 : vector<96x128xi1>, vector<96x128xf32>
    %jit3A_961 = arith.constant 2.000000e+01 : f32
    %broadcast_in_dim3A_962 = vector.broadcast %jit3A_961 : f32 to vector<96x128xf32>
    %select_n3A_963 = arith.select %lt3A_959, %broadcast_in_dim3A_962, %select_n3A_952 : vector<96x128xi1>, vector<96x128xf32>
    %slice3A_964 = vector.extract_strided_slice %get3A_8 {offsets = [0, 2688], sizes = [1, 128], strides = [1, 1]} : vector<1x8192xf32> to vector<1x128xf32>
    %slice3A_965 = vector.extract_strided_slice %dot_general3A_5 {offsets = [96, 2688], sizes = [96, 128], strides = [1, 1]} : vector<576x8192xf32> to vector<96x128xf32>
    %add3A_966 = vector.broadcast %slice3A_728 : vector<96x1xf32> to vector<96x128xf32>
    %add3A_967 = vector.broadcast %slice3A_964 : vector<1x128xf32> to vector<96x128xf32>
    %add3A_968 = arith.addf %add3A_966, %add3A_967 : vector<96x128xf32>
    %sub3A_969 = arith.subf %add3A_968, %slice3A_965 : vector<96x128xf32>
    %lt3A_970 = arith.cmpf olt, %sub3A_969, %select_n3A_960 : vector<96x128xf32>
    %select_n3A_971 = arith.select %lt3A_970, %sub3A_969, %select_n3A_960 : vector<96x128xi1>, vector<96x128xf32>
    %jit3A_972 = arith.constant 2.100000e+01 : f32
    %broadcast_in_dim3A_973 = vector.broadcast %jit3A_972 : f32 to vector<96x128xf32>
    %select_n3A_974 = arith.select %lt3A_970, %broadcast_in_dim3A_973, %select_n3A_963 : vector<96x128xi1>, vector<96x128xf32>
    %slice3A_975 = vector.extract_strided_slice %get3A_8 {offsets = [0, 2816], sizes = [1, 128], strides = [1, 1]} : vector<1x8192xf32> to vector<1x128xf32>
    %slice3A_976 = vector.extract_strided_slice %dot_general3A_5 {offsets = [96, 2816], sizes = [96, 128], strides = [1, 1]} : vector<576x8192xf32> to vector<96x128xf32>
    %add3A_977 = vector.broadcast %slice3A_728 : vector<96x1xf32> to vector<96x128xf32>
    %add3A_978 = vector.broadcast %slice3A_975 : vector<1x128xf32> to vector<96x128xf32>
    %add3A_979 = arith.addf %add3A_977, %add3A_978 : vector<96x128xf32>
    %sub3A_980 = arith.subf %add3A_979, %slice3A_976 : vector<96x128xf32>
    %lt3A_981 = arith.cmpf olt, %sub3A_980, %select_n3A_971 : vector<96x128xf32>
    %select_n3A_982 = arith.select %lt3A_981, %sub3A_980, %select_n3A_971 : vector<96x128xi1>, vector<96x128xf32>
    %jit3A_983 = arith.constant 2.200000e+01 : f32
    %broadcast_in_dim3A_984 = vector.broadcast %jit3A_983 : f32 to vector<96x128xf32>
    %select_n3A_985 = arith.select %lt3A_981, %broadcast_in_dim3A_984, %select_n3A_974 : vector<96x128xi1>, vector<96x128xf32>
    %slice3A_986 = vector.extract_strided_slice %get3A_8 {offsets = [0, 2944], sizes = [1, 128], strides = [1, 1]} : vector<1x8192xf32> to vector<1x128xf32>
    %slice3A_987 = vector.extract_strided_slice %dot_general3A_5 {offsets = [96, 2944], sizes = [96, 128], strides = [1, 1]} : vector<576x8192xf32> to vector<96x128xf32>
    %add3A_988 = vector.broadcast %slice3A_728 : vector<96x1xf32> to vector<96x128xf32>
    %add3A_989 = vector.broadcast %slice3A_986 : vector<1x128xf32> to vector<96x128xf32>
    %add3A_990 = arith.addf %add3A_988, %add3A_989 : vector<96x128xf32>
    %sub3A_991 = arith.subf %add3A_990, %slice3A_987 : vector<96x128xf32>
    %lt3A_992 = arith.cmpf olt, %sub3A_991, %select_n3A_982 : vector<96x128xf32>
    %select_n3A_993 = arith.select %lt3A_992, %sub3A_991, %select_n3A_982 : vector<96x128xi1>, vector<96x128xf32>
    %jit3A_994 = arith.constant 2.300000e+01 : f32
    %broadcast_in_dim3A_995 = vector.broadcast %jit3A_994 : f32 to vector<96x128xf32>
    %select_n3A_996 = arith.select %lt3A_992, %broadcast_in_dim3A_995, %select_n3A_985 : vector<96x128xi1>, vector<96x128xf32>
    %slice3A_997 = vector.extract_strided_slice %get3A_8 {offsets = [0, 3072], sizes = [1, 128], strides = [1, 1]} : vector<1x8192xf32> to vector<1x128xf32>
    %slice3A_998 = vector.extract_strided_slice %dot_general3A_5 {offsets = [96, 3072], sizes = [96, 128], strides = [1, 1]} : vector<576x8192xf32> to vector<96x128xf32>
    %add3A_999 = vector.broadcast %slice3A_728 : vector<96x1xf32> to vector<96x128xf32>
    %add3A_1000 = vector.broadcast %slice3A_997 : vector<1x128xf32> to vector<96x128xf32>
    %add3A_1001 = arith.addf %add3A_999, %add3A_1000 : vector<96x128xf32>
    %sub3A_1002 = arith.subf %add3A_1001, %slice3A_998 : vector<96x128xf32>
    %lt3A_1003 = arith.cmpf olt, %sub3A_1002, %select_n3A_993 : vector<96x128xf32>
    %select_n3A_1004 = arith.select %lt3A_1003, %sub3A_1002, %select_n3A_993 : vector<96x128xi1>, vector<96x128xf32>
    %jit3A_1005 = arith.constant 2.400000e+01 : f32
    %broadcast_in_dim3A_1006 = vector.broadcast %jit3A_1005 : f32 to vector<96x128xf32>
    %select_n3A_1007 = arith.select %lt3A_1003, %broadcast_in_dim3A_1006, %select_n3A_996 : vector<96x128xi1>, vector<96x128xf32>
    %slice3A_1008 = vector.extract_strided_slice %get3A_8 {offsets = [0, 3200], sizes = [1, 128], strides = [1, 1]} : vector<1x8192xf32> to vector<1x128xf32>
    %slice3A_1009 = vector.extract_strided_slice %dot_general3A_5 {offsets = [96, 3200], sizes = [96, 128], strides = [1, 1]} : vector<576x8192xf32> to vector<96x128xf32>
    %add3A_1010 = vector.broadcast %slice3A_728 : vector<96x1xf32> to vector<96x128xf32>
    %add3A_1011 = vector.broadcast %slice3A_1008 : vector<1x128xf32> to vector<96x128xf32>
    %add3A_1012 = arith.addf %add3A_1010, %add3A_1011 : vector<96x128xf32>
    %sub3A_1013 = arith.subf %add3A_1012, %slice3A_1009 : vector<96x128xf32>
    %lt3A_1014 = arith.cmpf olt, %sub3A_1013, %select_n3A_1004 : vector<96x128xf32>
    %select_n3A_1015 = arith.select %lt3A_1014, %sub3A_1013, %select_n3A_1004 : vector<96x128xi1>, vector<96x128xf32>
    %jit3A_1016 = arith.constant 2.500000e+01 : f32
    %broadcast_in_dim3A_1017 = vector.broadcast %jit3A_1016 : f32 to vector<96x128xf32>
    %select_n3A_1018 = arith.select %lt3A_1014, %broadcast_in_dim3A_1017, %select_n3A_1007 : vector<96x128xi1>, vector<96x128xf32>
    %slice3A_1019 = vector.extract_strided_slice %get3A_8 {offsets = [0, 3328], sizes = [1, 128], strides = [1, 1]} : vector<1x8192xf32> to vector<1x128xf32>
    %slice3A_1020 = vector.extract_strided_slice %dot_general3A_5 {offsets = [96, 3328], sizes = [96, 128], strides = [1, 1]} : vector<576x8192xf32> to vector<96x128xf32>
    %add3A_1021 = vector.broadcast %slice3A_728 : vector<96x1xf32> to vector<96x128xf32>
    %add3A_1022 = vector.broadcast %slice3A_1019 : vector<1x128xf32> to vector<96x128xf32>
    %add3A_1023 = arith.addf %add3A_1021, %add3A_1022 : vector<96x128xf32>
    %sub3A_1024 = arith.subf %add3A_1023, %slice3A_1020 : vector<96x128xf32>
    %lt3A_1025 = arith.cmpf olt, %sub3A_1024, %select_n3A_1015 : vector<96x128xf32>
    %select_n3A_1026 = arith.select %lt3A_1025, %sub3A_1024, %select_n3A_1015 : vector<96x128xi1>, vector<96x128xf32>
    %jit3A_1027 = arith.constant 2.600000e+01 : f32
    %broadcast_in_dim3A_1028 = vector.broadcast %jit3A_1027 : f32 to vector<96x128xf32>
    %select_n3A_1029 = arith.select %lt3A_1025, %broadcast_in_dim3A_1028, %select_n3A_1018 : vector<96x128xi1>, vector<96x128xf32>
    %slice3A_1030 = vector.extract_strided_slice %get3A_8 {offsets = [0, 3456], sizes = [1, 128], strides = [1, 1]} : vector<1x8192xf32> to vector<1x128xf32>
    %slice3A_1031 = vector.extract_strided_slice %dot_general3A_5 {offsets = [96, 3456], sizes = [96, 128], strides = [1, 1]} : vector<576x8192xf32> to vector<96x128xf32>
    %add3A_1032 = vector.broadcast %slice3A_728 : vector<96x1xf32> to vector<96x128xf32>
    %add3A_1033 = vector.broadcast %slice3A_1030 : vector<1x128xf32> to vector<96x128xf32>
    %add3A_1034 = arith.addf %add3A_1032, %add3A_1033 : vector<96x128xf32>
    %sub3A_1035 = arith.subf %add3A_1034, %slice3A_1031 : vector<96x128xf32>
    %lt3A_1036 = arith.cmpf olt, %sub3A_1035, %select_n3A_1026 : vector<96x128xf32>
    %select_n3A_1037 = arith.select %lt3A_1036, %sub3A_1035, %select_n3A_1026 : vector<96x128xi1>, vector<96x128xf32>
    %jit3A_1038 = arith.constant 2.700000e+01 : f32
    %broadcast_in_dim3A_1039 = vector.broadcast %jit3A_1038 : f32 to vector<96x128xf32>
    %select_n3A_1040 = arith.select %lt3A_1036, %broadcast_in_dim3A_1039, %select_n3A_1029 : vector<96x128xi1>, vector<96x128xf32>
    %slice3A_1041 = vector.extract_strided_slice %get3A_8 {offsets = [0, 3584], sizes = [1, 128], strides = [1, 1]} : vector<1x8192xf32> to vector<1x128xf32>
    %slice3A_1042 = vector.extract_strided_slice %dot_general3A_5 {offsets = [96, 3584], sizes = [96, 128], strides = [1, 1]} : vector<576x8192xf32> to vector<96x128xf32>
    %add3A_1043 = vector.broadcast %slice3A_728 : vector<96x1xf32> to vector<96x128xf32>
    %add3A_1044 = vector.broadcast %slice3A_1041 : vector<1x128xf32> to vector<96x128xf32>
    %add3A_1045 = arith.addf %add3A_1043, %add3A_1044 : vector<96x128xf32>
    %sub3A_1046 = arith.subf %add3A_1045, %slice3A_1042 : vector<96x128xf32>
    %lt3A_1047 = arith.cmpf olt, %sub3A_1046, %select_n3A_1037 : vector<96x128xf32>
    %select_n3A_1048 = arith.select %lt3A_1047, %sub3A_1046, %select_n3A_1037 : vector<96x128xi1>, vector<96x128xf32>
    %jit3A_1049 = arith.constant 2.800000e+01 : f32
    %broadcast_in_dim3A_1050 = vector.broadcast %jit3A_1049 : f32 to vector<96x128xf32>
    %select_n3A_1051 = arith.select %lt3A_1047, %broadcast_in_dim3A_1050, %select_n3A_1040 : vector<96x128xi1>, vector<96x128xf32>
    %slice3A_1052 = vector.extract_strided_slice %get3A_8 {offsets = [0, 3712], sizes = [1, 128], strides = [1, 1]} : vector<1x8192xf32> to vector<1x128xf32>
    %slice3A_1053 = vector.extract_strided_slice %dot_general3A_5 {offsets = [96, 3712], sizes = [96, 128], strides = [1, 1]} : vector<576x8192xf32> to vector<96x128xf32>
    %add3A_1054 = vector.broadcast %slice3A_728 : vector<96x1xf32> to vector<96x128xf32>
    %add3A_1055 = vector.broadcast %slice3A_1052 : vector<1x128xf32> to vector<96x128xf32>
    %add3A_1056 = arith.addf %add3A_1054, %add3A_1055 : vector<96x128xf32>
    %sub3A_1057 = arith.subf %add3A_1056, %slice3A_1053 : vector<96x128xf32>
    %lt3A_1058 = arith.cmpf olt, %sub3A_1057, %select_n3A_1048 : vector<96x128xf32>
    %select_n3A_1059 = arith.select %lt3A_1058, %sub3A_1057, %select_n3A_1048 : vector<96x128xi1>, vector<96x128xf32>
    %jit3A_1060 = arith.constant 2.900000e+01 : f32
    %broadcast_in_dim3A_1061 = vector.broadcast %jit3A_1060 : f32 to vector<96x128xf32>
    %select_n3A_1062 = arith.select %lt3A_1058, %broadcast_in_dim3A_1061, %select_n3A_1051 : vector<96x128xi1>, vector<96x128xf32>
    %slice3A_1063 = vector.extract_strided_slice %get3A_8 {offsets = [0, 3840], sizes = [1, 128], strides = [1, 1]} : vector<1x8192xf32> to vector<1x128xf32>
    %slice3A_1064 = vector.extract_strided_slice %dot_general3A_5 {offsets = [96, 3840], sizes = [96, 128], strides = [1, 1]} : vector<576x8192xf32> to vector<96x128xf32>
    %add3A_1065 = vector.broadcast %slice3A_728 : vector<96x1xf32> to vector<96x128xf32>
    %add3A_1066 = vector.broadcast %slice3A_1063 : vector<1x128xf32> to vector<96x128xf32>
    %add3A_1067 = arith.addf %add3A_1065, %add3A_1066 : vector<96x128xf32>
    %sub3A_1068 = arith.subf %add3A_1067, %slice3A_1064 : vector<96x128xf32>
    %lt3A_1069 = arith.cmpf olt, %sub3A_1068, %select_n3A_1059 : vector<96x128xf32>
    %select_n3A_1070 = arith.select %lt3A_1069, %sub3A_1068, %select_n3A_1059 : vector<96x128xi1>, vector<96x128xf32>
    %jit3A_1071 = arith.constant 3.000000e+01 : f32
    %broadcast_in_dim3A_1072 = vector.broadcast %jit3A_1071 : f32 to vector<96x128xf32>
    %select_n3A_1073 = arith.select %lt3A_1069, %broadcast_in_dim3A_1072, %select_n3A_1062 : vector<96x128xi1>, vector<96x128xf32>
    %slice3A_1074 = vector.extract_strided_slice %get3A_8 {offsets = [0, 3968], sizes = [1, 128], strides = [1, 1]} : vector<1x8192xf32> to vector<1x128xf32>
    %slice3A_1075 = vector.extract_strided_slice %dot_general3A_5 {offsets = [96, 3968], sizes = [96, 128], strides = [1, 1]} : vector<576x8192xf32> to vector<96x128xf32>
    %add3A_1076 = vector.broadcast %slice3A_728 : vector<96x1xf32> to vector<96x128xf32>
    %add3A_1077 = vector.broadcast %slice3A_1074 : vector<1x128xf32> to vector<96x128xf32>
    %add3A_1078 = arith.addf %add3A_1076, %add3A_1077 : vector<96x128xf32>
    %sub3A_1079 = arith.subf %add3A_1078, %slice3A_1075 : vector<96x128xf32>
    %lt3A_1080 = arith.cmpf olt, %sub3A_1079, %select_n3A_1070 : vector<96x128xf32>
    %select_n3A_1081 = arith.select %lt3A_1080, %sub3A_1079, %select_n3A_1070 : vector<96x128xi1>, vector<96x128xf32>
    %jit3A_1082 = arith.constant 3.100000e+01 : f32
    %broadcast_in_dim3A_1083 = vector.broadcast %jit3A_1082 : f32 to vector<96x128xf32>
    %select_n3A_1084 = arith.select %lt3A_1080, %broadcast_in_dim3A_1083, %select_n3A_1073 : vector<96x128xi1>, vector<96x128xf32>
    %slice3A_1085 = vector.extract_strided_slice %get3A_8 {offsets = [0, 4096], sizes = [1, 128], strides = [1, 1]} : vector<1x8192xf32> to vector<1x128xf32>
    %slice3A_1086 = vector.extract_strided_slice %dot_general3A_5 {offsets = [96, 4096], sizes = [96, 128], strides = [1, 1]} : vector<576x8192xf32> to vector<96x128xf32>
    %add3A_1087 = vector.broadcast %slice3A_728 : vector<96x1xf32> to vector<96x128xf32>
    %add3A_1088 = vector.broadcast %slice3A_1085 : vector<1x128xf32> to vector<96x128xf32>
    %add3A_1089 = arith.addf %add3A_1087, %add3A_1088 : vector<96x128xf32>
    %sub3A_1090 = arith.subf %add3A_1089, %slice3A_1086 : vector<96x128xf32>
    %lt3A_1091 = arith.cmpf olt, %sub3A_1090, %select_n3A_1081 : vector<96x128xf32>
    %select_n3A_1092 = arith.select %lt3A_1091, %sub3A_1090, %select_n3A_1081 : vector<96x128xi1>, vector<96x128xf32>
    %jit3A_1093 = arith.constant 3.200000e+01 : f32
    %broadcast_in_dim3A_1094 = vector.broadcast %jit3A_1093 : f32 to vector<96x128xf32>
    %select_n3A_1095 = arith.select %lt3A_1091, %broadcast_in_dim3A_1094, %select_n3A_1084 : vector<96x128xi1>, vector<96x128xf32>
    %slice3A_1096 = vector.extract_strided_slice %get3A_8 {offsets = [0, 4224], sizes = [1, 128], strides = [1, 1]} : vector<1x8192xf32> to vector<1x128xf32>
    %slice3A_1097 = vector.extract_strided_slice %dot_general3A_5 {offsets = [96, 4224], sizes = [96, 128], strides = [1, 1]} : vector<576x8192xf32> to vector<96x128xf32>
    %add3A_1098 = vector.broadcast %slice3A_728 : vector<96x1xf32> to vector<96x128xf32>
    %add3A_1099 = vector.broadcast %slice3A_1096 : vector<1x128xf32> to vector<96x128xf32>
    %add3A_1100 = arith.addf %add3A_1098, %add3A_1099 : vector<96x128xf32>
    %sub3A_1101 = arith.subf %add3A_1100, %slice3A_1097 : vector<96x128xf32>
    %lt3A_1102 = arith.cmpf olt, %sub3A_1101, %select_n3A_1092 : vector<96x128xf32>
    %select_n3A_1103 = arith.select %lt3A_1102, %sub3A_1101, %select_n3A_1092 : vector<96x128xi1>, vector<96x128xf32>
    %jit3A_1104 = arith.constant 3.300000e+01 : f32
    %broadcast_in_dim3A_1105 = vector.broadcast %jit3A_1104 : f32 to vector<96x128xf32>
    %select_n3A_1106 = arith.select %lt3A_1102, %broadcast_in_dim3A_1105, %select_n3A_1095 : vector<96x128xi1>, vector<96x128xf32>
    %slice3A_1107 = vector.extract_strided_slice %get3A_8 {offsets = [0, 4352], sizes = [1, 128], strides = [1, 1]} : vector<1x8192xf32> to vector<1x128xf32>
    %slice3A_1108 = vector.extract_strided_slice %dot_general3A_5 {offsets = [96, 4352], sizes = [96, 128], strides = [1, 1]} : vector<576x8192xf32> to vector<96x128xf32>
    %add3A_1109 = vector.broadcast %slice3A_728 : vector<96x1xf32> to vector<96x128xf32>
    %add3A_1110 = vector.broadcast %slice3A_1107 : vector<1x128xf32> to vector<96x128xf32>
    %add3A_1111 = arith.addf %add3A_1109, %add3A_1110 : vector<96x128xf32>
    %sub3A_1112 = arith.subf %add3A_1111, %slice3A_1108 : vector<96x128xf32>
    %lt3A_1113 = arith.cmpf olt, %sub3A_1112, %select_n3A_1103 : vector<96x128xf32>
    %select_n3A_1114 = arith.select %lt3A_1113, %sub3A_1112, %select_n3A_1103 : vector<96x128xi1>, vector<96x128xf32>
    %jit3A_1115 = arith.constant 3.400000e+01 : f32
    %broadcast_in_dim3A_1116 = vector.broadcast %jit3A_1115 : f32 to vector<96x128xf32>
    %select_n3A_1117 = arith.select %lt3A_1113, %broadcast_in_dim3A_1116, %select_n3A_1106 : vector<96x128xi1>, vector<96x128xf32>
    %slice3A_1118 = vector.extract_strided_slice %get3A_8 {offsets = [0, 4480], sizes = [1, 128], strides = [1, 1]} : vector<1x8192xf32> to vector<1x128xf32>
    %slice3A_1119 = vector.extract_strided_slice %dot_general3A_5 {offsets = [96, 4480], sizes = [96, 128], strides = [1, 1]} : vector<576x8192xf32> to vector<96x128xf32>
    %add3A_1120 = vector.broadcast %slice3A_728 : vector<96x1xf32> to vector<96x128xf32>
    %add3A_1121 = vector.broadcast %slice3A_1118 : vector<1x128xf32> to vector<96x128xf32>
    %add3A_1122 = arith.addf %add3A_1120, %add3A_1121 : vector<96x128xf32>
    %sub3A_1123 = arith.subf %add3A_1122, %slice3A_1119 : vector<96x128xf32>
    %lt3A_1124 = arith.cmpf olt, %sub3A_1123, %select_n3A_1114 : vector<96x128xf32>
    %select_n3A_1125 = arith.select %lt3A_1124, %sub3A_1123, %select_n3A_1114 : vector<96x128xi1>, vector<96x128xf32>
    %jit3A_1126 = arith.constant 3.500000e+01 : f32
    %broadcast_in_dim3A_1127 = vector.broadcast %jit3A_1126 : f32 to vector<96x128xf32>
    %select_n3A_1128 = arith.select %lt3A_1124, %broadcast_in_dim3A_1127, %select_n3A_1117 : vector<96x128xi1>, vector<96x128xf32>
    %slice3A_1129 = vector.extract_strided_slice %get3A_8 {offsets = [0, 4608], sizes = [1, 128], strides = [1, 1]} : vector<1x8192xf32> to vector<1x128xf32>
    %slice3A_1130 = vector.extract_strided_slice %dot_general3A_5 {offsets = [96, 4608], sizes = [96, 128], strides = [1, 1]} : vector<576x8192xf32> to vector<96x128xf32>
    %add3A_1131 = vector.broadcast %slice3A_728 : vector<96x1xf32> to vector<96x128xf32>
    %add3A_1132 = vector.broadcast %slice3A_1129 : vector<1x128xf32> to vector<96x128xf32>
    %add3A_1133 = arith.addf %add3A_1131, %add3A_1132 : vector<96x128xf32>
    %sub3A_1134 = arith.subf %add3A_1133, %slice3A_1130 : vector<96x128xf32>
    %lt3A_1135 = arith.cmpf olt, %sub3A_1134, %select_n3A_1125 : vector<96x128xf32>
    %select_n3A_1136 = arith.select %lt3A_1135, %sub3A_1134, %select_n3A_1125 : vector<96x128xi1>, vector<96x128xf32>
    %jit3A_1137 = arith.constant 3.600000e+01 : f32
    %broadcast_in_dim3A_1138 = vector.broadcast %jit3A_1137 : f32 to vector<96x128xf32>
    %select_n3A_1139 = arith.select %lt3A_1135, %broadcast_in_dim3A_1138, %select_n3A_1128 : vector<96x128xi1>, vector<96x128xf32>
    %slice3A_1140 = vector.extract_strided_slice %get3A_8 {offsets = [0, 4736], sizes = [1, 128], strides = [1, 1]} : vector<1x8192xf32> to vector<1x128xf32>
    %slice3A_1141 = vector.extract_strided_slice %dot_general3A_5 {offsets = [96, 4736], sizes = [96, 128], strides = [1, 1]} : vector<576x8192xf32> to vector<96x128xf32>
    %add3A_1142 = vector.broadcast %slice3A_728 : vector<96x1xf32> to vector<96x128xf32>
    %add3A_1143 = vector.broadcast %slice3A_1140 : vector<1x128xf32> to vector<96x128xf32>
    %add3A_1144 = arith.addf %add3A_1142, %add3A_1143 : vector<96x128xf32>
    %sub3A_1145 = arith.subf %add3A_1144, %slice3A_1141 : vector<96x128xf32>
    %lt3A_1146 = arith.cmpf olt, %sub3A_1145, %select_n3A_1136 : vector<96x128xf32>
    %select_n3A_1147 = arith.select %lt3A_1146, %sub3A_1145, %select_n3A_1136 : vector<96x128xi1>, vector<96x128xf32>
    %jit3A_1148 = arith.constant 3.700000e+01 : f32
    %broadcast_in_dim3A_1149 = vector.broadcast %jit3A_1148 : f32 to vector<96x128xf32>
    %select_n3A_1150 = arith.select %lt3A_1146, %broadcast_in_dim3A_1149, %select_n3A_1139 : vector<96x128xi1>, vector<96x128xf32>
    %slice3A_1151 = vector.extract_strided_slice %get3A_8 {offsets = [0, 4864], sizes = [1, 128], strides = [1, 1]} : vector<1x8192xf32> to vector<1x128xf32>
    %slice3A_1152 = vector.extract_strided_slice %dot_general3A_5 {offsets = [96, 4864], sizes = [96, 128], strides = [1, 1]} : vector<576x8192xf32> to vector<96x128xf32>
    %add3A_1153 = vector.broadcast %slice3A_728 : vector<96x1xf32> to vector<96x128xf32>
    %add3A_1154 = vector.broadcast %slice3A_1151 : vector<1x128xf32> to vector<96x128xf32>
    %add3A_1155 = arith.addf %add3A_1153, %add3A_1154 : vector<96x128xf32>
    %sub3A_1156 = arith.subf %add3A_1155, %slice3A_1152 : vector<96x128xf32>
    %lt3A_1157 = arith.cmpf olt, %sub3A_1156, %select_n3A_1147 : vector<96x128xf32>
    %select_n3A_1158 = arith.select %lt3A_1157, %sub3A_1156, %select_n3A_1147 : vector<96x128xi1>, vector<96x128xf32>
    %jit3A_1159 = arith.constant 3.800000e+01 : f32
    %broadcast_in_dim3A_1160 = vector.broadcast %jit3A_1159 : f32 to vector<96x128xf32>
    %select_n3A_1161 = arith.select %lt3A_1157, %broadcast_in_dim3A_1160, %select_n3A_1150 : vector<96x128xi1>, vector<96x128xf32>
    %slice3A_1162 = vector.extract_strided_slice %get3A_8 {offsets = [0, 4992], sizes = [1, 128], strides = [1, 1]} : vector<1x8192xf32> to vector<1x128xf32>
    %slice3A_1163 = vector.extract_strided_slice %dot_general3A_5 {offsets = [96, 4992], sizes = [96, 128], strides = [1, 1]} : vector<576x8192xf32> to vector<96x128xf32>
    %add3A_1164 = vector.broadcast %slice3A_728 : vector<96x1xf32> to vector<96x128xf32>
    %add3A_1165 = vector.broadcast %slice3A_1162 : vector<1x128xf32> to vector<96x128xf32>
    %add3A_1166 = arith.addf %add3A_1164, %add3A_1165 : vector<96x128xf32>
    %sub3A_1167 = arith.subf %add3A_1166, %slice3A_1163 : vector<96x128xf32>
    %lt3A_1168 = arith.cmpf olt, %sub3A_1167, %select_n3A_1158 : vector<96x128xf32>
    %select_n3A_1169 = arith.select %lt3A_1168, %sub3A_1167, %select_n3A_1158 : vector<96x128xi1>, vector<96x128xf32>
    %jit3A_1170 = arith.constant 3.900000e+01 : f32
    %broadcast_in_dim3A_1171 = vector.broadcast %jit3A_1170 : f32 to vector<96x128xf32>
    %select_n3A_1172 = arith.select %lt3A_1168, %broadcast_in_dim3A_1171, %select_n3A_1161 : vector<96x128xi1>, vector<96x128xf32>
    %slice3A_1173 = vector.extract_strided_slice %get3A_8 {offsets = [0, 5120], sizes = [1, 128], strides = [1, 1]} : vector<1x8192xf32> to vector<1x128xf32>
    %slice3A_1174 = vector.extract_strided_slice %dot_general3A_5 {offsets = [96, 5120], sizes = [96, 128], strides = [1, 1]} : vector<576x8192xf32> to vector<96x128xf32>
    %add3A_1175 = vector.broadcast %slice3A_728 : vector<96x1xf32> to vector<96x128xf32>
    %add3A_1176 = vector.broadcast %slice3A_1173 : vector<1x128xf32> to vector<96x128xf32>
    %add3A_1177 = arith.addf %add3A_1175, %add3A_1176 : vector<96x128xf32>
    %sub3A_1178 = arith.subf %add3A_1177, %slice3A_1174 : vector<96x128xf32>
    %lt3A_1179 = arith.cmpf olt, %sub3A_1178, %select_n3A_1169 : vector<96x128xf32>
    %select_n3A_1180 = arith.select %lt3A_1179, %sub3A_1178, %select_n3A_1169 : vector<96x128xi1>, vector<96x128xf32>
    %jit3A_1181 = arith.constant 4.000000e+01 : f32
    %broadcast_in_dim3A_1182 = vector.broadcast %jit3A_1181 : f32 to vector<96x128xf32>
    %select_n3A_1183 = arith.select %lt3A_1179, %broadcast_in_dim3A_1182, %select_n3A_1172 : vector<96x128xi1>, vector<96x128xf32>
    %slice3A_1184 = vector.extract_strided_slice %get3A_8 {offsets = [0, 5248], sizes = [1, 128], strides = [1, 1]} : vector<1x8192xf32> to vector<1x128xf32>
    %slice3A_1185 = vector.extract_strided_slice %dot_general3A_5 {offsets = [96, 5248], sizes = [96, 128], strides = [1, 1]} : vector<576x8192xf32> to vector<96x128xf32>
    %add3A_1186 = vector.broadcast %slice3A_728 : vector<96x1xf32> to vector<96x128xf32>
    %add3A_1187 = vector.broadcast %slice3A_1184 : vector<1x128xf32> to vector<96x128xf32>
    %add3A_1188 = arith.addf %add3A_1186, %add3A_1187 : vector<96x128xf32>
    %sub3A_1189 = arith.subf %add3A_1188, %slice3A_1185 : vector<96x128xf32>
    %lt3A_1190 = arith.cmpf olt, %sub3A_1189, %select_n3A_1180 : vector<96x128xf32>
    %select_n3A_1191 = arith.select %lt3A_1190, %sub3A_1189, %select_n3A_1180 : vector<96x128xi1>, vector<96x128xf32>
    %jit3A_1192 = arith.constant 4.100000e+01 : f32
    %broadcast_in_dim3A_1193 = vector.broadcast %jit3A_1192 : f32 to vector<96x128xf32>
    %select_n3A_1194 = arith.select %lt3A_1190, %broadcast_in_dim3A_1193, %select_n3A_1183 : vector<96x128xi1>, vector<96x128xf32>
    %slice3A_1195 = vector.extract_strided_slice %get3A_8 {offsets = [0, 5376], sizes = [1, 128], strides = [1, 1]} : vector<1x8192xf32> to vector<1x128xf32>
    %slice3A_1196 = vector.extract_strided_slice %dot_general3A_5 {offsets = [96, 5376], sizes = [96, 128], strides = [1, 1]} : vector<576x8192xf32> to vector<96x128xf32>
    %add3A_1197 = vector.broadcast %slice3A_728 : vector<96x1xf32> to vector<96x128xf32>
    %add3A_1198 = vector.broadcast %slice3A_1195 : vector<1x128xf32> to vector<96x128xf32>
    %add3A_1199 = arith.addf %add3A_1197, %add3A_1198 : vector<96x128xf32>
    %sub3A_1200 = arith.subf %add3A_1199, %slice3A_1196 : vector<96x128xf32>
    %lt3A_1201 = arith.cmpf olt, %sub3A_1200, %select_n3A_1191 : vector<96x128xf32>
    %select_n3A_1202 = arith.select %lt3A_1201, %sub3A_1200, %select_n3A_1191 : vector<96x128xi1>, vector<96x128xf32>
    %jit3A_1203 = arith.constant 4.200000e+01 : f32
    %broadcast_in_dim3A_1204 = vector.broadcast %jit3A_1203 : f32 to vector<96x128xf32>
    %select_n3A_1205 = arith.select %lt3A_1201, %broadcast_in_dim3A_1204, %select_n3A_1194 : vector<96x128xi1>, vector<96x128xf32>
    %slice3A_1206 = vector.extract_strided_slice %get3A_8 {offsets = [0, 5504], sizes = [1, 128], strides = [1, 1]} : vector<1x8192xf32> to vector<1x128xf32>
    %slice3A_1207 = vector.extract_strided_slice %dot_general3A_5 {offsets = [96, 5504], sizes = [96, 128], strides = [1, 1]} : vector<576x8192xf32> to vector<96x128xf32>
    %add3A_1208 = vector.broadcast %slice3A_728 : vector<96x1xf32> to vector<96x128xf32>
    %add3A_1209 = vector.broadcast %slice3A_1206 : vector<1x128xf32> to vector<96x128xf32>
    %add3A_1210 = arith.addf %add3A_1208, %add3A_1209 : vector<96x128xf32>
    %sub3A_1211 = arith.subf %add3A_1210, %slice3A_1207 : vector<96x128xf32>
    %lt3A_1212 = arith.cmpf olt, %sub3A_1211, %select_n3A_1202 : vector<96x128xf32>
    %select_n3A_1213 = arith.select %lt3A_1212, %sub3A_1211, %select_n3A_1202 : vector<96x128xi1>, vector<96x128xf32>
    %jit3A_1214 = arith.constant 4.300000e+01 : f32
    %broadcast_in_dim3A_1215 = vector.broadcast %jit3A_1214 : f32 to vector<96x128xf32>
    %select_n3A_1216 = arith.select %lt3A_1212, %broadcast_in_dim3A_1215, %select_n3A_1205 : vector<96x128xi1>, vector<96x128xf32>
    %slice3A_1217 = vector.extract_strided_slice %get3A_8 {offsets = [0, 5632], sizes = [1, 128], strides = [1, 1]} : vector<1x8192xf32> to vector<1x128xf32>
    %slice3A_1218 = vector.extract_strided_slice %dot_general3A_5 {offsets = [96, 5632], sizes = [96, 128], strides = [1, 1]} : vector<576x8192xf32> to vector<96x128xf32>
    %add3A_1219 = vector.broadcast %slice3A_728 : vector<96x1xf32> to vector<96x128xf32>
    %add3A_1220 = vector.broadcast %slice3A_1217 : vector<1x128xf32> to vector<96x128xf32>
    %add3A_1221 = arith.addf %add3A_1219, %add3A_1220 : vector<96x128xf32>
    %sub3A_1222 = arith.subf %add3A_1221, %slice3A_1218 : vector<96x128xf32>
    %lt3A_1223 = arith.cmpf olt, %sub3A_1222, %select_n3A_1213 : vector<96x128xf32>
    %select_n3A_1224 = arith.select %lt3A_1223, %sub3A_1222, %select_n3A_1213 : vector<96x128xi1>, vector<96x128xf32>
    %jit3A_1225 = arith.constant 4.400000e+01 : f32
    %broadcast_in_dim3A_1226 = vector.broadcast %jit3A_1225 : f32 to vector<96x128xf32>
    %select_n3A_1227 = arith.select %lt3A_1223, %broadcast_in_dim3A_1226, %select_n3A_1216 : vector<96x128xi1>, vector<96x128xf32>
    %slice3A_1228 = vector.extract_strided_slice %get3A_8 {offsets = [0, 5760], sizes = [1, 128], strides = [1, 1]} : vector<1x8192xf32> to vector<1x128xf32>
    %slice3A_1229 = vector.extract_strided_slice %dot_general3A_5 {offsets = [96, 5760], sizes = [96, 128], strides = [1, 1]} : vector<576x8192xf32> to vector<96x128xf32>
    %add3A_1230 = vector.broadcast %slice3A_728 : vector<96x1xf32> to vector<96x128xf32>
    %add3A_1231 = vector.broadcast %slice3A_1228 : vector<1x128xf32> to vector<96x128xf32>
    %add3A_1232 = arith.addf %add3A_1230, %add3A_1231 : vector<96x128xf32>
    %sub3A_1233 = arith.subf %add3A_1232, %slice3A_1229 : vector<96x128xf32>
    %lt3A_1234 = arith.cmpf olt, %sub3A_1233, %select_n3A_1224 : vector<96x128xf32>
    %select_n3A_1235 = arith.select %lt3A_1234, %sub3A_1233, %select_n3A_1224 : vector<96x128xi1>, vector<96x128xf32>
    %jit3A_1236 = arith.constant 4.500000e+01 : f32
    %broadcast_in_dim3A_1237 = vector.broadcast %jit3A_1236 : f32 to vector<96x128xf32>
    %select_n3A_1238 = arith.select %lt3A_1234, %broadcast_in_dim3A_1237, %select_n3A_1227 : vector<96x128xi1>, vector<96x128xf32>
    %slice3A_1239 = vector.extract_strided_slice %get3A_8 {offsets = [0, 5888], sizes = [1, 128], strides = [1, 1]} : vector<1x8192xf32> to vector<1x128xf32>
    %slice3A_1240 = vector.extract_strided_slice %dot_general3A_5 {offsets = [96, 5888], sizes = [96, 128], strides = [1, 1]} : vector<576x8192xf32> to vector<96x128xf32>
    %add3A_1241 = vector.broadcast %slice3A_728 : vector<96x1xf32> to vector<96x128xf32>
    %add3A_1242 = vector.broadcast %slice3A_1239 : vector<1x128xf32> to vector<96x128xf32>
    %add3A_1243 = arith.addf %add3A_1241, %add3A_1242 : vector<96x128xf32>
    %sub3A_1244 = arith.subf %add3A_1243, %slice3A_1240 : vector<96x128xf32>
    %lt3A_1245 = arith.cmpf olt, %sub3A_1244, %select_n3A_1235 : vector<96x128xf32>
    %select_n3A_1246 = arith.select %lt3A_1245, %sub3A_1244, %select_n3A_1235 : vector<96x128xi1>, vector<96x128xf32>
    %jit3A_1247 = arith.constant 4.600000e+01 : f32
    %broadcast_in_dim3A_1248 = vector.broadcast %jit3A_1247 : f32 to vector<96x128xf32>
    %select_n3A_1249 = arith.select %lt3A_1245, %broadcast_in_dim3A_1248, %select_n3A_1238 : vector<96x128xi1>, vector<96x128xf32>
    %slice3A_1250 = vector.extract_strided_slice %get3A_8 {offsets = [0, 6016], sizes = [1, 128], strides = [1, 1]} : vector<1x8192xf32> to vector<1x128xf32>
    %slice3A_1251 = vector.extract_strided_slice %dot_general3A_5 {offsets = [96, 6016], sizes = [96, 128], strides = [1, 1]} : vector<576x8192xf32> to vector<96x128xf32>
    %add3A_1252 = vector.broadcast %slice3A_728 : vector<96x1xf32> to vector<96x128xf32>
    %add3A_1253 = vector.broadcast %slice3A_1250 : vector<1x128xf32> to vector<96x128xf32>
    %add3A_1254 = arith.addf %add3A_1252, %add3A_1253 : vector<96x128xf32>
    %sub3A_1255 = arith.subf %add3A_1254, %slice3A_1251 : vector<96x128xf32>
    %lt3A_1256 = arith.cmpf olt, %sub3A_1255, %select_n3A_1246 : vector<96x128xf32>
    %select_n3A_1257 = arith.select %lt3A_1256, %sub3A_1255, %select_n3A_1246 : vector<96x128xi1>, vector<96x128xf32>
    %jit3A_1258 = arith.constant 4.700000e+01 : f32
    %broadcast_in_dim3A_1259 = vector.broadcast %jit3A_1258 : f32 to vector<96x128xf32>
    %select_n3A_1260 = arith.select %lt3A_1256, %broadcast_in_dim3A_1259, %select_n3A_1249 : vector<96x128xi1>, vector<96x128xf32>
    %slice3A_1261 = vector.extract_strided_slice %get3A_8 {offsets = [0, 6144], sizes = [1, 128], strides = [1, 1]} : vector<1x8192xf32> to vector<1x128xf32>
    %slice3A_1262 = vector.extract_strided_slice %dot_general3A_5 {offsets = [96, 6144], sizes = [96, 128], strides = [1, 1]} : vector<576x8192xf32> to vector<96x128xf32>
    %add3A_1263 = vector.broadcast %slice3A_728 : vector<96x1xf32> to vector<96x128xf32>
    %add3A_1264 = vector.broadcast %slice3A_1261 : vector<1x128xf32> to vector<96x128xf32>
    %add3A_1265 = arith.addf %add3A_1263, %add3A_1264 : vector<96x128xf32>
    %sub3A_1266 = arith.subf %add3A_1265, %slice3A_1262 : vector<96x128xf32>
    %lt3A_1267 = arith.cmpf olt, %sub3A_1266, %select_n3A_1257 : vector<96x128xf32>
    %select_n3A_1268 = arith.select %lt3A_1267, %sub3A_1266, %select_n3A_1257 : vector<96x128xi1>, vector<96x128xf32>
    %jit3A_1269 = arith.constant 4.800000e+01 : f32
    %broadcast_in_dim3A_1270 = vector.broadcast %jit3A_1269 : f32 to vector<96x128xf32>
    %select_n3A_1271 = arith.select %lt3A_1267, %broadcast_in_dim3A_1270, %select_n3A_1260 : vector<96x128xi1>, vector<96x128xf32>
    %slice3A_1272 = vector.extract_strided_slice %get3A_8 {offsets = [0, 6272], sizes = [1, 128], strides = [1, 1]} : vector<1x8192xf32> to vector<1x128xf32>
    %slice3A_1273 = vector.extract_strided_slice %dot_general3A_5 {offsets = [96, 6272], sizes = [96, 128], strides = [1, 1]} : vector<576x8192xf32> to vector<96x128xf32>
    %add3A_1274 = vector.broadcast %slice3A_728 : vector<96x1xf32> to vector<96x128xf32>
    %add3A_1275 = vector.broadcast %slice3A_1272 : vector<1x128xf32> to vector<96x128xf32>
    %add3A_1276 = arith.addf %add3A_1274, %add3A_1275 : vector<96x128xf32>
    %sub3A_1277 = arith.subf %add3A_1276, %slice3A_1273 : vector<96x128xf32>
    %lt3A_1278 = arith.cmpf olt, %sub3A_1277, %select_n3A_1268 : vector<96x128xf32>
    %select_n3A_1279 = arith.select %lt3A_1278, %sub3A_1277, %select_n3A_1268 : vector<96x128xi1>, vector<96x128xf32>
    %jit3A_1280 = arith.constant 4.900000e+01 : f32
    %broadcast_in_dim3A_1281 = vector.broadcast %jit3A_1280 : f32 to vector<96x128xf32>
    %select_n3A_1282 = arith.select %lt3A_1278, %broadcast_in_dim3A_1281, %select_n3A_1271 : vector<96x128xi1>, vector<96x128xf32>
    %slice3A_1283 = vector.extract_strided_slice %get3A_8 {offsets = [0, 6400], sizes = [1, 128], strides = [1, 1]} : vector<1x8192xf32> to vector<1x128xf32>
    %slice3A_1284 = vector.extract_strided_slice %dot_general3A_5 {offsets = [96, 6400], sizes = [96, 128], strides = [1, 1]} : vector<576x8192xf32> to vector<96x128xf32>
    %add3A_1285 = vector.broadcast %slice3A_728 : vector<96x1xf32> to vector<96x128xf32>
    %add3A_1286 = vector.broadcast %slice3A_1283 : vector<1x128xf32> to vector<96x128xf32>
    %add3A_1287 = arith.addf %add3A_1285, %add3A_1286 : vector<96x128xf32>
    %sub3A_1288 = arith.subf %add3A_1287, %slice3A_1284 : vector<96x128xf32>
    %lt3A_1289 = arith.cmpf olt, %sub3A_1288, %select_n3A_1279 : vector<96x128xf32>
    %select_n3A_1290 = arith.select %lt3A_1289, %sub3A_1288, %select_n3A_1279 : vector<96x128xi1>, vector<96x128xf32>
    %jit3A_1291 = arith.constant 5.000000e+01 : f32
    %broadcast_in_dim3A_1292 = vector.broadcast %jit3A_1291 : f32 to vector<96x128xf32>
    %select_n3A_1293 = arith.select %lt3A_1289, %broadcast_in_dim3A_1292, %select_n3A_1282 : vector<96x128xi1>, vector<96x128xf32>
    %slice3A_1294 = vector.extract_strided_slice %get3A_8 {offsets = [0, 6528], sizes = [1, 128], strides = [1, 1]} : vector<1x8192xf32> to vector<1x128xf32>
    %slice3A_1295 = vector.extract_strided_slice %dot_general3A_5 {offsets = [96, 6528], sizes = [96, 128], strides = [1, 1]} : vector<576x8192xf32> to vector<96x128xf32>
    %add3A_1296 = vector.broadcast %slice3A_728 : vector<96x1xf32> to vector<96x128xf32>
    %add3A_1297 = vector.broadcast %slice3A_1294 : vector<1x128xf32> to vector<96x128xf32>
    %add3A_1298 = arith.addf %add3A_1296, %add3A_1297 : vector<96x128xf32>
    %sub3A_1299 = arith.subf %add3A_1298, %slice3A_1295 : vector<96x128xf32>
    %lt3A_1300 = arith.cmpf olt, %sub3A_1299, %select_n3A_1290 : vector<96x128xf32>
    %select_n3A_1301 = arith.select %lt3A_1300, %sub3A_1299, %select_n3A_1290 : vector<96x128xi1>, vector<96x128xf32>
    %jit3A_1302 = arith.constant 5.100000e+01 : f32
    %broadcast_in_dim3A_1303 = vector.broadcast %jit3A_1302 : f32 to vector<96x128xf32>
    %select_n3A_1304 = arith.select %lt3A_1300, %broadcast_in_dim3A_1303, %select_n3A_1293 : vector<96x128xi1>, vector<96x128xf32>
    %slice3A_1305 = vector.extract_strided_slice %get3A_8 {offsets = [0, 6656], sizes = [1, 128], strides = [1, 1]} : vector<1x8192xf32> to vector<1x128xf32>
    %slice3A_1306 = vector.extract_strided_slice %dot_general3A_5 {offsets = [96, 6656], sizes = [96, 128], strides = [1, 1]} : vector<576x8192xf32> to vector<96x128xf32>
    %add3A_1307 = vector.broadcast %slice3A_728 : vector<96x1xf32> to vector<96x128xf32>
    %add3A_1308 = vector.broadcast %slice3A_1305 : vector<1x128xf32> to vector<96x128xf32>
    %add3A_1309 = arith.addf %add3A_1307, %add3A_1308 : vector<96x128xf32>
    %sub3A_1310 = arith.subf %add3A_1309, %slice3A_1306 : vector<96x128xf32>
    %lt3A_1311 = arith.cmpf olt, %sub3A_1310, %select_n3A_1301 : vector<96x128xf32>
    %select_n3A_1312 = arith.select %lt3A_1311, %sub3A_1310, %select_n3A_1301 : vector<96x128xi1>, vector<96x128xf32>
    %jit3A_1313 = arith.constant 5.200000e+01 : f32
    %broadcast_in_dim3A_1314 = vector.broadcast %jit3A_1313 : f32 to vector<96x128xf32>
    %select_n3A_1315 = arith.select %lt3A_1311, %broadcast_in_dim3A_1314, %select_n3A_1304 : vector<96x128xi1>, vector<96x128xf32>
    %slice3A_1316 = vector.extract_strided_slice %get3A_8 {offsets = [0, 6784], sizes = [1, 128], strides = [1, 1]} : vector<1x8192xf32> to vector<1x128xf32>
    %slice3A_1317 = vector.extract_strided_slice %dot_general3A_5 {offsets = [96, 6784], sizes = [96, 128], strides = [1, 1]} : vector<576x8192xf32> to vector<96x128xf32>
    %add3A_1318 = vector.broadcast %slice3A_728 : vector<96x1xf32> to vector<96x128xf32>
    %add3A_1319 = vector.broadcast %slice3A_1316 : vector<1x128xf32> to vector<96x128xf32>
    %add3A_1320 = arith.addf %add3A_1318, %add3A_1319 : vector<96x128xf32>
    %sub3A_1321 = arith.subf %add3A_1320, %slice3A_1317 : vector<96x128xf32>
    %lt3A_1322 = arith.cmpf olt, %sub3A_1321, %select_n3A_1312 : vector<96x128xf32>
    %select_n3A_1323 = arith.select %lt3A_1322, %sub3A_1321, %select_n3A_1312 : vector<96x128xi1>, vector<96x128xf32>
    %jit3A_1324 = arith.constant 5.300000e+01 : f32
    %broadcast_in_dim3A_1325 = vector.broadcast %jit3A_1324 : f32 to vector<96x128xf32>
    %select_n3A_1326 = arith.select %lt3A_1322, %broadcast_in_dim3A_1325, %select_n3A_1315 : vector<96x128xi1>, vector<96x128xf32>
    %slice3A_1327 = vector.extract_strided_slice %get3A_8 {offsets = [0, 6912], sizes = [1, 128], strides = [1, 1]} : vector<1x8192xf32> to vector<1x128xf32>
    %slice3A_1328 = vector.extract_strided_slice %dot_general3A_5 {offsets = [96, 6912], sizes = [96, 128], strides = [1, 1]} : vector<576x8192xf32> to vector<96x128xf32>
    %add3A_1329 = vector.broadcast %slice3A_728 : vector<96x1xf32> to vector<96x128xf32>
    %add3A_1330 = vector.broadcast %slice3A_1327 : vector<1x128xf32> to vector<96x128xf32>
    %add3A_1331 = arith.addf %add3A_1329, %add3A_1330 : vector<96x128xf32>
    %sub3A_1332 = arith.subf %add3A_1331, %slice3A_1328 : vector<96x128xf32>
    %lt3A_1333 = arith.cmpf olt, %sub3A_1332, %select_n3A_1323 : vector<96x128xf32>
    %select_n3A_1334 = arith.select %lt3A_1333, %sub3A_1332, %select_n3A_1323 : vector<96x128xi1>, vector<96x128xf32>
    %jit3A_1335 = arith.constant 5.400000e+01 : f32
    %broadcast_in_dim3A_1336 = vector.broadcast %jit3A_1335 : f32 to vector<96x128xf32>
    %select_n3A_1337 = arith.select %lt3A_1333, %broadcast_in_dim3A_1336, %select_n3A_1326 : vector<96x128xi1>, vector<96x128xf32>
    %slice3A_1338 = vector.extract_strided_slice %get3A_8 {offsets = [0, 7040], sizes = [1, 128], strides = [1, 1]} : vector<1x8192xf32> to vector<1x128xf32>
    %slice3A_1339 = vector.extract_strided_slice %dot_general3A_5 {offsets = [96, 7040], sizes = [96, 128], strides = [1, 1]} : vector<576x8192xf32> to vector<96x128xf32>
    %add3A_1340 = vector.broadcast %slice3A_728 : vector<96x1xf32> to vector<96x128xf32>
    %add3A_1341 = vector.broadcast %slice3A_1338 : vector<1x128xf32> to vector<96x128xf32>
    %add3A_1342 = arith.addf %add3A_1340, %add3A_1341 : vector<96x128xf32>
    %sub3A_1343 = arith.subf %add3A_1342, %slice3A_1339 : vector<96x128xf32>
    %lt3A_1344 = arith.cmpf olt, %sub3A_1343, %select_n3A_1334 : vector<96x128xf32>
    %select_n3A_1345 = arith.select %lt3A_1344, %sub3A_1343, %select_n3A_1334 : vector<96x128xi1>, vector<96x128xf32>
    %jit3A_1346 = arith.constant 5.500000e+01 : f32
    %broadcast_in_dim3A_1347 = vector.broadcast %jit3A_1346 : f32 to vector<96x128xf32>
    %select_n3A_1348 = arith.select %lt3A_1344, %broadcast_in_dim3A_1347, %select_n3A_1337 : vector<96x128xi1>, vector<96x128xf32>
    %slice3A_1349 = vector.extract_strided_slice %get3A_8 {offsets = [0, 7168], sizes = [1, 128], strides = [1, 1]} : vector<1x8192xf32> to vector<1x128xf32>
    %slice3A_1350 = vector.extract_strided_slice %dot_general3A_5 {offsets = [96, 7168], sizes = [96, 128], strides = [1, 1]} : vector<576x8192xf32> to vector<96x128xf32>
    %add3A_1351 = vector.broadcast %slice3A_728 : vector<96x1xf32> to vector<96x128xf32>
    %add3A_1352 = vector.broadcast %slice3A_1349 : vector<1x128xf32> to vector<96x128xf32>
    %add3A_1353 = arith.addf %add3A_1351, %add3A_1352 : vector<96x128xf32>
    %sub3A_1354 = arith.subf %add3A_1353, %slice3A_1350 : vector<96x128xf32>
    %lt3A_1355 = arith.cmpf olt, %sub3A_1354, %select_n3A_1345 : vector<96x128xf32>
    %select_n3A_1356 = arith.select %lt3A_1355, %sub3A_1354, %select_n3A_1345 : vector<96x128xi1>, vector<96x128xf32>
    %jit3A_1357 = arith.constant 5.600000e+01 : f32
    %broadcast_in_dim3A_1358 = vector.broadcast %jit3A_1357 : f32 to vector<96x128xf32>
    %select_n3A_1359 = arith.select %lt3A_1355, %broadcast_in_dim3A_1358, %select_n3A_1348 : vector<96x128xi1>, vector<96x128xf32>
    %slice3A_1360 = vector.extract_strided_slice %get3A_8 {offsets = [0, 7296], sizes = [1, 128], strides = [1, 1]} : vector<1x8192xf32> to vector<1x128xf32>
    %slice3A_1361 = vector.extract_strided_slice %dot_general3A_5 {offsets = [96, 7296], sizes = [96, 128], strides = [1, 1]} : vector<576x8192xf32> to vector<96x128xf32>
    %add3A_1362 = vector.broadcast %slice3A_728 : vector<96x1xf32> to vector<96x128xf32>
    %add3A_1363 = vector.broadcast %slice3A_1360 : vector<1x128xf32> to vector<96x128xf32>
    %add3A_1364 = arith.addf %add3A_1362, %add3A_1363 : vector<96x128xf32>
    %sub3A_1365 = arith.subf %add3A_1364, %slice3A_1361 : vector<96x128xf32>
    %lt3A_1366 = arith.cmpf olt, %sub3A_1365, %select_n3A_1356 : vector<96x128xf32>
    %select_n3A_1367 = arith.select %lt3A_1366, %sub3A_1365, %select_n3A_1356 : vector<96x128xi1>, vector<96x128xf32>
    %jit3A_1368 = arith.constant 5.700000e+01 : f32
    %broadcast_in_dim3A_1369 = vector.broadcast %jit3A_1368 : f32 to vector<96x128xf32>
    %select_n3A_1370 = arith.select %lt3A_1366, %broadcast_in_dim3A_1369, %select_n3A_1359 : vector<96x128xi1>, vector<96x128xf32>
    %slice3A_1371 = vector.extract_strided_slice %get3A_8 {offsets = [0, 7424], sizes = [1, 128], strides = [1, 1]} : vector<1x8192xf32> to vector<1x128xf32>
    %slice3A_1372 = vector.extract_strided_slice %dot_general3A_5 {offsets = [96, 7424], sizes = [96, 128], strides = [1, 1]} : vector<576x8192xf32> to vector<96x128xf32>
    %add3A_1373 = vector.broadcast %slice3A_728 : vector<96x1xf32> to vector<96x128xf32>
    %add3A_1374 = vector.broadcast %slice3A_1371 : vector<1x128xf32> to vector<96x128xf32>
    %add3A_1375 = arith.addf %add3A_1373, %add3A_1374 : vector<96x128xf32>
    %sub3A_1376 = arith.subf %add3A_1375, %slice3A_1372 : vector<96x128xf32>
    %lt3A_1377 = arith.cmpf olt, %sub3A_1376, %select_n3A_1367 : vector<96x128xf32>
    %select_n3A_1378 = arith.select %lt3A_1377, %sub3A_1376, %select_n3A_1367 : vector<96x128xi1>, vector<96x128xf32>
    %jit3A_1379 = arith.constant 5.800000e+01 : f32
    %broadcast_in_dim3A_1380 = vector.broadcast %jit3A_1379 : f32 to vector<96x128xf32>
    %select_n3A_1381 = arith.select %lt3A_1377, %broadcast_in_dim3A_1380, %select_n3A_1370 : vector<96x128xi1>, vector<96x128xf32>
    %slice3A_1382 = vector.extract_strided_slice %get3A_8 {offsets = [0, 7552], sizes = [1, 128], strides = [1, 1]} : vector<1x8192xf32> to vector<1x128xf32>
    %slice3A_1383 = vector.extract_strided_slice %dot_general3A_5 {offsets = [96, 7552], sizes = [96, 128], strides = [1, 1]} : vector<576x8192xf32> to vector<96x128xf32>
    %add3A_1384 = vector.broadcast %slice3A_728 : vector<96x1xf32> to vector<96x128xf32>
    %add3A_1385 = vector.broadcast %slice3A_1382 : vector<1x128xf32> to vector<96x128xf32>
    %add3A_1386 = arith.addf %add3A_1384, %add3A_1385 : vector<96x128xf32>
    %sub3A_1387 = arith.subf %add3A_1386, %slice3A_1383 : vector<96x128xf32>
    %lt3A_1388 = arith.cmpf olt, %sub3A_1387, %select_n3A_1378 : vector<96x128xf32>
    %select_n3A_1389 = arith.select %lt3A_1388, %sub3A_1387, %select_n3A_1378 : vector<96x128xi1>, vector<96x128xf32>
    %jit3A_1390 = arith.constant 5.900000e+01 : f32
    %broadcast_in_dim3A_1391 = vector.broadcast %jit3A_1390 : f32 to vector<96x128xf32>
    %select_n3A_1392 = arith.select %lt3A_1388, %broadcast_in_dim3A_1391, %select_n3A_1381 : vector<96x128xi1>, vector<96x128xf32>
    %slice3A_1393 = vector.extract_strided_slice %get3A_8 {offsets = [0, 7680], sizes = [1, 128], strides = [1, 1]} : vector<1x8192xf32> to vector<1x128xf32>
    %slice3A_1394 = vector.extract_strided_slice %dot_general3A_5 {offsets = [96, 7680], sizes = [96, 128], strides = [1, 1]} : vector<576x8192xf32> to vector<96x128xf32>
    %add3A_1395 = vector.broadcast %slice3A_728 : vector<96x1xf32> to vector<96x128xf32>
    %add3A_1396 = vector.broadcast %slice3A_1393 : vector<1x128xf32> to vector<96x128xf32>
    %add3A_1397 = arith.addf %add3A_1395, %add3A_1396 : vector<96x128xf32>
    %sub3A_1398 = arith.subf %add3A_1397, %slice3A_1394 : vector<96x128xf32>
    %lt3A_1399 = arith.cmpf olt, %sub3A_1398, %select_n3A_1389 : vector<96x128xf32>
    %select_n3A_1400 = arith.select %lt3A_1399, %sub3A_1398, %select_n3A_1389 : vector<96x128xi1>, vector<96x128xf32>
    %jit3A_1401 = arith.constant 6.000000e+01 : f32
    %broadcast_in_dim3A_1402 = vector.broadcast %jit3A_1401 : f32 to vector<96x128xf32>
    %select_n3A_1403 = arith.select %lt3A_1399, %broadcast_in_dim3A_1402, %select_n3A_1392 : vector<96x128xi1>, vector<96x128xf32>
    %slice3A_1404 = vector.extract_strided_slice %get3A_8 {offsets = [0, 7808], sizes = [1, 128], strides = [1, 1]} : vector<1x8192xf32> to vector<1x128xf32>
    %slice3A_1405 = vector.extract_strided_slice %dot_general3A_5 {offsets = [96, 7808], sizes = [96, 128], strides = [1, 1]} : vector<576x8192xf32> to vector<96x128xf32>
    %add3A_1406 = vector.broadcast %slice3A_728 : vector<96x1xf32> to vector<96x128xf32>
    %add3A_1407 = vector.broadcast %slice3A_1404 : vector<1x128xf32> to vector<96x128xf32>
    %add3A_1408 = arith.addf %add3A_1406, %add3A_1407 : vector<96x128xf32>
    %sub3A_1409 = arith.subf %add3A_1408, %slice3A_1405 : vector<96x128xf32>
    %lt3A_1410 = arith.cmpf olt, %sub3A_1409, %select_n3A_1400 : vector<96x128xf32>
    %select_n3A_1411 = arith.select %lt3A_1410, %sub3A_1409, %select_n3A_1400 : vector<96x128xi1>, vector<96x128xf32>
    %jit3A_1412 = arith.constant 6.100000e+01 : f32
    %broadcast_in_dim3A_1413 = vector.broadcast %jit3A_1412 : f32 to vector<96x128xf32>
    %select_n3A_1414 = arith.select %lt3A_1410, %broadcast_in_dim3A_1413, %select_n3A_1403 : vector<96x128xi1>, vector<96x128xf32>
    %slice3A_1415 = vector.extract_strided_slice %get3A_8 {offsets = [0, 7936], sizes = [1, 128], strides = [1, 1]} : vector<1x8192xf32> to vector<1x128xf32>
    %slice3A_1416 = vector.extract_strided_slice %dot_general3A_5 {offsets = [96, 7936], sizes = [96, 128], strides = [1, 1]} : vector<576x8192xf32> to vector<96x128xf32>
    %add3A_1417 = vector.broadcast %slice3A_728 : vector<96x1xf32> to vector<96x128xf32>
    %add3A_1418 = vector.broadcast %slice3A_1415 : vector<1x128xf32> to vector<96x128xf32>
    %add3A_1419 = arith.addf %add3A_1417, %add3A_1418 : vector<96x128xf32>
    %sub3A_1420 = arith.subf %add3A_1419, %slice3A_1416 : vector<96x128xf32>
    %lt3A_1421 = arith.cmpf olt, %sub3A_1420, %select_n3A_1411 : vector<96x128xf32>
    %select_n3A_1422 = arith.select %lt3A_1421, %sub3A_1420, %select_n3A_1411 : vector<96x128xi1>, vector<96x128xf32>
    %jit3A_1423 = arith.constant 6.200000e+01 : f32
    %broadcast_in_dim3A_1424 = vector.broadcast %jit3A_1423 : f32 to vector<96x128xf32>
    %select_n3A_1425 = arith.select %lt3A_1421, %broadcast_in_dim3A_1424, %select_n3A_1414 : vector<96x128xi1>, vector<96x128xf32>
    %slice3A_1426 = vector.extract_strided_slice %get3A_8 {offsets = [0, 8064], sizes = [1, 128], strides = [1, 1]} : vector<1x8192xf32> to vector<1x128xf32>
    %slice3A_1427 = vector.extract_strided_slice %dot_general3A_5 {offsets = [96, 8064], sizes = [96, 128], strides = [1, 1]} : vector<576x8192xf32> to vector<96x128xf32>
    %add3A_1428 = vector.broadcast %slice3A_728 : vector<96x1xf32> to vector<96x128xf32>
    %add3A_1429 = vector.broadcast %slice3A_1426 : vector<1x128xf32> to vector<96x128xf32>
    %add3A_1430 = arith.addf %add3A_1428, %add3A_1429 : vector<96x128xf32>
    %sub3A_1431 = arith.subf %add3A_1430, %slice3A_1427 : vector<96x128xf32>
    %lt3A_1432 = arith.cmpf olt, %sub3A_1431, %select_n3A_1422 : vector<96x128xf32>
    %select_n3A_1433 = arith.select %lt3A_1432, %sub3A_1431, %select_n3A_1422 : vector<96x128xi1>, vector<96x128xf32>
    %jit3A_1434 = arith.constant 6.300000e+01 : f32
    %broadcast_in_dim3A_1435 = vector.broadcast %jit3A_1434 : f32 to vector<96x128xf32>
    %select_n3A_1436 = arith.select %lt3A_1432, %broadcast_in_dim3A_1435, %select_n3A_1425 : vector<96x128xi1>, vector<96x128xf32>
    %reduce_min3A_1437 = arith.constant dense<0x7F800000> : vector<96xf32>
    %reduce_min3A_1438 = vector.multi_reduction <minimumf>, %select_n3A_1433, %reduce_min3A_1437 [1] : vector<96x128xf32> to vector<96xf32>
    %broadcast_in_dim3A_1439 = vector.shape_cast %reduce_min3A_1438 : vector<96xf32> to vector<96x1xf32>
    %eq3A_1440 = vector.broadcast %broadcast_in_dim3A_1439 : vector<96x1xf32> to vector<96x128xf32>
    %eq3A_1441 = arith.cmpf oeq, %select_n3A_1433, %eq3A_1440 : vector<96x128xf32>
    %mul3A_1442 = arith.constant 1.280000e+02 : f32
    %mul3A_1443 = vector.broadcast %mul3A_1442 : f32 to vector<96x128xf32>
    %mul3A_1444 = arith.mulf %select_n3A_1436, %mul3A_1443 : vector<96x128xf32>
    %add3A_1445 = arith.addf %mul3A_1444, %convert_element_type3A : vector<96x128xf32>
    %jit3A_1446 = arith.constant 8.192000e+03 : f32
    %broadcast_in_dim3A_1447 = vector.broadcast %jit3A_1446 : f32 to vector<96x128xf32>
    %select_n3A_1448 = arith.select %eq3A_1441, %add3A_1445, %broadcast_in_dim3A_1447 : vector<96x128xi1>, vector<96x128xf32>
    %reduce_min3A_1449 = arith.constant dense<0x7F800000> : vector<96xf32>
    %reduce_min3A_1450 = vector.multi_reduction <minimumf>, %select_n3A_1448, %reduce_min3A_1449 [1] : vector<96x128xf32> to vector<96xf32>
    %broadcast_in_dim3A_1451 = vector.shape_cast %reduce_min3A_1450 : vector<96xf32> to vector<96x1xf32>
    %convert_element_type3A_1452 = arith.fptosi %broadcast_in_dim3A_1451 : vector<96x1xf32> to vector<96x1xi32>
    %slice3A_1453 = vector.extract_strided_slice %get3A_11 {offsets = [192, 0], sizes = [96, 1], strides = [1, 1]} : vector<576x1xf32> to vector<96x1xf32>
    %broadcast_in_dim3A_1454 = arith.constant 0x7F800000 : f32
    %broadcast_in_dim3A_1455 = vector.broadcast %broadcast_in_dim3A_1454 : f32 to vector<96x128xf32>
    %broadcast_in_dim3A_1456 = arith.constant 0.000000e+00 : f32
    %broadcast_in_dim3A_1457 = vector.broadcast %broadcast_in_dim3A_1456 : f32 to vector<96x128xf32>
    %slice3A_1458 = vector.extract_strided_slice %get3A_8 {offsets = [0, 0], sizes = [1, 128], strides = [1, 1]} : vector<1x8192xf32> to vector<1x128xf32>
    %slice3A_1459 = vector.extract_strided_slice %dot_general3A_5 {offsets = [192, 0], sizes = [96, 128], strides = [1, 1]} : vector<576x8192xf32> to vector<96x128xf32>
    %add3A_1460 = vector.broadcast %slice3A_1453 : vector<96x1xf32> to vector<96x128xf32>
    %add3A_1461 = vector.broadcast %slice3A_1458 : vector<1x128xf32> to vector<96x128xf32>
    %add3A_1462 = arith.addf %add3A_1460, %add3A_1461 : vector<96x128xf32>
    %sub3A_1463 = arith.subf %add3A_1462, %slice3A_1459 : vector<96x128xf32>
    %lt3A_1464 = arith.cmpf olt, %sub3A_1463, %broadcast_in_dim3A_1455 : vector<96x128xf32>
    %select_n3A_1465 = arith.select %lt3A_1464, %sub3A_1463, %broadcast_in_dim3A_1455 : vector<96x128xi1>, vector<96x128xf32>
    %jit3A_1466 = arith.constant 0.000000e+00 : f32
    %broadcast_in_dim3A_1467 = vector.broadcast %jit3A_1466 : f32 to vector<96x128xf32>
    %select_n3A_1468 = arith.select %lt3A_1464, %broadcast_in_dim3A_1467, %broadcast_in_dim3A_1457 : vector<96x128xi1>, vector<96x128xf32>
    %slice3A_1469 = vector.extract_strided_slice %get3A_8 {offsets = [0, 128], sizes = [1, 128], strides = [1, 1]} : vector<1x8192xf32> to vector<1x128xf32>
    %slice3A_1470 = vector.extract_strided_slice %dot_general3A_5 {offsets = [192, 128], sizes = [96, 128], strides = [1, 1]} : vector<576x8192xf32> to vector<96x128xf32>
    %add3A_1471 = vector.broadcast %slice3A_1453 : vector<96x1xf32> to vector<96x128xf32>
    %add3A_1472 = vector.broadcast %slice3A_1469 : vector<1x128xf32> to vector<96x128xf32>
    %add3A_1473 = arith.addf %add3A_1471, %add3A_1472 : vector<96x128xf32>
    %sub3A_1474 = arith.subf %add3A_1473, %slice3A_1470 : vector<96x128xf32>
    %lt3A_1475 = arith.cmpf olt, %sub3A_1474, %select_n3A_1465 : vector<96x128xf32>
    %select_n3A_1476 = arith.select %lt3A_1475, %sub3A_1474, %select_n3A_1465 : vector<96x128xi1>, vector<96x128xf32>
    %jit3A_1477 = arith.constant 1.000000e+00 : f32
    %broadcast_in_dim3A_1478 = vector.broadcast %jit3A_1477 : f32 to vector<96x128xf32>
    %select_n3A_1479 = arith.select %lt3A_1475, %broadcast_in_dim3A_1478, %select_n3A_1468 : vector<96x128xi1>, vector<96x128xf32>
    %slice3A_1480 = vector.extract_strided_slice %get3A_8 {offsets = [0, 256], sizes = [1, 128], strides = [1, 1]} : vector<1x8192xf32> to vector<1x128xf32>
    %slice3A_1481 = vector.extract_strided_slice %dot_general3A_5 {offsets = [192, 256], sizes = [96, 128], strides = [1, 1]} : vector<576x8192xf32> to vector<96x128xf32>
    %add3A_1482 = vector.broadcast %slice3A_1453 : vector<96x1xf32> to vector<96x128xf32>
    %add3A_1483 = vector.broadcast %slice3A_1480 : vector<1x128xf32> to vector<96x128xf32>
    %add3A_1484 = arith.addf %add3A_1482, %add3A_1483 : vector<96x128xf32>
    %sub3A_1485 = arith.subf %add3A_1484, %slice3A_1481 : vector<96x128xf32>
    %lt3A_1486 = arith.cmpf olt, %sub3A_1485, %select_n3A_1476 : vector<96x128xf32>
    %select_n3A_1487 = arith.select %lt3A_1486, %sub3A_1485, %select_n3A_1476 : vector<96x128xi1>, vector<96x128xf32>
    %jit3A_1488 = arith.constant 2.000000e+00 : f32
    %broadcast_in_dim3A_1489 = vector.broadcast %jit3A_1488 : f32 to vector<96x128xf32>
    %select_n3A_1490 = arith.select %lt3A_1486, %broadcast_in_dim3A_1489, %select_n3A_1479 : vector<96x128xi1>, vector<96x128xf32>
    %slice3A_1491 = vector.extract_strided_slice %get3A_8 {offsets = [0, 384], sizes = [1, 128], strides = [1, 1]} : vector<1x8192xf32> to vector<1x128xf32>
    %slice3A_1492 = vector.extract_strided_slice %dot_general3A_5 {offsets = [192, 384], sizes = [96, 128], strides = [1, 1]} : vector<576x8192xf32> to vector<96x128xf32>
    %add3A_1493 = vector.broadcast %slice3A_1453 : vector<96x1xf32> to vector<96x128xf32>
    %add3A_1494 = vector.broadcast %slice3A_1491 : vector<1x128xf32> to vector<96x128xf32>
    %add3A_1495 = arith.addf %add3A_1493, %add3A_1494 : vector<96x128xf32>
    %sub3A_1496 = arith.subf %add3A_1495, %slice3A_1492 : vector<96x128xf32>
    %lt3A_1497 = arith.cmpf olt, %sub3A_1496, %select_n3A_1487 : vector<96x128xf32>
    %select_n3A_1498 = arith.select %lt3A_1497, %sub3A_1496, %select_n3A_1487 : vector<96x128xi1>, vector<96x128xf32>
    %jit3A_1499 = arith.constant 3.000000e+00 : f32
    %broadcast_in_dim3A_1500 = vector.broadcast %jit3A_1499 : f32 to vector<96x128xf32>
    %select_n3A_1501 = arith.select %lt3A_1497, %broadcast_in_dim3A_1500, %select_n3A_1490 : vector<96x128xi1>, vector<96x128xf32>
    %slice3A_1502 = vector.extract_strided_slice %get3A_8 {offsets = [0, 512], sizes = [1, 128], strides = [1, 1]} : vector<1x8192xf32> to vector<1x128xf32>
    %slice3A_1503 = vector.extract_strided_slice %dot_general3A_5 {offsets = [192, 512], sizes = [96, 128], strides = [1, 1]} : vector<576x8192xf32> to vector<96x128xf32>
    %add3A_1504 = vector.broadcast %slice3A_1453 : vector<96x1xf32> to vector<96x128xf32>
    %add3A_1505 = vector.broadcast %slice3A_1502 : vector<1x128xf32> to vector<96x128xf32>
    %add3A_1506 = arith.addf %add3A_1504, %add3A_1505 : vector<96x128xf32>
    %sub3A_1507 = arith.subf %add3A_1506, %slice3A_1503 : vector<96x128xf32>
    %lt3A_1508 = arith.cmpf olt, %sub3A_1507, %select_n3A_1498 : vector<96x128xf32>
    %select_n3A_1509 = arith.select %lt3A_1508, %sub3A_1507, %select_n3A_1498 : vector<96x128xi1>, vector<96x128xf32>
    %jit3A_1510 = arith.constant 4.000000e+00 : f32
    %broadcast_in_dim3A_1511 = vector.broadcast %jit3A_1510 : f32 to vector<96x128xf32>
    %select_n3A_1512 = arith.select %lt3A_1508, %broadcast_in_dim3A_1511, %select_n3A_1501 : vector<96x128xi1>, vector<96x128xf32>
    %slice3A_1513 = vector.extract_strided_slice %get3A_8 {offsets = [0, 640], sizes = [1, 128], strides = [1, 1]} : vector<1x8192xf32> to vector<1x128xf32>
    %slice3A_1514 = vector.extract_strided_slice %dot_general3A_5 {offsets = [192, 640], sizes = [96, 128], strides = [1, 1]} : vector<576x8192xf32> to vector<96x128xf32>
    %add3A_1515 = vector.broadcast %slice3A_1453 : vector<96x1xf32> to vector<96x128xf32>
    %add3A_1516 = vector.broadcast %slice3A_1513 : vector<1x128xf32> to vector<96x128xf32>
    %add3A_1517 = arith.addf %add3A_1515, %add3A_1516 : vector<96x128xf32>
    %sub3A_1518 = arith.subf %add3A_1517, %slice3A_1514 : vector<96x128xf32>
    %lt3A_1519 = arith.cmpf olt, %sub3A_1518, %select_n3A_1509 : vector<96x128xf32>
    %select_n3A_1520 = arith.select %lt3A_1519, %sub3A_1518, %select_n3A_1509 : vector<96x128xi1>, vector<96x128xf32>
    %jit3A_1521 = arith.constant 5.000000e+00 : f32
    %broadcast_in_dim3A_1522 = vector.broadcast %jit3A_1521 : f32 to vector<96x128xf32>
    %select_n3A_1523 = arith.select %lt3A_1519, %broadcast_in_dim3A_1522, %select_n3A_1512 : vector<96x128xi1>, vector<96x128xf32>
    %slice3A_1524 = vector.extract_strided_slice %get3A_8 {offsets = [0, 768], sizes = [1, 128], strides = [1, 1]} : vector<1x8192xf32> to vector<1x128xf32>
    %slice3A_1525 = vector.extract_strided_slice %dot_general3A_5 {offsets = [192, 768], sizes = [96, 128], strides = [1, 1]} : vector<576x8192xf32> to vector<96x128xf32>
    %add3A_1526 = vector.broadcast %slice3A_1453 : vector<96x1xf32> to vector<96x128xf32>
    %add3A_1527 = vector.broadcast %slice3A_1524 : vector<1x128xf32> to vector<96x128xf32>
    %add3A_1528 = arith.addf %add3A_1526, %add3A_1527 : vector<96x128xf32>
    %sub3A_1529 = arith.subf %add3A_1528, %slice3A_1525 : vector<96x128xf32>
    %lt3A_1530 = arith.cmpf olt, %sub3A_1529, %select_n3A_1520 : vector<96x128xf32>
    %select_n3A_1531 = arith.select %lt3A_1530, %sub3A_1529, %select_n3A_1520 : vector<96x128xi1>, vector<96x128xf32>
    %jit3A_1532 = arith.constant 6.000000e+00 : f32
    %broadcast_in_dim3A_1533 = vector.broadcast %jit3A_1532 : f32 to vector<96x128xf32>
    %select_n3A_1534 = arith.select %lt3A_1530, %broadcast_in_dim3A_1533, %select_n3A_1523 : vector<96x128xi1>, vector<96x128xf32>
    %slice3A_1535 = vector.extract_strided_slice %get3A_8 {offsets = [0, 896], sizes = [1, 128], strides = [1, 1]} : vector<1x8192xf32> to vector<1x128xf32>
    %slice3A_1536 = vector.extract_strided_slice %dot_general3A_5 {offsets = [192, 896], sizes = [96, 128], strides = [1, 1]} : vector<576x8192xf32> to vector<96x128xf32>
    %add3A_1537 = vector.broadcast %slice3A_1453 : vector<96x1xf32> to vector<96x128xf32>
    %add3A_1538 = vector.broadcast %slice3A_1535 : vector<1x128xf32> to vector<96x128xf32>
    %add3A_1539 = arith.addf %add3A_1537, %add3A_1538 : vector<96x128xf32>
    %sub3A_1540 = arith.subf %add3A_1539, %slice3A_1536 : vector<96x128xf32>
    %lt3A_1541 = arith.cmpf olt, %sub3A_1540, %select_n3A_1531 : vector<96x128xf32>
    %select_n3A_1542 = arith.select %lt3A_1541, %sub3A_1540, %select_n3A_1531 : vector<96x128xi1>, vector<96x128xf32>
    %jit3A_1543 = arith.constant 7.000000e+00 : f32
    %broadcast_in_dim3A_1544 = vector.broadcast %jit3A_1543 : f32 to vector<96x128xf32>
    %select_n3A_1545 = arith.select %lt3A_1541, %broadcast_in_dim3A_1544, %select_n3A_1534 : vector<96x128xi1>, vector<96x128xf32>
    %slice3A_1546 = vector.extract_strided_slice %get3A_8 {offsets = [0, 1024], sizes = [1, 128], strides = [1, 1]} : vector<1x8192xf32> to vector<1x128xf32>
    %slice3A_1547 = vector.extract_strided_slice %dot_general3A_5 {offsets = [192, 1024], sizes = [96, 128], strides = [1, 1]} : vector<576x8192xf32> to vector<96x128xf32>
    %add3A_1548 = vector.broadcast %slice3A_1453 : vector<96x1xf32> to vector<96x128xf32>
    %add3A_1549 = vector.broadcast %slice3A_1546 : vector<1x128xf32> to vector<96x128xf32>
    %add3A_1550 = arith.addf %add3A_1548, %add3A_1549 : vector<96x128xf32>
    %sub3A_1551 = arith.subf %add3A_1550, %slice3A_1547 : vector<96x128xf32>
    %lt3A_1552 = arith.cmpf olt, %sub3A_1551, %select_n3A_1542 : vector<96x128xf32>
    %select_n3A_1553 = arith.select %lt3A_1552, %sub3A_1551, %select_n3A_1542 : vector<96x128xi1>, vector<96x128xf32>
    %jit3A_1554 = arith.constant 8.000000e+00 : f32
    %broadcast_in_dim3A_1555 = vector.broadcast %jit3A_1554 : f32 to vector<96x128xf32>
    %select_n3A_1556 = arith.select %lt3A_1552, %broadcast_in_dim3A_1555, %select_n3A_1545 : vector<96x128xi1>, vector<96x128xf32>
    %slice3A_1557 = vector.extract_strided_slice %get3A_8 {offsets = [0, 1152], sizes = [1, 128], strides = [1, 1]} : vector<1x8192xf32> to vector<1x128xf32>
    %slice3A_1558 = vector.extract_strided_slice %dot_general3A_5 {offsets = [192, 1152], sizes = [96, 128], strides = [1, 1]} : vector<576x8192xf32> to vector<96x128xf32>
    %add3A_1559 = vector.broadcast %slice3A_1453 : vector<96x1xf32> to vector<96x128xf32>
    %add3A_1560 = vector.broadcast %slice3A_1557 : vector<1x128xf32> to vector<96x128xf32>
    %add3A_1561 = arith.addf %add3A_1559, %add3A_1560 : vector<96x128xf32>
    %sub3A_1562 = arith.subf %add3A_1561, %slice3A_1558 : vector<96x128xf32>
    %lt3A_1563 = arith.cmpf olt, %sub3A_1562, %select_n3A_1553 : vector<96x128xf32>
    %select_n3A_1564 = arith.select %lt3A_1563, %sub3A_1562, %select_n3A_1553 : vector<96x128xi1>, vector<96x128xf32>
    %jit3A_1565 = arith.constant 9.000000e+00 : f32
    %broadcast_in_dim3A_1566 = vector.broadcast %jit3A_1565 : f32 to vector<96x128xf32>
    %select_n3A_1567 = arith.select %lt3A_1563, %broadcast_in_dim3A_1566, %select_n3A_1556 : vector<96x128xi1>, vector<96x128xf32>
    %slice3A_1568 = vector.extract_strided_slice %get3A_8 {offsets = [0, 1280], sizes = [1, 128], strides = [1, 1]} : vector<1x8192xf32> to vector<1x128xf32>
    %slice3A_1569 = vector.extract_strided_slice %dot_general3A_5 {offsets = [192, 1280], sizes = [96, 128], strides = [1, 1]} : vector<576x8192xf32> to vector<96x128xf32>
    %add3A_1570 = vector.broadcast %slice3A_1453 : vector<96x1xf32> to vector<96x128xf32>
    %add3A_1571 = vector.broadcast %slice3A_1568 : vector<1x128xf32> to vector<96x128xf32>
    %add3A_1572 = arith.addf %add3A_1570, %add3A_1571 : vector<96x128xf32>
    %sub3A_1573 = arith.subf %add3A_1572, %slice3A_1569 : vector<96x128xf32>
    %lt3A_1574 = arith.cmpf olt, %sub3A_1573, %select_n3A_1564 : vector<96x128xf32>
    %select_n3A_1575 = arith.select %lt3A_1574, %sub3A_1573, %select_n3A_1564 : vector<96x128xi1>, vector<96x128xf32>
    %jit3A_1576 = arith.constant 1.000000e+01 : f32
    %broadcast_in_dim3A_1577 = vector.broadcast %jit3A_1576 : f32 to vector<96x128xf32>
    %select_n3A_1578 = arith.select %lt3A_1574, %broadcast_in_dim3A_1577, %select_n3A_1567 : vector<96x128xi1>, vector<96x128xf32>
    %slice3A_1579 = vector.extract_strided_slice %get3A_8 {offsets = [0, 1408], sizes = [1, 128], strides = [1, 1]} : vector<1x8192xf32> to vector<1x128xf32>
    %slice3A_1580 = vector.extract_strided_slice %dot_general3A_5 {offsets = [192, 1408], sizes = [96, 128], strides = [1, 1]} : vector<576x8192xf32> to vector<96x128xf32>
    %add3A_1581 = vector.broadcast %slice3A_1453 : vector<96x1xf32> to vector<96x128xf32>
    %add3A_1582 = vector.broadcast %slice3A_1579 : vector<1x128xf32> to vector<96x128xf32>
    %add3A_1583 = arith.addf %add3A_1581, %add3A_1582 : vector<96x128xf32>
    %sub3A_1584 = arith.subf %add3A_1583, %slice3A_1580 : vector<96x128xf32>
    %lt3A_1585 = arith.cmpf olt, %sub3A_1584, %select_n3A_1575 : vector<96x128xf32>
    %select_n3A_1586 = arith.select %lt3A_1585, %sub3A_1584, %select_n3A_1575 : vector<96x128xi1>, vector<96x128xf32>
    %jit3A_1587 = arith.constant 1.100000e+01 : f32
    %broadcast_in_dim3A_1588 = vector.broadcast %jit3A_1587 : f32 to vector<96x128xf32>
    %select_n3A_1589 = arith.select %lt3A_1585, %broadcast_in_dim3A_1588, %select_n3A_1578 : vector<96x128xi1>, vector<96x128xf32>
    %slice3A_1590 = vector.extract_strided_slice %get3A_8 {offsets = [0, 1536], sizes = [1, 128], strides = [1, 1]} : vector<1x8192xf32> to vector<1x128xf32>
    %slice3A_1591 = vector.extract_strided_slice %dot_general3A_5 {offsets = [192, 1536], sizes = [96, 128], strides = [1, 1]} : vector<576x8192xf32> to vector<96x128xf32>
    %add3A_1592 = vector.broadcast %slice3A_1453 : vector<96x1xf32> to vector<96x128xf32>
    %add3A_1593 = vector.broadcast %slice3A_1590 : vector<1x128xf32> to vector<96x128xf32>
    %add3A_1594 = arith.addf %add3A_1592, %add3A_1593 : vector<96x128xf32>
    %sub3A_1595 = arith.subf %add3A_1594, %slice3A_1591 : vector<96x128xf32>
    %lt3A_1596 = arith.cmpf olt, %sub3A_1595, %select_n3A_1586 : vector<96x128xf32>
    %select_n3A_1597 = arith.select %lt3A_1596, %sub3A_1595, %select_n3A_1586 : vector<96x128xi1>, vector<96x128xf32>
    %jit3A_1598 = arith.constant 1.200000e+01 : f32
    %broadcast_in_dim3A_1599 = vector.broadcast %jit3A_1598 : f32 to vector<96x128xf32>
    %select_n3A_1600 = arith.select %lt3A_1596, %broadcast_in_dim3A_1599, %select_n3A_1589 : vector<96x128xi1>, vector<96x128xf32>
    %slice3A_1601 = vector.extract_strided_slice %get3A_8 {offsets = [0, 1664], sizes = [1, 128], strides = [1, 1]} : vector<1x8192xf32> to vector<1x128xf32>
    %slice3A_1602 = vector.extract_strided_slice %dot_general3A_5 {offsets = [192, 1664], sizes = [96, 128], strides = [1, 1]} : vector<576x8192xf32> to vector<96x128xf32>
    %add3A_1603 = vector.broadcast %slice3A_1453 : vector<96x1xf32> to vector<96x128xf32>
    %add3A_1604 = vector.broadcast %slice3A_1601 : vector<1x128xf32> to vector<96x128xf32>
    %add3A_1605 = arith.addf %add3A_1603, %add3A_1604 : vector<96x128xf32>
    %sub3A_1606 = arith.subf %add3A_1605, %slice3A_1602 : vector<96x128xf32>
    %lt3A_1607 = arith.cmpf olt, %sub3A_1606, %select_n3A_1597 : vector<96x128xf32>
    %select_n3A_1608 = arith.select %lt3A_1607, %sub3A_1606, %select_n3A_1597 : vector<96x128xi1>, vector<96x128xf32>
    %jit3A_1609 = arith.constant 1.300000e+01 : f32
    %broadcast_in_dim3A_1610 = vector.broadcast %jit3A_1609 : f32 to vector<96x128xf32>
    %select_n3A_1611 = arith.select %lt3A_1607, %broadcast_in_dim3A_1610, %select_n3A_1600 : vector<96x128xi1>, vector<96x128xf32>
    %slice3A_1612 = vector.extract_strided_slice %get3A_8 {offsets = [0, 1792], sizes = [1, 128], strides = [1, 1]} : vector<1x8192xf32> to vector<1x128xf32>
    %slice3A_1613 = vector.extract_strided_slice %dot_general3A_5 {offsets = [192, 1792], sizes = [96, 128], strides = [1, 1]} : vector<576x8192xf32> to vector<96x128xf32>
    %add3A_1614 = vector.broadcast %slice3A_1453 : vector<96x1xf32> to vector<96x128xf32>
    %add3A_1615 = vector.broadcast %slice3A_1612 : vector<1x128xf32> to vector<96x128xf32>
    %add3A_1616 = arith.addf %add3A_1614, %add3A_1615 : vector<96x128xf32>
    %sub3A_1617 = arith.subf %add3A_1616, %slice3A_1613 : vector<96x128xf32>
    %lt3A_1618 = arith.cmpf olt, %sub3A_1617, %select_n3A_1608 : vector<96x128xf32>
    %select_n3A_1619 = arith.select %lt3A_1618, %sub3A_1617, %select_n3A_1608 : vector<96x128xi1>, vector<96x128xf32>
    %jit3A_1620 = arith.constant 1.400000e+01 : f32
    %broadcast_in_dim3A_1621 = vector.broadcast %jit3A_1620 : f32 to vector<96x128xf32>
    %select_n3A_1622 = arith.select %lt3A_1618, %broadcast_in_dim3A_1621, %select_n3A_1611 : vector<96x128xi1>, vector<96x128xf32>
    %slice3A_1623 = vector.extract_strided_slice %get3A_8 {offsets = [0, 1920], sizes = [1, 128], strides = [1, 1]} : vector<1x8192xf32> to vector<1x128xf32>
    %slice3A_1624 = vector.extract_strided_slice %dot_general3A_5 {offsets = [192, 1920], sizes = [96, 128], strides = [1, 1]} : vector<576x8192xf32> to vector<96x128xf32>
    %add3A_1625 = vector.broadcast %slice3A_1453 : vector<96x1xf32> to vector<96x128xf32>
    %add3A_1626 = vector.broadcast %slice3A_1623 : vector<1x128xf32> to vector<96x128xf32>
    %add3A_1627 = arith.addf %add3A_1625, %add3A_1626 : vector<96x128xf32>
    %sub3A_1628 = arith.subf %add3A_1627, %slice3A_1624 : vector<96x128xf32>
    %lt3A_1629 = arith.cmpf olt, %sub3A_1628, %select_n3A_1619 : vector<96x128xf32>
    %select_n3A_1630 = arith.select %lt3A_1629, %sub3A_1628, %select_n3A_1619 : vector<96x128xi1>, vector<96x128xf32>
    %jit3A_1631 = arith.constant 1.500000e+01 : f32
    %broadcast_in_dim3A_1632 = vector.broadcast %jit3A_1631 : f32 to vector<96x128xf32>
    %select_n3A_1633 = arith.select %lt3A_1629, %broadcast_in_dim3A_1632, %select_n3A_1622 : vector<96x128xi1>, vector<96x128xf32>
    %slice3A_1634 = vector.extract_strided_slice %get3A_8 {offsets = [0, 2048], sizes = [1, 128], strides = [1, 1]} : vector<1x8192xf32> to vector<1x128xf32>
    %slice3A_1635 = vector.extract_strided_slice %dot_general3A_5 {offsets = [192, 2048], sizes = [96, 128], strides = [1, 1]} : vector<576x8192xf32> to vector<96x128xf32>
    %add3A_1636 = vector.broadcast %slice3A_1453 : vector<96x1xf32> to vector<96x128xf32>
    %add3A_1637 = vector.broadcast %slice3A_1634 : vector<1x128xf32> to vector<96x128xf32>
    %add3A_1638 = arith.addf %add3A_1636, %add3A_1637 : vector<96x128xf32>
    %sub3A_1639 = arith.subf %add3A_1638, %slice3A_1635 : vector<96x128xf32>
    %lt3A_1640 = arith.cmpf olt, %sub3A_1639, %select_n3A_1630 : vector<96x128xf32>
    %select_n3A_1641 = arith.select %lt3A_1640, %sub3A_1639, %select_n3A_1630 : vector<96x128xi1>, vector<96x128xf32>
    %jit3A_1642 = arith.constant 1.600000e+01 : f32
    %broadcast_in_dim3A_1643 = vector.broadcast %jit3A_1642 : f32 to vector<96x128xf32>
    %select_n3A_1644 = arith.select %lt3A_1640, %broadcast_in_dim3A_1643, %select_n3A_1633 : vector<96x128xi1>, vector<96x128xf32>
    %slice3A_1645 = vector.extract_strided_slice %get3A_8 {offsets = [0, 2176], sizes = [1, 128], strides = [1, 1]} : vector<1x8192xf32> to vector<1x128xf32>
    %slice3A_1646 = vector.extract_strided_slice %dot_general3A_5 {offsets = [192, 2176], sizes = [96, 128], strides = [1, 1]} : vector<576x8192xf32> to vector<96x128xf32>
    %add3A_1647 = vector.broadcast %slice3A_1453 : vector<96x1xf32> to vector<96x128xf32>
    %add3A_1648 = vector.broadcast %slice3A_1645 : vector<1x128xf32> to vector<96x128xf32>
    %add3A_1649 = arith.addf %add3A_1647, %add3A_1648 : vector<96x128xf32>
    %sub3A_1650 = arith.subf %add3A_1649, %slice3A_1646 : vector<96x128xf32>
    %lt3A_1651 = arith.cmpf olt, %sub3A_1650, %select_n3A_1641 : vector<96x128xf32>
    %select_n3A_1652 = arith.select %lt3A_1651, %sub3A_1650, %select_n3A_1641 : vector<96x128xi1>, vector<96x128xf32>
    %jit3A_1653 = arith.constant 1.700000e+01 : f32
    %broadcast_in_dim3A_1654 = vector.broadcast %jit3A_1653 : f32 to vector<96x128xf32>
    %select_n3A_1655 = arith.select %lt3A_1651, %broadcast_in_dim3A_1654, %select_n3A_1644 : vector<96x128xi1>, vector<96x128xf32>
    %slice3A_1656 = vector.extract_strided_slice %get3A_8 {offsets = [0, 2304], sizes = [1, 128], strides = [1, 1]} : vector<1x8192xf32> to vector<1x128xf32>
    %slice3A_1657 = vector.extract_strided_slice %dot_general3A_5 {offsets = [192, 2304], sizes = [96, 128], strides = [1, 1]} : vector<576x8192xf32> to vector<96x128xf32>
    %add3A_1658 = vector.broadcast %slice3A_1453 : vector<96x1xf32> to vector<96x128xf32>
    %add3A_1659 = vector.broadcast %slice3A_1656 : vector<1x128xf32> to vector<96x128xf32>
    %add3A_1660 = arith.addf %add3A_1658, %add3A_1659 : vector<96x128xf32>
    %sub3A_1661 = arith.subf %add3A_1660, %slice3A_1657 : vector<96x128xf32>
    %lt3A_1662 = arith.cmpf olt, %sub3A_1661, %select_n3A_1652 : vector<96x128xf32>
    %select_n3A_1663 = arith.select %lt3A_1662, %sub3A_1661, %select_n3A_1652 : vector<96x128xi1>, vector<96x128xf32>
    %jit3A_1664 = arith.constant 1.800000e+01 : f32
    %broadcast_in_dim3A_1665 = vector.broadcast %jit3A_1664 : f32 to vector<96x128xf32>
    %select_n3A_1666 = arith.select %lt3A_1662, %broadcast_in_dim3A_1665, %select_n3A_1655 : vector<96x128xi1>, vector<96x128xf32>
    %slice3A_1667 = vector.extract_strided_slice %get3A_8 {offsets = [0, 2432], sizes = [1, 128], strides = [1, 1]} : vector<1x8192xf32> to vector<1x128xf32>
    %slice3A_1668 = vector.extract_strided_slice %dot_general3A_5 {offsets = [192, 2432], sizes = [96, 128], strides = [1, 1]} : vector<576x8192xf32> to vector<96x128xf32>
    %add3A_1669 = vector.broadcast %slice3A_1453 : vector<96x1xf32> to vector<96x128xf32>
    %add3A_1670 = vector.broadcast %slice3A_1667 : vector<1x128xf32> to vector<96x128xf32>
    %add3A_1671 = arith.addf %add3A_1669, %add3A_1670 : vector<96x128xf32>
    %sub3A_1672 = arith.subf %add3A_1671, %slice3A_1668 : vector<96x128xf32>
    %lt3A_1673 = arith.cmpf olt, %sub3A_1672, %select_n3A_1663 : vector<96x128xf32>
    %select_n3A_1674 = arith.select %lt3A_1673, %sub3A_1672, %select_n3A_1663 : vector<96x128xi1>, vector<96x128xf32>
    %jit3A_1675 = arith.constant 1.900000e+01 : f32
    %broadcast_in_dim3A_1676 = vector.broadcast %jit3A_1675 : f32 to vector<96x128xf32>
    %select_n3A_1677 = arith.select %lt3A_1673, %broadcast_in_dim3A_1676, %select_n3A_1666 : vector<96x128xi1>, vector<96x128xf32>
    %slice3A_1678 = vector.extract_strided_slice %get3A_8 {offsets = [0, 2560], sizes = [1, 128], strides = [1, 1]} : vector<1x8192xf32> to vector<1x128xf32>
    %slice3A_1679 = vector.extract_strided_slice %dot_general3A_5 {offsets = [192, 2560], sizes = [96, 128], strides = [1, 1]} : vector<576x8192xf32> to vector<96x128xf32>
    %add3A_1680 = vector.broadcast %slice3A_1453 : vector<96x1xf32> to vector<96x128xf32>
    %add3A_1681 = vector.broadcast %slice3A_1678 : vector<1x128xf32> to vector<96x128xf32>
    %add3A_1682 = arith.addf %add3A_1680, %add3A_1681 : vector<96x128xf32>
    %sub3A_1683 = arith.subf %add3A_1682, %slice3A_1679 : vector<96x128xf32>
    %lt3A_1684 = arith.cmpf olt, %sub3A_1683, %select_n3A_1674 : vector<96x128xf32>
    %select_n3A_1685 = arith.select %lt3A_1684, %sub3A_1683, %select_n3A_1674 : vector<96x128xi1>, vector<96x128xf32>
    %jit3A_1686 = arith.constant 2.000000e+01 : f32
    %broadcast_in_dim3A_1687 = vector.broadcast %jit3A_1686 : f32 to vector<96x128xf32>
    %select_n3A_1688 = arith.select %lt3A_1684, %broadcast_in_dim3A_1687, %select_n3A_1677 : vector<96x128xi1>, vector<96x128xf32>
    %slice3A_1689 = vector.extract_strided_slice %get3A_8 {offsets = [0, 2688], sizes = [1, 128], strides = [1, 1]} : vector<1x8192xf32> to vector<1x128xf32>
    %slice3A_1690 = vector.extract_strided_slice %dot_general3A_5 {offsets = [192, 2688], sizes = [96, 128], strides = [1, 1]} : vector<576x8192xf32> to vector<96x128xf32>
    %add3A_1691 = vector.broadcast %slice3A_1453 : vector<96x1xf32> to vector<96x128xf32>
    %add3A_1692 = vector.broadcast %slice3A_1689 : vector<1x128xf32> to vector<96x128xf32>
    %add3A_1693 = arith.addf %add3A_1691, %add3A_1692 : vector<96x128xf32>
    %sub3A_1694 = arith.subf %add3A_1693, %slice3A_1690 : vector<96x128xf32>
    %lt3A_1695 = arith.cmpf olt, %sub3A_1694, %select_n3A_1685 : vector<96x128xf32>
    %select_n3A_1696 = arith.select %lt3A_1695, %sub3A_1694, %select_n3A_1685 : vector<96x128xi1>, vector<96x128xf32>
    %jit3A_1697 = arith.constant 2.100000e+01 : f32
    %broadcast_in_dim3A_1698 = vector.broadcast %jit3A_1697 : f32 to vector<96x128xf32>
    %select_n3A_1699 = arith.select %lt3A_1695, %broadcast_in_dim3A_1698, %select_n3A_1688 : vector<96x128xi1>, vector<96x128xf32>
    %slice3A_1700 = vector.extract_strided_slice %get3A_8 {offsets = [0, 2816], sizes = [1, 128], strides = [1, 1]} : vector<1x8192xf32> to vector<1x128xf32>
    %slice3A_1701 = vector.extract_strided_slice %dot_general3A_5 {offsets = [192, 2816], sizes = [96, 128], strides = [1, 1]} : vector<576x8192xf32> to vector<96x128xf32>
    %add3A_1702 = vector.broadcast %slice3A_1453 : vector<96x1xf32> to vector<96x128xf32>
    %add3A_1703 = vector.broadcast %slice3A_1700 : vector<1x128xf32> to vector<96x128xf32>
    %add3A_1704 = arith.addf %add3A_1702, %add3A_1703 : vector<96x128xf32>
    %sub3A_1705 = arith.subf %add3A_1704, %slice3A_1701 : vector<96x128xf32>
    %lt3A_1706 = arith.cmpf olt, %sub3A_1705, %select_n3A_1696 : vector<96x128xf32>
    %select_n3A_1707 = arith.select %lt3A_1706, %sub3A_1705, %select_n3A_1696 : vector<96x128xi1>, vector<96x128xf32>
    %jit3A_1708 = arith.constant 2.200000e+01 : f32
    %broadcast_in_dim3A_1709 = vector.broadcast %jit3A_1708 : f32 to vector<96x128xf32>
    %select_n3A_1710 = arith.select %lt3A_1706, %broadcast_in_dim3A_1709, %select_n3A_1699 : vector<96x128xi1>, vector<96x128xf32>
    %slice3A_1711 = vector.extract_strided_slice %get3A_8 {offsets = [0, 2944], sizes = [1, 128], strides = [1, 1]} : vector<1x8192xf32> to vector<1x128xf32>
    %slice3A_1712 = vector.extract_strided_slice %dot_general3A_5 {offsets = [192, 2944], sizes = [96, 128], strides = [1, 1]} : vector<576x8192xf32> to vector<96x128xf32>
    %add3A_1713 = vector.broadcast %slice3A_1453 : vector<96x1xf32> to vector<96x128xf32>
    %add3A_1714 = vector.broadcast %slice3A_1711 : vector<1x128xf32> to vector<96x128xf32>
    %add3A_1715 = arith.addf %add3A_1713, %add3A_1714 : vector<96x128xf32>
    %sub3A_1716 = arith.subf %add3A_1715, %slice3A_1712 : vector<96x128xf32>
    %lt3A_1717 = arith.cmpf olt, %sub3A_1716, %select_n3A_1707 : vector<96x128xf32>
    %select_n3A_1718 = arith.select %lt3A_1717, %sub3A_1716, %select_n3A_1707 : vector<96x128xi1>, vector<96x128xf32>
    %jit3A_1719 = arith.constant 2.300000e+01 : f32
    %broadcast_in_dim3A_1720 = vector.broadcast %jit3A_1719 : f32 to vector<96x128xf32>
    %select_n3A_1721 = arith.select %lt3A_1717, %broadcast_in_dim3A_1720, %select_n3A_1710 : vector<96x128xi1>, vector<96x128xf32>
    %slice3A_1722 = vector.extract_strided_slice %get3A_8 {offsets = [0, 3072], sizes = [1, 128], strides = [1, 1]} : vector<1x8192xf32> to vector<1x128xf32>
    %slice3A_1723 = vector.extract_strided_slice %dot_general3A_5 {offsets = [192, 3072], sizes = [96, 128], strides = [1, 1]} : vector<576x8192xf32> to vector<96x128xf32>
    %add3A_1724 = vector.broadcast %slice3A_1453 : vector<96x1xf32> to vector<96x128xf32>
    %add3A_1725 = vector.broadcast %slice3A_1722 : vector<1x128xf32> to vector<96x128xf32>
    %add3A_1726 = arith.addf %add3A_1724, %add3A_1725 : vector<96x128xf32>
    %sub3A_1727 = arith.subf %add3A_1726, %slice3A_1723 : vector<96x128xf32>
    %lt3A_1728 = arith.cmpf olt, %sub3A_1727, %select_n3A_1718 : vector<96x128xf32>
    %select_n3A_1729 = arith.select %lt3A_1728, %sub3A_1727, %select_n3A_1718 : vector<96x128xi1>, vector<96x128xf32>
    %jit3A_1730 = arith.constant 2.400000e+01 : f32
    %broadcast_in_dim3A_1731 = vector.broadcast %jit3A_1730 : f32 to vector<96x128xf32>
    %select_n3A_1732 = arith.select %lt3A_1728, %broadcast_in_dim3A_1731, %select_n3A_1721 : vector<96x128xi1>, vector<96x128xf32>
    %slice3A_1733 = vector.extract_strided_slice %get3A_8 {offsets = [0, 3200], sizes = [1, 128], strides = [1, 1]} : vector<1x8192xf32> to vector<1x128xf32>
    %slice3A_1734 = vector.extract_strided_slice %dot_general3A_5 {offsets = [192, 3200], sizes = [96, 128], strides = [1, 1]} : vector<576x8192xf32> to vector<96x128xf32>
    %add3A_1735 = vector.broadcast %slice3A_1453 : vector<96x1xf32> to vector<96x128xf32>
    %add3A_1736 = vector.broadcast %slice3A_1733 : vector<1x128xf32> to vector<96x128xf32>
    %add3A_1737 = arith.addf %add3A_1735, %add3A_1736 : vector<96x128xf32>
    %sub3A_1738 = arith.subf %add3A_1737, %slice3A_1734 : vector<96x128xf32>
    %lt3A_1739 = arith.cmpf olt, %sub3A_1738, %select_n3A_1729 : vector<96x128xf32>
    %select_n3A_1740 = arith.select %lt3A_1739, %sub3A_1738, %select_n3A_1729 : vector<96x128xi1>, vector<96x128xf32>
    %jit3A_1741 = arith.constant 2.500000e+01 : f32
    %broadcast_in_dim3A_1742 = vector.broadcast %jit3A_1741 : f32 to vector<96x128xf32>
    %select_n3A_1743 = arith.select %lt3A_1739, %broadcast_in_dim3A_1742, %select_n3A_1732 : vector<96x128xi1>, vector<96x128xf32>
    %slice3A_1744 = vector.extract_strided_slice %get3A_8 {offsets = [0, 3328], sizes = [1, 128], strides = [1, 1]} : vector<1x8192xf32> to vector<1x128xf32>
    %slice3A_1745 = vector.extract_strided_slice %dot_general3A_5 {offsets = [192, 3328], sizes = [96, 128], strides = [1, 1]} : vector<576x8192xf32> to vector<96x128xf32>
    %add3A_1746 = vector.broadcast %slice3A_1453 : vector<96x1xf32> to vector<96x128xf32>
    %add3A_1747 = vector.broadcast %slice3A_1744 : vector<1x128xf32> to vector<96x128xf32>
    %add3A_1748 = arith.addf %add3A_1746, %add3A_1747 : vector<96x128xf32>
    %sub3A_1749 = arith.subf %add3A_1748, %slice3A_1745 : vector<96x128xf32>
    %lt3A_1750 = arith.cmpf olt, %sub3A_1749, %select_n3A_1740 : vector<96x128xf32>
    %select_n3A_1751 = arith.select %lt3A_1750, %sub3A_1749, %select_n3A_1740 : vector<96x128xi1>, vector<96x128xf32>
    %jit3A_1752 = arith.constant 2.600000e+01 : f32
    %broadcast_in_dim3A_1753 = vector.broadcast %jit3A_1752 : f32 to vector<96x128xf32>
    %select_n3A_1754 = arith.select %lt3A_1750, %broadcast_in_dim3A_1753, %select_n3A_1743 : vector<96x128xi1>, vector<96x128xf32>
    %slice3A_1755 = vector.extract_strided_slice %get3A_8 {offsets = [0, 3456], sizes = [1, 128], strides = [1, 1]} : vector<1x8192xf32> to vector<1x128xf32>
    %slice3A_1756 = vector.extract_strided_slice %dot_general3A_5 {offsets = [192, 3456], sizes = [96, 128], strides = [1, 1]} : vector<576x8192xf32> to vector<96x128xf32>
    %add3A_1757 = vector.broadcast %slice3A_1453 : vector<96x1xf32> to vector<96x128xf32>
    %add3A_1758 = vector.broadcast %slice3A_1755 : vector<1x128xf32> to vector<96x128xf32>
    %add3A_1759 = arith.addf %add3A_1757, %add3A_1758 : vector<96x128xf32>
    %sub3A_1760 = arith.subf %add3A_1759, %slice3A_1756 : vector<96x128xf32>
    %lt3A_1761 = arith.cmpf olt, %sub3A_1760, %select_n3A_1751 : vector<96x128xf32>
    %select_n3A_1762 = arith.select %lt3A_1761, %sub3A_1760, %select_n3A_1751 : vector<96x128xi1>, vector<96x128xf32>
    %jit3A_1763 = arith.constant 2.700000e+01 : f32
    %broadcast_in_dim3A_1764 = vector.broadcast %jit3A_1763 : f32 to vector<96x128xf32>
    %select_n3A_1765 = arith.select %lt3A_1761, %broadcast_in_dim3A_1764, %select_n3A_1754 : vector<96x128xi1>, vector<96x128xf32>
    %slice3A_1766 = vector.extract_strided_slice %get3A_8 {offsets = [0, 3584], sizes = [1, 128], strides = [1, 1]} : vector<1x8192xf32> to vector<1x128xf32>
    %slice3A_1767 = vector.extract_strided_slice %dot_general3A_5 {offsets = [192, 3584], sizes = [96, 128], strides = [1, 1]} : vector<576x8192xf32> to vector<96x128xf32>
    %add3A_1768 = vector.broadcast %slice3A_1453 : vector<96x1xf32> to vector<96x128xf32>
    %add3A_1769 = vector.broadcast %slice3A_1766 : vector<1x128xf32> to vector<96x128xf32>
    %add3A_1770 = arith.addf %add3A_1768, %add3A_1769 : vector<96x128xf32>
    %sub3A_1771 = arith.subf %add3A_1770, %slice3A_1767 : vector<96x128xf32>
    %lt3A_1772 = arith.cmpf olt, %sub3A_1771, %select_n3A_1762 : vector<96x128xf32>
    %select_n3A_1773 = arith.select %lt3A_1772, %sub3A_1771, %select_n3A_1762 : vector<96x128xi1>, vector<96x128xf32>
    %jit3A_1774 = arith.constant 2.800000e+01 : f32
    %broadcast_in_dim3A_1775 = vector.broadcast %jit3A_1774 : f32 to vector<96x128xf32>
    %select_n3A_1776 = arith.select %lt3A_1772, %broadcast_in_dim3A_1775, %select_n3A_1765 : vector<96x128xi1>, vector<96x128xf32>
    %slice3A_1777 = vector.extract_strided_slice %get3A_8 {offsets = [0, 3712], sizes = [1, 128], strides = [1, 1]} : vector<1x8192xf32> to vector<1x128xf32>
    %slice3A_1778 = vector.extract_strided_slice %dot_general3A_5 {offsets = [192, 3712], sizes = [96, 128], strides = [1, 1]} : vector<576x8192xf32> to vector<96x128xf32>
    %add3A_1779 = vector.broadcast %slice3A_1453 : vector<96x1xf32> to vector<96x128xf32>
    %add3A_1780 = vector.broadcast %slice3A_1777 : vector<1x128xf32> to vector<96x128xf32>
    %add3A_1781 = arith.addf %add3A_1779, %add3A_1780 : vector<96x128xf32>
    %sub3A_1782 = arith.subf %add3A_1781, %slice3A_1778 : vector<96x128xf32>
    %lt3A_1783 = arith.cmpf olt, %sub3A_1782, %select_n3A_1773 : vector<96x128xf32>
    %select_n3A_1784 = arith.select %lt3A_1783, %sub3A_1782, %select_n3A_1773 : vector<96x128xi1>, vector<96x128xf32>
    %jit3A_1785 = arith.constant 2.900000e+01 : f32
    %broadcast_in_dim3A_1786 = vector.broadcast %jit3A_1785 : f32 to vector<96x128xf32>
    %select_n3A_1787 = arith.select %lt3A_1783, %broadcast_in_dim3A_1786, %select_n3A_1776 : vector<96x128xi1>, vector<96x128xf32>
    %slice3A_1788 = vector.extract_strided_slice %get3A_8 {offsets = [0, 3840], sizes = [1, 128], strides = [1, 1]} : vector<1x8192xf32> to vector<1x128xf32>
    %slice3A_1789 = vector.extract_strided_slice %dot_general3A_5 {offsets = [192, 3840], sizes = [96, 128], strides = [1, 1]} : vector<576x8192xf32> to vector<96x128xf32>
    %add3A_1790 = vector.broadcast %slice3A_1453 : vector<96x1xf32> to vector<96x128xf32>
    %add3A_1791 = vector.broadcast %slice3A_1788 : vector<1x128xf32> to vector<96x128xf32>
    %add3A_1792 = arith.addf %add3A_1790, %add3A_1791 : vector<96x128xf32>
    %sub3A_1793 = arith.subf %add3A_1792, %slice3A_1789 : vector<96x128xf32>
    %lt3A_1794 = arith.cmpf olt, %sub3A_1793, %select_n3A_1784 : vector<96x128xf32>
    %select_n3A_1795 = arith.select %lt3A_1794, %sub3A_1793, %select_n3A_1784 : vector<96x128xi1>, vector<96x128xf32>
    %jit3A_1796 = arith.constant 3.000000e+01 : f32
    %broadcast_in_dim3A_1797 = vector.broadcast %jit3A_1796 : f32 to vector<96x128xf32>
    %select_n3A_1798 = arith.select %lt3A_1794, %broadcast_in_dim3A_1797, %select_n3A_1787 : vector<96x128xi1>, vector<96x128xf32>
    %slice3A_1799 = vector.extract_strided_slice %get3A_8 {offsets = [0, 3968], sizes = [1, 128], strides = [1, 1]} : vector<1x8192xf32> to vector<1x128xf32>
    %slice3A_1800 = vector.extract_strided_slice %dot_general3A_5 {offsets = [192, 3968], sizes = [96, 128], strides = [1, 1]} : vector<576x8192xf32> to vector<96x128xf32>
    %add3A_1801 = vector.broadcast %slice3A_1453 : vector<96x1xf32> to vector<96x128xf32>
    %add3A_1802 = vector.broadcast %slice3A_1799 : vector<1x128xf32> to vector<96x128xf32>
    %add3A_1803 = arith.addf %add3A_1801, %add3A_1802 : vector<96x128xf32>
    %sub3A_1804 = arith.subf %add3A_1803, %slice3A_1800 : vector<96x128xf32>
    %lt3A_1805 = arith.cmpf olt, %sub3A_1804, %select_n3A_1795 : vector<96x128xf32>
    %select_n3A_1806 = arith.select %lt3A_1805, %sub3A_1804, %select_n3A_1795 : vector<96x128xi1>, vector<96x128xf32>
    %jit3A_1807 = arith.constant 3.100000e+01 : f32
    %broadcast_in_dim3A_1808 = vector.broadcast %jit3A_1807 : f32 to vector<96x128xf32>
    %select_n3A_1809 = arith.select %lt3A_1805, %broadcast_in_dim3A_1808, %select_n3A_1798 : vector<96x128xi1>, vector<96x128xf32>
    %slice3A_1810 = vector.extract_strided_slice %get3A_8 {offsets = [0, 4096], sizes = [1, 128], strides = [1, 1]} : vector<1x8192xf32> to vector<1x128xf32>
    %slice3A_1811 = vector.extract_strided_slice %dot_general3A_5 {offsets = [192, 4096], sizes = [96, 128], strides = [1, 1]} : vector<576x8192xf32> to vector<96x128xf32>
    %add3A_1812 = vector.broadcast %slice3A_1453 : vector<96x1xf32> to vector<96x128xf32>
    %add3A_1813 = vector.broadcast %slice3A_1810 : vector<1x128xf32> to vector<96x128xf32>
    %add3A_1814 = arith.addf %add3A_1812, %add3A_1813 : vector<96x128xf32>
    %sub3A_1815 = arith.subf %add3A_1814, %slice3A_1811 : vector<96x128xf32>
    %lt3A_1816 = arith.cmpf olt, %sub3A_1815, %select_n3A_1806 : vector<96x128xf32>
    %select_n3A_1817 = arith.select %lt3A_1816, %sub3A_1815, %select_n3A_1806 : vector<96x128xi1>, vector<96x128xf32>
    %jit3A_1818 = arith.constant 3.200000e+01 : f32
    %broadcast_in_dim3A_1819 = vector.broadcast %jit3A_1818 : f32 to vector<96x128xf32>
    %select_n3A_1820 = arith.select %lt3A_1816, %broadcast_in_dim3A_1819, %select_n3A_1809 : vector<96x128xi1>, vector<96x128xf32>
    %slice3A_1821 = vector.extract_strided_slice %get3A_8 {offsets = [0, 4224], sizes = [1, 128], strides = [1, 1]} : vector<1x8192xf32> to vector<1x128xf32>
    %slice3A_1822 = vector.extract_strided_slice %dot_general3A_5 {offsets = [192, 4224], sizes = [96, 128], strides = [1, 1]} : vector<576x8192xf32> to vector<96x128xf32>
    %add3A_1823 = vector.broadcast %slice3A_1453 : vector<96x1xf32> to vector<96x128xf32>
    %add3A_1824 = vector.broadcast %slice3A_1821 : vector<1x128xf32> to vector<96x128xf32>
    %add3A_1825 = arith.addf %add3A_1823, %add3A_1824 : vector<96x128xf32>
    %sub3A_1826 = arith.subf %add3A_1825, %slice3A_1822 : vector<96x128xf32>
    %lt3A_1827 = arith.cmpf olt, %sub3A_1826, %select_n3A_1817 : vector<96x128xf32>
    %select_n3A_1828 = arith.select %lt3A_1827, %sub3A_1826, %select_n3A_1817 : vector<96x128xi1>, vector<96x128xf32>
    %jit3A_1829 = arith.constant 3.300000e+01 : f32
    %broadcast_in_dim3A_1830 = vector.broadcast %jit3A_1829 : f32 to vector<96x128xf32>
    %select_n3A_1831 = arith.select %lt3A_1827, %broadcast_in_dim3A_1830, %select_n3A_1820 : vector<96x128xi1>, vector<96x128xf32>
    %slice3A_1832 = vector.extract_strided_slice %get3A_8 {offsets = [0, 4352], sizes = [1, 128], strides = [1, 1]} : vector<1x8192xf32> to vector<1x128xf32>
    %slice3A_1833 = vector.extract_strided_slice %dot_general3A_5 {offsets = [192, 4352], sizes = [96, 128], strides = [1, 1]} : vector<576x8192xf32> to vector<96x128xf32>
    %add3A_1834 = vector.broadcast %slice3A_1453 : vector<96x1xf32> to vector<96x128xf32>
    %add3A_1835 = vector.broadcast %slice3A_1832 : vector<1x128xf32> to vector<96x128xf32>
    %add3A_1836 = arith.addf %add3A_1834, %add3A_1835 : vector<96x128xf32>
    %sub3A_1837 = arith.subf %add3A_1836, %slice3A_1833 : vector<96x128xf32>
    %lt3A_1838 = arith.cmpf olt, %sub3A_1837, %select_n3A_1828 : vector<96x128xf32>
    %select_n3A_1839 = arith.select %lt3A_1838, %sub3A_1837, %select_n3A_1828 : vector<96x128xi1>, vector<96x128xf32>
    %jit3A_1840 = arith.constant 3.400000e+01 : f32
    %broadcast_in_dim3A_1841 = vector.broadcast %jit3A_1840 : f32 to vector<96x128xf32>
    %select_n3A_1842 = arith.select %lt3A_1838, %broadcast_in_dim3A_1841, %select_n3A_1831 : vector<96x128xi1>, vector<96x128xf32>
    %slice3A_1843 = vector.extract_strided_slice %get3A_8 {offsets = [0, 4480], sizes = [1, 128], strides = [1, 1]} : vector<1x8192xf32> to vector<1x128xf32>
    %slice3A_1844 = vector.extract_strided_slice %dot_general3A_5 {offsets = [192, 4480], sizes = [96, 128], strides = [1, 1]} : vector<576x8192xf32> to vector<96x128xf32>
    %add3A_1845 = vector.broadcast %slice3A_1453 : vector<96x1xf32> to vector<96x128xf32>
    %add3A_1846 = vector.broadcast %slice3A_1843 : vector<1x128xf32> to vector<96x128xf32>
    %add3A_1847 = arith.addf %add3A_1845, %add3A_1846 : vector<96x128xf32>
    %sub3A_1848 = arith.subf %add3A_1847, %slice3A_1844 : vector<96x128xf32>
    %lt3A_1849 = arith.cmpf olt, %sub3A_1848, %select_n3A_1839 : vector<96x128xf32>
    %select_n3A_1850 = arith.select %lt3A_1849, %sub3A_1848, %select_n3A_1839 : vector<96x128xi1>, vector<96x128xf32>
    %jit3A_1851 = arith.constant 3.500000e+01 : f32
    %broadcast_in_dim3A_1852 = vector.broadcast %jit3A_1851 : f32 to vector<96x128xf32>
    %select_n3A_1853 = arith.select %lt3A_1849, %broadcast_in_dim3A_1852, %select_n3A_1842 : vector<96x128xi1>, vector<96x128xf32>
    %slice3A_1854 = vector.extract_strided_slice %get3A_8 {offsets = [0, 4608], sizes = [1, 128], strides = [1, 1]} : vector<1x8192xf32> to vector<1x128xf32>
    %slice3A_1855 = vector.extract_strided_slice %dot_general3A_5 {offsets = [192, 4608], sizes = [96, 128], strides = [1, 1]} : vector<576x8192xf32> to vector<96x128xf32>
    %add3A_1856 = vector.broadcast %slice3A_1453 : vector<96x1xf32> to vector<96x128xf32>
    %add3A_1857 = vector.broadcast %slice3A_1854 : vector<1x128xf32> to vector<96x128xf32>
    %add3A_1858 = arith.addf %add3A_1856, %add3A_1857 : vector<96x128xf32>
    %sub3A_1859 = arith.subf %add3A_1858, %slice3A_1855 : vector<96x128xf32>
    %lt3A_1860 = arith.cmpf olt, %sub3A_1859, %select_n3A_1850 : vector<96x128xf32>
    %select_n3A_1861 = arith.select %lt3A_1860, %sub3A_1859, %select_n3A_1850 : vector<96x128xi1>, vector<96x128xf32>
    %jit3A_1862 = arith.constant 3.600000e+01 : f32
    %broadcast_in_dim3A_1863 = vector.broadcast %jit3A_1862 : f32 to vector<96x128xf32>
    %select_n3A_1864 = arith.select %lt3A_1860, %broadcast_in_dim3A_1863, %select_n3A_1853 : vector<96x128xi1>, vector<96x128xf32>
    %slice3A_1865 = vector.extract_strided_slice %get3A_8 {offsets = [0, 4736], sizes = [1, 128], strides = [1, 1]} : vector<1x8192xf32> to vector<1x128xf32>
    %slice3A_1866 = vector.extract_strided_slice %dot_general3A_5 {offsets = [192, 4736], sizes = [96, 128], strides = [1, 1]} : vector<576x8192xf32> to vector<96x128xf32>
    %add3A_1867 = vector.broadcast %slice3A_1453 : vector<96x1xf32> to vector<96x128xf32>
    %add3A_1868 = vector.broadcast %slice3A_1865 : vector<1x128xf32> to vector<96x128xf32>
    %add3A_1869 = arith.addf %add3A_1867, %add3A_1868 : vector<96x128xf32>
    %sub3A_1870 = arith.subf %add3A_1869, %slice3A_1866 : vector<96x128xf32>
    %lt3A_1871 = arith.cmpf olt, %sub3A_1870, %select_n3A_1861 : vector<96x128xf32>
    %select_n3A_1872 = arith.select %lt3A_1871, %sub3A_1870, %select_n3A_1861 : vector<96x128xi1>, vector<96x128xf32>
    %jit3A_1873 = arith.constant 3.700000e+01 : f32
    %broadcast_in_dim3A_1874 = vector.broadcast %jit3A_1873 : f32 to vector<96x128xf32>
    %select_n3A_1875 = arith.select %lt3A_1871, %broadcast_in_dim3A_1874, %select_n3A_1864 : vector<96x128xi1>, vector<96x128xf32>
    %slice3A_1876 = vector.extract_strided_slice %get3A_8 {offsets = [0, 4864], sizes = [1, 128], strides = [1, 1]} : vector<1x8192xf32> to vector<1x128xf32>
    %slice3A_1877 = vector.extract_strided_slice %dot_general3A_5 {offsets = [192, 4864], sizes = [96, 128], strides = [1, 1]} : vector<576x8192xf32> to vector<96x128xf32>
    %add3A_1878 = vector.broadcast %slice3A_1453 : vector<96x1xf32> to vector<96x128xf32>
    %add3A_1879 = vector.broadcast %slice3A_1876 : vector<1x128xf32> to vector<96x128xf32>
    %add3A_1880 = arith.addf %add3A_1878, %add3A_1879 : vector<96x128xf32>
    %sub3A_1881 = arith.subf %add3A_1880, %slice3A_1877 : vector<96x128xf32>
    %lt3A_1882 = arith.cmpf olt, %sub3A_1881, %select_n3A_1872 : vector<96x128xf32>
    %select_n3A_1883 = arith.select %lt3A_1882, %sub3A_1881, %select_n3A_1872 : vector<96x128xi1>, vector<96x128xf32>
    %jit3A_1884 = arith.constant 3.800000e+01 : f32
    %broadcast_in_dim3A_1885 = vector.broadcast %jit3A_1884 : f32 to vector<96x128xf32>
    %select_n3A_1886 = arith.select %lt3A_1882, %broadcast_in_dim3A_1885, %select_n3A_1875 : vector<96x128xi1>, vector<96x128xf32>
    %slice3A_1887 = vector.extract_strided_slice %get3A_8 {offsets = [0, 4992], sizes = [1, 128], strides = [1, 1]} : vector<1x8192xf32> to vector<1x128xf32>
    %slice3A_1888 = vector.extract_strided_slice %dot_general3A_5 {offsets = [192, 4992], sizes = [96, 128], strides = [1, 1]} : vector<576x8192xf32> to vector<96x128xf32>
    %add3A_1889 = vector.broadcast %slice3A_1453 : vector<96x1xf32> to vector<96x128xf32>
    %add3A_1890 = vector.broadcast %slice3A_1887 : vector<1x128xf32> to vector<96x128xf32>
    %add3A_1891 = arith.addf %add3A_1889, %add3A_1890 : vector<96x128xf32>
    %sub3A_1892 = arith.subf %add3A_1891, %slice3A_1888 : vector<96x128xf32>
    %lt3A_1893 = arith.cmpf olt, %sub3A_1892, %select_n3A_1883 : vector<96x128xf32>
    %select_n3A_1894 = arith.select %lt3A_1893, %sub3A_1892, %select_n3A_1883 : vector<96x128xi1>, vector<96x128xf32>
    %jit3A_1895 = arith.constant 3.900000e+01 : f32
    %broadcast_in_dim3A_1896 = vector.broadcast %jit3A_1895 : f32 to vector<96x128xf32>
    %select_n3A_1897 = arith.select %lt3A_1893, %broadcast_in_dim3A_1896, %select_n3A_1886 : vector<96x128xi1>, vector<96x128xf32>
    %slice3A_1898 = vector.extract_strided_slice %get3A_8 {offsets = [0, 5120], sizes = [1, 128], strides = [1, 1]} : vector<1x8192xf32> to vector<1x128xf32>
    %slice3A_1899 = vector.extract_strided_slice %dot_general3A_5 {offsets = [192, 5120], sizes = [96, 128], strides = [1, 1]} : vector<576x8192xf32> to vector<96x128xf32>
    %add3A_1900 = vector.broadcast %slice3A_1453 : vector<96x1xf32> to vector<96x128xf32>
    %add3A_1901 = vector.broadcast %slice3A_1898 : vector<1x128xf32> to vector<96x128xf32>
    %add3A_1902 = arith.addf %add3A_1900, %add3A_1901 : vector<96x128xf32>
    %sub3A_1903 = arith.subf %add3A_1902, %slice3A_1899 : vector<96x128xf32>
    %lt3A_1904 = arith.cmpf olt, %sub3A_1903, %select_n3A_1894 : vector<96x128xf32>
    %select_n3A_1905 = arith.select %lt3A_1904, %sub3A_1903, %select_n3A_1894 : vector<96x128xi1>, vector<96x128xf32>
    %jit3A_1906 = arith.constant 4.000000e+01 : f32
    %broadcast_in_dim3A_1907 = vector.broadcast %jit3A_1906 : f32 to vector<96x128xf32>
    %select_n3A_1908 = arith.select %lt3A_1904, %broadcast_in_dim3A_1907, %select_n3A_1897 : vector<96x128xi1>, vector<96x128xf32>
    %slice3A_1909 = vector.extract_strided_slice %get3A_8 {offsets = [0, 5248], sizes = [1, 128], strides = [1, 1]} : vector<1x8192xf32> to vector<1x128xf32>
    %slice3A_1910 = vector.extract_strided_slice %dot_general3A_5 {offsets = [192, 5248], sizes = [96, 128], strides = [1, 1]} : vector<576x8192xf32> to vector<96x128xf32>
    %add3A_1911 = vector.broadcast %slice3A_1453 : vector<96x1xf32> to vector<96x128xf32>
    %add3A_1912 = vector.broadcast %slice3A_1909 : vector<1x128xf32> to vector<96x128xf32>
    %add3A_1913 = arith.addf %add3A_1911, %add3A_1912 : vector<96x128xf32>
    %sub3A_1914 = arith.subf %add3A_1913, %slice3A_1910 : vector<96x128xf32>
    %lt3A_1915 = arith.cmpf olt, %sub3A_1914, %select_n3A_1905 : vector<96x128xf32>
    %select_n3A_1916 = arith.select %lt3A_1915, %sub3A_1914, %select_n3A_1905 : vector<96x128xi1>, vector<96x128xf32>
    %jit3A_1917 = arith.constant 4.100000e+01 : f32
    %broadcast_in_dim3A_1918 = vector.broadcast %jit3A_1917 : f32 to vector<96x128xf32>
    %select_n3A_1919 = arith.select %lt3A_1915, %broadcast_in_dim3A_1918, %select_n3A_1908 : vector<96x128xi1>, vector<96x128xf32>
    %slice3A_1920 = vector.extract_strided_slice %get3A_8 {offsets = [0, 5376], sizes = [1, 128], strides = [1, 1]} : vector<1x8192xf32> to vector<1x128xf32>
    %slice3A_1921 = vector.extract_strided_slice %dot_general3A_5 {offsets = [192, 5376], sizes = [96, 128], strides = [1, 1]} : vector<576x8192xf32> to vector<96x128xf32>
    %add3A_1922 = vector.broadcast %slice3A_1453 : vector<96x1xf32> to vector<96x128xf32>
    %add3A_1923 = vector.broadcast %slice3A_1920 : vector<1x128xf32> to vector<96x128xf32>
    %add3A_1924 = arith.addf %add3A_1922, %add3A_1923 : vector<96x128xf32>
    %sub3A_1925 = arith.subf %add3A_1924, %slice3A_1921 : vector<96x128xf32>
    %lt3A_1926 = arith.cmpf olt, %sub3A_1925, %select_n3A_1916 : vector<96x128xf32>
    %select_n3A_1927 = arith.select %lt3A_1926, %sub3A_1925, %select_n3A_1916 : vector<96x128xi1>, vector<96x128xf32>
    %jit3A_1928 = arith.constant 4.200000e+01 : f32
    %broadcast_in_dim3A_1929 = vector.broadcast %jit3A_1928 : f32 to vector<96x128xf32>
    %select_n3A_1930 = arith.select %lt3A_1926, %broadcast_in_dim3A_1929, %select_n3A_1919 : vector<96x128xi1>, vector<96x128xf32>
    %slice3A_1931 = vector.extract_strided_slice %get3A_8 {offsets = [0, 5504], sizes = [1, 128], strides = [1, 1]} : vector<1x8192xf32> to vector<1x128xf32>
    %slice3A_1932 = vector.extract_strided_slice %dot_general3A_5 {offsets = [192, 5504], sizes = [96, 128], strides = [1, 1]} : vector<576x8192xf32> to vector<96x128xf32>
    %add3A_1933 = vector.broadcast %slice3A_1453 : vector<96x1xf32> to vector<96x128xf32>
    %add3A_1934 = vector.broadcast %slice3A_1931 : vector<1x128xf32> to vector<96x128xf32>
    %add3A_1935 = arith.addf %add3A_1933, %add3A_1934 : vector<96x128xf32>
    %sub3A_1936 = arith.subf %add3A_1935, %slice3A_1932 : vector<96x128xf32>
    %lt3A_1937 = arith.cmpf olt, %sub3A_1936, %select_n3A_1927 : vector<96x128xf32>
    %select_n3A_1938 = arith.select %lt3A_1937, %sub3A_1936, %select_n3A_1927 : vector<96x128xi1>, vector<96x128xf32>
    %jit3A_1939 = arith.constant 4.300000e+01 : f32
    %broadcast_in_dim3A_1940 = vector.broadcast %jit3A_1939 : f32 to vector<96x128xf32>
    %select_n3A_1941 = arith.select %lt3A_1937, %broadcast_in_dim3A_1940, %select_n3A_1930 : vector<96x128xi1>, vector<96x128xf32>
    %slice3A_1942 = vector.extract_strided_slice %get3A_8 {offsets = [0, 5632], sizes = [1, 128], strides = [1, 1]} : vector<1x8192xf32> to vector<1x128xf32>
    %slice3A_1943 = vector.extract_strided_slice %dot_general3A_5 {offsets = [192, 5632], sizes = [96, 128], strides = [1, 1]} : vector<576x8192xf32> to vector<96x128xf32>
    %add3A_1944 = vector.broadcast %slice3A_1453 : vector<96x1xf32> to vector<96x128xf32>
    %add3A_1945 = vector.broadcast %slice3A_1942 : vector<1x128xf32> to vector<96x128xf32>
    %add3A_1946 = arith.addf %add3A_1944, %add3A_1945 : vector<96x128xf32>
    %sub3A_1947 = arith.subf %add3A_1946, %slice3A_1943 : vector<96x128xf32>
    %lt3A_1948 = arith.cmpf olt, %sub3A_1947, %select_n3A_1938 : vector<96x128xf32>
    %select_n3A_1949 = arith.select %lt3A_1948, %sub3A_1947, %select_n3A_1938 : vector<96x128xi1>, vector<96x128xf32>
    %jit3A_1950 = arith.constant 4.400000e+01 : f32
    %broadcast_in_dim3A_1951 = vector.broadcast %jit3A_1950 : f32 to vector<96x128xf32>
    %select_n3A_1952 = arith.select %lt3A_1948, %broadcast_in_dim3A_1951, %select_n3A_1941 : vector<96x128xi1>, vector<96x128xf32>
    %slice3A_1953 = vector.extract_strided_slice %get3A_8 {offsets = [0, 5760], sizes = [1, 128], strides = [1, 1]} : vector<1x8192xf32> to vector<1x128xf32>
    %slice3A_1954 = vector.extract_strided_slice %dot_general3A_5 {offsets = [192, 5760], sizes = [96, 128], strides = [1, 1]} : vector<576x8192xf32> to vector<96x128xf32>
    %add3A_1955 = vector.broadcast %slice3A_1453 : vector<96x1xf32> to vector<96x128xf32>
    %add3A_1956 = vector.broadcast %slice3A_1953 : vector<1x128xf32> to vector<96x128xf32>
    %add3A_1957 = arith.addf %add3A_1955, %add3A_1956 : vector<96x128xf32>
    %sub3A_1958 = arith.subf %add3A_1957, %slice3A_1954 : vector<96x128xf32>
    %lt3A_1959 = arith.cmpf olt, %sub3A_1958, %select_n3A_1949 : vector<96x128xf32>
    %select_n3A_1960 = arith.select %lt3A_1959, %sub3A_1958, %select_n3A_1949 : vector<96x128xi1>, vector<96x128xf32>
    %jit3A_1961 = arith.constant 4.500000e+01 : f32
    %broadcast_in_dim3A_1962 = vector.broadcast %jit3A_1961 : f32 to vector<96x128xf32>
    %select_n3A_1963 = arith.select %lt3A_1959, %broadcast_in_dim3A_1962, %select_n3A_1952 : vector<96x128xi1>, vector<96x128xf32>
    %slice3A_1964 = vector.extract_strided_slice %get3A_8 {offsets = [0, 5888], sizes = [1, 128], strides = [1, 1]} : vector<1x8192xf32> to vector<1x128xf32>
    %slice3A_1965 = vector.extract_strided_slice %dot_general3A_5 {offsets = [192, 5888], sizes = [96, 128], strides = [1, 1]} : vector<576x8192xf32> to vector<96x128xf32>
    %add3A_1966 = vector.broadcast %slice3A_1453 : vector<96x1xf32> to vector<96x128xf32>
    %add3A_1967 = vector.broadcast %slice3A_1964 : vector<1x128xf32> to vector<96x128xf32>
    %add3A_1968 = arith.addf %add3A_1966, %add3A_1967 : vector<96x128xf32>
    %sub3A_1969 = arith.subf %add3A_1968, %slice3A_1965 : vector<96x128xf32>
    %lt3A_1970 = arith.cmpf olt, %sub3A_1969, %select_n3A_1960 : vector<96x128xf32>
    %select_n3A_1971 = arith.select %lt3A_1970, %sub3A_1969, %select_n3A_1960 : vector<96x128xi1>, vector<96x128xf32>
    %jit3A_1972 = arith.constant 4.600000e+01 : f32
    %broadcast_in_dim3A_1973 = vector.broadcast %jit3A_1972 : f32 to vector<96x128xf32>
    %select_n3A_1974 = arith.select %lt3A_1970, %broadcast_in_dim3A_1973, %select_n3A_1963 : vector<96x128xi1>, vector<96x128xf32>
    %slice3A_1975 = vector.extract_strided_slice %get3A_8 {offsets = [0, 6016], sizes = [1, 128], strides = [1, 1]} : vector<1x8192xf32> to vector<1x128xf32>
    %slice3A_1976 = vector.extract_strided_slice %dot_general3A_5 {offsets = [192, 6016], sizes = [96, 128], strides = [1, 1]} : vector<576x8192xf32> to vector<96x128xf32>
    %add3A_1977 = vector.broadcast %slice3A_1453 : vector<96x1xf32> to vector<96x128xf32>
    %add3A_1978 = vector.broadcast %slice3A_1975 : vector<1x128xf32> to vector<96x128xf32>
    %add3A_1979 = arith.addf %add3A_1977, %add3A_1978 : vector<96x128xf32>
    %sub3A_1980 = arith.subf %add3A_1979, %slice3A_1976 : vector<96x128xf32>
    %lt3A_1981 = arith.cmpf olt, %sub3A_1980, %select_n3A_1971 : vector<96x128xf32>
    %select_n3A_1982 = arith.select %lt3A_1981, %sub3A_1980, %select_n3A_1971 : vector<96x128xi1>, vector<96x128xf32>
    %jit3A_1983 = arith.constant 4.700000e+01 : f32
    %broadcast_in_dim3A_1984 = vector.broadcast %jit3A_1983 : f32 to vector<96x128xf32>
    %select_n3A_1985 = arith.select %lt3A_1981, %broadcast_in_dim3A_1984, %select_n3A_1974 : vector<96x128xi1>, vector<96x128xf32>
    %slice3A_1986 = vector.extract_strided_slice %get3A_8 {offsets = [0, 6144], sizes = [1, 128], strides = [1, 1]} : vector<1x8192xf32> to vector<1x128xf32>
    %slice3A_1987 = vector.extract_strided_slice %dot_general3A_5 {offsets = [192, 6144], sizes = [96, 128], strides = [1, 1]} : vector<576x8192xf32> to vector<96x128xf32>
    %add3A_1988 = vector.broadcast %slice3A_1453 : vector<96x1xf32> to vector<96x128xf32>
    %add3A_1989 = vector.broadcast %slice3A_1986 : vector<1x128xf32> to vector<96x128xf32>
    %add3A_1990 = arith.addf %add3A_1988, %add3A_1989 : vector<96x128xf32>
    %sub3A_1991 = arith.subf %add3A_1990, %slice3A_1987 : vector<96x128xf32>
    %lt3A_1992 = arith.cmpf olt, %sub3A_1991, %select_n3A_1982 : vector<96x128xf32>
    %select_n3A_1993 = arith.select %lt3A_1992, %sub3A_1991, %select_n3A_1982 : vector<96x128xi1>, vector<96x128xf32>
    %jit3A_1994 = arith.constant 4.800000e+01 : f32
    %broadcast_in_dim3A_1995 = vector.broadcast %jit3A_1994 : f32 to vector<96x128xf32>
    %select_n3A_1996 = arith.select %lt3A_1992, %broadcast_in_dim3A_1995, %select_n3A_1985 : vector<96x128xi1>, vector<96x128xf32>
    %slice3A_1997 = vector.extract_strided_slice %get3A_8 {offsets = [0, 6272], sizes = [1, 128], strides = [1, 1]} : vector<1x8192xf32> to vector<1x128xf32>
    %slice3A_1998 = vector.extract_strided_slice %dot_general3A_5 {offsets = [192, 6272], sizes = [96, 128], strides = [1, 1]} : vector<576x8192xf32> to vector<96x128xf32>
    %add3A_1999 = vector.broadcast %slice3A_1453 : vector<96x1xf32> to vector<96x128xf32>
    %add3A_2000 = vector.broadcast %slice3A_1997 : vector<1x128xf32> to vector<96x128xf32>
    %add3A_2001 = arith.addf %add3A_1999, %add3A_2000 : vector<96x128xf32>
    %sub3A_2002 = arith.subf %add3A_2001, %slice3A_1998 : vector<96x128xf32>
    %lt3A_2003 = arith.cmpf olt, %sub3A_2002, %select_n3A_1993 : vector<96x128xf32>
    %select_n3A_2004 = arith.select %lt3A_2003, %sub3A_2002, %select_n3A_1993 : vector<96x128xi1>, vector<96x128xf32>
    %jit3A_2005 = arith.constant 4.900000e+01 : f32
    %broadcast_in_dim3A_2006 = vector.broadcast %jit3A_2005 : f32 to vector<96x128xf32>
    %select_n3A_2007 = arith.select %lt3A_2003, %broadcast_in_dim3A_2006, %select_n3A_1996 : vector<96x128xi1>, vector<96x128xf32>
    %slice3A_2008 = vector.extract_strided_slice %get3A_8 {offsets = [0, 6400], sizes = [1, 128], strides = [1, 1]} : vector<1x8192xf32> to vector<1x128xf32>
    %slice3A_2009 = vector.extract_strided_slice %dot_general3A_5 {offsets = [192, 6400], sizes = [96, 128], strides = [1, 1]} : vector<576x8192xf32> to vector<96x128xf32>
    %add3A_2010 = vector.broadcast %slice3A_1453 : vector<96x1xf32> to vector<96x128xf32>
    %add3A_2011 = vector.broadcast %slice3A_2008 : vector<1x128xf32> to vector<96x128xf32>
    %add3A_2012 = arith.addf %add3A_2010, %add3A_2011 : vector<96x128xf32>
    %sub3A_2013 = arith.subf %add3A_2012, %slice3A_2009 : vector<96x128xf32>
    %lt3A_2014 = arith.cmpf olt, %sub3A_2013, %select_n3A_2004 : vector<96x128xf32>
    %select_n3A_2015 = arith.select %lt3A_2014, %sub3A_2013, %select_n3A_2004 : vector<96x128xi1>, vector<96x128xf32>
    %jit3A_2016 = arith.constant 5.000000e+01 : f32
    %broadcast_in_dim3A_2017 = vector.broadcast %jit3A_2016 : f32 to vector<96x128xf32>
    %select_n3A_2018 = arith.select %lt3A_2014, %broadcast_in_dim3A_2017, %select_n3A_2007 : vector<96x128xi1>, vector<96x128xf32>
    %slice3A_2019 = vector.extract_strided_slice %get3A_8 {offsets = [0, 6528], sizes = [1, 128], strides = [1, 1]} : vector<1x8192xf32> to vector<1x128xf32>
    %slice3A_2020 = vector.extract_strided_slice %dot_general3A_5 {offsets = [192, 6528], sizes = [96, 128], strides = [1, 1]} : vector<576x8192xf32> to vector<96x128xf32>
    %add3A_2021 = vector.broadcast %slice3A_1453 : vector<96x1xf32> to vector<96x128xf32>
    %add3A_2022 = vector.broadcast %slice3A_2019 : vector<1x128xf32> to vector<96x128xf32>
    %add3A_2023 = arith.addf %add3A_2021, %add3A_2022 : vector<96x128xf32>
    %sub3A_2024 = arith.subf %add3A_2023, %slice3A_2020 : vector<96x128xf32>
    %lt3A_2025 = arith.cmpf olt, %sub3A_2024, %select_n3A_2015 : vector<96x128xf32>
    %select_n3A_2026 = arith.select %lt3A_2025, %sub3A_2024, %select_n3A_2015 : vector<96x128xi1>, vector<96x128xf32>
    %jit3A_2027 = arith.constant 5.100000e+01 : f32
    %broadcast_in_dim3A_2028 = vector.broadcast %jit3A_2027 : f32 to vector<96x128xf32>
    %select_n3A_2029 = arith.select %lt3A_2025, %broadcast_in_dim3A_2028, %select_n3A_2018 : vector<96x128xi1>, vector<96x128xf32>
    %slice3A_2030 = vector.extract_strided_slice %get3A_8 {offsets = [0, 6656], sizes = [1, 128], strides = [1, 1]} : vector<1x8192xf32> to vector<1x128xf32>
    %slice3A_2031 = vector.extract_strided_slice %dot_general3A_5 {offsets = [192, 6656], sizes = [96, 128], strides = [1, 1]} : vector<576x8192xf32> to vector<96x128xf32>
    %add3A_2032 = vector.broadcast %slice3A_1453 : vector<96x1xf32> to vector<96x128xf32>
    %add3A_2033 = vector.broadcast %slice3A_2030 : vector<1x128xf32> to vector<96x128xf32>
    %add3A_2034 = arith.addf %add3A_2032, %add3A_2033 : vector<96x128xf32>
    %sub3A_2035 = arith.subf %add3A_2034, %slice3A_2031 : vector<96x128xf32>
    %lt3A_2036 = arith.cmpf olt, %sub3A_2035, %select_n3A_2026 : vector<96x128xf32>
    %select_n3A_2037 = arith.select %lt3A_2036, %sub3A_2035, %select_n3A_2026 : vector<96x128xi1>, vector<96x128xf32>
    %jit3A_2038 = arith.constant 5.200000e+01 : f32
    %broadcast_in_dim3A_2039 = vector.broadcast %jit3A_2038 : f32 to vector<96x128xf32>
    %select_n3A_2040 = arith.select %lt3A_2036, %broadcast_in_dim3A_2039, %select_n3A_2029 : vector<96x128xi1>, vector<96x128xf32>
    %slice3A_2041 = vector.extract_strided_slice %get3A_8 {offsets = [0, 6784], sizes = [1, 128], strides = [1, 1]} : vector<1x8192xf32> to vector<1x128xf32>
    %slice3A_2042 = vector.extract_strided_slice %dot_general3A_5 {offsets = [192, 6784], sizes = [96, 128], strides = [1, 1]} : vector<576x8192xf32> to vector<96x128xf32>
    %add3A_2043 = vector.broadcast %slice3A_1453 : vector<96x1xf32> to vector<96x128xf32>
    %add3A_2044 = vector.broadcast %slice3A_2041 : vector<1x128xf32> to vector<96x128xf32>
    %add3A_2045 = arith.addf %add3A_2043, %add3A_2044 : vector<96x128xf32>
    %sub3A_2046 = arith.subf %add3A_2045, %slice3A_2042 : vector<96x128xf32>
    %lt3A_2047 = arith.cmpf olt, %sub3A_2046, %select_n3A_2037 : vector<96x128xf32>
    %select_n3A_2048 = arith.select %lt3A_2047, %sub3A_2046, %select_n3A_2037 : vector<96x128xi1>, vector<96x128xf32>
    %jit3A_2049 = arith.constant 5.300000e+01 : f32
    %broadcast_in_dim3A_2050 = vector.broadcast %jit3A_2049 : f32 to vector<96x128xf32>
    %select_n3A_2051 = arith.select %lt3A_2047, %broadcast_in_dim3A_2050, %select_n3A_2040 : vector<96x128xi1>, vector<96x128xf32>
    %slice3A_2052 = vector.extract_strided_slice %get3A_8 {offsets = [0, 6912], sizes = [1, 128], strides = [1, 1]} : vector<1x8192xf32> to vector<1x128xf32>
    %slice3A_2053 = vector.extract_strided_slice %dot_general3A_5 {offsets = [192, 6912], sizes = [96, 128], strides = [1, 1]} : vector<576x8192xf32> to vector<96x128xf32>
    %add3A_2054 = vector.broadcast %slice3A_1453 : vector<96x1xf32> to vector<96x128xf32>
    %add3A_2055 = vector.broadcast %slice3A_2052 : vector<1x128xf32> to vector<96x128xf32>
    %add3A_2056 = arith.addf %add3A_2054, %add3A_2055 : vector<96x128xf32>
    %sub3A_2057 = arith.subf %add3A_2056, %slice3A_2053 : vector<96x128xf32>
    %lt3A_2058 = arith.cmpf olt, %sub3A_2057, %select_n3A_2048 : vector<96x128xf32>
    %select_n3A_2059 = arith.select %lt3A_2058, %sub3A_2057, %select_n3A_2048 : vector<96x128xi1>, vector<96x128xf32>
    %jit3A_2060 = arith.constant 5.400000e+01 : f32
    %broadcast_in_dim3A_2061 = vector.broadcast %jit3A_2060 : f32 to vector<96x128xf32>
    %select_n3A_2062 = arith.select %lt3A_2058, %broadcast_in_dim3A_2061, %select_n3A_2051 : vector<96x128xi1>, vector<96x128xf32>
    %slice3A_2063 = vector.extract_strided_slice %get3A_8 {offsets = [0, 7040], sizes = [1, 128], strides = [1, 1]} : vector<1x8192xf32> to vector<1x128xf32>
    %slice3A_2064 = vector.extract_strided_slice %dot_general3A_5 {offsets = [192, 7040], sizes = [96, 128], strides = [1, 1]} : vector<576x8192xf32> to vector<96x128xf32>
    %add3A_2065 = vector.broadcast %slice3A_1453 : vector<96x1xf32> to vector<96x128xf32>
    %add3A_2066 = vector.broadcast %slice3A_2063 : vector<1x128xf32> to vector<96x128xf32>
    %add3A_2067 = arith.addf %add3A_2065, %add3A_2066 : vector<96x128xf32>
    %sub3A_2068 = arith.subf %add3A_2067, %slice3A_2064 : vector<96x128xf32>
    %lt3A_2069 = arith.cmpf olt, %sub3A_2068, %select_n3A_2059 : vector<96x128xf32>
    %select_n3A_2070 = arith.select %lt3A_2069, %sub3A_2068, %select_n3A_2059 : vector<96x128xi1>, vector<96x128xf32>
    %jit3A_2071 = arith.constant 5.500000e+01 : f32
    %broadcast_in_dim3A_2072 = vector.broadcast %jit3A_2071 : f32 to vector<96x128xf32>
    %select_n3A_2073 = arith.select %lt3A_2069, %broadcast_in_dim3A_2072, %select_n3A_2062 : vector<96x128xi1>, vector<96x128xf32>
    %slice3A_2074 = vector.extract_strided_slice %get3A_8 {offsets = [0, 7168], sizes = [1, 128], strides = [1, 1]} : vector<1x8192xf32> to vector<1x128xf32>
    %slice3A_2075 = vector.extract_strided_slice %dot_general3A_5 {offsets = [192, 7168], sizes = [96, 128], strides = [1, 1]} : vector<576x8192xf32> to vector<96x128xf32>
    %add3A_2076 = vector.broadcast %slice3A_1453 : vector<96x1xf32> to vector<96x128xf32>
    %add3A_2077 = vector.broadcast %slice3A_2074 : vector<1x128xf32> to vector<96x128xf32>
    %add3A_2078 = arith.addf %add3A_2076, %add3A_2077 : vector<96x128xf32>
    %sub3A_2079 = arith.subf %add3A_2078, %slice3A_2075 : vector<96x128xf32>
    %lt3A_2080 = arith.cmpf olt, %sub3A_2079, %select_n3A_2070 : vector<96x128xf32>
    %select_n3A_2081 = arith.select %lt3A_2080, %sub3A_2079, %select_n3A_2070 : vector<96x128xi1>, vector<96x128xf32>
    %jit3A_2082 = arith.constant 5.600000e+01 : f32
    %broadcast_in_dim3A_2083 = vector.broadcast %jit3A_2082 : f32 to vector<96x128xf32>
    %select_n3A_2084 = arith.select %lt3A_2080, %broadcast_in_dim3A_2083, %select_n3A_2073 : vector<96x128xi1>, vector<96x128xf32>
    %slice3A_2085 = vector.extract_strided_slice %get3A_8 {offsets = [0, 7296], sizes = [1, 128], strides = [1, 1]} : vector<1x8192xf32> to vector<1x128xf32>
    %slice3A_2086 = vector.extract_strided_slice %dot_general3A_5 {offsets = [192, 7296], sizes = [96, 128], strides = [1, 1]} : vector<576x8192xf32> to vector<96x128xf32>
    %add3A_2087 = vector.broadcast %slice3A_1453 : vector<96x1xf32> to vector<96x128xf32>
    %add3A_2088 = vector.broadcast %slice3A_2085 : vector<1x128xf32> to vector<96x128xf32>
    %add3A_2089 = arith.addf %add3A_2087, %add3A_2088 : vector<96x128xf32>
    %sub3A_2090 = arith.subf %add3A_2089, %slice3A_2086 : vector<96x128xf32>
    %lt3A_2091 = arith.cmpf olt, %sub3A_2090, %select_n3A_2081 : vector<96x128xf32>
    %select_n3A_2092 = arith.select %lt3A_2091, %sub3A_2090, %select_n3A_2081 : vector<96x128xi1>, vector<96x128xf32>
    %jit3A_2093 = arith.constant 5.700000e+01 : f32
    %broadcast_in_dim3A_2094 = vector.broadcast %jit3A_2093 : f32 to vector<96x128xf32>
    %select_n3A_2095 = arith.select %lt3A_2091, %broadcast_in_dim3A_2094, %select_n3A_2084 : vector<96x128xi1>, vector<96x128xf32>
    %slice3A_2096 = vector.extract_strided_slice %get3A_8 {offsets = [0, 7424], sizes = [1, 128], strides = [1, 1]} : vector<1x8192xf32> to vector<1x128xf32>
    %slice3A_2097 = vector.extract_strided_slice %dot_general3A_5 {offsets = [192, 7424], sizes = [96, 128], strides = [1, 1]} : vector<576x8192xf32> to vector<96x128xf32>
    %add3A_2098 = vector.broadcast %slice3A_1453 : vector<96x1xf32> to vector<96x128xf32>
    %add3A_2099 = vector.broadcast %slice3A_2096 : vector<1x128xf32> to vector<96x128xf32>
    %add3A_2100 = arith.addf %add3A_2098, %add3A_2099 : vector<96x128xf32>
    %sub3A_2101 = arith.subf %add3A_2100, %slice3A_2097 : vector<96x128xf32>
    %lt3A_2102 = arith.cmpf olt, %sub3A_2101, %select_n3A_2092 : vector<96x128xf32>
    %select_n3A_2103 = arith.select %lt3A_2102, %sub3A_2101, %select_n3A_2092 : vector<96x128xi1>, vector<96x128xf32>
    %jit3A_2104 = arith.constant 5.800000e+01 : f32
    %broadcast_in_dim3A_2105 = vector.broadcast %jit3A_2104 : f32 to vector<96x128xf32>
    %select_n3A_2106 = arith.select %lt3A_2102, %broadcast_in_dim3A_2105, %select_n3A_2095 : vector<96x128xi1>, vector<96x128xf32>
    %slice3A_2107 = vector.extract_strided_slice %get3A_8 {offsets = [0, 7552], sizes = [1, 128], strides = [1, 1]} : vector<1x8192xf32> to vector<1x128xf32>
    %slice3A_2108 = vector.extract_strided_slice %dot_general3A_5 {offsets = [192, 7552], sizes = [96, 128], strides = [1, 1]} : vector<576x8192xf32> to vector<96x128xf32>
    %add3A_2109 = vector.broadcast %slice3A_1453 : vector<96x1xf32> to vector<96x128xf32>
    %add3A_2110 = vector.broadcast %slice3A_2107 : vector<1x128xf32> to vector<96x128xf32>
    %add3A_2111 = arith.addf %add3A_2109, %add3A_2110 : vector<96x128xf32>
    %sub3A_2112 = arith.subf %add3A_2111, %slice3A_2108 : vector<96x128xf32>
    %lt3A_2113 = arith.cmpf olt, %sub3A_2112, %select_n3A_2103 : vector<96x128xf32>
    %select_n3A_2114 = arith.select %lt3A_2113, %sub3A_2112, %select_n3A_2103 : vector<96x128xi1>, vector<96x128xf32>
    %jit3A_2115 = arith.constant 5.900000e+01 : f32
    %broadcast_in_dim3A_2116 = vector.broadcast %jit3A_2115 : f32 to vector<96x128xf32>
    %select_n3A_2117 = arith.select %lt3A_2113, %broadcast_in_dim3A_2116, %select_n3A_2106 : vector<96x128xi1>, vector<96x128xf32>
    %slice3A_2118 = vector.extract_strided_slice %get3A_8 {offsets = [0, 7680], sizes = [1, 128], strides = [1, 1]} : vector<1x8192xf32> to vector<1x128xf32>
    %slice3A_2119 = vector.extract_strided_slice %dot_general3A_5 {offsets = [192, 7680], sizes = [96, 128], strides = [1, 1]} : vector<576x8192xf32> to vector<96x128xf32>
    %add3A_2120 = vector.broadcast %slice3A_1453 : vector<96x1xf32> to vector<96x128xf32>
    %add3A_2121 = vector.broadcast %slice3A_2118 : vector<1x128xf32> to vector<96x128xf32>
    %add3A_2122 = arith.addf %add3A_2120, %add3A_2121 : vector<96x128xf32>
    %sub3A_2123 = arith.subf %add3A_2122, %slice3A_2119 : vector<96x128xf32>
    %lt3A_2124 = arith.cmpf olt, %sub3A_2123, %select_n3A_2114 : vector<96x128xf32>
    %select_n3A_2125 = arith.select %lt3A_2124, %sub3A_2123, %select_n3A_2114 : vector<96x128xi1>, vector<96x128xf32>
    %jit3A_2126 = arith.constant 6.000000e+01 : f32
    %broadcast_in_dim3A_2127 = vector.broadcast %jit3A_2126 : f32 to vector<96x128xf32>
    %select_n3A_2128 = arith.select %lt3A_2124, %broadcast_in_dim3A_2127, %select_n3A_2117 : vector<96x128xi1>, vector<96x128xf32>
    %slice3A_2129 = vector.extract_strided_slice %get3A_8 {offsets = [0, 7808], sizes = [1, 128], strides = [1, 1]} : vector<1x8192xf32> to vector<1x128xf32>
    %slice3A_2130 = vector.extract_strided_slice %dot_general3A_5 {offsets = [192, 7808], sizes = [96, 128], strides = [1, 1]} : vector<576x8192xf32> to vector<96x128xf32>
    %add3A_2131 = vector.broadcast %slice3A_1453 : vector<96x1xf32> to vector<96x128xf32>
    %add3A_2132 = vector.broadcast %slice3A_2129 : vector<1x128xf32> to vector<96x128xf32>
    %add3A_2133 = arith.addf %add3A_2131, %add3A_2132 : vector<96x128xf32>
    %sub3A_2134 = arith.subf %add3A_2133, %slice3A_2130 : vector<96x128xf32>
    %lt3A_2135 = arith.cmpf olt, %sub3A_2134, %select_n3A_2125 : vector<96x128xf32>
    %select_n3A_2136 = arith.select %lt3A_2135, %sub3A_2134, %select_n3A_2125 : vector<96x128xi1>, vector<96x128xf32>
    %jit3A_2137 = arith.constant 6.100000e+01 : f32
    %broadcast_in_dim3A_2138 = vector.broadcast %jit3A_2137 : f32 to vector<96x128xf32>
    %select_n3A_2139 = arith.select %lt3A_2135, %broadcast_in_dim3A_2138, %select_n3A_2128 : vector<96x128xi1>, vector<96x128xf32>
    %slice3A_2140 = vector.extract_strided_slice %get3A_8 {offsets = [0, 7936], sizes = [1, 128], strides = [1, 1]} : vector<1x8192xf32> to vector<1x128xf32>
    %slice3A_2141 = vector.extract_strided_slice %dot_general3A_5 {offsets = [192, 7936], sizes = [96, 128], strides = [1, 1]} : vector<576x8192xf32> to vector<96x128xf32>
    %add3A_2142 = vector.broadcast %slice3A_1453 : vector<96x1xf32> to vector<96x128xf32>
    %add3A_2143 = vector.broadcast %slice3A_2140 : vector<1x128xf32> to vector<96x128xf32>
    %add3A_2144 = arith.addf %add3A_2142, %add3A_2143 : vector<96x128xf32>
    %sub3A_2145 = arith.subf %add3A_2144, %slice3A_2141 : vector<96x128xf32>
    %lt3A_2146 = arith.cmpf olt, %sub3A_2145, %select_n3A_2136 : vector<96x128xf32>
    %select_n3A_2147 = arith.select %lt3A_2146, %sub3A_2145, %select_n3A_2136 : vector<96x128xi1>, vector<96x128xf32>
    %jit3A_2148 = arith.constant 6.200000e+01 : f32
    %broadcast_in_dim3A_2149 = vector.broadcast %jit3A_2148 : f32 to vector<96x128xf32>
    %select_n3A_2150 = arith.select %lt3A_2146, %broadcast_in_dim3A_2149, %select_n3A_2139 : vector<96x128xi1>, vector<96x128xf32>
    %slice3A_2151 = vector.extract_strided_slice %get3A_8 {offsets = [0, 8064], sizes = [1, 128], strides = [1, 1]} : vector<1x8192xf32> to vector<1x128xf32>
    %slice3A_2152 = vector.extract_strided_slice %dot_general3A_5 {offsets = [192, 8064], sizes = [96, 128], strides = [1, 1]} : vector<576x8192xf32> to vector<96x128xf32>
    %add3A_2153 = vector.broadcast %slice3A_1453 : vector<96x1xf32> to vector<96x128xf32>
    %add3A_2154 = vector.broadcast %slice3A_2151 : vector<1x128xf32> to vector<96x128xf32>
    %add3A_2155 = arith.addf %add3A_2153, %add3A_2154 : vector<96x128xf32>
    %sub3A_2156 = arith.subf %add3A_2155, %slice3A_2152 : vector<96x128xf32>
    %lt3A_2157 = arith.cmpf olt, %sub3A_2156, %select_n3A_2147 : vector<96x128xf32>
    %select_n3A_2158 = arith.select %lt3A_2157, %sub3A_2156, %select_n3A_2147 : vector<96x128xi1>, vector<96x128xf32>
    %jit3A_2159 = arith.constant 6.300000e+01 : f32
    %broadcast_in_dim3A_2160 = vector.broadcast %jit3A_2159 : f32 to vector<96x128xf32>
    %select_n3A_2161 = arith.select %lt3A_2157, %broadcast_in_dim3A_2160, %select_n3A_2150 : vector<96x128xi1>, vector<96x128xf32>
    %reduce_min3A_2162 = arith.constant dense<0x7F800000> : vector<96xf32>
    %reduce_min3A_2163 = vector.multi_reduction <minimumf>, %select_n3A_2158, %reduce_min3A_2162 [1] : vector<96x128xf32> to vector<96xf32>
    %broadcast_in_dim3A_2164 = vector.shape_cast %reduce_min3A_2163 : vector<96xf32> to vector<96x1xf32>
    %eq3A_2165 = vector.broadcast %broadcast_in_dim3A_2164 : vector<96x1xf32> to vector<96x128xf32>
    %eq3A_2166 = arith.cmpf oeq, %select_n3A_2158, %eq3A_2165 : vector<96x128xf32>
    %mul3A_2167 = arith.constant 1.280000e+02 : f32
    %mul3A_2168 = vector.broadcast %mul3A_2167 : f32 to vector<96x128xf32>
    %mul3A_2169 = arith.mulf %select_n3A_2161, %mul3A_2168 : vector<96x128xf32>
    %add3A_2170 = arith.addf %mul3A_2169, %convert_element_type3A : vector<96x128xf32>
    %jit3A_2171 = arith.constant 8.192000e+03 : f32
    %broadcast_in_dim3A_2172 = vector.broadcast %jit3A_2171 : f32 to vector<96x128xf32>
    %select_n3A_2173 = arith.select %eq3A_2166, %add3A_2170, %broadcast_in_dim3A_2172 : vector<96x128xi1>, vector<96x128xf32>
    %reduce_min3A_2174 = arith.constant dense<0x7F800000> : vector<96xf32>
    %reduce_min3A_2175 = vector.multi_reduction <minimumf>, %select_n3A_2173, %reduce_min3A_2174 [1] : vector<96x128xf32> to vector<96xf32>
    %broadcast_in_dim3A_2176 = vector.shape_cast %reduce_min3A_2175 : vector<96xf32> to vector<96x1xf32>
    %convert_element_type3A_2177 = arith.fptosi %broadcast_in_dim3A_2176 : vector<96x1xf32> to vector<96x1xi32>
    %slice3A_2178 = vector.extract_strided_slice %get3A_11 {offsets = [288, 0], sizes = [96, 1], strides = [1, 1]} : vector<576x1xf32> to vector<96x1xf32>
    %broadcast_in_dim3A_2179 = arith.constant 0x7F800000 : f32
    %broadcast_in_dim3A_2180 = vector.broadcast %broadcast_in_dim3A_2179 : f32 to vector<96x128xf32>
    %broadcast_in_dim3A_2181 = arith.constant 0.000000e+00 : f32
    %broadcast_in_dim3A_2182 = vector.broadcast %broadcast_in_dim3A_2181 : f32 to vector<96x128xf32>
    %slice3A_2183 = vector.extract_strided_slice %get3A_8 {offsets = [0, 0], sizes = [1, 128], strides = [1, 1]} : vector<1x8192xf32> to vector<1x128xf32>
    %slice3A_2184 = vector.extract_strided_slice %dot_general3A_5 {offsets = [288, 0], sizes = [96, 128], strides = [1, 1]} : vector<576x8192xf32> to vector<96x128xf32>
    %add3A_2185 = vector.broadcast %slice3A_2178 : vector<96x1xf32> to vector<96x128xf32>
    %add3A_2186 = vector.broadcast %slice3A_2183 : vector<1x128xf32> to vector<96x128xf32>
    %add3A_2187 = arith.addf %add3A_2185, %add3A_2186 : vector<96x128xf32>
    %sub3A_2188 = arith.subf %add3A_2187, %slice3A_2184 : vector<96x128xf32>
    %lt3A_2189 = arith.cmpf olt, %sub3A_2188, %broadcast_in_dim3A_2180 : vector<96x128xf32>
    %select_n3A_2190 = arith.select %lt3A_2189, %sub3A_2188, %broadcast_in_dim3A_2180 : vector<96x128xi1>, vector<96x128xf32>
    %jit3A_2191 = arith.constant 0.000000e+00 : f32
    %broadcast_in_dim3A_2192 = vector.broadcast %jit3A_2191 : f32 to vector<96x128xf32>
    %select_n3A_2193 = arith.select %lt3A_2189, %broadcast_in_dim3A_2192, %broadcast_in_dim3A_2182 : vector<96x128xi1>, vector<96x128xf32>
    %slice3A_2194 = vector.extract_strided_slice %get3A_8 {offsets = [0, 128], sizes = [1, 128], strides = [1, 1]} : vector<1x8192xf32> to vector<1x128xf32>
    %slice3A_2195 = vector.extract_strided_slice %dot_general3A_5 {offsets = [288, 128], sizes = [96, 128], strides = [1, 1]} : vector<576x8192xf32> to vector<96x128xf32>
    %add3A_2196 = vector.broadcast %slice3A_2178 : vector<96x1xf32> to vector<96x128xf32>
    %add3A_2197 = vector.broadcast %slice3A_2194 : vector<1x128xf32> to vector<96x128xf32>
    %add3A_2198 = arith.addf %add3A_2196, %add3A_2197 : vector<96x128xf32>
    %sub3A_2199 = arith.subf %add3A_2198, %slice3A_2195 : vector<96x128xf32>
    %lt3A_2200 = arith.cmpf olt, %sub3A_2199, %select_n3A_2190 : vector<96x128xf32>
    %select_n3A_2201 = arith.select %lt3A_2200, %sub3A_2199, %select_n3A_2190 : vector<96x128xi1>, vector<96x128xf32>
    %jit3A_2202 = arith.constant 1.000000e+00 : f32
    %broadcast_in_dim3A_2203 = vector.broadcast %jit3A_2202 : f32 to vector<96x128xf32>
    %select_n3A_2204 = arith.select %lt3A_2200, %broadcast_in_dim3A_2203, %select_n3A_2193 : vector<96x128xi1>, vector<96x128xf32>
    %slice3A_2205 = vector.extract_strided_slice %get3A_8 {offsets = [0, 256], sizes = [1, 128], strides = [1, 1]} : vector<1x8192xf32> to vector<1x128xf32>
    %slice3A_2206 = vector.extract_strided_slice %dot_general3A_5 {offsets = [288, 256], sizes = [96, 128], strides = [1, 1]} : vector<576x8192xf32> to vector<96x128xf32>
    %add3A_2207 = vector.broadcast %slice3A_2178 : vector<96x1xf32> to vector<96x128xf32>
    %add3A_2208 = vector.broadcast %slice3A_2205 : vector<1x128xf32> to vector<96x128xf32>
    %add3A_2209 = arith.addf %add3A_2207, %add3A_2208 : vector<96x128xf32>
    %sub3A_2210 = arith.subf %add3A_2209, %slice3A_2206 : vector<96x128xf32>
    %lt3A_2211 = arith.cmpf olt, %sub3A_2210, %select_n3A_2201 : vector<96x128xf32>
    %select_n3A_2212 = arith.select %lt3A_2211, %sub3A_2210, %select_n3A_2201 : vector<96x128xi1>, vector<96x128xf32>
    %jit3A_2213 = arith.constant 2.000000e+00 : f32
    %broadcast_in_dim3A_2214 = vector.broadcast %jit3A_2213 : f32 to vector<96x128xf32>
    %select_n3A_2215 = arith.select %lt3A_2211, %broadcast_in_dim3A_2214, %select_n3A_2204 : vector<96x128xi1>, vector<96x128xf32>
    %slice3A_2216 = vector.extract_strided_slice %get3A_8 {offsets = [0, 384], sizes = [1, 128], strides = [1, 1]} : vector<1x8192xf32> to vector<1x128xf32>
    %slice3A_2217 = vector.extract_strided_slice %dot_general3A_5 {offsets = [288, 384], sizes = [96, 128], strides = [1, 1]} : vector<576x8192xf32> to vector<96x128xf32>
    %add3A_2218 = vector.broadcast %slice3A_2178 : vector<96x1xf32> to vector<96x128xf32>
    %add3A_2219 = vector.broadcast %slice3A_2216 : vector<1x128xf32> to vector<96x128xf32>
    %add3A_2220 = arith.addf %add3A_2218, %add3A_2219 : vector<96x128xf32>
    %sub3A_2221 = arith.subf %add3A_2220, %slice3A_2217 : vector<96x128xf32>
    %lt3A_2222 = arith.cmpf olt, %sub3A_2221, %select_n3A_2212 : vector<96x128xf32>
    %select_n3A_2223 = arith.select %lt3A_2222, %sub3A_2221, %select_n3A_2212 : vector<96x128xi1>, vector<96x128xf32>
    %jit3A_2224 = arith.constant 3.000000e+00 : f32
    %broadcast_in_dim3A_2225 = vector.broadcast %jit3A_2224 : f32 to vector<96x128xf32>
    %select_n3A_2226 = arith.select %lt3A_2222, %broadcast_in_dim3A_2225, %select_n3A_2215 : vector<96x128xi1>, vector<96x128xf32>
    %slice3A_2227 = vector.extract_strided_slice %get3A_8 {offsets = [0, 512], sizes = [1, 128], strides = [1, 1]} : vector<1x8192xf32> to vector<1x128xf32>
    %slice3A_2228 = vector.extract_strided_slice %dot_general3A_5 {offsets = [288, 512], sizes = [96, 128], strides = [1, 1]} : vector<576x8192xf32> to vector<96x128xf32>
    %add3A_2229 = vector.broadcast %slice3A_2178 : vector<96x1xf32> to vector<96x128xf32>
    %add3A_2230 = vector.broadcast %slice3A_2227 : vector<1x128xf32> to vector<96x128xf32>
    %add3A_2231 = arith.addf %add3A_2229, %add3A_2230 : vector<96x128xf32>
    %sub3A_2232 = arith.subf %add3A_2231, %slice3A_2228 : vector<96x128xf32>
    %lt3A_2233 = arith.cmpf olt, %sub3A_2232, %select_n3A_2223 : vector<96x128xf32>
    %select_n3A_2234 = arith.select %lt3A_2233, %sub3A_2232, %select_n3A_2223 : vector<96x128xi1>, vector<96x128xf32>
    %jit3A_2235 = arith.constant 4.000000e+00 : f32
    %broadcast_in_dim3A_2236 = vector.broadcast %jit3A_2235 : f32 to vector<96x128xf32>
    %select_n3A_2237 = arith.select %lt3A_2233, %broadcast_in_dim3A_2236, %select_n3A_2226 : vector<96x128xi1>, vector<96x128xf32>
    %slice3A_2238 = vector.extract_strided_slice %get3A_8 {offsets = [0, 640], sizes = [1, 128], strides = [1, 1]} : vector<1x8192xf32> to vector<1x128xf32>
    %slice3A_2239 = vector.extract_strided_slice %dot_general3A_5 {offsets = [288, 640], sizes = [96, 128], strides = [1, 1]} : vector<576x8192xf32> to vector<96x128xf32>
    %add3A_2240 = vector.broadcast %slice3A_2178 : vector<96x1xf32> to vector<96x128xf32>
    %add3A_2241 = vector.broadcast %slice3A_2238 : vector<1x128xf32> to vector<96x128xf32>
    %add3A_2242 = arith.addf %add3A_2240, %add3A_2241 : vector<96x128xf32>
    %sub3A_2243 = arith.subf %add3A_2242, %slice3A_2239 : vector<96x128xf32>
    %lt3A_2244 = arith.cmpf olt, %sub3A_2243, %select_n3A_2234 : vector<96x128xf32>
    %select_n3A_2245 = arith.select %lt3A_2244, %sub3A_2243, %select_n3A_2234 : vector<96x128xi1>, vector<96x128xf32>
    %jit3A_2246 = arith.constant 5.000000e+00 : f32
    %broadcast_in_dim3A_2247 = vector.broadcast %jit3A_2246 : f32 to vector<96x128xf32>
    %select_n3A_2248 = arith.select %lt3A_2244, %broadcast_in_dim3A_2247, %select_n3A_2237 : vector<96x128xi1>, vector<96x128xf32>
    %slice3A_2249 = vector.extract_strided_slice %get3A_8 {offsets = [0, 768], sizes = [1, 128], strides = [1, 1]} : vector<1x8192xf32> to vector<1x128xf32>
    %slice3A_2250 = vector.extract_strided_slice %dot_general3A_5 {offsets = [288, 768], sizes = [96, 128], strides = [1, 1]} : vector<576x8192xf32> to vector<96x128xf32>
    %add3A_2251 = vector.broadcast %slice3A_2178 : vector<96x1xf32> to vector<96x128xf32>
    %add3A_2252 = vector.broadcast %slice3A_2249 : vector<1x128xf32> to vector<96x128xf32>
    %add3A_2253 = arith.addf %add3A_2251, %add3A_2252 : vector<96x128xf32>
    %sub3A_2254 = arith.subf %add3A_2253, %slice3A_2250 : vector<96x128xf32>
    %lt3A_2255 = arith.cmpf olt, %sub3A_2254, %select_n3A_2245 : vector<96x128xf32>
    %select_n3A_2256 = arith.select %lt3A_2255, %sub3A_2254, %select_n3A_2245 : vector<96x128xi1>, vector<96x128xf32>
    %jit3A_2257 = arith.constant 6.000000e+00 : f32
    %broadcast_in_dim3A_2258 = vector.broadcast %jit3A_2257 : f32 to vector<96x128xf32>
    %select_n3A_2259 = arith.select %lt3A_2255, %broadcast_in_dim3A_2258, %select_n3A_2248 : vector<96x128xi1>, vector<96x128xf32>
    %slice3A_2260 = vector.extract_strided_slice %get3A_8 {offsets = [0, 896], sizes = [1, 128], strides = [1, 1]} : vector<1x8192xf32> to vector<1x128xf32>
    %slice3A_2261 = vector.extract_strided_slice %dot_general3A_5 {offsets = [288, 896], sizes = [96, 128], strides = [1, 1]} : vector<576x8192xf32> to vector<96x128xf32>
    %add3A_2262 = vector.broadcast %slice3A_2178 : vector<96x1xf32> to vector<96x128xf32>
    %add3A_2263 = vector.broadcast %slice3A_2260 : vector<1x128xf32> to vector<96x128xf32>
    %add3A_2264 = arith.addf %add3A_2262, %add3A_2263 : vector<96x128xf32>
    %sub3A_2265 = arith.subf %add3A_2264, %slice3A_2261 : vector<96x128xf32>
    %lt3A_2266 = arith.cmpf olt, %sub3A_2265, %select_n3A_2256 : vector<96x128xf32>
    %select_n3A_2267 = arith.select %lt3A_2266, %sub3A_2265, %select_n3A_2256 : vector<96x128xi1>, vector<96x128xf32>
    %jit3A_2268 = arith.constant 7.000000e+00 : f32
    %broadcast_in_dim3A_2269 = vector.broadcast %jit3A_2268 : f32 to vector<96x128xf32>
    %select_n3A_2270 = arith.select %lt3A_2266, %broadcast_in_dim3A_2269, %select_n3A_2259 : vector<96x128xi1>, vector<96x128xf32>
    %slice3A_2271 = vector.extract_strided_slice %get3A_8 {offsets = [0, 1024], sizes = [1, 128], strides = [1, 1]} : vector<1x8192xf32> to vector<1x128xf32>
    %slice3A_2272 = vector.extract_strided_slice %dot_general3A_5 {offsets = [288, 1024], sizes = [96, 128], strides = [1, 1]} : vector<576x8192xf32> to vector<96x128xf32>
    %add3A_2273 = vector.broadcast %slice3A_2178 : vector<96x1xf32> to vector<96x128xf32>
    %add3A_2274 = vector.broadcast %slice3A_2271 : vector<1x128xf32> to vector<96x128xf32>
    %add3A_2275 = arith.addf %add3A_2273, %add3A_2274 : vector<96x128xf32>
    %sub3A_2276 = arith.subf %add3A_2275, %slice3A_2272 : vector<96x128xf32>
    %lt3A_2277 = arith.cmpf olt, %sub3A_2276, %select_n3A_2267 : vector<96x128xf32>
    %select_n3A_2278 = arith.select %lt3A_2277, %sub3A_2276, %select_n3A_2267 : vector<96x128xi1>, vector<96x128xf32>
    %jit3A_2279 = arith.constant 8.000000e+00 : f32
    %broadcast_in_dim3A_2280 = vector.broadcast %jit3A_2279 : f32 to vector<96x128xf32>
    %select_n3A_2281 = arith.select %lt3A_2277, %broadcast_in_dim3A_2280, %select_n3A_2270 : vector<96x128xi1>, vector<96x128xf32>
    %slice3A_2282 = vector.extract_strided_slice %get3A_8 {offsets = [0, 1152], sizes = [1, 128], strides = [1, 1]} : vector<1x8192xf32> to vector<1x128xf32>
    %slice3A_2283 = vector.extract_strided_slice %dot_general3A_5 {offsets = [288, 1152], sizes = [96, 128], strides = [1, 1]} : vector<576x8192xf32> to vector<96x128xf32>
    %add3A_2284 = vector.broadcast %slice3A_2178 : vector<96x1xf32> to vector<96x128xf32>
    %add3A_2285 = vector.broadcast %slice3A_2282 : vector<1x128xf32> to vector<96x128xf32>
    %add3A_2286 = arith.addf %add3A_2284, %add3A_2285 : vector<96x128xf32>
    %sub3A_2287 = arith.subf %add3A_2286, %slice3A_2283 : vector<96x128xf32>
    %lt3A_2288 = arith.cmpf olt, %sub3A_2287, %select_n3A_2278 : vector<96x128xf32>
    %select_n3A_2289 = arith.select %lt3A_2288, %sub3A_2287, %select_n3A_2278 : vector<96x128xi1>, vector<96x128xf32>
    %jit3A_2290 = arith.constant 9.000000e+00 : f32
    %broadcast_in_dim3A_2291 = vector.broadcast %jit3A_2290 : f32 to vector<96x128xf32>
    %select_n3A_2292 = arith.select %lt3A_2288, %broadcast_in_dim3A_2291, %select_n3A_2281 : vector<96x128xi1>, vector<96x128xf32>
    %slice3A_2293 = vector.extract_strided_slice %get3A_8 {offsets = [0, 1280], sizes = [1, 128], strides = [1, 1]} : vector<1x8192xf32> to vector<1x128xf32>
    %slice3A_2294 = vector.extract_strided_slice %dot_general3A_5 {offsets = [288, 1280], sizes = [96, 128], strides = [1, 1]} : vector<576x8192xf32> to vector<96x128xf32>
    %add3A_2295 = vector.broadcast %slice3A_2178 : vector<96x1xf32> to vector<96x128xf32>
    %add3A_2296 = vector.broadcast %slice3A_2293 : vector<1x128xf32> to vector<96x128xf32>
    %add3A_2297 = arith.addf %add3A_2295, %add3A_2296 : vector<96x128xf32>
    %sub3A_2298 = arith.subf %add3A_2297, %slice3A_2294 : vector<96x128xf32>
    %lt3A_2299 = arith.cmpf olt, %sub3A_2298, %select_n3A_2289 : vector<96x128xf32>
    %select_n3A_2300 = arith.select %lt3A_2299, %sub3A_2298, %select_n3A_2289 : vector<96x128xi1>, vector<96x128xf32>
    %jit3A_2301 = arith.constant 1.000000e+01 : f32
    %broadcast_in_dim3A_2302 = vector.broadcast %jit3A_2301 : f32 to vector<96x128xf32>
    %select_n3A_2303 = arith.select %lt3A_2299, %broadcast_in_dim3A_2302, %select_n3A_2292 : vector<96x128xi1>, vector<96x128xf32>
    %slice3A_2304 = vector.extract_strided_slice %get3A_8 {offsets = [0, 1408], sizes = [1, 128], strides = [1, 1]} : vector<1x8192xf32> to vector<1x128xf32>
    %slice3A_2305 = vector.extract_strided_slice %dot_general3A_5 {offsets = [288, 1408], sizes = [96, 128], strides = [1, 1]} : vector<576x8192xf32> to vector<96x128xf32>
    %add3A_2306 = vector.broadcast %slice3A_2178 : vector<96x1xf32> to vector<96x128xf32>
    %add3A_2307 = vector.broadcast %slice3A_2304 : vector<1x128xf32> to vector<96x128xf32>
    %add3A_2308 = arith.addf %add3A_2306, %add3A_2307 : vector<96x128xf32>
    %sub3A_2309 = arith.subf %add3A_2308, %slice3A_2305 : vector<96x128xf32>
    %lt3A_2310 = arith.cmpf olt, %sub3A_2309, %select_n3A_2300 : vector<96x128xf32>
    %select_n3A_2311 = arith.select %lt3A_2310, %sub3A_2309, %select_n3A_2300 : vector<96x128xi1>, vector<96x128xf32>
    %jit3A_2312 = arith.constant 1.100000e+01 : f32
    %broadcast_in_dim3A_2313 = vector.broadcast %jit3A_2312 : f32 to vector<96x128xf32>
    %select_n3A_2314 = arith.select %lt3A_2310, %broadcast_in_dim3A_2313, %select_n3A_2303 : vector<96x128xi1>, vector<96x128xf32>
    %slice3A_2315 = vector.extract_strided_slice %get3A_8 {offsets = [0, 1536], sizes = [1, 128], strides = [1, 1]} : vector<1x8192xf32> to vector<1x128xf32>
    %slice3A_2316 = vector.extract_strided_slice %dot_general3A_5 {offsets = [288, 1536], sizes = [96, 128], strides = [1, 1]} : vector<576x8192xf32> to vector<96x128xf32>
    %add3A_2317 = vector.broadcast %slice3A_2178 : vector<96x1xf32> to vector<96x128xf32>
    %add3A_2318 = vector.broadcast %slice3A_2315 : vector<1x128xf32> to vector<96x128xf32>
    %add3A_2319 = arith.addf %add3A_2317, %add3A_2318 : vector<96x128xf32>
    %sub3A_2320 = arith.subf %add3A_2319, %slice3A_2316 : vector<96x128xf32>
    %lt3A_2321 = arith.cmpf olt, %sub3A_2320, %select_n3A_2311 : vector<96x128xf32>
    %select_n3A_2322 = arith.select %lt3A_2321, %sub3A_2320, %select_n3A_2311 : vector<96x128xi1>, vector<96x128xf32>
    %jit3A_2323 = arith.constant 1.200000e+01 : f32
    %broadcast_in_dim3A_2324 = vector.broadcast %jit3A_2323 : f32 to vector<96x128xf32>
    %select_n3A_2325 = arith.select %lt3A_2321, %broadcast_in_dim3A_2324, %select_n3A_2314 : vector<96x128xi1>, vector<96x128xf32>
    %slice3A_2326 = vector.extract_strided_slice %get3A_8 {offsets = [0, 1664], sizes = [1, 128], strides = [1, 1]} : vector<1x8192xf32> to vector<1x128xf32>
    %slice3A_2327 = vector.extract_strided_slice %dot_general3A_5 {offsets = [288, 1664], sizes = [96, 128], strides = [1, 1]} : vector<576x8192xf32> to vector<96x128xf32>
    %add3A_2328 = vector.broadcast %slice3A_2178 : vector<96x1xf32> to vector<96x128xf32>
    %add3A_2329 = vector.broadcast %slice3A_2326 : vector<1x128xf32> to vector<96x128xf32>
    %add3A_2330 = arith.addf %add3A_2328, %add3A_2329 : vector<96x128xf32>
    %sub3A_2331 = arith.subf %add3A_2330, %slice3A_2327 : vector<96x128xf32>
    %lt3A_2332 = arith.cmpf olt, %sub3A_2331, %select_n3A_2322 : vector<96x128xf32>
    %select_n3A_2333 = arith.select %lt3A_2332, %sub3A_2331, %select_n3A_2322 : vector<96x128xi1>, vector<96x128xf32>
    %jit3A_2334 = arith.constant 1.300000e+01 : f32
    %broadcast_in_dim3A_2335 = vector.broadcast %jit3A_2334 : f32 to vector<96x128xf32>
    %select_n3A_2336 = arith.select %lt3A_2332, %broadcast_in_dim3A_2335, %select_n3A_2325 : vector<96x128xi1>, vector<96x128xf32>
    %slice3A_2337 = vector.extract_strided_slice %get3A_8 {offsets = [0, 1792], sizes = [1, 128], strides = [1, 1]} : vector<1x8192xf32> to vector<1x128xf32>
    %slice3A_2338 = vector.extract_strided_slice %dot_general3A_5 {offsets = [288, 1792], sizes = [96, 128], strides = [1, 1]} : vector<576x8192xf32> to vector<96x128xf32>
    %add3A_2339 = vector.broadcast %slice3A_2178 : vector<96x1xf32> to vector<96x128xf32>
    %add3A_2340 = vector.broadcast %slice3A_2337 : vector<1x128xf32> to vector<96x128xf32>
    %add3A_2341 = arith.addf %add3A_2339, %add3A_2340 : vector<96x128xf32>
    %sub3A_2342 = arith.subf %add3A_2341, %slice3A_2338 : vector<96x128xf32>
    %lt3A_2343 = arith.cmpf olt, %sub3A_2342, %select_n3A_2333 : vector<96x128xf32>
    %select_n3A_2344 = arith.select %lt3A_2343, %sub3A_2342, %select_n3A_2333 : vector<96x128xi1>, vector<96x128xf32>
    %jit3A_2345 = arith.constant 1.400000e+01 : f32
    %broadcast_in_dim3A_2346 = vector.broadcast %jit3A_2345 : f32 to vector<96x128xf32>
    %select_n3A_2347 = arith.select %lt3A_2343, %broadcast_in_dim3A_2346, %select_n3A_2336 : vector<96x128xi1>, vector<96x128xf32>
    %slice3A_2348 = vector.extract_strided_slice %get3A_8 {offsets = [0, 1920], sizes = [1, 128], strides = [1, 1]} : vector<1x8192xf32> to vector<1x128xf32>
    %slice3A_2349 = vector.extract_strided_slice %dot_general3A_5 {offsets = [288, 1920], sizes = [96, 128], strides = [1, 1]} : vector<576x8192xf32> to vector<96x128xf32>
    %add3A_2350 = vector.broadcast %slice3A_2178 : vector<96x1xf32> to vector<96x128xf32>
    %add3A_2351 = vector.broadcast %slice3A_2348 : vector<1x128xf32> to vector<96x128xf32>
    %add3A_2352 = arith.addf %add3A_2350, %add3A_2351 : vector<96x128xf32>
    %sub3A_2353 = arith.subf %add3A_2352, %slice3A_2349 : vector<96x128xf32>
    %lt3A_2354 = arith.cmpf olt, %sub3A_2353, %select_n3A_2344 : vector<96x128xf32>
    %select_n3A_2355 = arith.select %lt3A_2354, %sub3A_2353, %select_n3A_2344 : vector<96x128xi1>, vector<96x128xf32>
    %jit3A_2356 = arith.constant 1.500000e+01 : f32
    %broadcast_in_dim3A_2357 = vector.broadcast %jit3A_2356 : f32 to vector<96x128xf32>
    %select_n3A_2358 = arith.select %lt3A_2354, %broadcast_in_dim3A_2357, %select_n3A_2347 : vector<96x128xi1>, vector<96x128xf32>
    %slice3A_2359 = vector.extract_strided_slice %get3A_8 {offsets = [0, 2048], sizes = [1, 128], strides = [1, 1]} : vector<1x8192xf32> to vector<1x128xf32>
    %slice3A_2360 = vector.extract_strided_slice %dot_general3A_5 {offsets = [288, 2048], sizes = [96, 128], strides = [1, 1]} : vector<576x8192xf32> to vector<96x128xf32>
    %add3A_2361 = vector.broadcast %slice3A_2178 : vector<96x1xf32> to vector<96x128xf32>
    %add3A_2362 = vector.broadcast %slice3A_2359 : vector<1x128xf32> to vector<96x128xf32>
    %add3A_2363 = arith.addf %add3A_2361, %add3A_2362 : vector<96x128xf32>
    %sub3A_2364 = arith.subf %add3A_2363, %slice3A_2360 : vector<96x128xf32>
    %lt3A_2365 = arith.cmpf olt, %sub3A_2364, %select_n3A_2355 : vector<96x128xf32>
    %select_n3A_2366 = arith.select %lt3A_2365, %sub3A_2364, %select_n3A_2355 : vector<96x128xi1>, vector<96x128xf32>
    %jit3A_2367 = arith.constant 1.600000e+01 : f32
    %broadcast_in_dim3A_2368 = vector.broadcast %jit3A_2367 : f32 to vector<96x128xf32>
    %select_n3A_2369 = arith.select %lt3A_2365, %broadcast_in_dim3A_2368, %select_n3A_2358 : vector<96x128xi1>, vector<96x128xf32>
    %slice3A_2370 = vector.extract_strided_slice %get3A_8 {offsets = [0, 2176], sizes = [1, 128], strides = [1, 1]} : vector<1x8192xf32> to vector<1x128xf32>
    %slice3A_2371 = vector.extract_strided_slice %dot_general3A_5 {offsets = [288, 2176], sizes = [96, 128], strides = [1, 1]} : vector<576x8192xf32> to vector<96x128xf32>
    %add3A_2372 = vector.broadcast %slice3A_2178 : vector<96x1xf32> to vector<96x128xf32>
    %add3A_2373 = vector.broadcast %slice3A_2370 : vector<1x128xf32> to vector<96x128xf32>
    %add3A_2374 = arith.addf %add3A_2372, %add3A_2373 : vector<96x128xf32>
    %sub3A_2375 = arith.subf %add3A_2374, %slice3A_2371 : vector<96x128xf32>
    %lt3A_2376 = arith.cmpf olt, %sub3A_2375, %select_n3A_2366 : vector<96x128xf32>
    %select_n3A_2377 = arith.select %lt3A_2376, %sub3A_2375, %select_n3A_2366 : vector<96x128xi1>, vector<96x128xf32>
    %jit3A_2378 = arith.constant 1.700000e+01 : f32
    %broadcast_in_dim3A_2379 = vector.broadcast %jit3A_2378 : f32 to vector<96x128xf32>
    %select_n3A_2380 = arith.select %lt3A_2376, %broadcast_in_dim3A_2379, %select_n3A_2369 : vector<96x128xi1>, vector<96x128xf32>
    %slice3A_2381 = vector.extract_strided_slice %get3A_8 {offsets = [0, 2304], sizes = [1, 128], strides = [1, 1]} : vector<1x8192xf32> to vector<1x128xf32>
    %slice3A_2382 = vector.extract_strided_slice %dot_general3A_5 {offsets = [288, 2304], sizes = [96, 128], strides = [1, 1]} : vector<576x8192xf32> to vector<96x128xf32>
    %add3A_2383 = vector.broadcast %slice3A_2178 : vector<96x1xf32> to vector<96x128xf32>
    %add3A_2384 = vector.broadcast %slice3A_2381 : vector<1x128xf32> to vector<96x128xf32>
    %add3A_2385 = arith.addf %add3A_2383, %add3A_2384 : vector<96x128xf32>
    %sub3A_2386 = arith.subf %add3A_2385, %slice3A_2382 : vector<96x128xf32>
    %lt3A_2387 = arith.cmpf olt, %sub3A_2386, %select_n3A_2377 : vector<96x128xf32>
    %select_n3A_2388 = arith.select %lt3A_2387, %sub3A_2386, %select_n3A_2377 : vector<96x128xi1>, vector<96x128xf32>
    %jit3A_2389 = arith.constant 1.800000e+01 : f32
    %broadcast_in_dim3A_2390 = vector.broadcast %jit3A_2389 : f32 to vector<96x128xf32>
    %select_n3A_2391 = arith.select %lt3A_2387, %broadcast_in_dim3A_2390, %select_n3A_2380 : vector<96x128xi1>, vector<96x128xf32>
    %slice3A_2392 = vector.extract_strided_slice %get3A_8 {offsets = [0, 2432], sizes = [1, 128], strides = [1, 1]} : vector<1x8192xf32> to vector<1x128xf32>
    %slice3A_2393 = vector.extract_strided_slice %dot_general3A_5 {offsets = [288, 2432], sizes = [96, 128], strides = [1, 1]} : vector<576x8192xf32> to vector<96x128xf32>
    %add3A_2394 = vector.broadcast %slice3A_2178 : vector<96x1xf32> to vector<96x128xf32>
    %add3A_2395 = vector.broadcast %slice3A_2392 : vector<1x128xf32> to vector<96x128xf32>
    %add3A_2396 = arith.addf %add3A_2394, %add3A_2395 : vector<96x128xf32>
    %sub3A_2397 = arith.subf %add3A_2396, %slice3A_2393 : vector<96x128xf32>
    %lt3A_2398 = arith.cmpf olt, %sub3A_2397, %select_n3A_2388 : vector<96x128xf32>
    %select_n3A_2399 = arith.select %lt3A_2398, %sub3A_2397, %select_n3A_2388 : vector<96x128xi1>, vector<96x128xf32>
    %jit3A_2400 = arith.constant 1.900000e+01 : f32
    %broadcast_in_dim3A_2401 = vector.broadcast %jit3A_2400 : f32 to vector<96x128xf32>
    %select_n3A_2402 = arith.select %lt3A_2398, %broadcast_in_dim3A_2401, %select_n3A_2391 : vector<96x128xi1>, vector<96x128xf32>
    %slice3A_2403 = vector.extract_strided_slice %get3A_8 {offsets = [0, 2560], sizes = [1, 128], strides = [1, 1]} : vector<1x8192xf32> to vector<1x128xf32>
    %slice3A_2404 = vector.extract_strided_slice %dot_general3A_5 {offsets = [288, 2560], sizes = [96, 128], strides = [1, 1]} : vector<576x8192xf32> to vector<96x128xf32>
    %add3A_2405 = vector.broadcast %slice3A_2178 : vector<96x1xf32> to vector<96x128xf32>
    %add3A_2406 = vector.broadcast %slice3A_2403 : vector<1x128xf32> to vector<96x128xf32>
    %add3A_2407 = arith.addf %add3A_2405, %add3A_2406 : vector<96x128xf32>
    %sub3A_2408 = arith.subf %add3A_2407, %slice3A_2404 : vector<96x128xf32>
    %lt3A_2409 = arith.cmpf olt, %sub3A_2408, %select_n3A_2399 : vector<96x128xf32>
    %select_n3A_2410 = arith.select %lt3A_2409, %sub3A_2408, %select_n3A_2399 : vector<96x128xi1>, vector<96x128xf32>
    %jit3A_2411 = arith.constant 2.000000e+01 : f32
    %broadcast_in_dim3A_2412 = vector.broadcast %jit3A_2411 : f32 to vector<96x128xf32>
    %select_n3A_2413 = arith.select %lt3A_2409, %broadcast_in_dim3A_2412, %select_n3A_2402 : vector<96x128xi1>, vector<96x128xf32>
    %slice3A_2414 = vector.extract_strided_slice %get3A_8 {offsets = [0, 2688], sizes = [1, 128], strides = [1, 1]} : vector<1x8192xf32> to vector<1x128xf32>
    %slice3A_2415 = vector.extract_strided_slice %dot_general3A_5 {offsets = [288, 2688], sizes = [96, 128], strides = [1, 1]} : vector<576x8192xf32> to vector<96x128xf32>
    %add3A_2416 = vector.broadcast %slice3A_2178 : vector<96x1xf32> to vector<96x128xf32>
    %add3A_2417 = vector.broadcast %slice3A_2414 : vector<1x128xf32> to vector<96x128xf32>
    %add3A_2418 = arith.addf %add3A_2416, %add3A_2417 : vector<96x128xf32>
    %sub3A_2419 = arith.subf %add3A_2418, %slice3A_2415 : vector<96x128xf32>
    %lt3A_2420 = arith.cmpf olt, %sub3A_2419, %select_n3A_2410 : vector<96x128xf32>
    %select_n3A_2421 = arith.select %lt3A_2420, %sub3A_2419, %select_n3A_2410 : vector<96x128xi1>, vector<96x128xf32>
    %jit3A_2422 = arith.constant 2.100000e+01 : f32
    %broadcast_in_dim3A_2423 = vector.broadcast %jit3A_2422 : f32 to vector<96x128xf32>
    %select_n3A_2424 = arith.select %lt3A_2420, %broadcast_in_dim3A_2423, %select_n3A_2413 : vector<96x128xi1>, vector<96x128xf32>
    %slice3A_2425 = vector.extract_strided_slice %get3A_8 {offsets = [0, 2816], sizes = [1, 128], strides = [1, 1]} : vector<1x8192xf32> to vector<1x128xf32>
    %slice3A_2426 = vector.extract_strided_slice %dot_general3A_5 {offsets = [288, 2816], sizes = [96, 128], strides = [1, 1]} : vector<576x8192xf32> to vector<96x128xf32>
    %add3A_2427 = vector.broadcast %slice3A_2178 : vector<96x1xf32> to vector<96x128xf32>
    %add3A_2428 = vector.broadcast %slice3A_2425 : vector<1x128xf32> to vector<96x128xf32>
    %add3A_2429 = arith.addf %add3A_2427, %add3A_2428 : vector<96x128xf32>
    %sub3A_2430 = arith.subf %add3A_2429, %slice3A_2426 : vector<96x128xf32>
    %lt3A_2431 = arith.cmpf olt, %sub3A_2430, %select_n3A_2421 : vector<96x128xf32>
    %select_n3A_2432 = arith.select %lt3A_2431, %sub3A_2430, %select_n3A_2421 : vector<96x128xi1>, vector<96x128xf32>
    %jit3A_2433 = arith.constant 2.200000e+01 : f32
    %broadcast_in_dim3A_2434 = vector.broadcast %jit3A_2433 : f32 to vector<96x128xf32>
    %select_n3A_2435 = arith.select %lt3A_2431, %broadcast_in_dim3A_2434, %select_n3A_2424 : vector<96x128xi1>, vector<96x128xf32>
    %slice3A_2436 = vector.extract_strided_slice %get3A_8 {offsets = [0, 2944], sizes = [1, 128], strides = [1, 1]} : vector<1x8192xf32> to vector<1x128xf32>
    %slice3A_2437 = vector.extract_strided_slice %dot_general3A_5 {offsets = [288, 2944], sizes = [96, 128], strides = [1, 1]} : vector<576x8192xf32> to vector<96x128xf32>
    %add3A_2438 = vector.broadcast %slice3A_2178 : vector<96x1xf32> to vector<96x128xf32>
    %add3A_2439 = vector.broadcast %slice3A_2436 : vector<1x128xf32> to vector<96x128xf32>
    %add3A_2440 = arith.addf %add3A_2438, %add3A_2439 : vector<96x128xf32>
    %sub3A_2441 = arith.subf %add3A_2440, %slice3A_2437 : vector<96x128xf32>
    %lt3A_2442 = arith.cmpf olt, %sub3A_2441, %select_n3A_2432 : vector<96x128xf32>
    %select_n3A_2443 = arith.select %lt3A_2442, %sub3A_2441, %select_n3A_2432 : vector<96x128xi1>, vector<96x128xf32>
    %jit3A_2444 = arith.constant 2.300000e+01 : f32
    %broadcast_in_dim3A_2445 = vector.broadcast %jit3A_2444 : f32 to vector<96x128xf32>
    %select_n3A_2446 = arith.select %lt3A_2442, %broadcast_in_dim3A_2445, %select_n3A_2435 : vector<96x128xi1>, vector<96x128xf32>
    %slice3A_2447 = vector.extract_strided_slice %get3A_8 {offsets = [0, 3072], sizes = [1, 128], strides = [1, 1]} : vector<1x8192xf32> to vector<1x128xf32>
    %slice3A_2448 = vector.extract_strided_slice %dot_general3A_5 {offsets = [288, 3072], sizes = [96, 128], strides = [1, 1]} : vector<576x8192xf32> to vector<96x128xf32>
    %add3A_2449 = vector.broadcast %slice3A_2178 : vector<96x1xf32> to vector<96x128xf32>
    %add3A_2450 = vector.broadcast %slice3A_2447 : vector<1x128xf32> to vector<96x128xf32>
    %add3A_2451 = arith.addf %add3A_2449, %add3A_2450 : vector<96x128xf32>
    %sub3A_2452 = arith.subf %add3A_2451, %slice3A_2448 : vector<96x128xf32>
    %lt3A_2453 = arith.cmpf olt, %sub3A_2452, %select_n3A_2443 : vector<96x128xf32>
    %select_n3A_2454 = arith.select %lt3A_2453, %sub3A_2452, %select_n3A_2443 : vector<96x128xi1>, vector<96x128xf32>
    %jit3A_2455 = arith.constant 2.400000e+01 : f32
    %broadcast_in_dim3A_2456 = vector.broadcast %jit3A_2455 : f32 to vector<96x128xf32>
    %select_n3A_2457 = arith.select %lt3A_2453, %broadcast_in_dim3A_2456, %select_n3A_2446 : vector<96x128xi1>, vector<96x128xf32>
    %slice3A_2458 = vector.extract_strided_slice %get3A_8 {offsets = [0, 3200], sizes = [1, 128], strides = [1, 1]} : vector<1x8192xf32> to vector<1x128xf32>
    %slice3A_2459 = vector.extract_strided_slice %dot_general3A_5 {offsets = [288, 3200], sizes = [96, 128], strides = [1, 1]} : vector<576x8192xf32> to vector<96x128xf32>
    %add3A_2460 = vector.broadcast %slice3A_2178 : vector<96x1xf32> to vector<96x128xf32>
    %add3A_2461 = vector.broadcast %slice3A_2458 : vector<1x128xf32> to vector<96x128xf32>
    %add3A_2462 = arith.addf %add3A_2460, %add3A_2461 : vector<96x128xf32>
    %sub3A_2463 = arith.subf %add3A_2462, %slice3A_2459 : vector<96x128xf32>
    %lt3A_2464 = arith.cmpf olt, %sub3A_2463, %select_n3A_2454 : vector<96x128xf32>
    %select_n3A_2465 = arith.select %lt3A_2464, %sub3A_2463, %select_n3A_2454 : vector<96x128xi1>, vector<96x128xf32>
    %jit3A_2466 = arith.constant 2.500000e+01 : f32
    %broadcast_in_dim3A_2467 = vector.broadcast %jit3A_2466 : f32 to vector<96x128xf32>
    %select_n3A_2468 = arith.select %lt3A_2464, %broadcast_in_dim3A_2467, %select_n3A_2457 : vector<96x128xi1>, vector<96x128xf32>
    %slice3A_2469 = vector.extract_strided_slice %get3A_8 {offsets = [0, 3328], sizes = [1, 128], strides = [1, 1]} : vector<1x8192xf32> to vector<1x128xf32>
    %slice3A_2470 = vector.extract_strided_slice %dot_general3A_5 {offsets = [288, 3328], sizes = [96, 128], strides = [1, 1]} : vector<576x8192xf32> to vector<96x128xf32>
    %add3A_2471 = vector.broadcast %slice3A_2178 : vector<96x1xf32> to vector<96x128xf32>
    %add3A_2472 = vector.broadcast %slice3A_2469 : vector<1x128xf32> to vector<96x128xf32>
    %add3A_2473 = arith.addf %add3A_2471, %add3A_2472 : vector<96x128xf32>
    %sub3A_2474 = arith.subf %add3A_2473, %slice3A_2470 : vector<96x128xf32>
    %lt3A_2475 = arith.cmpf olt, %sub3A_2474, %select_n3A_2465 : vector<96x128xf32>
    %select_n3A_2476 = arith.select %lt3A_2475, %sub3A_2474, %select_n3A_2465 : vector<96x128xi1>, vector<96x128xf32>
    %jit3A_2477 = arith.constant 2.600000e+01 : f32
    %broadcast_in_dim3A_2478 = vector.broadcast %jit3A_2477 : f32 to vector<96x128xf32>
    %select_n3A_2479 = arith.select %lt3A_2475, %broadcast_in_dim3A_2478, %select_n3A_2468 : vector<96x128xi1>, vector<96x128xf32>
    %slice3A_2480 = vector.extract_strided_slice %get3A_8 {offsets = [0, 3456], sizes = [1, 128], strides = [1, 1]} : vector<1x8192xf32> to vector<1x128xf32>
    %slice3A_2481 = vector.extract_strided_slice %dot_general3A_5 {offsets = [288, 3456], sizes = [96, 128], strides = [1, 1]} : vector<576x8192xf32> to vector<96x128xf32>
    %add3A_2482 = vector.broadcast %slice3A_2178 : vector<96x1xf32> to vector<96x128xf32>
    %add3A_2483 = vector.broadcast %slice3A_2480 : vector<1x128xf32> to vector<96x128xf32>
    %add3A_2484 = arith.addf %add3A_2482, %add3A_2483 : vector<96x128xf32>
    %sub3A_2485 = arith.subf %add3A_2484, %slice3A_2481 : vector<96x128xf32>
    %lt3A_2486 = arith.cmpf olt, %sub3A_2485, %select_n3A_2476 : vector<96x128xf32>
    %select_n3A_2487 = arith.select %lt3A_2486, %sub3A_2485, %select_n3A_2476 : vector<96x128xi1>, vector<96x128xf32>
    %jit3A_2488 = arith.constant 2.700000e+01 : f32
    %broadcast_in_dim3A_2489 = vector.broadcast %jit3A_2488 : f32 to vector<96x128xf32>
    %select_n3A_2490 = arith.select %lt3A_2486, %broadcast_in_dim3A_2489, %select_n3A_2479 : vector<96x128xi1>, vector<96x128xf32>
    %slice3A_2491 = vector.extract_strided_slice %get3A_8 {offsets = [0, 3584], sizes = [1, 128], strides = [1, 1]} : vector<1x8192xf32> to vector<1x128xf32>
    %slice3A_2492 = vector.extract_strided_slice %dot_general3A_5 {offsets = [288, 3584], sizes = [96, 128], strides = [1, 1]} : vector<576x8192xf32> to vector<96x128xf32>
    %add3A_2493 = vector.broadcast %slice3A_2178 : vector<96x1xf32> to vector<96x128xf32>
    %add3A_2494 = vector.broadcast %slice3A_2491 : vector<1x128xf32> to vector<96x128xf32>
    %add3A_2495 = arith.addf %add3A_2493, %add3A_2494 : vector<96x128xf32>
    %sub3A_2496 = arith.subf %add3A_2495, %slice3A_2492 : vector<96x128xf32>
    %lt3A_2497 = arith.cmpf olt, %sub3A_2496, %select_n3A_2487 : vector<96x128xf32>
    %select_n3A_2498 = arith.select %lt3A_2497, %sub3A_2496, %select_n3A_2487 : vector<96x128xi1>, vector<96x128xf32>
    %jit3A_2499 = arith.constant 2.800000e+01 : f32
    %broadcast_in_dim3A_2500 = vector.broadcast %jit3A_2499 : f32 to vector<96x128xf32>
    %select_n3A_2501 = arith.select %lt3A_2497, %broadcast_in_dim3A_2500, %select_n3A_2490 : vector<96x128xi1>, vector<96x128xf32>
    %slice3A_2502 = vector.extract_strided_slice %get3A_8 {offsets = [0, 3712], sizes = [1, 128], strides = [1, 1]} : vector<1x8192xf32> to vector<1x128xf32>
    %slice3A_2503 = vector.extract_strided_slice %dot_general3A_5 {offsets = [288, 3712], sizes = [96, 128], strides = [1, 1]} : vector<576x8192xf32> to vector<96x128xf32>
    %add3A_2504 = vector.broadcast %slice3A_2178 : vector<96x1xf32> to vector<96x128xf32>
    %add3A_2505 = vector.broadcast %slice3A_2502 : vector<1x128xf32> to vector<96x128xf32>
    %add3A_2506 = arith.addf %add3A_2504, %add3A_2505 : vector<96x128xf32>
    %sub3A_2507 = arith.subf %add3A_2506, %slice3A_2503 : vector<96x128xf32>
    %lt3A_2508 = arith.cmpf olt, %sub3A_2507, %select_n3A_2498 : vector<96x128xf32>
    %select_n3A_2509 = arith.select %lt3A_2508, %sub3A_2507, %select_n3A_2498 : vector<96x128xi1>, vector<96x128xf32>
    %jit3A_2510 = arith.constant 2.900000e+01 : f32
    %broadcast_in_dim3A_2511 = vector.broadcast %jit3A_2510 : f32 to vector<96x128xf32>
    %select_n3A_2512 = arith.select %lt3A_2508, %broadcast_in_dim3A_2511, %select_n3A_2501 : vector<96x128xi1>, vector<96x128xf32>
    %slice3A_2513 = vector.extract_strided_slice %get3A_8 {offsets = [0, 3840], sizes = [1, 128], strides = [1, 1]} : vector<1x8192xf32> to vector<1x128xf32>
    %slice3A_2514 = vector.extract_strided_slice %dot_general3A_5 {offsets = [288, 3840], sizes = [96, 128], strides = [1, 1]} : vector<576x8192xf32> to vector<96x128xf32>
    %add3A_2515 = vector.broadcast %slice3A_2178 : vector<96x1xf32> to vector<96x128xf32>
    %add3A_2516 = vector.broadcast %slice3A_2513 : vector<1x128xf32> to vector<96x128xf32>
    %add3A_2517 = arith.addf %add3A_2515, %add3A_2516 : vector<96x128xf32>
    %sub3A_2518 = arith.subf %add3A_2517, %slice3A_2514 : vector<96x128xf32>
    %lt3A_2519 = arith.cmpf olt, %sub3A_2518, %select_n3A_2509 : vector<96x128xf32>
    %select_n3A_2520 = arith.select %lt3A_2519, %sub3A_2518, %select_n3A_2509 : vector<96x128xi1>, vector<96x128xf32>
    %jit3A_2521 = arith.constant 3.000000e+01 : f32
    %broadcast_in_dim3A_2522 = vector.broadcast %jit3A_2521 : f32 to vector<96x128xf32>
    %select_n3A_2523 = arith.select %lt3A_2519, %broadcast_in_dim3A_2522, %select_n3A_2512 : vector<96x128xi1>, vector<96x128xf32>
    %slice3A_2524 = vector.extract_strided_slice %get3A_8 {offsets = [0, 3968], sizes = [1, 128], strides = [1, 1]} : vector<1x8192xf32> to vector<1x128xf32>
    %slice3A_2525 = vector.extract_strided_slice %dot_general3A_5 {offsets = [288, 3968], sizes = [96, 128], strides = [1, 1]} : vector<576x8192xf32> to vector<96x128xf32>
    %add3A_2526 = vector.broadcast %slice3A_2178 : vector<96x1xf32> to vector<96x128xf32>
    %add3A_2527 = vector.broadcast %slice3A_2524 : vector<1x128xf32> to vector<96x128xf32>
    %add3A_2528 = arith.addf %add3A_2526, %add3A_2527 : vector<96x128xf32>
    %sub3A_2529 = arith.subf %add3A_2528, %slice3A_2525 : vector<96x128xf32>
    %lt3A_2530 = arith.cmpf olt, %sub3A_2529, %select_n3A_2520 : vector<96x128xf32>
    %select_n3A_2531 = arith.select %lt3A_2530, %sub3A_2529, %select_n3A_2520 : vector<96x128xi1>, vector<96x128xf32>
    %jit3A_2532 = arith.constant 3.100000e+01 : f32
    %broadcast_in_dim3A_2533 = vector.broadcast %jit3A_2532 : f32 to vector<96x128xf32>
    %select_n3A_2534 = arith.select %lt3A_2530, %broadcast_in_dim3A_2533, %select_n3A_2523 : vector<96x128xi1>, vector<96x128xf32>
    %slice3A_2535 = vector.extract_strided_slice %get3A_8 {offsets = [0, 4096], sizes = [1, 128], strides = [1, 1]} : vector<1x8192xf32> to vector<1x128xf32>
    %slice3A_2536 = vector.extract_strided_slice %dot_general3A_5 {offsets = [288, 4096], sizes = [96, 128], strides = [1, 1]} : vector<576x8192xf32> to vector<96x128xf32>
    %add3A_2537 = vector.broadcast %slice3A_2178 : vector<96x1xf32> to vector<96x128xf32>
    %add3A_2538 = vector.broadcast %slice3A_2535 : vector<1x128xf32> to vector<96x128xf32>
    %add3A_2539 = arith.addf %add3A_2537, %add3A_2538 : vector<96x128xf32>
    %sub3A_2540 = arith.subf %add3A_2539, %slice3A_2536 : vector<96x128xf32>
    %lt3A_2541 = arith.cmpf olt, %sub3A_2540, %select_n3A_2531 : vector<96x128xf32>
    %select_n3A_2542 = arith.select %lt3A_2541, %sub3A_2540, %select_n3A_2531 : vector<96x128xi1>, vector<96x128xf32>
    %jit3A_2543 = arith.constant 3.200000e+01 : f32
    %broadcast_in_dim3A_2544 = vector.broadcast %jit3A_2543 : f32 to vector<96x128xf32>
    %select_n3A_2545 = arith.select %lt3A_2541, %broadcast_in_dim3A_2544, %select_n3A_2534 : vector<96x128xi1>, vector<96x128xf32>
    %slice3A_2546 = vector.extract_strided_slice %get3A_8 {offsets = [0, 4224], sizes = [1, 128], strides = [1, 1]} : vector<1x8192xf32> to vector<1x128xf32>
    %slice3A_2547 = vector.extract_strided_slice %dot_general3A_5 {offsets = [288, 4224], sizes = [96, 128], strides = [1, 1]} : vector<576x8192xf32> to vector<96x128xf32>
    %add3A_2548 = vector.broadcast %slice3A_2178 : vector<96x1xf32> to vector<96x128xf32>
    %add3A_2549 = vector.broadcast %slice3A_2546 : vector<1x128xf32> to vector<96x128xf32>
    %add3A_2550 = arith.addf %add3A_2548, %add3A_2549 : vector<96x128xf32>
    %sub3A_2551 = arith.subf %add3A_2550, %slice3A_2547 : vector<96x128xf32>
    %lt3A_2552 = arith.cmpf olt, %sub3A_2551, %select_n3A_2542 : vector<96x128xf32>
    %select_n3A_2553 = arith.select %lt3A_2552, %sub3A_2551, %select_n3A_2542 : vector<96x128xi1>, vector<96x128xf32>
    %jit3A_2554 = arith.constant 3.300000e+01 : f32
    %broadcast_in_dim3A_2555 = vector.broadcast %jit3A_2554 : f32 to vector<96x128xf32>
    %select_n3A_2556 = arith.select %lt3A_2552, %broadcast_in_dim3A_2555, %select_n3A_2545 : vector<96x128xi1>, vector<96x128xf32>
    %slice3A_2557 = vector.extract_strided_slice %get3A_8 {offsets = [0, 4352], sizes = [1, 128], strides = [1, 1]} : vector<1x8192xf32> to vector<1x128xf32>
    %slice3A_2558 = vector.extract_strided_slice %dot_general3A_5 {offsets = [288, 4352], sizes = [96, 128], strides = [1, 1]} : vector<576x8192xf32> to vector<96x128xf32>
    %add3A_2559 = vector.broadcast %slice3A_2178 : vector<96x1xf32> to vector<96x128xf32>
    %add3A_2560 = vector.broadcast %slice3A_2557 : vector<1x128xf32> to vector<96x128xf32>
    %add3A_2561 = arith.addf %add3A_2559, %add3A_2560 : vector<96x128xf32>
    %sub3A_2562 = arith.subf %add3A_2561, %slice3A_2558 : vector<96x128xf32>
    %lt3A_2563 = arith.cmpf olt, %sub3A_2562, %select_n3A_2553 : vector<96x128xf32>
    %select_n3A_2564 = arith.select %lt3A_2563, %sub3A_2562, %select_n3A_2553 : vector<96x128xi1>, vector<96x128xf32>
    %jit3A_2565 = arith.constant 3.400000e+01 : f32
    %broadcast_in_dim3A_2566 = vector.broadcast %jit3A_2565 : f32 to vector<96x128xf32>
    %select_n3A_2567 = arith.select %lt3A_2563, %broadcast_in_dim3A_2566, %select_n3A_2556 : vector<96x128xi1>, vector<96x128xf32>
    %slice3A_2568 = vector.extract_strided_slice %get3A_8 {offsets = [0, 4480], sizes = [1, 128], strides = [1, 1]} : vector<1x8192xf32> to vector<1x128xf32>
    %slice3A_2569 = vector.extract_strided_slice %dot_general3A_5 {offsets = [288, 4480], sizes = [96, 128], strides = [1, 1]} : vector<576x8192xf32> to vector<96x128xf32>
    %add3A_2570 = vector.broadcast %slice3A_2178 : vector<96x1xf32> to vector<96x128xf32>
    %add3A_2571 = vector.broadcast %slice3A_2568 : vector<1x128xf32> to vector<96x128xf32>
    %add3A_2572 = arith.addf %add3A_2570, %add3A_2571 : vector<96x128xf32>
    %sub3A_2573 = arith.subf %add3A_2572, %slice3A_2569 : vector<96x128xf32>
    %lt3A_2574 = arith.cmpf olt, %sub3A_2573, %select_n3A_2564 : vector<96x128xf32>
    %select_n3A_2575 = arith.select %lt3A_2574, %sub3A_2573, %select_n3A_2564 : vector<96x128xi1>, vector<96x128xf32>
    %jit3A_2576 = arith.constant 3.500000e+01 : f32
    %broadcast_in_dim3A_2577 = vector.broadcast %jit3A_2576 : f32 to vector<96x128xf32>
    %select_n3A_2578 = arith.select %lt3A_2574, %broadcast_in_dim3A_2577, %select_n3A_2567 : vector<96x128xi1>, vector<96x128xf32>
    %slice3A_2579 = vector.extract_strided_slice %get3A_8 {offsets = [0, 4608], sizes = [1, 128], strides = [1, 1]} : vector<1x8192xf32> to vector<1x128xf32>
    %slice3A_2580 = vector.extract_strided_slice %dot_general3A_5 {offsets = [288, 4608], sizes = [96, 128], strides = [1, 1]} : vector<576x8192xf32> to vector<96x128xf32>
    %add3A_2581 = vector.broadcast %slice3A_2178 : vector<96x1xf32> to vector<96x128xf32>
    %add3A_2582 = vector.broadcast %slice3A_2579 : vector<1x128xf32> to vector<96x128xf32>
    %add3A_2583 = arith.addf %add3A_2581, %add3A_2582 : vector<96x128xf32>
    %sub3A_2584 = arith.subf %add3A_2583, %slice3A_2580 : vector<96x128xf32>
    %lt3A_2585 = arith.cmpf olt, %sub3A_2584, %select_n3A_2575 : vector<96x128xf32>
    %select_n3A_2586 = arith.select %lt3A_2585, %sub3A_2584, %select_n3A_2575 : vector<96x128xi1>, vector<96x128xf32>
    %jit3A_2587 = arith.constant 3.600000e+01 : f32
    %broadcast_in_dim3A_2588 = vector.broadcast %jit3A_2587 : f32 to vector<96x128xf32>
    %select_n3A_2589 = arith.select %lt3A_2585, %broadcast_in_dim3A_2588, %select_n3A_2578 : vector<96x128xi1>, vector<96x128xf32>
    %slice3A_2590 = vector.extract_strided_slice %get3A_8 {offsets = [0, 4736], sizes = [1, 128], strides = [1, 1]} : vector<1x8192xf32> to vector<1x128xf32>
    %slice3A_2591 = vector.extract_strided_slice %dot_general3A_5 {offsets = [288, 4736], sizes = [96, 128], strides = [1, 1]} : vector<576x8192xf32> to vector<96x128xf32>
    %add3A_2592 = vector.broadcast %slice3A_2178 : vector<96x1xf32> to vector<96x128xf32>
    %add3A_2593 = vector.broadcast %slice3A_2590 : vector<1x128xf32> to vector<96x128xf32>
    %add3A_2594 = arith.addf %add3A_2592, %add3A_2593 : vector<96x128xf32>
    %sub3A_2595 = arith.subf %add3A_2594, %slice3A_2591 : vector<96x128xf32>
    %lt3A_2596 = arith.cmpf olt, %sub3A_2595, %select_n3A_2586 : vector<96x128xf32>
    %select_n3A_2597 = arith.select %lt3A_2596, %sub3A_2595, %select_n3A_2586 : vector<96x128xi1>, vector<96x128xf32>
    %jit3A_2598 = arith.constant 3.700000e+01 : f32
    %broadcast_in_dim3A_2599 = vector.broadcast %jit3A_2598 : f32 to vector<96x128xf32>
    %select_n3A_2600 = arith.select %lt3A_2596, %broadcast_in_dim3A_2599, %select_n3A_2589 : vector<96x128xi1>, vector<96x128xf32>
    %slice3A_2601 = vector.extract_strided_slice %get3A_8 {offsets = [0, 4864], sizes = [1, 128], strides = [1, 1]} : vector<1x8192xf32> to vector<1x128xf32>
    %slice3A_2602 = vector.extract_strided_slice %dot_general3A_5 {offsets = [288, 4864], sizes = [96, 128], strides = [1, 1]} : vector<576x8192xf32> to vector<96x128xf32>
    %add3A_2603 = vector.broadcast %slice3A_2178 : vector<96x1xf32> to vector<96x128xf32>
    %add3A_2604 = vector.broadcast %slice3A_2601 : vector<1x128xf32> to vector<96x128xf32>
    %add3A_2605 = arith.addf %add3A_2603, %add3A_2604 : vector<96x128xf32>
    %sub3A_2606 = arith.subf %add3A_2605, %slice3A_2602 : vector<96x128xf32>
    %lt3A_2607 = arith.cmpf olt, %sub3A_2606, %select_n3A_2597 : vector<96x128xf32>
    %select_n3A_2608 = arith.select %lt3A_2607, %sub3A_2606, %select_n3A_2597 : vector<96x128xi1>, vector<96x128xf32>
    %jit3A_2609 = arith.constant 3.800000e+01 : f32
    %broadcast_in_dim3A_2610 = vector.broadcast %jit3A_2609 : f32 to vector<96x128xf32>
    %select_n3A_2611 = arith.select %lt3A_2607, %broadcast_in_dim3A_2610, %select_n3A_2600 : vector<96x128xi1>, vector<96x128xf32>
    %slice3A_2612 = vector.extract_strided_slice %get3A_8 {offsets = [0, 4992], sizes = [1, 128], strides = [1, 1]} : vector<1x8192xf32> to vector<1x128xf32>
    %slice3A_2613 = vector.extract_strided_slice %dot_general3A_5 {offsets = [288, 4992], sizes = [96, 128], strides = [1, 1]} : vector<576x8192xf32> to vector<96x128xf32>
    %add3A_2614 = vector.broadcast %slice3A_2178 : vector<96x1xf32> to vector<96x128xf32>
    %add3A_2615 = vector.broadcast %slice3A_2612 : vector<1x128xf32> to vector<96x128xf32>
    %add3A_2616 = arith.addf %add3A_2614, %add3A_2615 : vector<96x128xf32>
    %sub3A_2617 = arith.subf %add3A_2616, %slice3A_2613 : vector<96x128xf32>
    %lt3A_2618 = arith.cmpf olt, %sub3A_2617, %select_n3A_2608 : vector<96x128xf32>
    %select_n3A_2619 = arith.select %lt3A_2618, %sub3A_2617, %select_n3A_2608 : vector<96x128xi1>, vector<96x128xf32>
    %jit3A_2620 = arith.constant 3.900000e+01 : f32
    %broadcast_in_dim3A_2621 = vector.broadcast %jit3A_2620 : f32 to vector<96x128xf32>
    %select_n3A_2622 = arith.select %lt3A_2618, %broadcast_in_dim3A_2621, %select_n3A_2611 : vector<96x128xi1>, vector<96x128xf32>
    %slice3A_2623 = vector.extract_strided_slice %get3A_8 {offsets = [0, 5120], sizes = [1, 128], strides = [1, 1]} : vector<1x8192xf32> to vector<1x128xf32>
    %slice3A_2624 = vector.extract_strided_slice %dot_general3A_5 {offsets = [288, 5120], sizes = [96, 128], strides = [1, 1]} : vector<576x8192xf32> to vector<96x128xf32>
    %add3A_2625 = vector.broadcast %slice3A_2178 : vector<96x1xf32> to vector<96x128xf32>
    %add3A_2626 = vector.broadcast %slice3A_2623 : vector<1x128xf32> to vector<96x128xf32>
    %add3A_2627 = arith.addf %add3A_2625, %add3A_2626 : vector<96x128xf32>
    %sub3A_2628 = arith.subf %add3A_2627, %slice3A_2624 : vector<96x128xf32>
    %lt3A_2629 = arith.cmpf olt, %sub3A_2628, %select_n3A_2619 : vector<96x128xf32>
    %select_n3A_2630 = arith.select %lt3A_2629, %sub3A_2628, %select_n3A_2619 : vector<96x128xi1>, vector<96x128xf32>
    %jit3A_2631 = arith.constant 4.000000e+01 : f32
    %broadcast_in_dim3A_2632 = vector.broadcast %jit3A_2631 : f32 to vector<96x128xf32>
    %select_n3A_2633 = arith.select %lt3A_2629, %broadcast_in_dim3A_2632, %select_n3A_2622 : vector<96x128xi1>, vector<96x128xf32>
    %slice3A_2634 = vector.extract_strided_slice %get3A_8 {offsets = [0, 5248], sizes = [1, 128], strides = [1, 1]} : vector<1x8192xf32> to vector<1x128xf32>
    %slice3A_2635 = vector.extract_strided_slice %dot_general3A_5 {offsets = [288, 5248], sizes = [96, 128], strides = [1, 1]} : vector<576x8192xf32> to vector<96x128xf32>
    %add3A_2636 = vector.broadcast %slice3A_2178 : vector<96x1xf32> to vector<96x128xf32>
    %add3A_2637 = vector.broadcast %slice3A_2634 : vector<1x128xf32> to vector<96x128xf32>
    %add3A_2638 = arith.addf %add3A_2636, %add3A_2637 : vector<96x128xf32>
    %sub3A_2639 = arith.subf %add3A_2638, %slice3A_2635 : vector<96x128xf32>
    %lt3A_2640 = arith.cmpf olt, %sub3A_2639, %select_n3A_2630 : vector<96x128xf32>
    %select_n3A_2641 = arith.select %lt3A_2640, %sub3A_2639, %select_n3A_2630 : vector<96x128xi1>, vector<96x128xf32>
    %jit3A_2642 = arith.constant 4.100000e+01 : f32
    %broadcast_in_dim3A_2643 = vector.broadcast %jit3A_2642 : f32 to vector<96x128xf32>
    %select_n3A_2644 = arith.select %lt3A_2640, %broadcast_in_dim3A_2643, %select_n3A_2633 : vector<96x128xi1>, vector<96x128xf32>
    %slice3A_2645 = vector.extract_strided_slice %get3A_8 {offsets = [0, 5376], sizes = [1, 128], strides = [1, 1]} : vector<1x8192xf32> to vector<1x128xf32>
    %slice3A_2646 = vector.extract_strided_slice %dot_general3A_5 {offsets = [288, 5376], sizes = [96, 128], strides = [1, 1]} : vector<576x8192xf32> to vector<96x128xf32>
    %add3A_2647 = vector.broadcast %slice3A_2178 : vector<96x1xf32> to vector<96x128xf32>
    %add3A_2648 = vector.broadcast %slice3A_2645 : vector<1x128xf32> to vector<96x128xf32>
    %add3A_2649 = arith.addf %add3A_2647, %add3A_2648 : vector<96x128xf32>
    %sub3A_2650 = arith.subf %add3A_2649, %slice3A_2646 : vector<96x128xf32>
    %lt3A_2651 = arith.cmpf olt, %sub3A_2650, %select_n3A_2641 : vector<96x128xf32>
    %select_n3A_2652 = arith.select %lt3A_2651, %sub3A_2650, %select_n3A_2641 : vector<96x128xi1>, vector<96x128xf32>
    %jit3A_2653 = arith.constant 4.200000e+01 : f32
    %broadcast_in_dim3A_2654 = vector.broadcast %jit3A_2653 : f32 to vector<96x128xf32>
    %select_n3A_2655 = arith.select %lt3A_2651, %broadcast_in_dim3A_2654, %select_n3A_2644 : vector<96x128xi1>, vector<96x128xf32>
    %slice3A_2656 = vector.extract_strided_slice %get3A_8 {offsets = [0, 5504], sizes = [1, 128], strides = [1, 1]} : vector<1x8192xf32> to vector<1x128xf32>
    %slice3A_2657 = vector.extract_strided_slice %dot_general3A_5 {offsets = [288, 5504], sizes = [96, 128], strides = [1, 1]} : vector<576x8192xf32> to vector<96x128xf32>
    %add3A_2658 = vector.broadcast %slice3A_2178 : vector<96x1xf32> to vector<96x128xf32>
    %add3A_2659 = vector.broadcast %slice3A_2656 : vector<1x128xf32> to vector<96x128xf32>
    %add3A_2660 = arith.addf %add3A_2658, %add3A_2659 : vector<96x128xf32>
    %sub3A_2661 = arith.subf %add3A_2660, %slice3A_2657 : vector<96x128xf32>
    %lt3A_2662 = arith.cmpf olt, %sub3A_2661, %select_n3A_2652 : vector<96x128xf32>
    %select_n3A_2663 = arith.select %lt3A_2662, %sub3A_2661, %select_n3A_2652 : vector<96x128xi1>, vector<96x128xf32>
    %jit3A_2664 = arith.constant 4.300000e+01 : f32
    %broadcast_in_dim3A_2665 = vector.broadcast %jit3A_2664 : f32 to vector<96x128xf32>
    %select_n3A_2666 = arith.select %lt3A_2662, %broadcast_in_dim3A_2665, %select_n3A_2655 : vector<96x128xi1>, vector<96x128xf32>
    %slice3A_2667 = vector.extract_strided_slice %get3A_8 {offsets = [0, 5632], sizes = [1, 128], strides = [1, 1]} : vector<1x8192xf32> to vector<1x128xf32>
    %slice3A_2668 = vector.extract_strided_slice %dot_general3A_5 {offsets = [288, 5632], sizes = [96, 128], strides = [1, 1]} : vector<576x8192xf32> to vector<96x128xf32>
    %add3A_2669 = vector.broadcast %slice3A_2178 : vector<96x1xf32> to vector<96x128xf32>
    %add3A_2670 = vector.broadcast %slice3A_2667 : vector<1x128xf32> to vector<96x128xf32>
    %add3A_2671 = arith.addf %add3A_2669, %add3A_2670 : vector<96x128xf32>
    %sub3A_2672 = arith.subf %add3A_2671, %slice3A_2668 : vector<96x128xf32>
    %lt3A_2673 = arith.cmpf olt, %sub3A_2672, %select_n3A_2663 : vector<96x128xf32>
    %select_n3A_2674 = arith.select %lt3A_2673, %sub3A_2672, %select_n3A_2663 : vector<96x128xi1>, vector<96x128xf32>
    %jit3A_2675 = arith.constant 4.400000e+01 : f32
    %broadcast_in_dim3A_2676 = vector.broadcast %jit3A_2675 : f32 to vector<96x128xf32>
    %select_n3A_2677 = arith.select %lt3A_2673, %broadcast_in_dim3A_2676, %select_n3A_2666 : vector<96x128xi1>, vector<96x128xf32>
    %slice3A_2678 = vector.extract_strided_slice %get3A_8 {offsets = [0, 5760], sizes = [1, 128], strides = [1, 1]} : vector<1x8192xf32> to vector<1x128xf32>
    %slice3A_2679 = vector.extract_strided_slice %dot_general3A_5 {offsets = [288, 5760], sizes = [96, 128], strides = [1, 1]} : vector<576x8192xf32> to vector<96x128xf32>
    %add3A_2680 = vector.broadcast %slice3A_2178 : vector<96x1xf32> to vector<96x128xf32>
    %add3A_2681 = vector.broadcast %slice3A_2678 : vector<1x128xf32> to vector<96x128xf32>
    %add3A_2682 = arith.addf %add3A_2680, %add3A_2681 : vector<96x128xf32>
    %sub3A_2683 = arith.subf %add3A_2682, %slice3A_2679 : vector<96x128xf32>
    %lt3A_2684 = arith.cmpf olt, %sub3A_2683, %select_n3A_2674 : vector<96x128xf32>
    %select_n3A_2685 = arith.select %lt3A_2684, %sub3A_2683, %select_n3A_2674 : vector<96x128xi1>, vector<96x128xf32>
    %jit3A_2686 = arith.constant 4.500000e+01 : f32
    %broadcast_in_dim3A_2687 = vector.broadcast %jit3A_2686 : f32 to vector<96x128xf32>
    %select_n3A_2688 = arith.select %lt3A_2684, %broadcast_in_dim3A_2687, %select_n3A_2677 : vector<96x128xi1>, vector<96x128xf32>
    %slice3A_2689 = vector.extract_strided_slice %get3A_8 {offsets = [0, 5888], sizes = [1, 128], strides = [1, 1]} : vector<1x8192xf32> to vector<1x128xf32>
    %slice3A_2690 = vector.extract_strided_slice %dot_general3A_5 {offsets = [288, 5888], sizes = [96, 128], strides = [1, 1]} : vector<576x8192xf32> to vector<96x128xf32>
    %add3A_2691 = vector.broadcast %slice3A_2178 : vector<96x1xf32> to vector<96x128xf32>
    %add3A_2692 = vector.broadcast %slice3A_2689 : vector<1x128xf32> to vector<96x128xf32>
    %add3A_2693 = arith.addf %add3A_2691, %add3A_2692 : vector<96x128xf32>
    %sub3A_2694 = arith.subf %add3A_2693, %slice3A_2690 : vector<96x128xf32>
    %lt3A_2695 = arith.cmpf olt, %sub3A_2694, %select_n3A_2685 : vector<96x128xf32>
    %select_n3A_2696 = arith.select %lt3A_2695, %sub3A_2694, %select_n3A_2685 : vector<96x128xi1>, vector<96x128xf32>
    %jit3A_2697 = arith.constant 4.600000e+01 : f32
    %broadcast_in_dim3A_2698 = vector.broadcast %jit3A_2697 : f32 to vector<96x128xf32>
    %select_n3A_2699 = arith.select %lt3A_2695, %broadcast_in_dim3A_2698, %select_n3A_2688 : vector<96x128xi1>, vector<96x128xf32>
    %slice3A_2700 = vector.extract_strided_slice %get3A_8 {offsets = [0, 6016], sizes = [1, 128], strides = [1, 1]} : vector<1x8192xf32> to vector<1x128xf32>
    %slice3A_2701 = vector.extract_strided_slice %dot_general3A_5 {offsets = [288, 6016], sizes = [96, 128], strides = [1, 1]} : vector<576x8192xf32> to vector<96x128xf32>
    %add3A_2702 = vector.broadcast %slice3A_2178 : vector<96x1xf32> to vector<96x128xf32>
    %add3A_2703 = vector.broadcast %slice3A_2700 : vector<1x128xf32> to vector<96x128xf32>
    %add3A_2704 = arith.addf %add3A_2702, %add3A_2703 : vector<96x128xf32>
    %sub3A_2705 = arith.subf %add3A_2704, %slice3A_2701 : vector<96x128xf32>
    %lt3A_2706 = arith.cmpf olt, %sub3A_2705, %select_n3A_2696 : vector<96x128xf32>
    %select_n3A_2707 = arith.select %lt3A_2706, %sub3A_2705, %select_n3A_2696 : vector<96x128xi1>, vector<96x128xf32>
    %jit3A_2708 = arith.constant 4.700000e+01 : f32
    %broadcast_in_dim3A_2709 = vector.broadcast %jit3A_2708 : f32 to vector<96x128xf32>
    %select_n3A_2710 = arith.select %lt3A_2706, %broadcast_in_dim3A_2709, %select_n3A_2699 : vector<96x128xi1>, vector<96x128xf32>
    %slice3A_2711 = vector.extract_strided_slice %get3A_8 {offsets = [0, 6144], sizes = [1, 128], strides = [1, 1]} : vector<1x8192xf32> to vector<1x128xf32>
    %slice3A_2712 = vector.extract_strided_slice %dot_general3A_5 {offsets = [288, 6144], sizes = [96, 128], strides = [1, 1]} : vector<576x8192xf32> to vector<96x128xf32>
    %add3A_2713 = vector.broadcast %slice3A_2178 : vector<96x1xf32> to vector<96x128xf32>
    %add3A_2714 = vector.broadcast %slice3A_2711 : vector<1x128xf32> to vector<96x128xf32>
    %add3A_2715 = arith.addf %add3A_2713, %add3A_2714 : vector<96x128xf32>
    %sub3A_2716 = arith.subf %add3A_2715, %slice3A_2712 : vector<96x128xf32>
    %lt3A_2717 = arith.cmpf olt, %sub3A_2716, %select_n3A_2707 : vector<96x128xf32>
    %select_n3A_2718 = arith.select %lt3A_2717, %sub3A_2716, %select_n3A_2707 : vector<96x128xi1>, vector<96x128xf32>
    %jit3A_2719 = arith.constant 4.800000e+01 : f32
    %broadcast_in_dim3A_2720 = vector.broadcast %jit3A_2719 : f32 to vector<96x128xf32>
    %select_n3A_2721 = arith.select %lt3A_2717, %broadcast_in_dim3A_2720, %select_n3A_2710 : vector<96x128xi1>, vector<96x128xf32>
    %slice3A_2722 = vector.extract_strided_slice %get3A_8 {offsets = [0, 6272], sizes = [1, 128], strides = [1, 1]} : vector<1x8192xf32> to vector<1x128xf32>
    %slice3A_2723 = vector.extract_strided_slice %dot_general3A_5 {offsets = [288, 6272], sizes = [96, 128], strides = [1, 1]} : vector<576x8192xf32> to vector<96x128xf32>
    %add3A_2724 = vector.broadcast %slice3A_2178 : vector<96x1xf32> to vector<96x128xf32>
    %add3A_2725 = vector.broadcast %slice3A_2722 : vector<1x128xf32> to vector<96x128xf32>
    %add3A_2726 = arith.addf %add3A_2724, %add3A_2725 : vector<96x128xf32>
    %sub3A_2727 = arith.subf %add3A_2726, %slice3A_2723 : vector<96x128xf32>
    %lt3A_2728 = arith.cmpf olt, %sub3A_2727, %select_n3A_2718 : vector<96x128xf32>
    %select_n3A_2729 = arith.select %lt3A_2728, %sub3A_2727, %select_n3A_2718 : vector<96x128xi1>, vector<96x128xf32>
    %jit3A_2730 = arith.constant 4.900000e+01 : f32
    %broadcast_in_dim3A_2731 = vector.broadcast %jit3A_2730 : f32 to vector<96x128xf32>
    %select_n3A_2732 = arith.select %lt3A_2728, %broadcast_in_dim3A_2731, %select_n3A_2721 : vector<96x128xi1>, vector<96x128xf32>
    %slice3A_2733 = vector.extract_strided_slice %get3A_8 {offsets = [0, 6400], sizes = [1, 128], strides = [1, 1]} : vector<1x8192xf32> to vector<1x128xf32>
    %slice3A_2734 = vector.extract_strided_slice %dot_general3A_5 {offsets = [288, 6400], sizes = [96, 128], strides = [1, 1]} : vector<576x8192xf32> to vector<96x128xf32>
    %add3A_2735 = vector.broadcast %slice3A_2178 : vector<96x1xf32> to vector<96x128xf32>
    %add3A_2736 = vector.broadcast %slice3A_2733 : vector<1x128xf32> to vector<96x128xf32>
    %add3A_2737 = arith.addf %add3A_2735, %add3A_2736 : vector<96x128xf32>
    %sub3A_2738 = arith.subf %add3A_2737, %slice3A_2734 : vector<96x128xf32>
    %lt3A_2739 = arith.cmpf olt, %sub3A_2738, %select_n3A_2729 : vector<96x128xf32>
    %select_n3A_2740 = arith.select %lt3A_2739, %sub3A_2738, %select_n3A_2729 : vector<96x128xi1>, vector<96x128xf32>
    %jit3A_2741 = arith.constant 5.000000e+01 : f32
    %broadcast_in_dim3A_2742 = vector.broadcast %jit3A_2741 : f32 to vector<96x128xf32>
    %select_n3A_2743 = arith.select %lt3A_2739, %broadcast_in_dim3A_2742, %select_n3A_2732 : vector<96x128xi1>, vector<96x128xf32>
    %slice3A_2744 = vector.extract_strided_slice %get3A_8 {offsets = [0, 6528], sizes = [1, 128], strides = [1, 1]} : vector<1x8192xf32> to vector<1x128xf32>
    %slice3A_2745 = vector.extract_strided_slice %dot_general3A_5 {offsets = [288, 6528], sizes = [96, 128], strides = [1, 1]} : vector<576x8192xf32> to vector<96x128xf32>
    %add3A_2746 = vector.broadcast %slice3A_2178 : vector<96x1xf32> to vector<96x128xf32>
    %add3A_2747 = vector.broadcast %slice3A_2744 : vector<1x128xf32> to vector<96x128xf32>
    %add3A_2748 = arith.addf %add3A_2746, %add3A_2747 : vector<96x128xf32>
    %sub3A_2749 = arith.subf %add3A_2748, %slice3A_2745 : vector<96x128xf32>
    %lt3A_2750 = arith.cmpf olt, %sub3A_2749, %select_n3A_2740 : vector<96x128xf32>
    %select_n3A_2751 = arith.select %lt3A_2750, %sub3A_2749, %select_n3A_2740 : vector<96x128xi1>, vector<96x128xf32>
    %jit3A_2752 = arith.constant 5.100000e+01 : f32
    %broadcast_in_dim3A_2753 = vector.broadcast %jit3A_2752 : f32 to vector<96x128xf32>
    %select_n3A_2754 = arith.select %lt3A_2750, %broadcast_in_dim3A_2753, %select_n3A_2743 : vector<96x128xi1>, vector<96x128xf32>
    %slice3A_2755 = vector.extract_strided_slice %get3A_8 {offsets = [0, 6656], sizes = [1, 128], strides = [1, 1]} : vector<1x8192xf32> to vector<1x128xf32>
    %slice3A_2756 = vector.extract_strided_slice %dot_general3A_5 {offsets = [288, 6656], sizes = [96, 128], strides = [1, 1]} : vector<576x8192xf32> to vector<96x128xf32>
    %add3A_2757 = vector.broadcast %slice3A_2178 : vector<96x1xf32> to vector<96x128xf32>
    %add3A_2758 = vector.broadcast %slice3A_2755 : vector<1x128xf32> to vector<96x128xf32>
    %add3A_2759 = arith.addf %add3A_2757, %add3A_2758 : vector<96x128xf32>
    %sub3A_2760 = arith.subf %add3A_2759, %slice3A_2756 : vector<96x128xf32>
    %lt3A_2761 = arith.cmpf olt, %sub3A_2760, %select_n3A_2751 : vector<96x128xf32>
    %select_n3A_2762 = arith.select %lt3A_2761, %sub3A_2760, %select_n3A_2751 : vector<96x128xi1>, vector<96x128xf32>
    %jit3A_2763 = arith.constant 5.200000e+01 : f32
    %broadcast_in_dim3A_2764 = vector.broadcast %jit3A_2763 : f32 to vector<96x128xf32>
    %select_n3A_2765 = arith.select %lt3A_2761, %broadcast_in_dim3A_2764, %select_n3A_2754 : vector<96x128xi1>, vector<96x128xf32>
    %slice3A_2766 = vector.extract_strided_slice %get3A_8 {offsets = [0, 6784], sizes = [1, 128], strides = [1, 1]} : vector<1x8192xf32> to vector<1x128xf32>
    %slice3A_2767 = vector.extract_strided_slice %dot_general3A_5 {offsets = [288, 6784], sizes = [96, 128], strides = [1, 1]} : vector<576x8192xf32> to vector<96x128xf32>
    %add3A_2768 = vector.broadcast %slice3A_2178 : vector<96x1xf32> to vector<96x128xf32>
    %add3A_2769 = vector.broadcast %slice3A_2766 : vector<1x128xf32> to vector<96x128xf32>
    %add3A_2770 = arith.addf %add3A_2768, %add3A_2769 : vector<96x128xf32>
    %sub3A_2771 = arith.subf %add3A_2770, %slice3A_2767 : vector<96x128xf32>
    %lt3A_2772 = arith.cmpf olt, %sub3A_2771, %select_n3A_2762 : vector<96x128xf32>
    %select_n3A_2773 = arith.select %lt3A_2772, %sub3A_2771, %select_n3A_2762 : vector<96x128xi1>, vector<96x128xf32>
    %jit3A_2774 = arith.constant 5.300000e+01 : f32
    %broadcast_in_dim3A_2775 = vector.broadcast %jit3A_2774 : f32 to vector<96x128xf32>
    %select_n3A_2776 = arith.select %lt3A_2772, %broadcast_in_dim3A_2775, %select_n3A_2765 : vector<96x128xi1>, vector<96x128xf32>
    %slice3A_2777 = vector.extract_strided_slice %get3A_8 {offsets = [0, 6912], sizes = [1, 128], strides = [1, 1]} : vector<1x8192xf32> to vector<1x128xf32>
    %slice3A_2778 = vector.extract_strided_slice %dot_general3A_5 {offsets = [288, 6912], sizes = [96, 128], strides = [1, 1]} : vector<576x8192xf32> to vector<96x128xf32>
    %add3A_2779 = vector.broadcast %slice3A_2178 : vector<96x1xf32> to vector<96x128xf32>
    %add3A_2780 = vector.broadcast %slice3A_2777 : vector<1x128xf32> to vector<96x128xf32>
    %add3A_2781 = arith.addf %add3A_2779, %add3A_2780 : vector<96x128xf32>
    %sub3A_2782 = arith.subf %add3A_2781, %slice3A_2778 : vector<96x128xf32>
    %lt3A_2783 = arith.cmpf olt, %sub3A_2782, %select_n3A_2773 : vector<96x128xf32>
    %select_n3A_2784 = arith.select %lt3A_2783, %sub3A_2782, %select_n3A_2773 : vector<96x128xi1>, vector<96x128xf32>
    %jit3A_2785 = arith.constant 5.400000e+01 : f32
    %broadcast_in_dim3A_2786 = vector.broadcast %jit3A_2785 : f32 to vector<96x128xf32>
    %select_n3A_2787 = arith.select %lt3A_2783, %broadcast_in_dim3A_2786, %select_n3A_2776 : vector<96x128xi1>, vector<96x128xf32>
    %slice3A_2788 = vector.extract_strided_slice %get3A_8 {offsets = [0, 7040], sizes = [1, 128], strides = [1, 1]} : vector<1x8192xf32> to vector<1x128xf32>
    %slice3A_2789 = vector.extract_strided_slice %dot_general3A_5 {offsets = [288, 7040], sizes = [96, 128], strides = [1, 1]} : vector<576x8192xf32> to vector<96x128xf32>
    %add3A_2790 = vector.broadcast %slice3A_2178 : vector<96x1xf32> to vector<96x128xf32>
    %add3A_2791 = vector.broadcast %slice3A_2788 : vector<1x128xf32> to vector<96x128xf32>
    %add3A_2792 = arith.addf %add3A_2790, %add3A_2791 : vector<96x128xf32>
    %sub3A_2793 = arith.subf %add3A_2792, %slice3A_2789 : vector<96x128xf32>
    %lt3A_2794 = arith.cmpf olt, %sub3A_2793, %select_n3A_2784 : vector<96x128xf32>
    %select_n3A_2795 = arith.select %lt3A_2794, %sub3A_2793, %select_n3A_2784 : vector<96x128xi1>, vector<96x128xf32>
    %jit3A_2796 = arith.constant 5.500000e+01 : f32
    %broadcast_in_dim3A_2797 = vector.broadcast %jit3A_2796 : f32 to vector<96x128xf32>
    %select_n3A_2798 = arith.select %lt3A_2794, %broadcast_in_dim3A_2797, %select_n3A_2787 : vector<96x128xi1>, vector<96x128xf32>
    %slice3A_2799 = vector.extract_strided_slice %get3A_8 {offsets = [0, 7168], sizes = [1, 128], strides = [1, 1]} : vector<1x8192xf32> to vector<1x128xf32>
    %slice3A_2800 = vector.extract_strided_slice %dot_general3A_5 {offsets = [288, 7168], sizes = [96, 128], strides = [1, 1]} : vector<576x8192xf32> to vector<96x128xf32>
    %add3A_2801 = vector.broadcast %slice3A_2178 : vector<96x1xf32> to vector<96x128xf32>
    %add3A_2802 = vector.broadcast %slice3A_2799 : vector<1x128xf32> to vector<96x128xf32>
    %add3A_2803 = arith.addf %add3A_2801, %add3A_2802 : vector<96x128xf32>
    %sub3A_2804 = arith.subf %add3A_2803, %slice3A_2800 : vector<96x128xf32>
    %lt3A_2805 = arith.cmpf olt, %sub3A_2804, %select_n3A_2795 : vector<96x128xf32>
    %select_n3A_2806 = arith.select %lt3A_2805, %sub3A_2804, %select_n3A_2795 : vector<96x128xi1>, vector<96x128xf32>
    %jit3A_2807 = arith.constant 5.600000e+01 : f32
    %broadcast_in_dim3A_2808 = vector.broadcast %jit3A_2807 : f32 to vector<96x128xf32>
    %select_n3A_2809 = arith.select %lt3A_2805, %broadcast_in_dim3A_2808, %select_n3A_2798 : vector<96x128xi1>, vector<96x128xf32>
    %slice3A_2810 = vector.extract_strided_slice %get3A_8 {offsets = [0, 7296], sizes = [1, 128], strides = [1, 1]} : vector<1x8192xf32> to vector<1x128xf32>
    %slice3A_2811 = vector.extract_strided_slice %dot_general3A_5 {offsets = [288, 7296], sizes = [96, 128], strides = [1, 1]} : vector<576x8192xf32> to vector<96x128xf32>
    %add3A_2812 = vector.broadcast %slice3A_2178 : vector<96x1xf32> to vector<96x128xf32>
    %add3A_2813 = vector.broadcast %slice3A_2810 : vector<1x128xf32> to vector<96x128xf32>
    %add3A_2814 = arith.addf %add3A_2812, %add3A_2813 : vector<96x128xf32>
    %sub3A_2815 = arith.subf %add3A_2814, %slice3A_2811 : vector<96x128xf32>
    %lt3A_2816 = arith.cmpf olt, %sub3A_2815, %select_n3A_2806 : vector<96x128xf32>
    %select_n3A_2817 = arith.select %lt3A_2816, %sub3A_2815, %select_n3A_2806 : vector<96x128xi1>, vector<96x128xf32>
    %jit3A_2818 = arith.constant 5.700000e+01 : f32
    %broadcast_in_dim3A_2819 = vector.broadcast %jit3A_2818 : f32 to vector<96x128xf32>
    %select_n3A_2820 = arith.select %lt3A_2816, %broadcast_in_dim3A_2819, %select_n3A_2809 : vector<96x128xi1>, vector<96x128xf32>
    %slice3A_2821 = vector.extract_strided_slice %get3A_8 {offsets = [0, 7424], sizes = [1, 128], strides = [1, 1]} : vector<1x8192xf32> to vector<1x128xf32>
    %slice3A_2822 = vector.extract_strided_slice %dot_general3A_5 {offsets = [288, 7424], sizes = [96, 128], strides = [1, 1]} : vector<576x8192xf32> to vector<96x128xf32>
    %add3A_2823 = vector.broadcast %slice3A_2178 : vector<96x1xf32> to vector<96x128xf32>
    %add3A_2824 = vector.broadcast %slice3A_2821 : vector<1x128xf32> to vector<96x128xf32>
    %add3A_2825 = arith.addf %add3A_2823, %add3A_2824 : vector<96x128xf32>
    %sub3A_2826 = arith.subf %add3A_2825, %slice3A_2822 : vector<96x128xf32>
    %lt3A_2827 = arith.cmpf olt, %sub3A_2826, %select_n3A_2817 : vector<96x128xf32>
    %select_n3A_2828 = arith.select %lt3A_2827, %sub3A_2826, %select_n3A_2817 : vector<96x128xi1>, vector<96x128xf32>
    %jit3A_2829 = arith.constant 5.800000e+01 : f32
    %broadcast_in_dim3A_2830 = vector.broadcast %jit3A_2829 : f32 to vector<96x128xf32>
    %select_n3A_2831 = arith.select %lt3A_2827, %broadcast_in_dim3A_2830, %select_n3A_2820 : vector<96x128xi1>, vector<96x128xf32>
    %slice3A_2832 = vector.extract_strided_slice %get3A_8 {offsets = [0, 7552], sizes = [1, 128], strides = [1, 1]} : vector<1x8192xf32> to vector<1x128xf32>
    %slice3A_2833 = vector.extract_strided_slice %dot_general3A_5 {offsets = [288, 7552], sizes = [96, 128], strides = [1, 1]} : vector<576x8192xf32> to vector<96x128xf32>
    %add3A_2834 = vector.broadcast %slice3A_2178 : vector<96x1xf32> to vector<96x128xf32>
    %add3A_2835 = vector.broadcast %slice3A_2832 : vector<1x128xf32> to vector<96x128xf32>
    %add3A_2836 = arith.addf %add3A_2834, %add3A_2835 : vector<96x128xf32>
    %sub3A_2837 = arith.subf %add3A_2836, %slice3A_2833 : vector<96x128xf32>
    %lt3A_2838 = arith.cmpf olt, %sub3A_2837, %select_n3A_2828 : vector<96x128xf32>
    %select_n3A_2839 = arith.select %lt3A_2838, %sub3A_2837, %select_n3A_2828 : vector<96x128xi1>, vector<96x128xf32>
    %jit3A_2840 = arith.constant 5.900000e+01 : f32
    %broadcast_in_dim3A_2841 = vector.broadcast %jit3A_2840 : f32 to vector<96x128xf32>
    %select_n3A_2842 = arith.select %lt3A_2838, %broadcast_in_dim3A_2841, %select_n3A_2831 : vector<96x128xi1>, vector<96x128xf32>
    %slice3A_2843 = vector.extract_strided_slice %get3A_8 {offsets = [0, 7680], sizes = [1, 128], strides = [1, 1]} : vector<1x8192xf32> to vector<1x128xf32>
    %slice3A_2844 = vector.extract_strided_slice %dot_general3A_5 {offsets = [288, 7680], sizes = [96, 128], strides = [1, 1]} : vector<576x8192xf32> to vector<96x128xf32>
    %add3A_2845 = vector.broadcast %slice3A_2178 : vector<96x1xf32> to vector<96x128xf32>
    %add3A_2846 = vector.broadcast %slice3A_2843 : vector<1x128xf32> to vector<96x128xf32>
    %add3A_2847 = arith.addf %add3A_2845, %add3A_2846 : vector<96x128xf32>
    %sub3A_2848 = arith.subf %add3A_2847, %slice3A_2844 : vector<96x128xf32>
    %lt3A_2849 = arith.cmpf olt, %sub3A_2848, %select_n3A_2839 : vector<96x128xf32>
    %select_n3A_2850 = arith.select %lt3A_2849, %sub3A_2848, %select_n3A_2839 : vector<96x128xi1>, vector<96x128xf32>
    %jit3A_2851 = arith.constant 6.000000e+01 : f32
    %broadcast_in_dim3A_2852 = vector.broadcast %jit3A_2851 : f32 to vector<96x128xf32>
    %select_n3A_2853 = arith.select %lt3A_2849, %broadcast_in_dim3A_2852, %select_n3A_2842 : vector<96x128xi1>, vector<96x128xf32>
    %slice3A_2854 = vector.extract_strided_slice %get3A_8 {offsets = [0, 7808], sizes = [1, 128], strides = [1, 1]} : vector<1x8192xf32> to vector<1x128xf32>
    %slice3A_2855 = vector.extract_strided_slice %dot_general3A_5 {offsets = [288, 7808], sizes = [96, 128], strides = [1, 1]} : vector<576x8192xf32> to vector<96x128xf32>
    %add3A_2856 = vector.broadcast %slice3A_2178 : vector<96x1xf32> to vector<96x128xf32>
    %add3A_2857 = vector.broadcast %slice3A_2854 : vector<1x128xf32> to vector<96x128xf32>
    %add3A_2858 = arith.addf %add3A_2856, %add3A_2857 : vector<96x128xf32>
    %sub3A_2859 = arith.subf %add3A_2858, %slice3A_2855 : vector<96x128xf32>
    %lt3A_2860 = arith.cmpf olt, %sub3A_2859, %select_n3A_2850 : vector<96x128xf32>
    %select_n3A_2861 = arith.select %lt3A_2860, %sub3A_2859, %select_n3A_2850 : vector<96x128xi1>, vector<96x128xf32>
    %jit3A_2862 = arith.constant 6.100000e+01 : f32
    %broadcast_in_dim3A_2863 = vector.broadcast %jit3A_2862 : f32 to vector<96x128xf32>
    %select_n3A_2864 = arith.select %lt3A_2860, %broadcast_in_dim3A_2863, %select_n3A_2853 : vector<96x128xi1>, vector<96x128xf32>
    %slice3A_2865 = vector.extract_strided_slice %get3A_8 {offsets = [0, 7936], sizes = [1, 128], strides = [1, 1]} : vector<1x8192xf32> to vector<1x128xf32>
    %slice3A_2866 = vector.extract_strided_slice %dot_general3A_5 {offsets = [288, 7936], sizes = [96, 128], strides = [1, 1]} : vector<576x8192xf32> to vector<96x128xf32>
    %add3A_2867 = vector.broadcast %slice3A_2178 : vector<96x1xf32> to vector<96x128xf32>
    %add3A_2868 = vector.broadcast %slice3A_2865 : vector<1x128xf32> to vector<96x128xf32>
    %add3A_2869 = arith.addf %add3A_2867, %add3A_2868 : vector<96x128xf32>
    %sub3A_2870 = arith.subf %add3A_2869, %slice3A_2866 : vector<96x128xf32>
    %lt3A_2871 = arith.cmpf olt, %sub3A_2870, %select_n3A_2861 : vector<96x128xf32>
    %select_n3A_2872 = arith.select %lt3A_2871, %sub3A_2870, %select_n3A_2861 : vector<96x128xi1>, vector<96x128xf32>
    %jit3A_2873 = arith.constant 6.200000e+01 : f32
    %broadcast_in_dim3A_2874 = vector.broadcast %jit3A_2873 : f32 to vector<96x128xf32>
    %select_n3A_2875 = arith.select %lt3A_2871, %broadcast_in_dim3A_2874, %select_n3A_2864 : vector<96x128xi1>, vector<96x128xf32>
    %slice3A_2876 = vector.extract_strided_slice %get3A_8 {offsets = [0, 8064], sizes = [1, 128], strides = [1, 1]} : vector<1x8192xf32> to vector<1x128xf32>
    %slice3A_2877 = vector.extract_strided_slice %dot_general3A_5 {offsets = [288, 8064], sizes = [96, 128], strides = [1, 1]} : vector<576x8192xf32> to vector<96x128xf32>
    %add3A_2878 = vector.broadcast %slice3A_2178 : vector<96x1xf32> to vector<96x128xf32>
    %add3A_2879 = vector.broadcast %slice3A_2876 : vector<1x128xf32> to vector<96x128xf32>
    %add3A_2880 = arith.addf %add3A_2878, %add3A_2879 : vector<96x128xf32>
    %sub3A_2881 = arith.subf %add3A_2880, %slice3A_2877 : vector<96x128xf32>
    %lt3A_2882 = arith.cmpf olt, %sub3A_2881, %select_n3A_2872 : vector<96x128xf32>
    %select_n3A_2883 = arith.select %lt3A_2882, %sub3A_2881, %select_n3A_2872 : vector<96x128xi1>, vector<96x128xf32>
    %jit3A_2884 = arith.constant 6.300000e+01 : f32
    %broadcast_in_dim3A_2885 = vector.broadcast %jit3A_2884 : f32 to vector<96x128xf32>
    %select_n3A_2886 = arith.select %lt3A_2882, %broadcast_in_dim3A_2885, %select_n3A_2875 : vector<96x128xi1>, vector<96x128xf32>
    %reduce_min3A_2887 = arith.constant dense<0x7F800000> : vector<96xf32>
    %reduce_min3A_2888 = vector.multi_reduction <minimumf>, %select_n3A_2883, %reduce_min3A_2887 [1] : vector<96x128xf32> to vector<96xf32>
    %broadcast_in_dim3A_2889 = vector.shape_cast %reduce_min3A_2888 : vector<96xf32> to vector<96x1xf32>
    %eq3A_2890 = vector.broadcast %broadcast_in_dim3A_2889 : vector<96x1xf32> to vector<96x128xf32>
    %eq3A_2891 = arith.cmpf oeq, %select_n3A_2883, %eq3A_2890 : vector<96x128xf32>
    %mul3A_2892 = arith.constant 1.280000e+02 : f32
    %mul3A_2893 = vector.broadcast %mul3A_2892 : f32 to vector<96x128xf32>
    %mul3A_2894 = arith.mulf %select_n3A_2886, %mul3A_2893 : vector<96x128xf32>
    %add3A_2895 = arith.addf %mul3A_2894, %convert_element_type3A : vector<96x128xf32>
    %jit3A_2896 = arith.constant 8.192000e+03 : f32
    %broadcast_in_dim3A_2897 = vector.broadcast %jit3A_2896 : f32 to vector<96x128xf32>
    %select_n3A_2898 = arith.select %eq3A_2891, %add3A_2895, %broadcast_in_dim3A_2897 : vector<96x128xi1>, vector<96x128xf32>
    %reduce_min3A_2899 = arith.constant dense<0x7F800000> : vector<96xf32>
    %reduce_min3A_2900 = vector.multi_reduction <minimumf>, %select_n3A_2898, %reduce_min3A_2899 [1] : vector<96x128xf32> to vector<96xf32>
    %broadcast_in_dim3A_2901 = vector.shape_cast %reduce_min3A_2900 : vector<96xf32> to vector<96x1xf32>
    %convert_element_type3A_2902 = arith.fptosi %broadcast_in_dim3A_2901 : vector<96x1xf32> to vector<96x1xi32>
    %slice3A_2903 = vector.extract_strided_slice %get3A_11 {offsets = [384, 0], sizes = [96, 1], strides = [1, 1]} : vector<576x1xf32> to vector<96x1xf32>
    %broadcast_in_dim3A_2904 = arith.constant 0x7F800000 : f32
    %broadcast_in_dim3A_2905 = vector.broadcast %broadcast_in_dim3A_2904 : f32 to vector<96x128xf32>
    %broadcast_in_dim3A_2906 = arith.constant 0.000000e+00 : f32
    %broadcast_in_dim3A_2907 = vector.broadcast %broadcast_in_dim3A_2906 : f32 to vector<96x128xf32>
    %slice3A_2908 = vector.extract_strided_slice %get3A_8 {offsets = [0, 0], sizes = [1, 128], strides = [1, 1]} : vector<1x8192xf32> to vector<1x128xf32>
    %slice3A_2909 = vector.extract_strided_slice %dot_general3A_5 {offsets = [384, 0], sizes = [96, 128], strides = [1, 1]} : vector<576x8192xf32> to vector<96x128xf32>
    %add3A_2910 = vector.broadcast %slice3A_2903 : vector<96x1xf32> to vector<96x128xf32>
    %add3A_2911 = vector.broadcast %slice3A_2908 : vector<1x128xf32> to vector<96x128xf32>
    %add3A_2912 = arith.addf %add3A_2910, %add3A_2911 : vector<96x128xf32>
    %sub3A_2913 = arith.subf %add3A_2912, %slice3A_2909 : vector<96x128xf32>
    %lt3A_2914 = arith.cmpf olt, %sub3A_2913, %broadcast_in_dim3A_2905 : vector<96x128xf32>
    %select_n3A_2915 = arith.select %lt3A_2914, %sub3A_2913, %broadcast_in_dim3A_2905 : vector<96x128xi1>, vector<96x128xf32>
    %jit3A_2916 = arith.constant 0.000000e+00 : f32
    %broadcast_in_dim3A_2917 = vector.broadcast %jit3A_2916 : f32 to vector<96x128xf32>
    %select_n3A_2918 = arith.select %lt3A_2914, %broadcast_in_dim3A_2917, %broadcast_in_dim3A_2907 : vector<96x128xi1>, vector<96x128xf32>
    %slice3A_2919 = vector.extract_strided_slice %get3A_8 {offsets = [0, 128], sizes = [1, 128], strides = [1, 1]} : vector<1x8192xf32> to vector<1x128xf32>
    %slice3A_2920 = vector.extract_strided_slice %dot_general3A_5 {offsets = [384, 128], sizes = [96, 128], strides = [1, 1]} : vector<576x8192xf32> to vector<96x128xf32>
    %add3A_2921 = vector.broadcast %slice3A_2903 : vector<96x1xf32> to vector<96x128xf32>
    %add3A_2922 = vector.broadcast %slice3A_2919 : vector<1x128xf32> to vector<96x128xf32>
    %add3A_2923 = arith.addf %add3A_2921, %add3A_2922 : vector<96x128xf32>
    %sub3A_2924 = arith.subf %add3A_2923, %slice3A_2920 : vector<96x128xf32>
    %lt3A_2925 = arith.cmpf olt, %sub3A_2924, %select_n3A_2915 : vector<96x128xf32>
    %select_n3A_2926 = arith.select %lt3A_2925, %sub3A_2924, %select_n3A_2915 : vector<96x128xi1>, vector<96x128xf32>
    %jit3A_2927 = arith.constant 1.000000e+00 : f32
    %broadcast_in_dim3A_2928 = vector.broadcast %jit3A_2927 : f32 to vector<96x128xf32>
    %select_n3A_2929 = arith.select %lt3A_2925, %broadcast_in_dim3A_2928, %select_n3A_2918 : vector<96x128xi1>, vector<96x128xf32>
    %slice3A_2930 = vector.extract_strided_slice %get3A_8 {offsets = [0, 256], sizes = [1, 128], strides = [1, 1]} : vector<1x8192xf32> to vector<1x128xf32>
    %slice3A_2931 = vector.extract_strided_slice %dot_general3A_5 {offsets = [384, 256], sizes = [96, 128], strides = [1, 1]} : vector<576x8192xf32> to vector<96x128xf32>
    %add3A_2932 = vector.broadcast %slice3A_2903 : vector<96x1xf32> to vector<96x128xf32>
    %add3A_2933 = vector.broadcast %slice3A_2930 : vector<1x128xf32> to vector<96x128xf32>
    %add3A_2934 = arith.addf %add3A_2932, %add3A_2933 : vector<96x128xf32>
    %sub3A_2935 = arith.subf %add3A_2934, %slice3A_2931 : vector<96x128xf32>
    %lt3A_2936 = arith.cmpf olt, %sub3A_2935, %select_n3A_2926 : vector<96x128xf32>
    %select_n3A_2937 = arith.select %lt3A_2936, %sub3A_2935, %select_n3A_2926 : vector<96x128xi1>, vector<96x128xf32>
    %jit3A_2938 = arith.constant 2.000000e+00 : f32
    %broadcast_in_dim3A_2939 = vector.broadcast %jit3A_2938 : f32 to vector<96x128xf32>
    %select_n3A_2940 = arith.select %lt3A_2936, %broadcast_in_dim3A_2939, %select_n3A_2929 : vector<96x128xi1>, vector<96x128xf32>
    %slice3A_2941 = vector.extract_strided_slice %get3A_8 {offsets = [0, 384], sizes = [1, 128], strides = [1, 1]} : vector<1x8192xf32> to vector<1x128xf32>
    %slice3A_2942 = vector.extract_strided_slice %dot_general3A_5 {offsets = [384, 384], sizes = [96, 128], strides = [1, 1]} : vector<576x8192xf32> to vector<96x128xf32>
    %add3A_2943 = vector.broadcast %slice3A_2903 : vector<96x1xf32> to vector<96x128xf32>
    %add3A_2944 = vector.broadcast %slice3A_2941 : vector<1x128xf32> to vector<96x128xf32>
    %add3A_2945 = arith.addf %add3A_2943, %add3A_2944 : vector<96x128xf32>
    %sub3A_2946 = arith.subf %add3A_2945, %slice3A_2942 : vector<96x128xf32>
    %lt3A_2947 = arith.cmpf olt, %sub3A_2946, %select_n3A_2937 : vector<96x128xf32>
    %select_n3A_2948 = arith.select %lt3A_2947, %sub3A_2946, %select_n3A_2937 : vector<96x128xi1>, vector<96x128xf32>
    %jit3A_2949 = arith.constant 3.000000e+00 : f32
    %broadcast_in_dim3A_2950 = vector.broadcast %jit3A_2949 : f32 to vector<96x128xf32>
    %select_n3A_2951 = arith.select %lt3A_2947, %broadcast_in_dim3A_2950, %select_n3A_2940 : vector<96x128xi1>, vector<96x128xf32>
    %slice3A_2952 = vector.extract_strided_slice %get3A_8 {offsets = [0, 512], sizes = [1, 128], strides = [1, 1]} : vector<1x8192xf32> to vector<1x128xf32>
    %slice3A_2953 = vector.extract_strided_slice %dot_general3A_5 {offsets = [384, 512], sizes = [96, 128], strides = [1, 1]} : vector<576x8192xf32> to vector<96x128xf32>
    %add3A_2954 = vector.broadcast %slice3A_2903 : vector<96x1xf32> to vector<96x128xf32>
    %add3A_2955 = vector.broadcast %slice3A_2952 : vector<1x128xf32> to vector<96x128xf32>
    %add3A_2956 = arith.addf %add3A_2954, %add3A_2955 : vector<96x128xf32>
    %sub3A_2957 = arith.subf %add3A_2956, %slice3A_2953 : vector<96x128xf32>
    %lt3A_2958 = arith.cmpf olt, %sub3A_2957, %select_n3A_2948 : vector<96x128xf32>
    %select_n3A_2959 = arith.select %lt3A_2958, %sub3A_2957, %select_n3A_2948 : vector<96x128xi1>, vector<96x128xf32>
    %jit3A_2960 = arith.constant 4.000000e+00 : f32
    %broadcast_in_dim3A_2961 = vector.broadcast %jit3A_2960 : f32 to vector<96x128xf32>
    %select_n3A_2962 = arith.select %lt3A_2958, %broadcast_in_dim3A_2961, %select_n3A_2951 : vector<96x128xi1>, vector<96x128xf32>
    %slice3A_2963 = vector.extract_strided_slice %get3A_8 {offsets = [0, 640], sizes = [1, 128], strides = [1, 1]} : vector<1x8192xf32> to vector<1x128xf32>
    %slice3A_2964 = vector.extract_strided_slice %dot_general3A_5 {offsets = [384, 640], sizes = [96, 128], strides = [1, 1]} : vector<576x8192xf32> to vector<96x128xf32>
    %add3A_2965 = vector.broadcast %slice3A_2903 : vector<96x1xf32> to vector<96x128xf32>
    %add3A_2966 = vector.broadcast %slice3A_2963 : vector<1x128xf32> to vector<96x128xf32>
    %add3A_2967 = arith.addf %add3A_2965, %add3A_2966 : vector<96x128xf32>
    %sub3A_2968 = arith.subf %add3A_2967, %slice3A_2964 : vector<96x128xf32>
    %lt3A_2969 = arith.cmpf olt, %sub3A_2968, %select_n3A_2959 : vector<96x128xf32>
    %select_n3A_2970 = arith.select %lt3A_2969, %sub3A_2968, %select_n3A_2959 : vector<96x128xi1>, vector<96x128xf32>
    %jit3A_2971 = arith.constant 5.000000e+00 : f32
    %broadcast_in_dim3A_2972 = vector.broadcast %jit3A_2971 : f32 to vector<96x128xf32>
    %select_n3A_2973 = arith.select %lt3A_2969, %broadcast_in_dim3A_2972, %select_n3A_2962 : vector<96x128xi1>, vector<96x128xf32>
    %slice3A_2974 = vector.extract_strided_slice %get3A_8 {offsets = [0, 768], sizes = [1, 128], strides = [1, 1]} : vector<1x8192xf32> to vector<1x128xf32>
    %slice3A_2975 = vector.extract_strided_slice %dot_general3A_5 {offsets = [384, 768], sizes = [96, 128], strides = [1, 1]} : vector<576x8192xf32> to vector<96x128xf32>
    %add3A_2976 = vector.broadcast %slice3A_2903 : vector<96x1xf32> to vector<96x128xf32>
    %add3A_2977 = vector.broadcast %slice3A_2974 : vector<1x128xf32> to vector<96x128xf32>
    %add3A_2978 = arith.addf %add3A_2976, %add3A_2977 : vector<96x128xf32>
    %sub3A_2979 = arith.subf %add3A_2978, %slice3A_2975 : vector<96x128xf32>
    %lt3A_2980 = arith.cmpf olt, %sub3A_2979, %select_n3A_2970 : vector<96x128xf32>
    %select_n3A_2981 = arith.select %lt3A_2980, %sub3A_2979, %select_n3A_2970 : vector<96x128xi1>, vector<96x128xf32>
    %jit3A_2982 = arith.constant 6.000000e+00 : f32
    %broadcast_in_dim3A_2983 = vector.broadcast %jit3A_2982 : f32 to vector<96x128xf32>
    %select_n3A_2984 = arith.select %lt3A_2980, %broadcast_in_dim3A_2983, %select_n3A_2973 : vector<96x128xi1>, vector<96x128xf32>
    %slice3A_2985 = vector.extract_strided_slice %get3A_8 {offsets = [0, 896], sizes = [1, 128], strides = [1, 1]} : vector<1x8192xf32> to vector<1x128xf32>
    %slice3A_2986 = vector.extract_strided_slice %dot_general3A_5 {offsets = [384, 896], sizes = [96, 128], strides = [1, 1]} : vector<576x8192xf32> to vector<96x128xf32>
    %add3A_2987 = vector.broadcast %slice3A_2903 : vector<96x1xf32> to vector<96x128xf32>
    %add3A_2988 = vector.broadcast %slice3A_2985 : vector<1x128xf32> to vector<96x128xf32>
    %add3A_2989 = arith.addf %add3A_2987, %add3A_2988 : vector<96x128xf32>
    %sub3A_2990 = arith.subf %add3A_2989, %slice3A_2986 : vector<96x128xf32>
    %lt3A_2991 = arith.cmpf olt, %sub3A_2990, %select_n3A_2981 : vector<96x128xf32>
    %select_n3A_2992 = arith.select %lt3A_2991, %sub3A_2990, %select_n3A_2981 : vector<96x128xi1>, vector<96x128xf32>
    %jit3A_2993 = arith.constant 7.000000e+00 : f32
    %broadcast_in_dim3A_2994 = vector.broadcast %jit3A_2993 : f32 to vector<96x128xf32>
    %select_n3A_2995 = arith.select %lt3A_2991, %broadcast_in_dim3A_2994, %select_n3A_2984 : vector<96x128xi1>, vector<96x128xf32>
    %slice3A_2996 = vector.extract_strided_slice %get3A_8 {offsets = [0, 1024], sizes = [1, 128], strides = [1, 1]} : vector<1x8192xf32> to vector<1x128xf32>
    %slice3A_2997 = vector.extract_strided_slice %dot_general3A_5 {offsets = [384, 1024], sizes = [96, 128], strides = [1, 1]} : vector<576x8192xf32> to vector<96x128xf32>
    %add3A_2998 = vector.broadcast %slice3A_2903 : vector<96x1xf32> to vector<96x128xf32>
    %add3A_2999 = vector.broadcast %slice3A_2996 : vector<1x128xf32> to vector<96x128xf32>
    %add3A_3000 = arith.addf %add3A_2998, %add3A_2999 : vector<96x128xf32>
    %sub3A_3001 = arith.subf %add3A_3000, %slice3A_2997 : vector<96x128xf32>
    %lt3A_3002 = arith.cmpf olt, %sub3A_3001, %select_n3A_2992 : vector<96x128xf32>
    %select_n3A_3003 = arith.select %lt3A_3002, %sub3A_3001, %select_n3A_2992 : vector<96x128xi1>, vector<96x128xf32>
    %jit3A_3004 = arith.constant 8.000000e+00 : f32
    %broadcast_in_dim3A_3005 = vector.broadcast %jit3A_3004 : f32 to vector<96x128xf32>
    %select_n3A_3006 = arith.select %lt3A_3002, %broadcast_in_dim3A_3005, %select_n3A_2995 : vector<96x128xi1>, vector<96x128xf32>
    %slice3A_3007 = vector.extract_strided_slice %get3A_8 {offsets = [0, 1152], sizes = [1, 128], strides = [1, 1]} : vector<1x8192xf32> to vector<1x128xf32>
    %slice3A_3008 = vector.extract_strided_slice %dot_general3A_5 {offsets = [384, 1152], sizes = [96, 128], strides = [1, 1]} : vector<576x8192xf32> to vector<96x128xf32>
    %add3A_3009 = vector.broadcast %slice3A_2903 : vector<96x1xf32> to vector<96x128xf32>
    %add3A_3010 = vector.broadcast %slice3A_3007 : vector<1x128xf32> to vector<96x128xf32>
    %add3A_3011 = arith.addf %add3A_3009, %add3A_3010 : vector<96x128xf32>
    %sub3A_3012 = arith.subf %add3A_3011, %slice3A_3008 : vector<96x128xf32>
    %lt3A_3013 = arith.cmpf olt, %sub3A_3012, %select_n3A_3003 : vector<96x128xf32>
    %select_n3A_3014 = arith.select %lt3A_3013, %sub3A_3012, %select_n3A_3003 : vector<96x128xi1>, vector<96x128xf32>
    %jit3A_3015 = arith.constant 9.000000e+00 : f32
    %broadcast_in_dim3A_3016 = vector.broadcast %jit3A_3015 : f32 to vector<96x128xf32>
    %select_n3A_3017 = arith.select %lt3A_3013, %broadcast_in_dim3A_3016, %select_n3A_3006 : vector<96x128xi1>, vector<96x128xf32>
    %slice3A_3018 = vector.extract_strided_slice %get3A_8 {offsets = [0, 1280], sizes = [1, 128], strides = [1, 1]} : vector<1x8192xf32> to vector<1x128xf32>
    %slice3A_3019 = vector.extract_strided_slice %dot_general3A_5 {offsets = [384, 1280], sizes = [96, 128], strides = [1, 1]} : vector<576x8192xf32> to vector<96x128xf32>
    %add3A_3020 = vector.broadcast %slice3A_2903 : vector<96x1xf32> to vector<96x128xf32>
    %add3A_3021 = vector.broadcast %slice3A_3018 : vector<1x128xf32> to vector<96x128xf32>
    %add3A_3022 = arith.addf %add3A_3020, %add3A_3021 : vector<96x128xf32>
    %sub3A_3023 = arith.subf %add3A_3022, %slice3A_3019 : vector<96x128xf32>
    %lt3A_3024 = arith.cmpf olt, %sub3A_3023, %select_n3A_3014 : vector<96x128xf32>
    %select_n3A_3025 = arith.select %lt3A_3024, %sub3A_3023, %select_n3A_3014 : vector<96x128xi1>, vector<96x128xf32>
    %jit3A_3026 = arith.constant 1.000000e+01 : f32
    %broadcast_in_dim3A_3027 = vector.broadcast %jit3A_3026 : f32 to vector<96x128xf32>
    %select_n3A_3028 = arith.select %lt3A_3024, %broadcast_in_dim3A_3027, %select_n3A_3017 : vector<96x128xi1>, vector<96x128xf32>
    %slice3A_3029 = vector.extract_strided_slice %get3A_8 {offsets = [0, 1408], sizes = [1, 128], strides = [1, 1]} : vector<1x8192xf32> to vector<1x128xf32>
    %slice3A_3030 = vector.extract_strided_slice %dot_general3A_5 {offsets = [384, 1408], sizes = [96, 128], strides = [1, 1]} : vector<576x8192xf32> to vector<96x128xf32>
    %add3A_3031 = vector.broadcast %slice3A_2903 : vector<96x1xf32> to vector<96x128xf32>
    %add3A_3032 = vector.broadcast %slice3A_3029 : vector<1x128xf32> to vector<96x128xf32>
    %add3A_3033 = arith.addf %add3A_3031, %add3A_3032 : vector<96x128xf32>
    %sub3A_3034 = arith.subf %add3A_3033, %slice3A_3030 : vector<96x128xf32>
    %lt3A_3035 = arith.cmpf olt, %sub3A_3034, %select_n3A_3025 : vector<96x128xf32>
    %select_n3A_3036 = arith.select %lt3A_3035, %sub3A_3034, %select_n3A_3025 : vector<96x128xi1>, vector<96x128xf32>
    %jit3A_3037 = arith.constant 1.100000e+01 : f32
    %broadcast_in_dim3A_3038 = vector.broadcast %jit3A_3037 : f32 to vector<96x128xf32>
    %select_n3A_3039 = arith.select %lt3A_3035, %broadcast_in_dim3A_3038, %select_n3A_3028 : vector<96x128xi1>, vector<96x128xf32>
    %slice3A_3040 = vector.extract_strided_slice %get3A_8 {offsets = [0, 1536], sizes = [1, 128], strides = [1, 1]} : vector<1x8192xf32> to vector<1x128xf32>
    %slice3A_3041 = vector.extract_strided_slice %dot_general3A_5 {offsets = [384, 1536], sizes = [96, 128], strides = [1, 1]} : vector<576x8192xf32> to vector<96x128xf32>
    %add3A_3042 = vector.broadcast %slice3A_2903 : vector<96x1xf32> to vector<96x128xf32>
    %add3A_3043 = vector.broadcast %slice3A_3040 : vector<1x128xf32> to vector<96x128xf32>
    %add3A_3044 = arith.addf %add3A_3042, %add3A_3043 : vector<96x128xf32>
    %sub3A_3045 = arith.subf %add3A_3044, %slice3A_3041 : vector<96x128xf32>
    %lt3A_3046 = arith.cmpf olt, %sub3A_3045, %select_n3A_3036 : vector<96x128xf32>
    %select_n3A_3047 = arith.select %lt3A_3046, %sub3A_3045, %select_n3A_3036 : vector<96x128xi1>, vector<96x128xf32>
    %jit3A_3048 = arith.constant 1.200000e+01 : f32
    %broadcast_in_dim3A_3049 = vector.broadcast %jit3A_3048 : f32 to vector<96x128xf32>
    %select_n3A_3050 = arith.select %lt3A_3046, %broadcast_in_dim3A_3049, %select_n3A_3039 : vector<96x128xi1>, vector<96x128xf32>
    %slice3A_3051 = vector.extract_strided_slice %get3A_8 {offsets = [0, 1664], sizes = [1, 128], strides = [1, 1]} : vector<1x8192xf32> to vector<1x128xf32>
    %slice3A_3052 = vector.extract_strided_slice %dot_general3A_5 {offsets = [384, 1664], sizes = [96, 128], strides = [1, 1]} : vector<576x8192xf32> to vector<96x128xf32>
    %add3A_3053 = vector.broadcast %slice3A_2903 : vector<96x1xf32> to vector<96x128xf32>
    %add3A_3054 = vector.broadcast %slice3A_3051 : vector<1x128xf32> to vector<96x128xf32>
    %add3A_3055 = arith.addf %add3A_3053, %add3A_3054 : vector<96x128xf32>
    %sub3A_3056 = arith.subf %add3A_3055, %slice3A_3052 : vector<96x128xf32>
    %lt3A_3057 = arith.cmpf olt, %sub3A_3056, %select_n3A_3047 : vector<96x128xf32>
    %select_n3A_3058 = arith.select %lt3A_3057, %sub3A_3056, %select_n3A_3047 : vector<96x128xi1>, vector<96x128xf32>
    %jit3A_3059 = arith.constant 1.300000e+01 : f32
    %broadcast_in_dim3A_3060 = vector.broadcast %jit3A_3059 : f32 to vector<96x128xf32>
    %select_n3A_3061 = arith.select %lt3A_3057, %broadcast_in_dim3A_3060, %select_n3A_3050 : vector<96x128xi1>, vector<96x128xf32>
    %slice3A_3062 = vector.extract_strided_slice %get3A_8 {offsets = [0, 1792], sizes = [1, 128], strides = [1, 1]} : vector<1x8192xf32> to vector<1x128xf32>
    %slice3A_3063 = vector.extract_strided_slice %dot_general3A_5 {offsets = [384, 1792], sizes = [96, 128], strides = [1, 1]} : vector<576x8192xf32> to vector<96x128xf32>
    %add3A_3064 = vector.broadcast %slice3A_2903 : vector<96x1xf32> to vector<96x128xf32>
    %add3A_3065 = vector.broadcast %slice3A_3062 : vector<1x128xf32> to vector<96x128xf32>
    %add3A_3066 = arith.addf %add3A_3064, %add3A_3065 : vector<96x128xf32>
    %sub3A_3067 = arith.subf %add3A_3066, %slice3A_3063 : vector<96x128xf32>
    %lt3A_3068 = arith.cmpf olt, %sub3A_3067, %select_n3A_3058 : vector<96x128xf32>
    %select_n3A_3069 = arith.select %lt3A_3068, %sub3A_3067, %select_n3A_3058 : vector<96x128xi1>, vector<96x128xf32>
    %jit3A_3070 = arith.constant 1.400000e+01 : f32
    %broadcast_in_dim3A_3071 = vector.broadcast %jit3A_3070 : f32 to vector<96x128xf32>
    %select_n3A_3072 = arith.select %lt3A_3068, %broadcast_in_dim3A_3071, %select_n3A_3061 : vector<96x128xi1>, vector<96x128xf32>
    %slice3A_3073 = vector.extract_strided_slice %get3A_8 {offsets = [0, 1920], sizes = [1, 128], strides = [1, 1]} : vector<1x8192xf32> to vector<1x128xf32>
    %slice3A_3074 = vector.extract_strided_slice %dot_general3A_5 {offsets = [384, 1920], sizes = [96, 128], strides = [1, 1]} : vector<576x8192xf32> to vector<96x128xf32>
    %add3A_3075 = vector.broadcast %slice3A_2903 : vector<96x1xf32> to vector<96x128xf32>
    %add3A_3076 = vector.broadcast %slice3A_3073 : vector<1x128xf32> to vector<96x128xf32>
    %add3A_3077 = arith.addf %add3A_3075, %add3A_3076 : vector<96x128xf32>
    %sub3A_3078 = arith.subf %add3A_3077, %slice3A_3074 : vector<96x128xf32>
    %lt3A_3079 = arith.cmpf olt, %sub3A_3078, %select_n3A_3069 : vector<96x128xf32>
    %select_n3A_3080 = arith.select %lt3A_3079, %sub3A_3078, %select_n3A_3069 : vector<96x128xi1>, vector<96x128xf32>
    %jit3A_3081 = arith.constant 1.500000e+01 : f32
    %broadcast_in_dim3A_3082 = vector.broadcast %jit3A_3081 : f32 to vector<96x128xf32>
    %select_n3A_3083 = arith.select %lt3A_3079, %broadcast_in_dim3A_3082, %select_n3A_3072 : vector<96x128xi1>, vector<96x128xf32>
    %slice3A_3084 = vector.extract_strided_slice %get3A_8 {offsets = [0, 2048], sizes = [1, 128], strides = [1, 1]} : vector<1x8192xf32> to vector<1x128xf32>
    %slice3A_3085 = vector.extract_strided_slice %dot_general3A_5 {offsets = [384, 2048], sizes = [96, 128], strides = [1, 1]} : vector<576x8192xf32> to vector<96x128xf32>
    %add3A_3086 = vector.broadcast %slice3A_2903 : vector<96x1xf32> to vector<96x128xf32>
    %add3A_3087 = vector.broadcast %slice3A_3084 : vector<1x128xf32> to vector<96x128xf32>
    %add3A_3088 = arith.addf %add3A_3086, %add3A_3087 : vector<96x128xf32>
    %sub3A_3089 = arith.subf %add3A_3088, %slice3A_3085 : vector<96x128xf32>
    %lt3A_3090 = arith.cmpf olt, %sub3A_3089, %select_n3A_3080 : vector<96x128xf32>
    %select_n3A_3091 = arith.select %lt3A_3090, %sub3A_3089, %select_n3A_3080 : vector<96x128xi1>, vector<96x128xf32>
    %jit3A_3092 = arith.constant 1.600000e+01 : f32
    %broadcast_in_dim3A_3093 = vector.broadcast %jit3A_3092 : f32 to vector<96x128xf32>
    %select_n3A_3094 = arith.select %lt3A_3090, %broadcast_in_dim3A_3093, %select_n3A_3083 : vector<96x128xi1>, vector<96x128xf32>
    %slice3A_3095 = vector.extract_strided_slice %get3A_8 {offsets = [0, 2176], sizes = [1, 128], strides = [1, 1]} : vector<1x8192xf32> to vector<1x128xf32>
    %slice3A_3096 = vector.extract_strided_slice %dot_general3A_5 {offsets = [384, 2176], sizes = [96, 128], strides = [1, 1]} : vector<576x8192xf32> to vector<96x128xf32>
    %add3A_3097 = vector.broadcast %slice3A_2903 : vector<96x1xf32> to vector<96x128xf32>
    %add3A_3098 = vector.broadcast %slice3A_3095 : vector<1x128xf32> to vector<96x128xf32>
    %add3A_3099 = arith.addf %add3A_3097, %add3A_3098 : vector<96x128xf32>
    %sub3A_3100 = arith.subf %add3A_3099, %slice3A_3096 : vector<96x128xf32>
    %lt3A_3101 = arith.cmpf olt, %sub3A_3100, %select_n3A_3091 : vector<96x128xf32>
    %select_n3A_3102 = arith.select %lt3A_3101, %sub3A_3100, %select_n3A_3091 : vector<96x128xi1>, vector<96x128xf32>
    %jit3A_3103 = arith.constant 1.700000e+01 : f32
    %broadcast_in_dim3A_3104 = vector.broadcast %jit3A_3103 : f32 to vector<96x128xf32>
    %select_n3A_3105 = arith.select %lt3A_3101, %broadcast_in_dim3A_3104, %select_n3A_3094 : vector<96x128xi1>, vector<96x128xf32>
    %slice3A_3106 = vector.extract_strided_slice %get3A_8 {offsets = [0, 2304], sizes = [1, 128], strides = [1, 1]} : vector<1x8192xf32> to vector<1x128xf32>
    %slice3A_3107 = vector.extract_strided_slice %dot_general3A_5 {offsets = [384, 2304], sizes = [96, 128], strides = [1, 1]} : vector<576x8192xf32> to vector<96x128xf32>
    %add3A_3108 = vector.broadcast %slice3A_2903 : vector<96x1xf32> to vector<96x128xf32>
    %add3A_3109 = vector.broadcast %slice3A_3106 : vector<1x128xf32> to vector<96x128xf32>
    %add3A_3110 = arith.addf %add3A_3108, %add3A_3109 : vector<96x128xf32>
    %sub3A_3111 = arith.subf %add3A_3110, %slice3A_3107 : vector<96x128xf32>
    %lt3A_3112 = arith.cmpf olt, %sub3A_3111, %select_n3A_3102 : vector<96x128xf32>
    %select_n3A_3113 = arith.select %lt3A_3112, %sub3A_3111, %select_n3A_3102 : vector<96x128xi1>, vector<96x128xf32>
    %jit3A_3114 = arith.constant 1.800000e+01 : f32
    %broadcast_in_dim3A_3115 = vector.broadcast %jit3A_3114 : f32 to vector<96x128xf32>
    %select_n3A_3116 = arith.select %lt3A_3112, %broadcast_in_dim3A_3115, %select_n3A_3105 : vector<96x128xi1>, vector<96x128xf32>
    %slice3A_3117 = vector.extract_strided_slice %get3A_8 {offsets = [0, 2432], sizes = [1, 128], strides = [1, 1]} : vector<1x8192xf32> to vector<1x128xf32>
    %slice3A_3118 = vector.extract_strided_slice %dot_general3A_5 {offsets = [384, 2432], sizes = [96, 128], strides = [1, 1]} : vector<576x8192xf32> to vector<96x128xf32>
    %add3A_3119 = vector.broadcast %slice3A_2903 : vector<96x1xf32> to vector<96x128xf32>
    %add3A_3120 = vector.broadcast %slice3A_3117 : vector<1x128xf32> to vector<96x128xf32>
    %add3A_3121 = arith.addf %add3A_3119, %add3A_3120 : vector<96x128xf32>
    %sub3A_3122 = arith.subf %add3A_3121, %slice3A_3118 : vector<96x128xf32>
    %lt3A_3123 = arith.cmpf olt, %sub3A_3122, %select_n3A_3113 : vector<96x128xf32>
    %select_n3A_3124 = arith.select %lt3A_3123, %sub3A_3122, %select_n3A_3113 : vector<96x128xi1>, vector<96x128xf32>
    %jit3A_3125 = arith.constant 1.900000e+01 : f32
    %broadcast_in_dim3A_3126 = vector.broadcast %jit3A_3125 : f32 to vector<96x128xf32>
    %select_n3A_3127 = arith.select %lt3A_3123, %broadcast_in_dim3A_3126, %select_n3A_3116 : vector<96x128xi1>, vector<96x128xf32>
    %slice3A_3128 = vector.extract_strided_slice %get3A_8 {offsets = [0, 2560], sizes = [1, 128], strides = [1, 1]} : vector<1x8192xf32> to vector<1x128xf32>
    %slice3A_3129 = vector.extract_strided_slice %dot_general3A_5 {offsets = [384, 2560], sizes = [96, 128], strides = [1, 1]} : vector<576x8192xf32> to vector<96x128xf32>
    %add3A_3130 = vector.broadcast %slice3A_2903 : vector<96x1xf32> to vector<96x128xf32>
    %add3A_3131 = vector.broadcast %slice3A_3128 : vector<1x128xf32> to vector<96x128xf32>
    %add3A_3132 = arith.addf %add3A_3130, %add3A_3131 : vector<96x128xf32>
    %sub3A_3133 = arith.subf %add3A_3132, %slice3A_3129 : vector<96x128xf32>
    %lt3A_3134 = arith.cmpf olt, %sub3A_3133, %select_n3A_3124 : vector<96x128xf32>
    %select_n3A_3135 = arith.select %lt3A_3134, %sub3A_3133, %select_n3A_3124 : vector<96x128xi1>, vector<96x128xf32>
    %jit3A_3136 = arith.constant 2.000000e+01 : f32
    %broadcast_in_dim3A_3137 = vector.broadcast %jit3A_3136 : f32 to vector<96x128xf32>
    %select_n3A_3138 = arith.select %lt3A_3134, %broadcast_in_dim3A_3137, %select_n3A_3127 : vector<96x128xi1>, vector<96x128xf32>
    %slice3A_3139 = vector.extract_strided_slice %get3A_8 {offsets = [0, 2688], sizes = [1, 128], strides = [1, 1]} : vector<1x8192xf32> to vector<1x128xf32>
    %slice3A_3140 = vector.extract_strided_slice %dot_general3A_5 {offsets = [384, 2688], sizes = [96, 128], strides = [1, 1]} : vector<576x8192xf32> to vector<96x128xf32>
    %add3A_3141 = vector.broadcast %slice3A_2903 : vector<96x1xf32> to vector<96x128xf32>
    %add3A_3142 = vector.broadcast %slice3A_3139 : vector<1x128xf32> to vector<96x128xf32>
    %add3A_3143 = arith.addf %add3A_3141, %add3A_3142 : vector<96x128xf32>
    %sub3A_3144 = arith.subf %add3A_3143, %slice3A_3140 : vector<96x128xf32>
    %lt3A_3145 = arith.cmpf olt, %sub3A_3144, %select_n3A_3135 : vector<96x128xf32>
    %select_n3A_3146 = arith.select %lt3A_3145, %sub3A_3144, %select_n3A_3135 : vector<96x128xi1>, vector<96x128xf32>
    %jit3A_3147 = arith.constant 2.100000e+01 : f32
    %broadcast_in_dim3A_3148 = vector.broadcast %jit3A_3147 : f32 to vector<96x128xf32>
    %select_n3A_3149 = arith.select %lt3A_3145, %broadcast_in_dim3A_3148, %select_n3A_3138 : vector<96x128xi1>, vector<96x128xf32>
    %slice3A_3150 = vector.extract_strided_slice %get3A_8 {offsets = [0, 2816], sizes = [1, 128], strides = [1, 1]} : vector<1x8192xf32> to vector<1x128xf32>
    %slice3A_3151 = vector.extract_strided_slice %dot_general3A_5 {offsets = [384, 2816], sizes = [96, 128], strides = [1, 1]} : vector<576x8192xf32> to vector<96x128xf32>
    %add3A_3152 = vector.broadcast %slice3A_2903 : vector<96x1xf32> to vector<96x128xf32>
    %add3A_3153 = vector.broadcast %slice3A_3150 : vector<1x128xf32> to vector<96x128xf32>
    %add3A_3154 = arith.addf %add3A_3152, %add3A_3153 : vector<96x128xf32>
    %sub3A_3155 = arith.subf %add3A_3154, %slice3A_3151 : vector<96x128xf32>
    %lt3A_3156 = arith.cmpf olt, %sub3A_3155, %select_n3A_3146 : vector<96x128xf32>
    %select_n3A_3157 = arith.select %lt3A_3156, %sub3A_3155, %select_n3A_3146 : vector<96x128xi1>, vector<96x128xf32>
    %jit3A_3158 = arith.constant 2.200000e+01 : f32
    %broadcast_in_dim3A_3159 = vector.broadcast %jit3A_3158 : f32 to vector<96x128xf32>
    %select_n3A_3160 = arith.select %lt3A_3156, %broadcast_in_dim3A_3159, %select_n3A_3149 : vector<96x128xi1>, vector<96x128xf32>
    %slice3A_3161 = vector.extract_strided_slice %get3A_8 {offsets = [0, 2944], sizes = [1, 128], strides = [1, 1]} : vector<1x8192xf32> to vector<1x128xf32>
    %slice3A_3162 = vector.extract_strided_slice %dot_general3A_5 {offsets = [384, 2944], sizes = [96, 128], strides = [1, 1]} : vector<576x8192xf32> to vector<96x128xf32>
    %add3A_3163 = vector.broadcast %slice3A_2903 : vector<96x1xf32> to vector<96x128xf32>
    %add3A_3164 = vector.broadcast %slice3A_3161 : vector<1x128xf32> to vector<96x128xf32>
    %add3A_3165 = arith.addf %add3A_3163, %add3A_3164 : vector<96x128xf32>
    %sub3A_3166 = arith.subf %add3A_3165, %slice3A_3162 : vector<96x128xf32>
    %lt3A_3167 = arith.cmpf olt, %sub3A_3166, %select_n3A_3157 : vector<96x128xf32>
    %select_n3A_3168 = arith.select %lt3A_3167, %sub3A_3166, %select_n3A_3157 : vector<96x128xi1>, vector<96x128xf32>
    %jit3A_3169 = arith.constant 2.300000e+01 : f32
    %broadcast_in_dim3A_3170 = vector.broadcast %jit3A_3169 : f32 to vector<96x128xf32>
    %select_n3A_3171 = arith.select %lt3A_3167, %broadcast_in_dim3A_3170, %select_n3A_3160 : vector<96x128xi1>, vector<96x128xf32>
    %slice3A_3172 = vector.extract_strided_slice %get3A_8 {offsets = [0, 3072], sizes = [1, 128], strides = [1, 1]} : vector<1x8192xf32> to vector<1x128xf32>
    %slice3A_3173 = vector.extract_strided_slice %dot_general3A_5 {offsets = [384, 3072], sizes = [96, 128], strides = [1, 1]} : vector<576x8192xf32> to vector<96x128xf32>
    %add3A_3174 = vector.broadcast %slice3A_2903 : vector<96x1xf32> to vector<96x128xf32>
    %add3A_3175 = vector.broadcast %slice3A_3172 : vector<1x128xf32> to vector<96x128xf32>
    %add3A_3176 = arith.addf %add3A_3174, %add3A_3175 : vector<96x128xf32>
    %sub3A_3177 = arith.subf %add3A_3176, %slice3A_3173 : vector<96x128xf32>
    %lt3A_3178 = arith.cmpf olt, %sub3A_3177, %select_n3A_3168 : vector<96x128xf32>
    %select_n3A_3179 = arith.select %lt3A_3178, %sub3A_3177, %select_n3A_3168 : vector<96x128xi1>, vector<96x128xf32>
    %jit3A_3180 = arith.constant 2.400000e+01 : f32
    %broadcast_in_dim3A_3181 = vector.broadcast %jit3A_3180 : f32 to vector<96x128xf32>
    %select_n3A_3182 = arith.select %lt3A_3178, %broadcast_in_dim3A_3181, %select_n3A_3171 : vector<96x128xi1>, vector<96x128xf32>
    %slice3A_3183 = vector.extract_strided_slice %get3A_8 {offsets = [0, 3200], sizes = [1, 128], strides = [1, 1]} : vector<1x8192xf32> to vector<1x128xf32>
    %slice3A_3184 = vector.extract_strided_slice %dot_general3A_5 {offsets = [384, 3200], sizes = [96, 128], strides = [1, 1]} : vector<576x8192xf32> to vector<96x128xf32>
    %add3A_3185 = vector.broadcast %slice3A_2903 : vector<96x1xf32> to vector<96x128xf32>
    %add3A_3186 = vector.broadcast %slice3A_3183 : vector<1x128xf32> to vector<96x128xf32>
    %add3A_3187 = arith.addf %add3A_3185, %add3A_3186 : vector<96x128xf32>
    %sub3A_3188 = arith.subf %add3A_3187, %slice3A_3184 : vector<96x128xf32>
    %lt3A_3189 = arith.cmpf olt, %sub3A_3188, %select_n3A_3179 : vector<96x128xf32>
    %select_n3A_3190 = arith.select %lt3A_3189, %sub3A_3188, %select_n3A_3179 : vector<96x128xi1>, vector<96x128xf32>
    %jit3A_3191 = arith.constant 2.500000e+01 : f32
    %broadcast_in_dim3A_3192 = vector.broadcast %jit3A_3191 : f32 to vector<96x128xf32>
    %select_n3A_3193 = arith.select %lt3A_3189, %broadcast_in_dim3A_3192, %select_n3A_3182 : vector<96x128xi1>, vector<96x128xf32>
    %slice3A_3194 = vector.extract_strided_slice %get3A_8 {offsets = [0, 3328], sizes = [1, 128], strides = [1, 1]} : vector<1x8192xf32> to vector<1x128xf32>
    %slice3A_3195 = vector.extract_strided_slice %dot_general3A_5 {offsets = [384, 3328], sizes = [96, 128], strides = [1, 1]} : vector<576x8192xf32> to vector<96x128xf32>
    %add3A_3196 = vector.broadcast %slice3A_2903 : vector<96x1xf32> to vector<96x128xf32>
    %add3A_3197 = vector.broadcast %slice3A_3194 : vector<1x128xf32> to vector<96x128xf32>
    %add3A_3198 = arith.addf %add3A_3196, %add3A_3197 : vector<96x128xf32>
    %sub3A_3199 = arith.subf %add3A_3198, %slice3A_3195 : vector<96x128xf32>
    %lt3A_3200 = arith.cmpf olt, %sub3A_3199, %select_n3A_3190 : vector<96x128xf32>
    %select_n3A_3201 = arith.select %lt3A_3200, %sub3A_3199, %select_n3A_3190 : vector<96x128xi1>, vector<96x128xf32>
    %jit3A_3202 = arith.constant 2.600000e+01 : f32
    %broadcast_in_dim3A_3203 = vector.broadcast %jit3A_3202 : f32 to vector<96x128xf32>
    %select_n3A_3204 = arith.select %lt3A_3200, %broadcast_in_dim3A_3203, %select_n3A_3193 : vector<96x128xi1>, vector<96x128xf32>
    %slice3A_3205 = vector.extract_strided_slice %get3A_8 {offsets = [0, 3456], sizes = [1, 128], strides = [1, 1]} : vector<1x8192xf32> to vector<1x128xf32>
    %slice3A_3206 = vector.extract_strided_slice %dot_general3A_5 {offsets = [384, 3456], sizes = [96, 128], strides = [1, 1]} : vector<576x8192xf32> to vector<96x128xf32>
    %add3A_3207 = vector.broadcast %slice3A_2903 : vector<96x1xf32> to vector<96x128xf32>
    %add3A_3208 = vector.broadcast %slice3A_3205 : vector<1x128xf32> to vector<96x128xf32>
    %add3A_3209 = arith.addf %add3A_3207, %add3A_3208 : vector<96x128xf32>
    %sub3A_3210 = arith.subf %add3A_3209, %slice3A_3206 : vector<96x128xf32>
    %lt3A_3211 = arith.cmpf olt, %sub3A_3210, %select_n3A_3201 : vector<96x128xf32>
    %select_n3A_3212 = arith.select %lt3A_3211, %sub3A_3210, %select_n3A_3201 : vector<96x128xi1>, vector<96x128xf32>
    %jit3A_3213 = arith.constant 2.700000e+01 : f32
    %broadcast_in_dim3A_3214 = vector.broadcast %jit3A_3213 : f32 to vector<96x128xf32>
    %select_n3A_3215 = arith.select %lt3A_3211, %broadcast_in_dim3A_3214, %select_n3A_3204 : vector<96x128xi1>, vector<96x128xf32>
    %slice3A_3216 = vector.extract_strided_slice %get3A_8 {offsets = [0, 3584], sizes = [1, 128], strides = [1, 1]} : vector<1x8192xf32> to vector<1x128xf32>
    %slice3A_3217 = vector.extract_strided_slice %dot_general3A_5 {offsets = [384, 3584], sizes = [96, 128], strides = [1, 1]} : vector<576x8192xf32> to vector<96x128xf32>
    %add3A_3218 = vector.broadcast %slice3A_2903 : vector<96x1xf32> to vector<96x128xf32>
    %add3A_3219 = vector.broadcast %slice3A_3216 : vector<1x128xf32> to vector<96x128xf32>
    %add3A_3220 = arith.addf %add3A_3218, %add3A_3219 : vector<96x128xf32>
    %sub3A_3221 = arith.subf %add3A_3220, %slice3A_3217 : vector<96x128xf32>
    %lt3A_3222 = arith.cmpf olt, %sub3A_3221, %select_n3A_3212 : vector<96x128xf32>
    %select_n3A_3223 = arith.select %lt3A_3222, %sub3A_3221, %select_n3A_3212 : vector<96x128xi1>, vector<96x128xf32>
    %jit3A_3224 = arith.constant 2.800000e+01 : f32
    %broadcast_in_dim3A_3225 = vector.broadcast %jit3A_3224 : f32 to vector<96x128xf32>
    %select_n3A_3226 = arith.select %lt3A_3222, %broadcast_in_dim3A_3225, %select_n3A_3215 : vector<96x128xi1>, vector<96x128xf32>
    %slice3A_3227 = vector.extract_strided_slice %get3A_8 {offsets = [0, 3712], sizes = [1, 128], strides = [1, 1]} : vector<1x8192xf32> to vector<1x128xf32>
    %slice3A_3228 = vector.extract_strided_slice %dot_general3A_5 {offsets = [384, 3712], sizes = [96, 128], strides = [1, 1]} : vector<576x8192xf32> to vector<96x128xf32>
    %add3A_3229 = vector.broadcast %slice3A_2903 : vector<96x1xf32> to vector<96x128xf32>
    %add3A_3230 = vector.broadcast %slice3A_3227 : vector<1x128xf32> to vector<96x128xf32>
    %add3A_3231 = arith.addf %add3A_3229, %add3A_3230 : vector<96x128xf32>
    %sub3A_3232 = arith.subf %add3A_3231, %slice3A_3228 : vector<96x128xf32>
    %lt3A_3233 = arith.cmpf olt, %sub3A_3232, %select_n3A_3223 : vector<96x128xf32>
    %select_n3A_3234 = arith.select %lt3A_3233, %sub3A_3232, %select_n3A_3223 : vector<96x128xi1>, vector<96x128xf32>
    %jit3A_3235 = arith.constant 2.900000e+01 : f32
    %broadcast_in_dim3A_3236 = vector.broadcast %jit3A_3235 : f32 to vector<96x128xf32>
    %select_n3A_3237 = arith.select %lt3A_3233, %broadcast_in_dim3A_3236, %select_n3A_3226 : vector<96x128xi1>, vector<96x128xf32>
    %slice3A_3238 = vector.extract_strided_slice %get3A_8 {offsets = [0, 3840], sizes = [1, 128], strides = [1, 1]} : vector<1x8192xf32> to vector<1x128xf32>
    %slice3A_3239 = vector.extract_strided_slice %dot_general3A_5 {offsets = [384, 3840], sizes = [96, 128], strides = [1, 1]} : vector<576x8192xf32> to vector<96x128xf32>
    %add3A_3240 = vector.broadcast %slice3A_2903 : vector<96x1xf32> to vector<96x128xf32>
    %add3A_3241 = vector.broadcast %slice3A_3238 : vector<1x128xf32> to vector<96x128xf32>
    %add3A_3242 = arith.addf %add3A_3240, %add3A_3241 : vector<96x128xf32>
    %sub3A_3243 = arith.subf %add3A_3242, %slice3A_3239 : vector<96x128xf32>
    %lt3A_3244 = arith.cmpf olt, %sub3A_3243, %select_n3A_3234 : vector<96x128xf32>
    %select_n3A_3245 = arith.select %lt3A_3244, %sub3A_3243, %select_n3A_3234 : vector<96x128xi1>, vector<96x128xf32>
    %jit3A_3246 = arith.constant 3.000000e+01 : f32
    %broadcast_in_dim3A_3247 = vector.broadcast %jit3A_3246 : f32 to vector<96x128xf32>
    %select_n3A_3248 = arith.select %lt3A_3244, %broadcast_in_dim3A_3247, %select_n3A_3237 : vector<96x128xi1>, vector<96x128xf32>
    %slice3A_3249 = vector.extract_strided_slice %get3A_8 {offsets = [0, 3968], sizes = [1, 128], strides = [1, 1]} : vector<1x8192xf32> to vector<1x128xf32>
    %slice3A_3250 = vector.extract_strided_slice %dot_general3A_5 {offsets = [384, 3968], sizes = [96, 128], strides = [1, 1]} : vector<576x8192xf32> to vector<96x128xf32>
    %add3A_3251 = vector.broadcast %slice3A_2903 : vector<96x1xf32> to vector<96x128xf32>
    %add3A_3252 = vector.broadcast %slice3A_3249 : vector<1x128xf32> to vector<96x128xf32>
    %add3A_3253 = arith.addf %add3A_3251, %add3A_3252 : vector<96x128xf32>
    %sub3A_3254 = arith.subf %add3A_3253, %slice3A_3250 : vector<96x128xf32>
    %lt3A_3255 = arith.cmpf olt, %sub3A_3254, %select_n3A_3245 : vector<96x128xf32>
    %select_n3A_3256 = arith.select %lt3A_3255, %sub3A_3254, %select_n3A_3245 : vector<96x128xi1>, vector<96x128xf32>
    %jit3A_3257 = arith.constant 3.100000e+01 : f32
    %broadcast_in_dim3A_3258 = vector.broadcast %jit3A_3257 : f32 to vector<96x128xf32>
    %select_n3A_3259 = arith.select %lt3A_3255, %broadcast_in_dim3A_3258, %select_n3A_3248 : vector<96x128xi1>, vector<96x128xf32>
    %slice3A_3260 = vector.extract_strided_slice %get3A_8 {offsets = [0, 4096], sizes = [1, 128], strides = [1, 1]} : vector<1x8192xf32> to vector<1x128xf32>
    %slice3A_3261 = vector.extract_strided_slice %dot_general3A_5 {offsets = [384, 4096], sizes = [96, 128], strides = [1, 1]} : vector<576x8192xf32> to vector<96x128xf32>
    %add3A_3262 = vector.broadcast %slice3A_2903 : vector<96x1xf32> to vector<96x128xf32>
    %add3A_3263 = vector.broadcast %slice3A_3260 : vector<1x128xf32> to vector<96x128xf32>
    %add3A_3264 = arith.addf %add3A_3262, %add3A_3263 : vector<96x128xf32>
    %sub3A_3265 = arith.subf %add3A_3264, %slice3A_3261 : vector<96x128xf32>
    %lt3A_3266 = arith.cmpf olt, %sub3A_3265, %select_n3A_3256 : vector<96x128xf32>
    %select_n3A_3267 = arith.select %lt3A_3266, %sub3A_3265, %select_n3A_3256 : vector<96x128xi1>, vector<96x128xf32>
    %jit3A_3268 = arith.constant 3.200000e+01 : f32
    %broadcast_in_dim3A_3269 = vector.broadcast %jit3A_3268 : f32 to vector<96x128xf32>
    %select_n3A_3270 = arith.select %lt3A_3266, %broadcast_in_dim3A_3269, %select_n3A_3259 : vector<96x128xi1>, vector<96x128xf32>
    %slice3A_3271 = vector.extract_strided_slice %get3A_8 {offsets = [0, 4224], sizes = [1, 128], strides = [1, 1]} : vector<1x8192xf32> to vector<1x128xf32>
    %slice3A_3272 = vector.extract_strided_slice %dot_general3A_5 {offsets = [384, 4224], sizes = [96, 128], strides = [1, 1]} : vector<576x8192xf32> to vector<96x128xf32>
    %add3A_3273 = vector.broadcast %slice3A_2903 : vector<96x1xf32> to vector<96x128xf32>
    %add3A_3274 = vector.broadcast %slice3A_3271 : vector<1x128xf32> to vector<96x128xf32>
    %add3A_3275 = arith.addf %add3A_3273, %add3A_3274 : vector<96x128xf32>
    %sub3A_3276 = arith.subf %add3A_3275, %slice3A_3272 : vector<96x128xf32>
    %lt3A_3277 = arith.cmpf olt, %sub3A_3276, %select_n3A_3267 : vector<96x128xf32>
    %select_n3A_3278 = arith.select %lt3A_3277, %sub3A_3276, %select_n3A_3267 : vector<96x128xi1>, vector<96x128xf32>
    %jit3A_3279 = arith.constant 3.300000e+01 : f32
    %broadcast_in_dim3A_3280 = vector.broadcast %jit3A_3279 : f32 to vector<96x128xf32>
    %select_n3A_3281 = arith.select %lt3A_3277, %broadcast_in_dim3A_3280, %select_n3A_3270 : vector<96x128xi1>, vector<96x128xf32>
    %slice3A_3282 = vector.extract_strided_slice %get3A_8 {offsets = [0, 4352], sizes = [1, 128], strides = [1, 1]} : vector<1x8192xf32> to vector<1x128xf32>
    %slice3A_3283 = vector.extract_strided_slice %dot_general3A_5 {offsets = [384, 4352], sizes = [96, 128], strides = [1, 1]} : vector<576x8192xf32> to vector<96x128xf32>
    %add3A_3284 = vector.broadcast %slice3A_2903 : vector<96x1xf32> to vector<96x128xf32>
    %add3A_3285 = vector.broadcast %slice3A_3282 : vector<1x128xf32> to vector<96x128xf32>
    %add3A_3286 = arith.addf %add3A_3284, %add3A_3285 : vector<96x128xf32>
    %sub3A_3287 = arith.subf %add3A_3286, %slice3A_3283 : vector<96x128xf32>
    %lt3A_3288 = arith.cmpf olt, %sub3A_3287, %select_n3A_3278 : vector<96x128xf32>
    %select_n3A_3289 = arith.select %lt3A_3288, %sub3A_3287, %select_n3A_3278 : vector<96x128xi1>, vector<96x128xf32>
    %jit3A_3290 = arith.constant 3.400000e+01 : f32
    %broadcast_in_dim3A_3291 = vector.broadcast %jit3A_3290 : f32 to vector<96x128xf32>
    %select_n3A_3292 = arith.select %lt3A_3288, %broadcast_in_dim3A_3291, %select_n3A_3281 : vector<96x128xi1>, vector<96x128xf32>
    %slice3A_3293 = vector.extract_strided_slice %get3A_8 {offsets = [0, 4480], sizes = [1, 128], strides = [1, 1]} : vector<1x8192xf32> to vector<1x128xf32>
    %slice3A_3294 = vector.extract_strided_slice %dot_general3A_5 {offsets = [384, 4480], sizes = [96, 128], strides = [1, 1]} : vector<576x8192xf32> to vector<96x128xf32>
    %add3A_3295 = vector.broadcast %slice3A_2903 : vector<96x1xf32> to vector<96x128xf32>
    %add3A_3296 = vector.broadcast %slice3A_3293 : vector<1x128xf32> to vector<96x128xf32>
    %add3A_3297 = arith.addf %add3A_3295, %add3A_3296 : vector<96x128xf32>
    %sub3A_3298 = arith.subf %add3A_3297, %slice3A_3294 : vector<96x128xf32>
    %lt3A_3299 = arith.cmpf olt, %sub3A_3298, %select_n3A_3289 : vector<96x128xf32>
    %select_n3A_3300 = arith.select %lt3A_3299, %sub3A_3298, %select_n3A_3289 : vector<96x128xi1>, vector<96x128xf32>
    %jit3A_3301 = arith.constant 3.500000e+01 : f32
    %broadcast_in_dim3A_3302 = vector.broadcast %jit3A_3301 : f32 to vector<96x128xf32>
    %select_n3A_3303 = arith.select %lt3A_3299, %broadcast_in_dim3A_3302, %select_n3A_3292 : vector<96x128xi1>, vector<96x128xf32>
    %slice3A_3304 = vector.extract_strided_slice %get3A_8 {offsets = [0, 4608], sizes = [1, 128], strides = [1, 1]} : vector<1x8192xf32> to vector<1x128xf32>
    %slice3A_3305 = vector.extract_strided_slice %dot_general3A_5 {offsets = [384, 4608], sizes = [96, 128], strides = [1, 1]} : vector<576x8192xf32> to vector<96x128xf32>
    %add3A_3306 = vector.broadcast %slice3A_2903 : vector<96x1xf32> to vector<96x128xf32>
    %add3A_3307 = vector.broadcast %slice3A_3304 : vector<1x128xf32> to vector<96x128xf32>
    %add3A_3308 = arith.addf %add3A_3306, %add3A_3307 : vector<96x128xf32>
    %sub3A_3309 = arith.subf %add3A_3308, %slice3A_3305 : vector<96x128xf32>
    %lt3A_3310 = arith.cmpf olt, %sub3A_3309, %select_n3A_3300 : vector<96x128xf32>
    %select_n3A_3311 = arith.select %lt3A_3310, %sub3A_3309, %select_n3A_3300 : vector<96x128xi1>, vector<96x128xf32>
    %jit3A_3312 = arith.constant 3.600000e+01 : f32
    %broadcast_in_dim3A_3313 = vector.broadcast %jit3A_3312 : f32 to vector<96x128xf32>
    %select_n3A_3314 = arith.select %lt3A_3310, %broadcast_in_dim3A_3313, %select_n3A_3303 : vector<96x128xi1>, vector<96x128xf32>
    %slice3A_3315 = vector.extract_strided_slice %get3A_8 {offsets = [0, 4736], sizes = [1, 128], strides = [1, 1]} : vector<1x8192xf32> to vector<1x128xf32>
    %slice3A_3316 = vector.extract_strided_slice %dot_general3A_5 {offsets = [384, 4736], sizes = [96, 128], strides = [1, 1]} : vector<576x8192xf32> to vector<96x128xf32>
    %add3A_3317 = vector.broadcast %slice3A_2903 : vector<96x1xf32> to vector<96x128xf32>
    %add3A_3318 = vector.broadcast %slice3A_3315 : vector<1x128xf32> to vector<96x128xf32>
    %add3A_3319 = arith.addf %add3A_3317, %add3A_3318 : vector<96x128xf32>
    %sub3A_3320 = arith.subf %add3A_3319, %slice3A_3316 : vector<96x128xf32>
    %lt3A_3321 = arith.cmpf olt, %sub3A_3320, %select_n3A_3311 : vector<96x128xf32>
    %select_n3A_3322 = arith.select %lt3A_3321, %sub3A_3320, %select_n3A_3311 : vector<96x128xi1>, vector<96x128xf32>
    %jit3A_3323 = arith.constant 3.700000e+01 : f32
    %broadcast_in_dim3A_3324 = vector.broadcast %jit3A_3323 : f32 to vector<96x128xf32>
    %select_n3A_3325 = arith.select %lt3A_3321, %broadcast_in_dim3A_3324, %select_n3A_3314 : vector<96x128xi1>, vector<96x128xf32>
    %slice3A_3326 = vector.extract_strided_slice %get3A_8 {offsets = [0, 4864], sizes = [1, 128], strides = [1, 1]} : vector<1x8192xf32> to vector<1x128xf32>
    %slice3A_3327 = vector.extract_strided_slice %dot_general3A_5 {offsets = [384, 4864], sizes = [96, 128], strides = [1, 1]} : vector<576x8192xf32> to vector<96x128xf32>
    %add3A_3328 = vector.broadcast %slice3A_2903 : vector<96x1xf32> to vector<96x128xf32>
    %add3A_3329 = vector.broadcast %slice3A_3326 : vector<1x128xf32> to vector<96x128xf32>
    %add3A_3330 = arith.addf %add3A_3328, %add3A_3329 : vector<96x128xf32>
    %sub3A_3331 = arith.subf %add3A_3330, %slice3A_3327 : vector<96x128xf32>
    %lt3A_3332 = arith.cmpf olt, %sub3A_3331, %select_n3A_3322 : vector<96x128xf32>
    %select_n3A_3333 = arith.select %lt3A_3332, %sub3A_3331, %select_n3A_3322 : vector<96x128xi1>, vector<96x128xf32>
    %jit3A_3334 = arith.constant 3.800000e+01 : f32
    %broadcast_in_dim3A_3335 = vector.broadcast %jit3A_3334 : f32 to vector<96x128xf32>
    %select_n3A_3336 = arith.select %lt3A_3332, %broadcast_in_dim3A_3335, %select_n3A_3325 : vector<96x128xi1>, vector<96x128xf32>
    %slice3A_3337 = vector.extract_strided_slice %get3A_8 {offsets = [0, 4992], sizes = [1, 128], strides = [1, 1]} : vector<1x8192xf32> to vector<1x128xf32>
    %slice3A_3338 = vector.extract_strided_slice %dot_general3A_5 {offsets = [384, 4992], sizes = [96, 128], strides = [1, 1]} : vector<576x8192xf32> to vector<96x128xf32>
    %add3A_3339 = vector.broadcast %slice3A_2903 : vector<96x1xf32> to vector<96x128xf32>
    %add3A_3340 = vector.broadcast %slice3A_3337 : vector<1x128xf32> to vector<96x128xf32>
    %add3A_3341 = arith.addf %add3A_3339, %add3A_3340 : vector<96x128xf32>
    %sub3A_3342 = arith.subf %add3A_3341, %slice3A_3338 : vector<96x128xf32>
    %lt3A_3343 = arith.cmpf olt, %sub3A_3342, %select_n3A_3333 : vector<96x128xf32>
    %select_n3A_3344 = arith.select %lt3A_3343, %sub3A_3342, %select_n3A_3333 : vector<96x128xi1>, vector<96x128xf32>
    %jit3A_3345 = arith.constant 3.900000e+01 : f32
    %broadcast_in_dim3A_3346 = vector.broadcast %jit3A_3345 : f32 to vector<96x128xf32>
    %select_n3A_3347 = arith.select %lt3A_3343, %broadcast_in_dim3A_3346, %select_n3A_3336 : vector<96x128xi1>, vector<96x128xf32>
    %slice3A_3348 = vector.extract_strided_slice %get3A_8 {offsets = [0, 5120], sizes = [1, 128], strides = [1, 1]} : vector<1x8192xf32> to vector<1x128xf32>
    %slice3A_3349 = vector.extract_strided_slice %dot_general3A_5 {offsets = [384, 5120], sizes = [96, 128], strides = [1, 1]} : vector<576x8192xf32> to vector<96x128xf32>
    %add3A_3350 = vector.broadcast %slice3A_2903 : vector<96x1xf32> to vector<96x128xf32>
    %add3A_3351 = vector.broadcast %slice3A_3348 : vector<1x128xf32> to vector<96x128xf32>
    %add3A_3352 = arith.addf %add3A_3350, %add3A_3351 : vector<96x128xf32>
    %sub3A_3353 = arith.subf %add3A_3352, %slice3A_3349 : vector<96x128xf32>
    %lt3A_3354 = arith.cmpf olt, %sub3A_3353, %select_n3A_3344 : vector<96x128xf32>
    %select_n3A_3355 = arith.select %lt3A_3354, %sub3A_3353, %select_n3A_3344 : vector<96x128xi1>, vector<96x128xf32>
    %jit3A_3356 = arith.constant 4.000000e+01 : f32
    %broadcast_in_dim3A_3357 = vector.broadcast %jit3A_3356 : f32 to vector<96x128xf32>
    %select_n3A_3358 = arith.select %lt3A_3354, %broadcast_in_dim3A_3357, %select_n3A_3347 : vector<96x128xi1>, vector<96x128xf32>
    %slice3A_3359 = vector.extract_strided_slice %get3A_8 {offsets = [0, 5248], sizes = [1, 128], strides = [1, 1]} : vector<1x8192xf32> to vector<1x128xf32>
    %slice3A_3360 = vector.extract_strided_slice %dot_general3A_5 {offsets = [384, 5248], sizes = [96, 128], strides = [1, 1]} : vector<576x8192xf32> to vector<96x128xf32>
    %add3A_3361 = vector.broadcast %slice3A_2903 : vector<96x1xf32> to vector<96x128xf32>
    %add3A_3362 = vector.broadcast %slice3A_3359 : vector<1x128xf32> to vector<96x128xf32>
    %add3A_3363 = arith.addf %add3A_3361, %add3A_3362 : vector<96x128xf32>
    %sub3A_3364 = arith.subf %add3A_3363, %slice3A_3360 : vector<96x128xf32>
    %lt3A_3365 = arith.cmpf olt, %sub3A_3364, %select_n3A_3355 : vector<96x128xf32>
    %select_n3A_3366 = arith.select %lt3A_3365, %sub3A_3364, %select_n3A_3355 : vector<96x128xi1>, vector<96x128xf32>
    %jit3A_3367 = arith.constant 4.100000e+01 : f32
    %broadcast_in_dim3A_3368 = vector.broadcast %jit3A_3367 : f32 to vector<96x128xf32>
    %select_n3A_3369 = arith.select %lt3A_3365, %broadcast_in_dim3A_3368, %select_n3A_3358 : vector<96x128xi1>, vector<96x128xf32>
    %slice3A_3370 = vector.extract_strided_slice %get3A_8 {offsets = [0, 5376], sizes = [1, 128], strides = [1, 1]} : vector<1x8192xf32> to vector<1x128xf32>
    %slice3A_3371 = vector.extract_strided_slice %dot_general3A_5 {offsets = [384, 5376], sizes = [96, 128], strides = [1, 1]} : vector<576x8192xf32> to vector<96x128xf32>
    %add3A_3372 = vector.broadcast %slice3A_2903 : vector<96x1xf32> to vector<96x128xf32>
    %add3A_3373 = vector.broadcast %slice3A_3370 : vector<1x128xf32> to vector<96x128xf32>
    %add3A_3374 = arith.addf %add3A_3372, %add3A_3373 : vector<96x128xf32>
    %sub3A_3375 = arith.subf %add3A_3374, %slice3A_3371 : vector<96x128xf32>
    %lt3A_3376 = arith.cmpf olt, %sub3A_3375, %select_n3A_3366 : vector<96x128xf32>
    %select_n3A_3377 = arith.select %lt3A_3376, %sub3A_3375, %select_n3A_3366 : vector<96x128xi1>, vector<96x128xf32>
    %jit3A_3378 = arith.constant 4.200000e+01 : f32
    %broadcast_in_dim3A_3379 = vector.broadcast %jit3A_3378 : f32 to vector<96x128xf32>
    %select_n3A_3380 = arith.select %lt3A_3376, %broadcast_in_dim3A_3379, %select_n3A_3369 : vector<96x128xi1>, vector<96x128xf32>
    %slice3A_3381 = vector.extract_strided_slice %get3A_8 {offsets = [0, 5504], sizes = [1, 128], strides = [1, 1]} : vector<1x8192xf32> to vector<1x128xf32>
    %slice3A_3382 = vector.extract_strided_slice %dot_general3A_5 {offsets = [384, 5504], sizes = [96, 128], strides = [1, 1]} : vector<576x8192xf32> to vector<96x128xf32>
    %add3A_3383 = vector.broadcast %slice3A_2903 : vector<96x1xf32> to vector<96x128xf32>
    %add3A_3384 = vector.broadcast %slice3A_3381 : vector<1x128xf32> to vector<96x128xf32>
    %add3A_3385 = arith.addf %add3A_3383, %add3A_3384 : vector<96x128xf32>
    %sub3A_3386 = arith.subf %add3A_3385, %slice3A_3382 : vector<96x128xf32>
    %lt3A_3387 = arith.cmpf olt, %sub3A_3386, %select_n3A_3377 : vector<96x128xf32>
    %select_n3A_3388 = arith.select %lt3A_3387, %sub3A_3386, %select_n3A_3377 : vector<96x128xi1>, vector<96x128xf32>
    %jit3A_3389 = arith.constant 4.300000e+01 : f32
    %broadcast_in_dim3A_3390 = vector.broadcast %jit3A_3389 : f32 to vector<96x128xf32>
    %select_n3A_3391 = arith.select %lt3A_3387, %broadcast_in_dim3A_3390, %select_n3A_3380 : vector<96x128xi1>, vector<96x128xf32>
    %slice3A_3392 = vector.extract_strided_slice %get3A_8 {offsets = [0, 5632], sizes = [1, 128], strides = [1, 1]} : vector<1x8192xf32> to vector<1x128xf32>
    %slice3A_3393 = vector.extract_strided_slice %dot_general3A_5 {offsets = [384, 5632], sizes = [96, 128], strides = [1, 1]} : vector<576x8192xf32> to vector<96x128xf32>
    %add3A_3394 = vector.broadcast %slice3A_2903 : vector<96x1xf32> to vector<96x128xf32>
    %add3A_3395 = vector.broadcast %slice3A_3392 : vector<1x128xf32> to vector<96x128xf32>
    %add3A_3396 = arith.addf %add3A_3394, %add3A_3395 : vector<96x128xf32>
    %sub3A_3397 = arith.subf %add3A_3396, %slice3A_3393 : vector<96x128xf32>
    %lt3A_3398 = arith.cmpf olt, %sub3A_3397, %select_n3A_3388 : vector<96x128xf32>
    %select_n3A_3399 = arith.select %lt3A_3398, %sub3A_3397, %select_n3A_3388 : vector<96x128xi1>, vector<96x128xf32>
    %jit3A_3400 = arith.constant 4.400000e+01 : f32
    %broadcast_in_dim3A_3401 = vector.broadcast %jit3A_3400 : f32 to vector<96x128xf32>
    %select_n3A_3402 = arith.select %lt3A_3398, %broadcast_in_dim3A_3401, %select_n3A_3391 : vector<96x128xi1>, vector<96x128xf32>
    %slice3A_3403 = vector.extract_strided_slice %get3A_8 {offsets = [0, 5760], sizes = [1, 128], strides = [1, 1]} : vector<1x8192xf32> to vector<1x128xf32>
    %slice3A_3404 = vector.extract_strided_slice %dot_general3A_5 {offsets = [384, 5760], sizes = [96, 128], strides = [1, 1]} : vector<576x8192xf32> to vector<96x128xf32>
    %add3A_3405 = vector.broadcast %slice3A_2903 : vector<96x1xf32> to vector<96x128xf32>
    %add3A_3406 = vector.broadcast %slice3A_3403 : vector<1x128xf32> to vector<96x128xf32>
    %add3A_3407 = arith.addf %add3A_3405, %add3A_3406 : vector<96x128xf32>
    %sub3A_3408 = arith.subf %add3A_3407, %slice3A_3404 : vector<96x128xf32>
    %lt3A_3409 = arith.cmpf olt, %sub3A_3408, %select_n3A_3399 : vector<96x128xf32>
    %select_n3A_3410 = arith.select %lt3A_3409, %sub3A_3408, %select_n3A_3399 : vector<96x128xi1>, vector<96x128xf32>
    %jit3A_3411 = arith.constant 4.500000e+01 : f32
    %broadcast_in_dim3A_3412 = vector.broadcast %jit3A_3411 : f32 to vector<96x128xf32>
    %select_n3A_3413 = arith.select %lt3A_3409, %broadcast_in_dim3A_3412, %select_n3A_3402 : vector<96x128xi1>, vector<96x128xf32>
    %slice3A_3414 = vector.extract_strided_slice %get3A_8 {offsets = [0, 5888], sizes = [1, 128], strides = [1, 1]} : vector<1x8192xf32> to vector<1x128xf32>
    %slice3A_3415 = vector.extract_strided_slice %dot_general3A_5 {offsets = [384, 5888], sizes = [96, 128], strides = [1, 1]} : vector<576x8192xf32> to vector<96x128xf32>
    %add3A_3416 = vector.broadcast %slice3A_2903 : vector<96x1xf32> to vector<96x128xf32>
    %add3A_3417 = vector.broadcast %slice3A_3414 : vector<1x128xf32> to vector<96x128xf32>
    %add3A_3418 = arith.addf %add3A_3416, %add3A_3417 : vector<96x128xf32>
    %sub3A_3419 = arith.subf %add3A_3418, %slice3A_3415 : vector<96x128xf32>
    %lt3A_3420 = arith.cmpf olt, %sub3A_3419, %select_n3A_3410 : vector<96x128xf32>
    %select_n3A_3421 = arith.select %lt3A_3420, %sub3A_3419, %select_n3A_3410 : vector<96x128xi1>, vector<96x128xf32>
    %jit3A_3422 = arith.constant 4.600000e+01 : f32
    %broadcast_in_dim3A_3423 = vector.broadcast %jit3A_3422 : f32 to vector<96x128xf32>
    %select_n3A_3424 = arith.select %lt3A_3420, %broadcast_in_dim3A_3423, %select_n3A_3413 : vector<96x128xi1>, vector<96x128xf32>
    %slice3A_3425 = vector.extract_strided_slice %get3A_8 {offsets = [0, 6016], sizes = [1, 128], strides = [1, 1]} : vector<1x8192xf32> to vector<1x128xf32>
    %slice3A_3426 = vector.extract_strided_slice %dot_general3A_5 {offsets = [384, 6016], sizes = [96, 128], strides = [1, 1]} : vector<576x8192xf32> to vector<96x128xf32>
    %add3A_3427 = vector.broadcast %slice3A_2903 : vector<96x1xf32> to vector<96x128xf32>
    %add3A_3428 = vector.broadcast %slice3A_3425 : vector<1x128xf32> to vector<96x128xf32>
    %add3A_3429 = arith.addf %add3A_3427, %add3A_3428 : vector<96x128xf32>
    %sub3A_3430 = arith.subf %add3A_3429, %slice3A_3426 : vector<96x128xf32>
    %lt3A_3431 = arith.cmpf olt, %sub3A_3430, %select_n3A_3421 : vector<96x128xf32>
    %select_n3A_3432 = arith.select %lt3A_3431, %sub3A_3430, %select_n3A_3421 : vector<96x128xi1>, vector<96x128xf32>
    %jit3A_3433 = arith.constant 4.700000e+01 : f32
    %broadcast_in_dim3A_3434 = vector.broadcast %jit3A_3433 : f32 to vector<96x128xf32>
    %select_n3A_3435 = arith.select %lt3A_3431, %broadcast_in_dim3A_3434, %select_n3A_3424 : vector<96x128xi1>, vector<96x128xf32>
    %slice3A_3436 = vector.extract_strided_slice %get3A_8 {offsets = [0, 6144], sizes = [1, 128], strides = [1, 1]} : vector<1x8192xf32> to vector<1x128xf32>
    %slice3A_3437 = vector.extract_strided_slice %dot_general3A_5 {offsets = [384, 6144], sizes = [96, 128], strides = [1, 1]} : vector<576x8192xf32> to vector<96x128xf32>
    %add3A_3438 = vector.broadcast %slice3A_2903 : vector<96x1xf32> to vector<96x128xf32>
    %add3A_3439 = vector.broadcast %slice3A_3436 : vector<1x128xf32> to vector<96x128xf32>
    %add3A_3440 = arith.addf %add3A_3438, %add3A_3439 : vector<96x128xf32>
    %sub3A_3441 = arith.subf %add3A_3440, %slice3A_3437 : vector<96x128xf32>
    %lt3A_3442 = arith.cmpf olt, %sub3A_3441, %select_n3A_3432 : vector<96x128xf32>
    %select_n3A_3443 = arith.select %lt3A_3442, %sub3A_3441, %select_n3A_3432 : vector<96x128xi1>, vector<96x128xf32>
    %jit3A_3444 = arith.constant 4.800000e+01 : f32
    %broadcast_in_dim3A_3445 = vector.broadcast %jit3A_3444 : f32 to vector<96x128xf32>
    %select_n3A_3446 = arith.select %lt3A_3442, %broadcast_in_dim3A_3445, %select_n3A_3435 : vector<96x128xi1>, vector<96x128xf32>
    %slice3A_3447 = vector.extract_strided_slice %get3A_8 {offsets = [0, 6272], sizes = [1, 128], strides = [1, 1]} : vector<1x8192xf32> to vector<1x128xf32>
    %slice3A_3448 = vector.extract_strided_slice %dot_general3A_5 {offsets = [384, 6272], sizes = [96, 128], strides = [1, 1]} : vector<576x8192xf32> to vector<96x128xf32>
    %add3A_3449 = vector.broadcast %slice3A_2903 : vector<96x1xf32> to vector<96x128xf32>
    %add3A_3450 = vector.broadcast %slice3A_3447 : vector<1x128xf32> to vector<96x128xf32>
    %add3A_3451 = arith.addf %add3A_3449, %add3A_3450 : vector<96x128xf32>
    %sub3A_3452 = arith.subf %add3A_3451, %slice3A_3448 : vector<96x128xf32>
    %lt3A_3453 = arith.cmpf olt, %sub3A_3452, %select_n3A_3443 : vector<96x128xf32>
    %select_n3A_3454 = arith.select %lt3A_3453, %sub3A_3452, %select_n3A_3443 : vector<96x128xi1>, vector<96x128xf32>
    %jit3A_3455 = arith.constant 4.900000e+01 : f32
    %broadcast_in_dim3A_3456 = vector.broadcast %jit3A_3455 : f32 to vector<96x128xf32>
    %select_n3A_3457 = arith.select %lt3A_3453, %broadcast_in_dim3A_3456, %select_n3A_3446 : vector<96x128xi1>, vector<96x128xf32>
    %slice3A_3458 = vector.extract_strided_slice %get3A_8 {offsets = [0, 6400], sizes = [1, 128], strides = [1, 1]} : vector<1x8192xf32> to vector<1x128xf32>
    %slice3A_3459 = vector.extract_strided_slice %dot_general3A_5 {offsets = [384, 6400], sizes = [96, 128], strides = [1, 1]} : vector<576x8192xf32> to vector<96x128xf32>
    %add3A_3460 = vector.broadcast %slice3A_2903 : vector<96x1xf32> to vector<96x128xf32>
    %add3A_3461 = vector.broadcast %slice3A_3458 : vector<1x128xf32> to vector<96x128xf32>
    %add3A_3462 = arith.addf %add3A_3460, %add3A_3461 : vector<96x128xf32>
    %sub3A_3463 = arith.subf %add3A_3462, %slice3A_3459 : vector<96x128xf32>
    %lt3A_3464 = arith.cmpf olt, %sub3A_3463, %select_n3A_3454 : vector<96x128xf32>
    %select_n3A_3465 = arith.select %lt3A_3464, %sub3A_3463, %select_n3A_3454 : vector<96x128xi1>, vector<96x128xf32>
    %jit3A_3466 = arith.constant 5.000000e+01 : f32
    %broadcast_in_dim3A_3467 = vector.broadcast %jit3A_3466 : f32 to vector<96x128xf32>
    %select_n3A_3468 = arith.select %lt3A_3464, %broadcast_in_dim3A_3467, %select_n3A_3457 : vector<96x128xi1>, vector<96x128xf32>
    %slice3A_3469 = vector.extract_strided_slice %get3A_8 {offsets = [0, 6528], sizes = [1, 128], strides = [1, 1]} : vector<1x8192xf32> to vector<1x128xf32>
    %slice3A_3470 = vector.extract_strided_slice %dot_general3A_5 {offsets = [384, 6528], sizes = [96, 128], strides = [1, 1]} : vector<576x8192xf32> to vector<96x128xf32>
    %add3A_3471 = vector.broadcast %slice3A_2903 : vector<96x1xf32> to vector<96x128xf32>
    %add3A_3472 = vector.broadcast %slice3A_3469 : vector<1x128xf32> to vector<96x128xf32>
    %add3A_3473 = arith.addf %add3A_3471, %add3A_3472 : vector<96x128xf32>
    %sub3A_3474 = arith.subf %add3A_3473, %slice3A_3470 : vector<96x128xf32>
    %lt3A_3475 = arith.cmpf olt, %sub3A_3474, %select_n3A_3465 : vector<96x128xf32>
    %select_n3A_3476 = arith.select %lt3A_3475, %sub3A_3474, %select_n3A_3465 : vector<96x128xi1>, vector<96x128xf32>
    %jit3A_3477 = arith.constant 5.100000e+01 : f32
    %broadcast_in_dim3A_3478 = vector.broadcast %jit3A_3477 : f32 to vector<96x128xf32>
    %select_n3A_3479 = arith.select %lt3A_3475, %broadcast_in_dim3A_3478, %select_n3A_3468 : vector<96x128xi1>, vector<96x128xf32>
    %slice3A_3480 = vector.extract_strided_slice %get3A_8 {offsets = [0, 6656], sizes = [1, 128], strides = [1, 1]} : vector<1x8192xf32> to vector<1x128xf32>
    %slice3A_3481 = vector.extract_strided_slice %dot_general3A_5 {offsets = [384, 6656], sizes = [96, 128], strides = [1, 1]} : vector<576x8192xf32> to vector<96x128xf32>
    %add3A_3482 = vector.broadcast %slice3A_2903 : vector<96x1xf32> to vector<96x128xf32>
    %add3A_3483 = vector.broadcast %slice3A_3480 : vector<1x128xf32> to vector<96x128xf32>
    %add3A_3484 = arith.addf %add3A_3482, %add3A_3483 : vector<96x128xf32>
    %sub3A_3485 = arith.subf %add3A_3484, %slice3A_3481 : vector<96x128xf32>
    %lt3A_3486 = arith.cmpf olt, %sub3A_3485, %select_n3A_3476 : vector<96x128xf32>
    %select_n3A_3487 = arith.select %lt3A_3486, %sub3A_3485, %select_n3A_3476 : vector<96x128xi1>, vector<96x128xf32>
    %jit3A_3488 = arith.constant 5.200000e+01 : f32
    %broadcast_in_dim3A_3489 = vector.broadcast %jit3A_3488 : f32 to vector<96x128xf32>
    %select_n3A_3490 = arith.select %lt3A_3486, %broadcast_in_dim3A_3489, %select_n3A_3479 : vector<96x128xi1>, vector<96x128xf32>
    %slice3A_3491 = vector.extract_strided_slice %get3A_8 {offsets = [0, 6784], sizes = [1, 128], strides = [1, 1]} : vector<1x8192xf32> to vector<1x128xf32>
    %slice3A_3492 = vector.extract_strided_slice %dot_general3A_5 {offsets = [384, 6784], sizes = [96, 128], strides = [1, 1]} : vector<576x8192xf32> to vector<96x128xf32>
    %add3A_3493 = vector.broadcast %slice3A_2903 : vector<96x1xf32> to vector<96x128xf32>
    %add3A_3494 = vector.broadcast %slice3A_3491 : vector<1x128xf32> to vector<96x128xf32>
    %add3A_3495 = arith.addf %add3A_3493, %add3A_3494 : vector<96x128xf32>
    %sub3A_3496 = arith.subf %add3A_3495, %slice3A_3492 : vector<96x128xf32>
    %lt3A_3497 = arith.cmpf olt, %sub3A_3496, %select_n3A_3487 : vector<96x128xf32>
    %select_n3A_3498 = arith.select %lt3A_3497, %sub3A_3496, %select_n3A_3487 : vector<96x128xi1>, vector<96x128xf32>
    %jit3A_3499 = arith.constant 5.300000e+01 : f32
    %broadcast_in_dim3A_3500 = vector.broadcast %jit3A_3499 : f32 to vector<96x128xf32>
    %select_n3A_3501 = arith.select %lt3A_3497, %broadcast_in_dim3A_3500, %select_n3A_3490 : vector<96x128xi1>, vector<96x128xf32>
    %slice3A_3502 = vector.extract_strided_slice %get3A_8 {offsets = [0, 6912], sizes = [1, 128], strides = [1, 1]} : vector<1x8192xf32> to vector<1x128xf32>
    %slice3A_3503 = vector.extract_strided_slice %dot_general3A_5 {offsets = [384, 6912], sizes = [96, 128], strides = [1, 1]} : vector<576x8192xf32> to vector<96x128xf32>
    %add3A_3504 = vector.broadcast %slice3A_2903 : vector<96x1xf32> to vector<96x128xf32>
    %add3A_3505 = vector.broadcast %slice3A_3502 : vector<1x128xf32> to vector<96x128xf32>
    %add3A_3506 = arith.addf %add3A_3504, %add3A_3505 : vector<96x128xf32>
    %sub3A_3507 = arith.subf %add3A_3506, %slice3A_3503 : vector<96x128xf32>
    %lt3A_3508 = arith.cmpf olt, %sub3A_3507, %select_n3A_3498 : vector<96x128xf32>
    %select_n3A_3509 = arith.select %lt3A_3508, %sub3A_3507, %select_n3A_3498 : vector<96x128xi1>, vector<96x128xf32>
    %jit3A_3510 = arith.constant 5.400000e+01 : f32
    %broadcast_in_dim3A_3511 = vector.broadcast %jit3A_3510 : f32 to vector<96x128xf32>
    %select_n3A_3512 = arith.select %lt3A_3508, %broadcast_in_dim3A_3511, %select_n3A_3501 : vector<96x128xi1>, vector<96x128xf32>
    %slice3A_3513 = vector.extract_strided_slice %get3A_8 {offsets = [0, 7040], sizes = [1, 128], strides = [1, 1]} : vector<1x8192xf32> to vector<1x128xf32>
    %slice3A_3514 = vector.extract_strided_slice %dot_general3A_5 {offsets = [384, 7040], sizes = [96, 128], strides = [1, 1]} : vector<576x8192xf32> to vector<96x128xf32>
    %add3A_3515 = vector.broadcast %slice3A_2903 : vector<96x1xf32> to vector<96x128xf32>
    %add3A_3516 = vector.broadcast %slice3A_3513 : vector<1x128xf32> to vector<96x128xf32>
    %add3A_3517 = arith.addf %add3A_3515, %add3A_3516 : vector<96x128xf32>
    %sub3A_3518 = arith.subf %add3A_3517, %slice3A_3514 : vector<96x128xf32>
    %lt3A_3519 = arith.cmpf olt, %sub3A_3518, %select_n3A_3509 : vector<96x128xf32>
    %select_n3A_3520 = arith.select %lt3A_3519, %sub3A_3518, %select_n3A_3509 : vector<96x128xi1>, vector<96x128xf32>
    %jit3A_3521 = arith.constant 5.500000e+01 : f32
    %broadcast_in_dim3A_3522 = vector.broadcast %jit3A_3521 : f32 to vector<96x128xf32>
    %select_n3A_3523 = arith.select %lt3A_3519, %broadcast_in_dim3A_3522, %select_n3A_3512 : vector<96x128xi1>, vector<96x128xf32>
    %slice3A_3524 = vector.extract_strided_slice %get3A_8 {offsets = [0, 7168], sizes = [1, 128], strides = [1, 1]} : vector<1x8192xf32> to vector<1x128xf32>
    %slice3A_3525 = vector.extract_strided_slice %dot_general3A_5 {offsets = [384, 7168], sizes = [96, 128], strides = [1, 1]} : vector<576x8192xf32> to vector<96x128xf32>
    %add3A_3526 = vector.broadcast %slice3A_2903 : vector<96x1xf32> to vector<96x128xf32>
    %add3A_3527 = vector.broadcast %slice3A_3524 : vector<1x128xf32> to vector<96x128xf32>
    %add3A_3528 = arith.addf %add3A_3526, %add3A_3527 : vector<96x128xf32>
    %sub3A_3529 = arith.subf %add3A_3528, %slice3A_3525 : vector<96x128xf32>
    %lt3A_3530 = arith.cmpf olt, %sub3A_3529, %select_n3A_3520 : vector<96x128xf32>
    %select_n3A_3531 = arith.select %lt3A_3530, %sub3A_3529, %select_n3A_3520 : vector<96x128xi1>, vector<96x128xf32>
    %jit3A_3532 = arith.constant 5.600000e+01 : f32
    %broadcast_in_dim3A_3533 = vector.broadcast %jit3A_3532 : f32 to vector<96x128xf32>
    %select_n3A_3534 = arith.select %lt3A_3530, %broadcast_in_dim3A_3533, %select_n3A_3523 : vector<96x128xi1>, vector<96x128xf32>
    %slice3A_3535 = vector.extract_strided_slice %get3A_8 {offsets = [0, 7296], sizes = [1, 128], strides = [1, 1]} : vector<1x8192xf32> to vector<1x128xf32>
    %slice3A_3536 = vector.extract_strided_slice %dot_general3A_5 {offsets = [384, 7296], sizes = [96, 128], strides = [1, 1]} : vector<576x8192xf32> to vector<96x128xf32>
    %add3A_3537 = vector.broadcast %slice3A_2903 : vector<96x1xf32> to vector<96x128xf32>
    %add3A_3538 = vector.broadcast %slice3A_3535 : vector<1x128xf32> to vector<96x128xf32>
    %add3A_3539 = arith.addf %add3A_3537, %add3A_3538 : vector<96x128xf32>
    %sub3A_3540 = arith.subf %add3A_3539, %slice3A_3536 : vector<96x128xf32>
    %lt3A_3541 = arith.cmpf olt, %sub3A_3540, %select_n3A_3531 : vector<96x128xf32>
    %select_n3A_3542 = arith.select %lt3A_3541, %sub3A_3540, %select_n3A_3531 : vector<96x128xi1>, vector<96x128xf32>
    %jit3A_3543 = arith.constant 5.700000e+01 : f32
    %broadcast_in_dim3A_3544 = vector.broadcast %jit3A_3543 : f32 to vector<96x128xf32>
    %select_n3A_3545 = arith.select %lt3A_3541, %broadcast_in_dim3A_3544, %select_n3A_3534 : vector<96x128xi1>, vector<96x128xf32>
    %slice3A_3546 = vector.extract_strided_slice %get3A_8 {offsets = [0, 7424], sizes = [1, 128], strides = [1, 1]} : vector<1x8192xf32> to vector<1x128xf32>
    %slice3A_3547 = vector.extract_strided_slice %dot_general3A_5 {offsets = [384, 7424], sizes = [96, 128], strides = [1, 1]} : vector<576x8192xf32> to vector<96x128xf32>
    %add3A_3548 = vector.broadcast %slice3A_2903 : vector<96x1xf32> to vector<96x128xf32>
    %add3A_3549 = vector.broadcast %slice3A_3546 : vector<1x128xf32> to vector<96x128xf32>
    %add3A_3550 = arith.addf %add3A_3548, %add3A_3549 : vector<96x128xf32>
    %sub3A_3551 = arith.subf %add3A_3550, %slice3A_3547 : vector<96x128xf32>
    %lt3A_3552 = arith.cmpf olt, %sub3A_3551, %select_n3A_3542 : vector<96x128xf32>
    %select_n3A_3553 = arith.select %lt3A_3552, %sub3A_3551, %select_n3A_3542 : vector<96x128xi1>, vector<96x128xf32>
    %jit3A_3554 = arith.constant 5.800000e+01 : f32
    %broadcast_in_dim3A_3555 = vector.broadcast %jit3A_3554 : f32 to vector<96x128xf32>
    %select_n3A_3556 = arith.select %lt3A_3552, %broadcast_in_dim3A_3555, %select_n3A_3545 : vector<96x128xi1>, vector<96x128xf32>
    %slice3A_3557 = vector.extract_strided_slice %get3A_8 {offsets = [0, 7552], sizes = [1, 128], strides = [1, 1]} : vector<1x8192xf32> to vector<1x128xf32>
    %slice3A_3558 = vector.extract_strided_slice %dot_general3A_5 {offsets = [384, 7552], sizes = [96, 128], strides = [1, 1]} : vector<576x8192xf32> to vector<96x128xf32>
    %add3A_3559 = vector.broadcast %slice3A_2903 : vector<96x1xf32> to vector<96x128xf32>
    %add3A_3560 = vector.broadcast %slice3A_3557 : vector<1x128xf32> to vector<96x128xf32>
    %add3A_3561 = arith.addf %add3A_3559, %add3A_3560 : vector<96x128xf32>
    %sub3A_3562 = arith.subf %add3A_3561, %slice3A_3558 : vector<96x128xf32>
    %lt3A_3563 = arith.cmpf olt, %sub3A_3562, %select_n3A_3553 : vector<96x128xf32>
    %select_n3A_3564 = arith.select %lt3A_3563, %sub3A_3562, %select_n3A_3553 : vector<96x128xi1>, vector<96x128xf32>
    %jit3A_3565 = arith.constant 5.900000e+01 : f32
    %broadcast_in_dim3A_3566 = vector.broadcast %jit3A_3565 : f32 to vector<96x128xf32>
    %select_n3A_3567 = arith.select %lt3A_3563, %broadcast_in_dim3A_3566, %select_n3A_3556 : vector<96x128xi1>, vector<96x128xf32>
    %slice3A_3568 = vector.extract_strided_slice %get3A_8 {offsets = [0, 7680], sizes = [1, 128], strides = [1, 1]} : vector<1x8192xf32> to vector<1x128xf32>
    %slice3A_3569 = vector.extract_strided_slice %dot_general3A_5 {offsets = [384, 7680], sizes = [96, 128], strides = [1, 1]} : vector<576x8192xf32> to vector<96x128xf32>
    %add3A_3570 = vector.broadcast %slice3A_2903 : vector<96x1xf32> to vector<96x128xf32>
    %add3A_3571 = vector.broadcast %slice3A_3568 : vector<1x128xf32> to vector<96x128xf32>
    %add3A_3572 = arith.addf %add3A_3570, %add3A_3571 : vector<96x128xf32>
    %sub3A_3573 = arith.subf %add3A_3572, %slice3A_3569 : vector<96x128xf32>
    %lt3A_3574 = arith.cmpf olt, %sub3A_3573, %select_n3A_3564 : vector<96x128xf32>
    %select_n3A_3575 = arith.select %lt3A_3574, %sub3A_3573, %select_n3A_3564 : vector<96x128xi1>, vector<96x128xf32>
    %jit3A_3576 = arith.constant 6.000000e+01 : f32
    %broadcast_in_dim3A_3577 = vector.broadcast %jit3A_3576 : f32 to vector<96x128xf32>
    %select_n3A_3578 = arith.select %lt3A_3574, %broadcast_in_dim3A_3577, %select_n3A_3567 : vector<96x128xi1>, vector<96x128xf32>
    %slice3A_3579 = vector.extract_strided_slice %get3A_8 {offsets = [0, 7808], sizes = [1, 128], strides = [1, 1]} : vector<1x8192xf32> to vector<1x128xf32>
    %slice3A_3580 = vector.extract_strided_slice %dot_general3A_5 {offsets = [384, 7808], sizes = [96, 128], strides = [1, 1]} : vector<576x8192xf32> to vector<96x128xf32>
    %add3A_3581 = vector.broadcast %slice3A_2903 : vector<96x1xf32> to vector<96x128xf32>
    %add3A_3582 = vector.broadcast %slice3A_3579 : vector<1x128xf32> to vector<96x128xf32>
    %add3A_3583 = arith.addf %add3A_3581, %add3A_3582 : vector<96x128xf32>
    %sub3A_3584 = arith.subf %add3A_3583, %slice3A_3580 : vector<96x128xf32>
    %lt3A_3585 = arith.cmpf olt, %sub3A_3584, %select_n3A_3575 : vector<96x128xf32>
    %select_n3A_3586 = arith.select %lt3A_3585, %sub3A_3584, %select_n3A_3575 : vector<96x128xi1>, vector<96x128xf32>
    %jit3A_3587 = arith.constant 6.100000e+01 : f32
    %broadcast_in_dim3A_3588 = vector.broadcast %jit3A_3587 : f32 to vector<96x128xf32>
    %select_n3A_3589 = arith.select %lt3A_3585, %broadcast_in_dim3A_3588, %select_n3A_3578 : vector<96x128xi1>, vector<96x128xf32>
    %slice3A_3590 = vector.extract_strided_slice %get3A_8 {offsets = [0, 7936], sizes = [1, 128], strides = [1, 1]} : vector<1x8192xf32> to vector<1x128xf32>
    %slice3A_3591 = vector.extract_strided_slice %dot_general3A_5 {offsets = [384, 7936], sizes = [96, 128], strides = [1, 1]} : vector<576x8192xf32> to vector<96x128xf32>
    %add3A_3592 = vector.broadcast %slice3A_2903 : vector<96x1xf32> to vector<96x128xf32>
    %add3A_3593 = vector.broadcast %slice3A_3590 : vector<1x128xf32> to vector<96x128xf32>
    %add3A_3594 = arith.addf %add3A_3592, %add3A_3593 : vector<96x128xf32>
    %sub3A_3595 = arith.subf %add3A_3594, %slice3A_3591 : vector<96x128xf32>
    %lt3A_3596 = arith.cmpf olt, %sub3A_3595, %select_n3A_3586 : vector<96x128xf32>
    %select_n3A_3597 = arith.select %lt3A_3596, %sub3A_3595, %select_n3A_3586 : vector<96x128xi1>, vector<96x128xf32>
    %jit3A_3598 = arith.constant 6.200000e+01 : f32
    %broadcast_in_dim3A_3599 = vector.broadcast %jit3A_3598 : f32 to vector<96x128xf32>
    %select_n3A_3600 = arith.select %lt3A_3596, %broadcast_in_dim3A_3599, %select_n3A_3589 : vector<96x128xi1>, vector<96x128xf32>
    %slice3A_3601 = vector.extract_strided_slice %get3A_8 {offsets = [0, 8064], sizes = [1, 128], strides = [1, 1]} : vector<1x8192xf32> to vector<1x128xf32>
    %slice3A_3602 = vector.extract_strided_slice %dot_general3A_5 {offsets = [384, 8064], sizes = [96, 128], strides = [1, 1]} : vector<576x8192xf32> to vector<96x128xf32>
    %add3A_3603 = vector.broadcast %slice3A_2903 : vector<96x1xf32> to vector<96x128xf32>
    %add3A_3604 = vector.broadcast %slice3A_3601 : vector<1x128xf32> to vector<96x128xf32>
    %add3A_3605 = arith.addf %add3A_3603, %add3A_3604 : vector<96x128xf32>
    %sub3A_3606 = arith.subf %add3A_3605, %slice3A_3602 : vector<96x128xf32>
    %lt3A_3607 = arith.cmpf olt, %sub3A_3606, %select_n3A_3597 : vector<96x128xf32>
    %select_n3A_3608 = arith.select %lt3A_3607, %sub3A_3606, %select_n3A_3597 : vector<96x128xi1>, vector<96x128xf32>
    %jit3A_3609 = arith.constant 6.300000e+01 : f32
    %broadcast_in_dim3A_3610 = vector.broadcast %jit3A_3609 : f32 to vector<96x128xf32>
    %select_n3A_3611 = arith.select %lt3A_3607, %broadcast_in_dim3A_3610, %select_n3A_3600 : vector<96x128xi1>, vector<96x128xf32>
    %reduce_min3A_3612 = arith.constant dense<0x7F800000> : vector<96xf32>
    %reduce_min3A_3613 = vector.multi_reduction <minimumf>, %select_n3A_3608, %reduce_min3A_3612 [1] : vector<96x128xf32> to vector<96xf32>
    %broadcast_in_dim3A_3614 = vector.shape_cast %reduce_min3A_3613 : vector<96xf32> to vector<96x1xf32>
    %eq3A_3615 = vector.broadcast %broadcast_in_dim3A_3614 : vector<96x1xf32> to vector<96x128xf32>
    %eq3A_3616 = arith.cmpf oeq, %select_n3A_3608, %eq3A_3615 : vector<96x128xf32>
    %mul3A_3617 = arith.constant 1.280000e+02 : f32
    %mul3A_3618 = vector.broadcast %mul3A_3617 : f32 to vector<96x128xf32>
    %mul3A_3619 = arith.mulf %select_n3A_3611, %mul3A_3618 : vector<96x128xf32>
    %add3A_3620 = arith.addf %mul3A_3619, %convert_element_type3A : vector<96x128xf32>
    %jit3A_3621 = arith.constant 8.192000e+03 : f32
    %broadcast_in_dim3A_3622 = vector.broadcast %jit3A_3621 : f32 to vector<96x128xf32>
    %select_n3A_3623 = arith.select %eq3A_3616, %add3A_3620, %broadcast_in_dim3A_3622 : vector<96x128xi1>, vector<96x128xf32>
    %reduce_min3A_3624 = arith.constant dense<0x7F800000> : vector<96xf32>
    %reduce_min3A_3625 = vector.multi_reduction <minimumf>, %select_n3A_3623, %reduce_min3A_3624 [1] : vector<96x128xf32> to vector<96xf32>
    %broadcast_in_dim3A_3626 = vector.shape_cast %reduce_min3A_3625 : vector<96xf32> to vector<96x1xf32>
    %convert_element_type3A_3627 = arith.fptosi %broadcast_in_dim3A_3626 : vector<96x1xf32> to vector<96x1xi32>
    %slice3A_3628 = vector.extract_strided_slice %get3A_11 {offsets = [480, 0], sizes = [96, 1], strides = [1, 1]} : vector<576x1xf32> to vector<96x1xf32>
    %broadcast_in_dim3A_3629 = arith.constant 0x7F800000 : f32
    %broadcast_in_dim3A_3630 = vector.broadcast %broadcast_in_dim3A_3629 : f32 to vector<96x128xf32>
    %broadcast_in_dim3A_3631 = arith.constant 0.000000e+00 : f32
    %broadcast_in_dim3A_3632 = vector.broadcast %broadcast_in_dim3A_3631 : f32 to vector<96x128xf32>
    %slice3A_3633 = vector.extract_strided_slice %get3A_8 {offsets = [0, 0], sizes = [1, 128], strides = [1, 1]} : vector<1x8192xf32> to vector<1x128xf32>
    %slice3A_3634 = vector.extract_strided_slice %dot_general3A_5 {offsets = [480, 0], sizes = [96, 128], strides = [1, 1]} : vector<576x8192xf32> to vector<96x128xf32>
    %add3A_3635 = vector.broadcast %slice3A_3628 : vector<96x1xf32> to vector<96x128xf32>
    %add3A_3636 = vector.broadcast %slice3A_3633 : vector<1x128xf32> to vector<96x128xf32>
    %add3A_3637 = arith.addf %add3A_3635, %add3A_3636 : vector<96x128xf32>
    %sub3A_3638 = arith.subf %add3A_3637, %slice3A_3634 : vector<96x128xf32>
    %lt3A_3639 = arith.cmpf olt, %sub3A_3638, %broadcast_in_dim3A_3630 : vector<96x128xf32>
    %select_n3A_3640 = arith.select %lt3A_3639, %sub3A_3638, %broadcast_in_dim3A_3630 : vector<96x128xi1>, vector<96x128xf32>
    %jit3A_3641 = arith.constant 0.000000e+00 : f32
    %broadcast_in_dim3A_3642 = vector.broadcast %jit3A_3641 : f32 to vector<96x128xf32>
    %select_n3A_3643 = arith.select %lt3A_3639, %broadcast_in_dim3A_3642, %broadcast_in_dim3A_3632 : vector<96x128xi1>, vector<96x128xf32>
    %slice3A_3644 = vector.extract_strided_slice %get3A_8 {offsets = [0, 128], sizes = [1, 128], strides = [1, 1]} : vector<1x8192xf32> to vector<1x128xf32>
    %slice3A_3645 = vector.extract_strided_slice %dot_general3A_5 {offsets = [480, 128], sizes = [96, 128], strides = [1, 1]} : vector<576x8192xf32> to vector<96x128xf32>
    %add3A_3646 = vector.broadcast %slice3A_3628 : vector<96x1xf32> to vector<96x128xf32>
    %add3A_3647 = vector.broadcast %slice3A_3644 : vector<1x128xf32> to vector<96x128xf32>
    %add3A_3648 = arith.addf %add3A_3646, %add3A_3647 : vector<96x128xf32>
    %sub3A_3649 = arith.subf %add3A_3648, %slice3A_3645 : vector<96x128xf32>
    %lt3A_3650 = arith.cmpf olt, %sub3A_3649, %select_n3A_3640 : vector<96x128xf32>
    %select_n3A_3651 = arith.select %lt3A_3650, %sub3A_3649, %select_n3A_3640 : vector<96x128xi1>, vector<96x128xf32>
    %jit3A_3652 = arith.constant 1.000000e+00 : f32
    %broadcast_in_dim3A_3653 = vector.broadcast %jit3A_3652 : f32 to vector<96x128xf32>
    %select_n3A_3654 = arith.select %lt3A_3650, %broadcast_in_dim3A_3653, %select_n3A_3643 : vector<96x128xi1>, vector<96x128xf32>
    %slice3A_3655 = vector.extract_strided_slice %get3A_8 {offsets = [0, 256], sizes = [1, 128], strides = [1, 1]} : vector<1x8192xf32> to vector<1x128xf32>
    %slice3A_3656 = vector.extract_strided_slice %dot_general3A_5 {offsets = [480, 256], sizes = [96, 128], strides = [1, 1]} : vector<576x8192xf32> to vector<96x128xf32>
    %add3A_3657 = vector.broadcast %slice3A_3628 : vector<96x1xf32> to vector<96x128xf32>
    %add3A_3658 = vector.broadcast %slice3A_3655 : vector<1x128xf32> to vector<96x128xf32>
    %add3A_3659 = arith.addf %add3A_3657, %add3A_3658 : vector<96x128xf32>
    %sub3A_3660 = arith.subf %add3A_3659, %slice3A_3656 : vector<96x128xf32>
    %lt3A_3661 = arith.cmpf olt, %sub3A_3660, %select_n3A_3651 : vector<96x128xf32>
    %select_n3A_3662 = arith.select %lt3A_3661, %sub3A_3660, %select_n3A_3651 : vector<96x128xi1>, vector<96x128xf32>
    %jit3A_3663 = arith.constant 2.000000e+00 : f32
    %broadcast_in_dim3A_3664 = vector.broadcast %jit3A_3663 : f32 to vector<96x128xf32>
    %select_n3A_3665 = arith.select %lt3A_3661, %broadcast_in_dim3A_3664, %select_n3A_3654 : vector<96x128xi1>, vector<96x128xf32>
    %slice3A_3666 = vector.extract_strided_slice %get3A_8 {offsets = [0, 384], sizes = [1, 128], strides = [1, 1]} : vector<1x8192xf32> to vector<1x128xf32>
    %slice3A_3667 = vector.extract_strided_slice %dot_general3A_5 {offsets = [480, 384], sizes = [96, 128], strides = [1, 1]} : vector<576x8192xf32> to vector<96x128xf32>
    %add3A_3668 = vector.broadcast %slice3A_3628 : vector<96x1xf32> to vector<96x128xf32>
    %add3A_3669 = vector.broadcast %slice3A_3666 : vector<1x128xf32> to vector<96x128xf32>
    %add3A_3670 = arith.addf %add3A_3668, %add3A_3669 : vector<96x128xf32>
    %sub3A_3671 = arith.subf %add3A_3670, %slice3A_3667 : vector<96x128xf32>
    %lt3A_3672 = arith.cmpf olt, %sub3A_3671, %select_n3A_3662 : vector<96x128xf32>
    %select_n3A_3673 = arith.select %lt3A_3672, %sub3A_3671, %select_n3A_3662 : vector<96x128xi1>, vector<96x128xf32>
    %jit3A_3674 = arith.constant 3.000000e+00 : f32
    %broadcast_in_dim3A_3675 = vector.broadcast %jit3A_3674 : f32 to vector<96x128xf32>
    %select_n3A_3676 = arith.select %lt3A_3672, %broadcast_in_dim3A_3675, %select_n3A_3665 : vector<96x128xi1>, vector<96x128xf32>
    %slice3A_3677 = vector.extract_strided_slice %get3A_8 {offsets = [0, 512], sizes = [1, 128], strides = [1, 1]} : vector<1x8192xf32> to vector<1x128xf32>
    %slice3A_3678 = vector.extract_strided_slice %dot_general3A_5 {offsets = [480, 512], sizes = [96, 128], strides = [1, 1]} : vector<576x8192xf32> to vector<96x128xf32>
    %add3A_3679 = vector.broadcast %slice3A_3628 : vector<96x1xf32> to vector<96x128xf32>
    %add3A_3680 = vector.broadcast %slice3A_3677 : vector<1x128xf32> to vector<96x128xf32>
    %add3A_3681 = arith.addf %add3A_3679, %add3A_3680 : vector<96x128xf32>
    %sub3A_3682 = arith.subf %add3A_3681, %slice3A_3678 : vector<96x128xf32>
    %lt3A_3683 = arith.cmpf olt, %sub3A_3682, %select_n3A_3673 : vector<96x128xf32>
    %select_n3A_3684 = arith.select %lt3A_3683, %sub3A_3682, %select_n3A_3673 : vector<96x128xi1>, vector<96x128xf32>
    %jit3A_3685 = arith.constant 4.000000e+00 : f32
    %broadcast_in_dim3A_3686 = vector.broadcast %jit3A_3685 : f32 to vector<96x128xf32>
    %select_n3A_3687 = arith.select %lt3A_3683, %broadcast_in_dim3A_3686, %select_n3A_3676 : vector<96x128xi1>, vector<96x128xf32>
    %slice3A_3688 = vector.extract_strided_slice %get3A_8 {offsets = [0, 640], sizes = [1, 128], strides = [1, 1]} : vector<1x8192xf32> to vector<1x128xf32>
    %slice3A_3689 = vector.extract_strided_slice %dot_general3A_5 {offsets = [480, 640], sizes = [96, 128], strides = [1, 1]} : vector<576x8192xf32> to vector<96x128xf32>
    %add3A_3690 = vector.broadcast %slice3A_3628 : vector<96x1xf32> to vector<96x128xf32>
    %add3A_3691 = vector.broadcast %slice3A_3688 : vector<1x128xf32> to vector<96x128xf32>
    %add3A_3692 = arith.addf %add3A_3690, %add3A_3691 : vector<96x128xf32>
    %sub3A_3693 = arith.subf %add3A_3692, %slice3A_3689 : vector<96x128xf32>
    %lt3A_3694 = arith.cmpf olt, %sub3A_3693, %select_n3A_3684 : vector<96x128xf32>
    %select_n3A_3695 = arith.select %lt3A_3694, %sub3A_3693, %select_n3A_3684 : vector<96x128xi1>, vector<96x128xf32>
    %jit3A_3696 = arith.constant 5.000000e+00 : f32
    %broadcast_in_dim3A_3697 = vector.broadcast %jit3A_3696 : f32 to vector<96x128xf32>
    %select_n3A_3698 = arith.select %lt3A_3694, %broadcast_in_dim3A_3697, %select_n3A_3687 : vector<96x128xi1>, vector<96x128xf32>
    %slice3A_3699 = vector.extract_strided_slice %get3A_8 {offsets = [0, 768], sizes = [1, 128], strides = [1, 1]} : vector<1x8192xf32> to vector<1x128xf32>
    %slice3A_3700 = vector.extract_strided_slice %dot_general3A_5 {offsets = [480, 768], sizes = [96, 128], strides = [1, 1]} : vector<576x8192xf32> to vector<96x128xf32>
    %add3A_3701 = vector.broadcast %slice3A_3628 : vector<96x1xf32> to vector<96x128xf32>
    %add3A_3702 = vector.broadcast %slice3A_3699 : vector<1x128xf32> to vector<96x128xf32>
    %add3A_3703 = arith.addf %add3A_3701, %add3A_3702 : vector<96x128xf32>
    %sub3A_3704 = arith.subf %add3A_3703, %slice3A_3700 : vector<96x128xf32>
    %lt3A_3705 = arith.cmpf olt, %sub3A_3704, %select_n3A_3695 : vector<96x128xf32>
    %select_n3A_3706 = arith.select %lt3A_3705, %sub3A_3704, %select_n3A_3695 : vector<96x128xi1>, vector<96x128xf32>
    %jit3A_3707 = arith.constant 6.000000e+00 : f32
    %broadcast_in_dim3A_3708 = vector.broadcast %jit3A_3707 : f32 to vector<96x128xf32>
    %select_n3A_3709 = arith.select %lt3A_3705, %broadcast_in_dim3A_3708, %select_n3A_3698 : vector<96x128xi1>, vector<96x128xf32>
    %slice3A_3710 = vector.extract_strided_slice %get3A_8 {offsets = [0, 896], sizes = [1, 128], strides = [1, 1]} : vector<1x8192xf32> to vector<1x128xf32>
    %slice3A_3711 = vector.extract_strided_slice %dot_general3A_5 {offsets = [480, 896], sizes = [96, 128], strides = [1, 1]} : vector<576x8192xf32> to vector<96x128xf32>
    %add3A_3712 = vector.broadcast %slice3A_3628 : vector<96x1xf32> to vector<96x128xf32>
    %add3A_3713 = vector.broadcast %slice3A_3710 : vector<1x128xf32> to vector<96x128xf32>
    %add3A_3714 = arith.addf %add3A_3712, %add3A_3713 : vector<96x128xf32>
    %sub3A_3715 = arith.subf %add3A_3714, %slice3A_3711 : vector<96x128xf32>
    %lt3A_3716 = arith.cmpf olt, %sub3A_3715, %select_n3A_3706 : vector<96x128xf32>
    %select_n3A_3717 = arith.select %lt3A_3716, %sub3A_3715, %select_n3A_3706 : vector<96x128xi1>, vector<96x128xf32>
    %jit3A_3718 = arith.constant 7.000000e+00 : f32
    %broadcast_in_dim3A_3719 = vector.broadcast %jit3A_3718 : f32 to vector<96x128xf32>
    %select_n3A_3720 = arith.select %lt3A_3716, %broadcast_in_dim3A_3719, %select_n3A_3709 : vector<96x128xi1>, vector<96x128xf32>
    %slice3A_3721 = vector.extract_strided_slice %get3A_8 {offsets = [0, 1024], sizes = [1, 128], strides = [1, 1]} : vector<1x8192xf32> to vector<1x128xf32>
    %slice3A_3722 = vector.extract_strided_slice %dot_general3A_5 {offsets = [480, 1024], sizes = [96, 128], strides = [1, 1]} : vector<576x8192xf32> to vector<96x128xf32>
    %add3A_3723 = vector.broadcast %slice3A_3628 : vector<96x1xf32> to vector<96x128xf32>
    %add3A_3724 = vector.broadcast %slice3A_3721 : vector<1x128xf32> to vector<96x128xf32>
    %add3A_3725 = arith.addf %add3A_3723, %add3A_3724 : vector<96x128xf32>
    %sub3A_3726 = arith.subf %add3A_3725, %slice3A_3722 : vector<96x128xf32>
    %lt3A_3727 = arith.cmpf olt, %sub3A_3726, %select_n3A_3717 : vector<96x128xf32>
    %select_n3A_3728 = arith.select %lt3A_3727, %sub3A_3726, %select_n3A_3717 : vector<96x128xi1>, vector<96x128xf32>
    %jit3A_3729 = arith.constant 8.000000e+00 : f32
    %broadcast_in_dim3A_3730 = vector.broadcast %jit3A_3729 : f32 to vector<96x128xf32>
    %select_n3A_3731 = arith.select %lt3A_3727, %broadcast_in_dim3A_3730, %select_n3A_3720 : vector<96x128xi1>, vector<96x128xf32>
    %slice3A_3732 = vector.extract_strided_slice %get3A_8 {offsets = [0, 1152], sizes = [1, 128], strides = [1, 1]} : vector<1x8192xf32> to vector<1x128xf32>
    %slice3A_3733 = vector.extract_strided_slice %dot_general3A_5 {offsets = [480, 1152], sizes = [96, 128], strides = [1, 1]} : vector<576x8192xf32> to vector<96x128xf32>
    %add3A_3734 = vector.broadcast %slice3A_3628 : vector<96x1xf32> to vector<96x128xf32>
    %add3A_3735 = vector.broadcast %slice3A_3732 : vector<1x128xf32> to vector<96x128xf32>
    %add3A_3736 = arith.addf %add3A_3734, %add3A_3735 : vector<96x128xf32>
    %sub3A_3737 = arith.subf %add3A_3736, %slice3A_3733 : vector<96x128xf32>
    %lt3A_3738 = arith.cmpf olt, %sub3A_3737, %select_n3A_3728 : vector<96x128xf32>
    %select_n3A_3739 = arith.select %lt3A_3738, %sub3A_3737, %select_n3A_3728 : vector<96x128xi1>, vector<96x128xf32>
    %jit3A_3740 = arith.constant 9.000000e+00 : f32
    %broadcast_in_dim3A_3741 = vector.broadcast %jit3A_3740 : f32 to vector<96x128xf32>
    %select_n3A_3742 = arith.select %lt3A_3738, %broadcast_in_dim3A_3741, %select_n3A_3731 : vector<96x128xi1>, vector<96x128xf32>
    %slice3A_3743 = vector.extract_strided_slice %get3A_8 {offsets = [0, 1280], sizes = [1, 128], strides = [1, 1]} : vector<1x8192xf32> to vector<1x128xf32>
    %slice3A_3744 = vector.extract_strided_slice %dot_general3A_5 {offsets = [480, 1280], sizes = [96, 128], strides = [1, 1]} : vector<576x8192xf32> to vector<96x128xf32>
    %add3A_3745 = vector.broadcast %slice3A_3628 : vector<96x1xf32> to vector<96x128xf32>
    %add3A_3746 = vector.broadcast %slice3A_3743 : vector<1x128xf32> to vector<96x128xf32>
    %add3A_3747 = arith.addf %add3A_3745, %add3A_3746 : vector<96x128xf32>
    %sub3A_3748 = arith.subf %add3A_3747, %slice3A_3744 : vector<96x128xf32>
    %lt3A_3749 = arith.cmpf olt, %sub3A_3748, %select_n3A_3739 : vector<96x128xf32>
    %select_n3A_3750 = arith.select %lt3A_3749, %sub3A_3748, %select_n3A_3739 : vector<96x128xi1>, vector<96x128xf32>
    %jit3A_3751 = arith.constant 1.000000e+01 : f32
    %broadcast_in_dim3A_3752 = vector.broadcast %jit3A_3751 : f32 to vector<96x128xf32>
    %select_n3A_3753 = arith.select %lt3A_3749, %broadcast_in_dim3A_3752, %select_n3A_3742 : vector<96x128xi1>, vector<96x128xf32>
    %slice3A_3754 = vector.extract_strided_slice %get3A_8 {offsets = [0, 1408], sizes = [1, 128], strides = [1, 1]} : vector<1x8192xf32> to vector<1x128xf32>
    %slice3A_3755 = vector.extract_strided_slice %dot_general3A_5 {offsets = [480, 1408], sizes = [96, 128], strides = [1, 1]} : vector<576x8192xf32> to vector<96x128xf32>
    %add3A_3756 = vector.broadcast %slice3A_3628 : vector<96x1xf32> to vector<96x128xf32>
    %add3A_3757 = vector.broadcast %slice3A_3754 : vector<1x128xf32> to vector<96x128xf32>
    %add3A_3758 = arith.addf %add3A_3756, %add3A_3757 : vector<96x128xf32>
    %sub3A_3759 = arith.subf %add3A_3758, %slice3A_3755 : vector<96x128xf32>
    %lt3A_3760 = arith.cmpf olt, %sub3A_3759, %select_n3A_3750 : vector<96x128xf32>
    %select_n3A_3761 = arith.select %lt3A_3760, %sub3A_3759, %select_n3A_3750 : vector<96x128xi1>, vector<96x128xf32>
    %jit3A_3762 = arith.constant 1.100000e+01 : f32
    %broadcast_in_dim3A_3763 = vector.broadcast %jit3A_3762 : f32 to vector<96x128xf32>
    %select_n3A_3764 = arith.select %lt3A_3760, %broadcast_in_dim3A_3763, %select_n3A_3753 : vector<96x128xi1>, vector<96x128xf32>
    %slice3A_3765 = vector.extract_strided_slice %get3A_8 {offsets = [0, 1536], sizes = [1, 128], strides = [1, 1]} : vector<1x8192xf32> to vector<1x128xf32>
    %slice3A_3766 = vector.extract_strided_slice %dot_general3A_5 {offsets = [480, 1536], sizes = [96, 128], strides = [1, 1]} : vector<576x8192xf32> to vector<96x128xf32>
    %add3A_3767 = vector.broadcast %slice3A_3628 : vector<96x1xf32> to vector<96x128xf32>
    %add3A_3768 = vector.broadcast %slice3A_3765 : vector<1x128xf32> to vector<96x128xf32>
    %add3A_3769 = arith.addf %add3A_3767, %add3A_3768 : vector<96x128xf32>
    %sub3A_3770 = arith.subf %add3A_3769, %slice3A_3766 : vector<96x128xf32>
    %lt3A_3771 = arith.cmpf olt, %sub3A_3770, %select_n3A_3761 : vector<96x128xf32>
    %select_n3A_3772 = arith.select %lt3A_3771, %sub3A_3770, %select_n3A_3761 : vector<96x128xi1>, vector<96x128xf32>
    %jit3A_3773 = arith.constant 1.200000e+01 : f32
    %broadcast_in_dim3A_3774 = vector.broadcast %jit3A_3773 : f32 to vector<96x128xf32>
    %select_n3A_3775 = arith.select %lt3A_3771, %broadcast_in_dim3A_3774, %select_n3A_3764 : vector<96x128xi1>, vector<96x128xf32>
    %slice3A_3776 = vector.extract_strided_slice %get3A_8 {offsets = [0, 1664], sizes = [1, 128], strides = [1, 1]} : vector<1x8192xf32> to vector<1x128xf32>
    %slice3A_3777 = vector.extract_strided_slice %dot_general3A_5 {offsets = [480, 1664], sizes = [96, 128], strides = [1, 1]} : vector<576x8192xf32> to vector<96x128xf32>
    %add3A_3778 = vector.broadcast %slice3A_3628 : vector<96x1xf32> to vector<96x128xf32>
    %add3A_3779 = vector.broadcast %slice3A_3776 : vector<1x128xf32> to vector<96x128xf32>
    %add3A_3780 = arith.addf %add3A_3778, %add3A_3779 : vector<96x128xf32>
    %sub3A_3781 = arith.subf %add3A_3780, %slice3A_3777 : vector<96x128xf32>
    %lt3A_3782 = arith.cmpf olt, %sub3A_3781, %select_n3A_3772 : vector<96x128xf32>
    %select_n3A_3783 = arith.select %lt3A_3782, %sub3A_3781, %select_n3A_3772 : vector<96x128xi1>, vector<96x128xf32>
    %jit3A_3784 = arith.constant 1.300000e+01 : f32
    %broadcast_in_dim3A_3785 = vector.broadcast %jit3A_3784 : f32 to vector<96x128xf32>
    %select_n3A_3786 = arith.select %lt3A_3782, %broadcast_in_dim3A_3785, %select_n3A_3775 : vector<96x128xi1>, vector<96x128xf32>
    %slice3A_3787 = vector.extract_strided_slice %get3A_8 {offsets = [0, 1792], sizes = [1, 128], strides = [1, 1]} : vector<1x8192xf32> to vector<1x128xf32>
    %slice3A_3788 = vector.extract_strided_slice %dot_general3A_5 {offsets = [480, 1792], sizes = [96, 128], strides = [1, 1]} : vector<576x8192xf32> to vector<96x128xf32>
    %add3A_3789 = vector.broadcast %slice3A_3628 : vector<96x1xf32> to vector<96x128xf32>
    %add3A_3790 = vector.broadcast %slice3A_3787 : vector<1x128xf32> to vector<96x128xf32>
    %add3A_3791 = arith.addf %add3A_3789, %add3A_3790 : vector<96x128xf32>
    %sub3A_3792 = arith.subf %add3A_3791, %slice3A_3788 : vector<96x128xf32>
    %lt3A_3793 = arith.cmpf olt, %sub3A_3792, %select_n3A_3783 : vector<96x128xf32>
    %select_n3A_3794 = arith.select %lt3A_3793, %sub3A_3792, %select_n3A_3783 : vector<96x128xi1>, vector<96x128xf32>
    %jit3A_3795 = arith.constant 1.400000e+01 : f32
    %broadcast_in_dim3A_3796 = vector.broadcast %jit3A_3795 : f32 to vector<96x128xf32>
    %select_n3A_3797 = arith.select %lt3A_3793, %broadcast_in_dim3A_3796, %select_n3A_3786 : vector<96x128xi1>, vector<96x128xf32>
    %slice3A_3798 = vector.extract_strided_slice %get3A_8 {offsets = [0, 1920], sizes = [1, 128], strides = [1, 1]} : vector<1x8192xf32> to vector<1x128xf32>
    %slice3A_3799 = vector.extract_strided_slice %dot_general3A_5 {offsets = [480, 1920], sizes = [96, 128], strides = [1, 1]} : vector<576x8192xf32> to vector<96x128xf32>
    %add3A_3800 = vector.broadcast %slice3A_3628 : vector<96x1xf32> to vector<96x128xf32>
    %add3A_3801 = vector.broadcast %slice3A_3798 : vector<1x128xf32> to vector<96x128xf32>
    %add3A_3802 = arith.addf %add3A_3800, %add3A_3801 : vector<96x128xf32>
    %sub3A_3803 = arith.subf %add3A_3802, %slice3A_3799 : vector<96x128xf32>
    %lt3A_3804 = arith.cmpf olt, %sub3A_3803, %select_n3A_3794 : vector<96x128xf32>
    %select_n3A_3805 = arith.select %lt3A_3804, %sub3A_3803, %select_n3A_3794 : vector<96x128xi1>, vector<96x128xf32>
    %jit3A_3806 = arith.constant 1.500000e+01 : f32
    %broadcast_in_dim3A_3807 = vector.broadcast %jit3A_3806 : f32 to vector<96x128xf32>
    %select_n3A_3808 = arith.select %lt3A_3804, %broadcast_in_dim3A_3807, %select_n3A_3797 : vector<96x128xi1>, vector<96x128xf32>
    %slice3A_3809 = vector.extract_strided_slice %get3A_8 {offsets = [0, 2048], sizes = [1, 128], strides = [1, 1]} : vector<1x8192xf32> to vector<1x128xf32>
    %slice3A_3810 = vector.extract_strided_slice %dot_general3A_5 {offsets = [480, 2048], sizes = [96, 128], strides = [1, 1]} : vector<576x8192xf32> to vector<96x128xf32>
    %add3A_3811 = vector.broadcast %slice3A_3628 : vector<96x1xf32> to vector<96x128xf32>
    %add3A_3812 = vector.broadcast %slice3A_3809 : vector<1x128xf32> to vector<96x128xf32>
    %add3A_3813 = arith.addf %add3A_3811, %add3A_3812 : vector<96x128xf32>
    %sub3A_3814 = arith.subf %add3A_3813, %slice3A_3810 : vector<96x128xf32>
    %lt3A_3815 = arith.cmpf olt, %sub3A_3814, %select_n3A_3805 : vector<96x128xf32>
    %select_n3A_3816 = arith.select %lt3A_3815, %sub3A_3814, %select_n3A_3805 : vector<96x128xi1>, vector<96x128xf32>
    %jit3A_3817 = arith.constant 1.600000e+01 : f32
    %broadcast_in_dim3A_3818 = vector.broadcast %jit3A_3817 : f32 to vector<96x128xf32>
    %select_n3A_3819 = arith.select %lt3A_3815, %broadcast_in_dim3A_3818, %select_n3A_3808 : vector<96x128xi1>, vector<96x128xf32>
    %slice3A_3820 = vector.extract_strided_slice %get3A_8 {offsets = [0, 2176], sizes = [1, 128], strides = [1, 1]} : vector<1x8192xf32> to vector<1x128xf32>
    %slice3A_3821 = vector.extract_strided_slice %dot_general3A_5 {offsets = [480, 2176], sizes = [96, 128], strides = [1, 1]} : vector<576x8192xf32> to vector<96x128xf32>
    %add3A_3822 = vector.broadcast %slice3A_3628 : vector<96x1xf32> to vector<96x128xf32>
    %add3A_3823 = vector.broadcast %slice3A_3820 : vector<1x128xf32> to vector<96x128xf32>
    %add3A_3824 = arith.addf %add3A_3822, %add3A_3823 : vector<96x128xf32>
    %sub3A_3825 = arith.subf %add3A_3824, %slice3A_3821 : vector<96x128xf32>
    %lt3A_3826 = arith.cmpf olt, %sub3A_3825, %select_n3A_3816 : vector<96x128xf32>
    %select_n3A_3827 = arith.select %lt3A_3826, %sub3A_3825, %select_n3A_3816 : vector<96x128xi1>, vector<96x128xf32>
    %jit3A_3828 = arith.constant 1.700000e+01 : f32
    %broadcast_in_dim3A_3829 = vector.broadcast %jit3A_3828 : f32 to vector<96x128xf32>
    %select_n3A_3830 = arith.select %lt3A_3826, %broadcast_in_dim3A_3829, %select_n3A_3819 : vector<96x128xi1>, vector<96x128xf32>
    %slice3A_3831 = vector.extract_strided_slice %get3A_8 {offsets = [0, 2304], sizes = [1, 128], strides = [1, 1]} : vector<1x8192xf32> to vector<1x128xf32>
    %slice3A_3832 = vector.extract_strided_slice %dot_general3A_5 {offsets = [480, 2304], sizes = [96, 128], strides = [1, 1]} : vector<576x8192xf32> to vector<96x128xf32>
    %add3A_3833 = vector.broadcast %slice3A_3628 : vector<96x1xf32> to vector<96x128xf32>
    %add3A_3834 = vector.broadcast %slice3A_3831 : vector<1x128xf32> to vector<96x128xf32>
    %add3A_3835 = arith.addf %add3A_3833, %add3A_3834 : vector<96x128xf32>
    %sub3A_3836 = arith.subf %add3A_3835, %slice3A_3832 : vector<96x128xf32>
    %lt3A_3837 = arith.cmpf olt, %sub3A_3836, %select_n3A_3827 : vector<96x128xf32>
    %select_n3A_3838 = arith.select %lt3A_3837, %sub3A_3836, %select_n3A_3827 : vector<96x128xi1>, vector<96x128xf32>
    %jit3A_3839 = arith.constant 1.800000e+01 : f32
    %broadcast_in_dim3A_3840 = vector.broadcast %jit3A_3839 : f32 to vector<96x128xf32>
    %select_n3A_3841 = arith.select %lt3A_3837, %broadcast_in_dim3A_3840, %select_n3A_3830 : vector<96x128xi1>, vector<96x128xf32>
    %slice3A_3842 = vector.extract_strided_slice %get3A_8 {offsets = [0, 2432], sizes = [1, 128], strides = [1, 1]} : vector<1x8192xf32> to vector<1x128xf32>
    %slice3A_3843 = vector.extract_strided_slice %dot_general3A_5 {offsets = [480, 2432], sizes = [96, 128], strides = [1, 1]} : vector<576x8192xf32> to vector<96x128xf32>
    %add3A_3844 = vector.broadcast %slice3A_3628 : vector<96x1xf32> to vector<96x128xf32>
    %add3A_3845 = vector.broadcast %slice3A_3842 : vector<1x128xf32> to vector<96x128xf32>
    %add3A_3846 = arith.addf %add3A_3844, %add3A_3845 : vector<96x128xf32>
    %sub3A_3847 = arith.subf %add3A_3846, %slice3A_3843 : vector<96x128xf32>
    %lt3A_3848 = arith.cmpf olt, %sub3A_3847, %select_n3A_3838 : vector<96x128xf32>
    %select_n3A_3849 = arith.select %lt3A_3848, %sub3A_3847, %select_n3A_3838 : vector<96x128xi1>, vector<96x128xf32>
    %jit3A_3850 = arith.constant 1.900000e+01 : f32
    %broadcast_in_dim3A_3851 = vector.broadcast %jit3A_3850 : f32 to vector<96x128xf32>
    %select_n3A_3852 = arith.select %lt3A_3848, %broadcast_in_dim3A_3851, %select_n3A_3841 : vector<96x128xi1>, vector<96x128xf32>
    %slice3A_3853 = vector.extract_strided_slice %get3A_8 {offsets = [0, 2560], sizes = [1, 128], strides = [1, 1]} : vector<1x8192xf32> to vector<1x128xf32>
    %slice3A_3854 = vector.extract_strided_slice %dot_general3A_5 {offsets = [480, 2560], sizes = [96, 128], strides = [1, 1]} : vector<576x8192xf32> to vector<96x128xf32>
    %add3A_3855 = vector.broadcast %slice3A_3628 : vector<96x1xf32> to vector<96x128xf32>
    %add3A_3856 = vector.broadcast %slice3A_3853 : vector<1x128xf32> to vector<96x128xf32>
    %add3A_3857 = arith.addf %add3A_3855, %add3A_3856 : vector<96x128xf32>
    %sub3A_3858 = arith.subf %add3A_3857, %slice3A_3854 : vector<96x128xf32>
    %lt3A_3859 = arith.cmpf olt, %sub3A_3858, %select_n3A_3849 : vector<96x128xf32>
    %select_n3A_3860 = arith.select %lt3A_3859, %sub3A_3858, %select_n3A_3849 : vector<96x128xi1>, vector<96x128xf32>
    %jit3A_3861 = arith.constant 2.000000e+01 : f32
    %broadcast_in_dim3A_3862 = vector.broadcast %jit3A_3861 : f32 to vector<96x128xf32>
    %select_n3A_3863 = arith.select %lt3A_3859, %broadcast_in_dim3A_3862, %select_n3A_3852 : vector<96x128xi1>, vector<96x128xf32>
    %slice3A_3864 = vector.extract_strided_slice %get3A_8 {offsets = [0, 2688], sizes = [1, 128], strides = [1, 1]} : vector<1x8192xf32> to vector<1x128xf32>
    %slice3A_3865 = vector.extract_strided_slice %dot_general3A_5 {offsets = [480, 2688], sizes = [96, 128], strides = [1, 1]} : vector<576x8192xf32> to vector<96x128xf32>
    %add3A_3866 = vector.broadcast %slice3A_3628 : vector<96x1xf32> to vector<96x128xf32>
    %add3A_3867 = vector.broadcast %slice3A_3864 : vector<1x128xf32> to vector<96x128xf32>
    %add3A_3868 = arith.addf %add3A_3866, %add3A_3867 : vector<96x128xf32>
    %sub3A_3869 = arith.subf %add3A_3868, %slice3A_3865 : vector<96x128xf32>
    %lt3A_3870 = arith.cmpf olt, %sub3A_3869, %select_n3A_3860 : vector<96x128xf32>
    %select_n3A_3871 = arith.select %lt3A_3870, %sub3A_3869, %select_n3A_3860 : vector<96x128xi1>, vector<96x128xf32>
    %jit3A_3872 = arith.constant 2.100000e+01 : f32
    %broadcast_in_dim3A_3873 = vector.broadcast %jit3A_3872 : f32 to vector<96x128xf32>
    %select_n3A_3874 = arith.select %lt3A_3870, %broadcast_in_dim3A_3873, %select_n3A_3863 : vector<96x128xi1>, vector<96x128xf32>
    %slice3A_3875 = vector.extract_strided_slice %get3A_8 {offsets = [0, 2816], sizes = [1, 128], strides = [1, 1]} : vector<1x8192xf32> to vector<1x128xf32>
    %slice3A_3876 = vector.extract_strided_slice %dot_general3A_5 {offsets = [480, 2816], sizes = [96, 128], strides = [1, 1]} : vector<576x8192xf32> to vector<96x128xf32>
    %add3A_3877 = vector.broadcast %slice3A_3628 : vector<96x1xf32> to vector<96x128xf32>
    %add3A_3878 = vector.broadcast %slice3A_3875 : vector<1x128xf32> to vector<96x128xf32>
    %add3A_3879 = arith.addf %add3A_3877, %add3A_3878 : vector<96x128xf32>
    %sub3A_3880 = arith.subf %add3A_3879, %slice3A_3876 : vector<96x128xf32>
    %lt3A_3881 = arith.cmpf olt, %sub3A_3880, %select_n3A_3871 : vector<96x128xf32>
    %select_n3A_3882 = arith.select %lt3A_3881, %sub3A_3880, %select_n3A_3871 : vector<96x128xi1>, vector<96x128xf32>
    %jit3A_3883 = arith.constant 2.200000e+01 : f32
    %broadcast_in_dim3A_3884 = vector.broadcast %jit3A_3883 : f32 to vector<96x128xf32>
    %select_n3A_3885 = arith.select %lt3A_3881, %broadcast_in_dim3A_3884, %select_n3A_3874 : vector<96x128xi1>, vector<96x128xf32>
    %slice3A_3886 = vector.extract_strided_slice %get3A_8 {offsets = [0, 2944], sizes = [1, 128], strides = [1, 1]} : vector<1x8192xf32> to vector<1x128xf32>
    %slice3A_3887 = vector.extract_strided_slice %dot_general3A_5 {offsets = [480, 2944], sizes = [96, 128], strides = [1, 1]} : vector<576x8192xf32> to vector<96x128xf32>
    %add3A_3888 = vector.broadcast %slice3A_3628 : vector<96x1xf32> to vector<96x128xf32>
    %add3A_3889 = vector.broadcast %slice3A_3886 : vector<1x128xf32> to vector<96x128xf32>
    %add3A_3890 = arith.addf %add3A_3888, %add3A_3889 : vector<96x128xf32>
    %sub3A_3891 = arith.subf %add3A_3890, %slice3A_3887 : vector<96x128xf32>
    %lt3A_3892 = arith.cmpf olt, %sub3A_3891, %select_n3A_3882 : vector<96x128xf32>
    %select_n3A_3893 = arith.select %lt3A_3892, %sub3A_3891, %select_n3A_3882 : vector<96x128xi1>, vector<96x128xf32>
    %jit3A_3894 = arith.constant 2.300000e+01 : f32
    %broadcast_in_dim3A_3895 = vector.broadcast %jit3A_3894 : f32 to vector<96x128xf32>
    %select_n3A_3896 = arith.select %lt3A_3892, %broadcast_in_dim3A_3895, %select_n3A_3885 : vector<96x128xi1>, vector<96x128xf32>
    %slice3A_3897 = vector.extract_strided_slice %get3A_8 {offsets = [0, 3072], sizes = [1, 128], strides = [1, 1]} : vector<1x8192xf32> to vector<1x128xf32>
    %slice3A_3898 = vector.extract_strided_slice %dot_general3A_5 {offsets = [480, 3072], sizes = [96, 128], strides = [1, 1]} : vector<576x8192xf32> to vector<96x128xf32>
    %add3A_3899 = vector.broadcast %slice3A_3628 : vector<96x1xf32> to vector<96x128xf32>
    %add3A_3900 = vector.broadcast %slice3A_3897 : vector<1x128xf32> to vector<96x128xf32>
    %add3A_3901 = arith.addf %add3A_3899, %add3A_3900 : vector<96x128xf32>
    %sub3A_3902 = arith.subf %add3A_3901, %slice3A_3898 : vector<96x128xf32>
    %lt3A_3903 = arith.cmpf olt, %sub3A_3902, %select_n3A_3893 : vector<96x128xf32>
    %select_n3A_3904 = arith.select %lt3A_3903, %sub3A_3902, %select_n3A_3893 : vector<96x128xi1>, vector<96x128xf32>
    %jit3A_3905 = arith.constant 2.400000e+01 : f32
    %broadcast_in_dim3A_3906 = vector.broadcast %jit3A_3905 : f32 to vector<96x128xf32>
    %select_n3A_3907 = arith.select %lt3A_3903, %broadcast_in_dim3A_3906, %select_n3A_3896 : vector<96x128xi1>, vector<96x128xf32>
    %slice3A_3908 = vector.extract_strided_slice %get3A_8 {offsets = [0, 3200], sizes = [1, 128], strides = [1, 1]} : vector<1x8192xf32> to vector<1x128xf32>
    %slice3A_3909 = vector.extract_strided_slice %dot_general3A_5 {offsets = [480, 3200], sizes = [96, 128], strides = [1, 1]} : vector<576x8192xf32> to vector<96x128xf32>
    %add3A_3910 = vector.broadcast %slice3A_3628 : vector<96x1xf32> to vector<96x128xf32>
    %add3A_3911 = vector.broadcast %slice3A_3908 : vector<1x128xf32> to vector<96x128xf32>
    %add3A_3912 = arith.addf %add3A_3910, %add3A_3911 : vector<96x128xf32>
    %sub3A_3913 = arith.subf %add3A_3912, %slice3A_3909 : vector<96x128xf32>
    %lt3A_3914 = arith.cmpf olt, %sub3A_3913, %select_n3A_3904 : vector<96x128xf32>
    %select_n3A_3915 = arith.select %lt3A_3914, %sub3A_3913, %select_n3A_3904 : vector<96x128xi1>, vector<96x128xf32>
    %jit3A_3916 = arith.constant 2.500000e+01 : f32
    %broadcast_in_dim3A_3917 = vector.broadcast %jit3A_3916 : f32 to vector<96x128xf32>
    %select_n3A_3918 = arith.select %lt3A_3914, %broadcast_in_dim3A_3917, %select_n3A_3907 : vector<96x128xi1>, vector<96x128xf32>
    %slice3A_3919 = vector.extract_strided_slice %get3A_8 {offsets = [0, 3328], sizes = [1, 128], strides = [1, 1]} : vector<1x8192xf32> to vector<1x128xf32>
    %slice3A_3920 = vector.extract_strided_slice %dot_general3A_5 {offsets = [480, 3328], sizes = [96, 128], strides = [1, 1]} : vector<576x8192xf32> to vector<96x128xf32>
    %add3A_3921 = vector.broadcast %slice3A_3628 : vector<96x1xf32> to vector<96x128xf32>
    %add3A_3922 = vector.broadcast %slice3A_3919 : vector<1x128xf32> to vector<96x128xf32>
    %add3A_3923 = arith.addf %add3A_3921, %add3A_3922 : vector<96x128xf32>
    %sub3A_3924 = arith.subf %add3A_3923, %slice3A_3920 : vector<96x128xf32>
    %lt3A_3925 = arith.cmpf olt, %sub3A_3924, %select_n3A_3915 : vector<96x128xf32>
    %select_n3A_3926 = arith.select %lt3A_3925, %sub3A_3924, %select_n3A_3915 : vector<96x128xi1>, vector<96x128xf32>
    %jit3A_3927 = arith.constant 2.600000e+01 : f32
    %broadcast_in_dim3A_3928 = vector.broadcast %jit3A_3927 : f32 to vector<96x128xf32>
    %select_n3A_3929 = arith.select %lt3A_3925, %broadcast_in_dim3A_3928, %select_n3A_3918 : vector<96x128xi1>, vector<96x128xf32>
    %slice3A_3930 = vector.extract_strided_slice %get3A_8 {offsets = [0, 3456], sizes = [1, 128], strides = [1, 1]} : vector<1x8192xf32> to vector<1x128xf32>
    %slice3A_3931 = vector.extract_strided_slice %dot_general3A_5 {offsets = [480, 3456], sizes = [96, 128], strides = [1, 1]} : vector<576x8192xf32> to vector<96x128xf32>
    %add3A_3932 = vector.broadcast %slice3A_3628 : vector<96x1xf32> to vector<96x128xf32>
    %add3A_3933 = vector.broadcast %slice3A_3930 : vector<1x128xf32> to vector<96x128xf32>
    %add3A_3934 = arith.addf %add3A_3932, %add3A_3933 : vector<96x128xf32>
    %sub3A_3935 = arith.subf %add3A_3934, %slice3A_3931 : vector<96x128xf32>
    %lt3A_3936 = arith.cmpf olt, %sub3A_3935, %select_n3A_3926 : vector<96x128xf32>
    %select_n3A_3937 = arith.select %lt3A_3936, %sub3A_3935, %select_n3A_3926 : vector<96x128xi1>, vector<96x128xf32>
    %jit3A_3938 = arith.constant 2.700000e+01 : f32
    %broadcast_in_dim3A_3939 = vector.broadcast %jit3A_3938 : f32 to vector<96x128xf32>
    %select_n3A_3940 = arith.select %lt3A_3936, %broadcast_in_dim3A_3939, %select_n3A_3929 : vector<96x128xi1>, vector<96x128xf32>
    %slice3A_3941 = vector.extract_strided_slice %get3A_8 {offsets = [0, 3584], sizes = [1, 128], strides = [1, 1]} : vector<1x8192xf32> to vector<1x128xf32>
    %slice3A_3942 = vector.extract_strided_slice %dot_general3A_5 {offsets = [480, 3584], sizes = [96, 128], strides = [1, 1]} : vector<576x8192xf32> to vector<96x128xf32>
    %add3A_3943 = vector.broadcast %slice3A_3628 : vector<96x1xf32> to vector<96x128xf32>
    %add3A_3944 = vector.broadcast %slice3A_3941 : vector<1x128xf32> to vector<96x128xf32>
    %add3A_3945 = arith.addf %add3A_3943, %add3A_3944 : vector<96x128xf32>
    %sub3A_3946 = arith.subf %add3A_3945, %slice3A_3942 : vector<96x128xf32>
    %lt3A_3947 = arith.cmpf olt, %sub3A_3946, %select_n3A_3937 : vector<96x128xf32>
    %select_n3A_3948 = arith.select %lt3A_3947, %sub3A_3946, %select_n3A_3937 : vector<96x128xi1>, vector<96x128xf32>
    %jit3A_3949 = arith.constant 2.800000e+01 : f32
    %broadcast_in_dim3A_3950 = vector.broadcast %jit3A_3949 : f32 to vector<96x128xf32>
    %select_n3A_3951 = arith.select %lt3A_3947, %broadcast_in_dim3A_3950, %select_n3A_3940 : vector<96x128xi1>, vector<96x128xf32>
    %slice3A_3952 = vector.extract_strided_slice %get3A_8 {offsets = [0, 3712], sizes = [1, 128], strides = [1, 1]} : vector<1x8192xf32> to vector<1x128xf32>
    %slice3A_3953 = vector.extract_strided_slice %dot_general3A_5 {offsets = [480, 3712], sizes = [96, 128], strides = [1, 1]} : vector<576x8192xf32> to vector<96x128xf32>
    %add3A_3954 = vector.broadcast %slice3A_3628 : vector<96x1xf32> to vector<96x128xf32>
    %add3A_3955 = vector.broadcast %slice3A_3952 : vector<1x128xf32> to vector<96x128xf32>
    %add3A_3956 = arith.addf %add3A_3954, %add3A_3955 : vector<96x128xf32>
    %sub3A_3957 = arith.subf %add3A_3956, %slice3A_3953 : vector<96x128xf32>
    %lt3A_3958 = arith.cmpf olt, %sub3A_3957, %select_n3A_3948 : vector<96x128xf32>
    %select_n3A_3959 = arith.select %lt3A_3958, %sub3A_3957, %select_n3A_3948 : vector<96x128xi1>, vector<96x128xf32>
    %jit3A_3960 = arith.constant 2.900000e+01 : f32
    %broadcast_in_dim3A_3961 = vector.broadcast %jit3A_3960 : f32 to vector<96x128xf32>
    %select_n3A_3962 = arith.select %lt3A_3958, %broadcast_in_dim3A_3961, %select_n3A_3951 : vector<96x128xi1>, vector<96x128xf32>
    %slice3A_3963 = vector.extract_strided_slice %get3A_8 {offsets = [0, 3840], sizes = [1, 128], strides = [1, 1]} : vector<1x8192xf32> to vector<1x128xf32>
    %slice3A_3964 = vector.extract_strided_slice %dot_general3A_5 {offsets = [480, 3840], sizes = [96, 128], strides = [1, 1]} : vector<576x8192xf32> to vector<96x128xf32>
    %add3A_3965 = vector.broadcast %slice3A_3628 : vector<96x1xf32> to vector<96x128xf32>
    %add3A_3966 = vector.broadcast %slice3A_3963 : vector<1x128xf32> to vector<96x128xf32>
    %add3A_3967 = arith.addf %add3A_3965, %add3A_3966 : vector<96x128xf32>
    %sub3A_3968 = arith.subf %add3A_3967, %slice3A_3964 : vector<96x128xf32>
    %lt3A_3969 = arith.cmpf olt, %sub3A_3968, %select_n3A_3959 : vector<96x128xf32>
    %select_n3A_3970 = arith.select %lt3A_3969, %sub3A_3968, %select_n3A_3959 : vector<96x128xi1>, vector<96x128xf32>
    %jit3A_3971 = arith.constant 3.000000e+01 : f32
    %broadcast_in_dim3A_3972 = vector.broadcast %jit3A_3971 : f32 to vector<96x128xf32>
    %select_n3A_3973 = arith.select %lt3A_3969, %broadcast_in_dim3A_3972, %select_n3A_3962 : vector<96x128xi1>, vector<96x128xf32>
    %slice3A_3974 = vector.extract_strided_slice %get3A_8 {offsets = [0, 3968], sizes = [1, 128], strides = [1, 1]} : vector<1x8192xf32> to vector<1x128xf32>
    %slice3A_3975 = vector.extract_strided_slice %dot_general3A_5 {offsets = [480, 3968], sizes = [96, 128], strides = [1, 1]} : vector<576x8192xf32> to vector<96x128xf32>
    %add3A_3976 = vector.broadcast %slice3A_3628 : vector<96x1xf32> to vector<96x128xf32>
    %add3A_3977 = vector.broadcast %slice3A_3974 : vector<1x128xf32> to vector<96x128xf32>
    %add3A_3978 = arith.addf %add3A_3976, %add3A_3977 : vector<96x128xf32>
    %sub3A_3979 = arith.subf %add3A_3978, %slice3A_3975 : vector<96x128xf32>
    %lt3A_3980 = arith.cmpf olt, %sub3A_3979, %select_n3A_3970 : vector<96x128xf32>
    %select_n3A_3981 = arith.select %lt3A_3980, %sub3A_3979, %select_n3A_3970 : vector<96x128xi1>, vector<96x128xf32>
    %jit3A_3982 = arith.constant 3.100000e+01 : f32
    %broadcast_in_dim3A_3983 = vector.broadcast %jit3A_3982 : f32 to vector<96x128xf32>
    %select_n3A_3984 = arith.select %lt3A_3980, %broadcast_in_dim3A_3983, %select_n3A_3973 : vector<96x128xi1>, vector<96x128xf32>
    %slice3A_3985 = vector.extract_strided_slice %get3A_8 {offsets = [0, 4096], sizes = [1, 128], strides = [1, 1]} : vector<1x8192xf32> to vector<1x128xf32>
    %slice3A_3986 = vector.extract_strided_slice %dot_general3A_5 {offsets = [480, 4096], sizes = [96, 128], strides = [1, 1]} : vector<576x8192xf32> to vector<96x128xf32>
    %add3A_3987 = vector.broadcast %slice3A_3628 : vector<96x1xf32> to vector<96x128xf32>
    %add3A_3988 = vector.broadcast %slice3A_3985 : vector<1x128xf32> to vector<96x128xf32>
    %add3A_3989 = arith.addf %add3A_3987, %add3A_3988 : vector<96x128xf32>
    %sub3A_3990 = arith.subf %add3A_3989, %slice3A_3986 : vector<96x128xf32>
    %lt3A_3991 = arith.cmpf olt, %sub3A_3990, %select_n3A_3981 : vector<96x128xf32>
    %select_n3A_3992 = arith.select %lt3A_3991, %sub3A_3990, %select_n3A_3981 : vector<96x128xi1>, vector<96x128xf32>
    %jit3A_3993 = arith.constant 3.200000e+01 : f32
    %broadcast_in_dim3A_3994 = vector.broadcast %jit3A_3993 : f32 to vector<96x128xf32>
    %select_n3A_3995 = arith.select %lt3A_3991, %broadcast_in_dim3A_3994, %select_n3A_3984 : vector<96x128xi1>, vector<96x128xf32>
    %slice3A_3996 = vector.extract_strided_slice %get3A_8 {offsets = [0, 4224], sizes = [1, 128], strides = [1, 1]} : vector<1x8192xf32> to vector<1x128xf32>
    %slice3A_3997 = vector.extract_strided_slice %dot_general3A_5 {offsets = [480, 4224], sizes = [96, 128], strides = [1, 1]} : vector<576x8192xf32> to vector<96x128xf32>
    %add3A_3998 = vector.broadcast %slice3A_3628 : vector<96x1xf32> to vector<96x128xf32>
    %add3A_3999 = vector.broadcast %slice3A_3996 : vector<1x128xf32> to vector<96x128xf32>
    %add3A_4000 = arith.addf %add3A_3998, %add3A_3999 : vector<96x128xf32>
    %sub3A_4001 = arith.subf %add3A_4000, %slice3A_3997 : vector<96x128xf32>
    %lt3A_4002 = arith.cmpf olt, %sub3A_4001, %select_n3A_3992 : vector<96x128xf32>
    %select_n3A_4003 = arith.select %lt3A_4002, %sub3A_4001, %select_n3A_3992 : vector<96x128xi1>, vector<96x128xf32>
    %jit3A_4004 = arith.constant 3.300000e+01 : f32
    %broadcast_in_dim3A_4005 = vector.broadcast %jit3A_4004 : f32 to vector<96x128xf32>
    %select_n3A_4006 = arith.select %lt3A_4002, %broadcast_in_dim3A_4005, %select_n3A_3995 : vector<96x128xi1>, vector<96x128xf32>
    %slice3A_4007 = vector.extract_strided_slice %get3A_8 {offsets = [0, 4352], sizes = [1, 128], strides = [1, 1]} : vector<1x8192xf32> to vector<1x128xf32>
    %slice3A_4008 = vector.extract_strided_slice %dot_general3A_5 {offsets = [480, 4352], sizes = [96, 128], strides = [1, 1]} : vector<576x8192xf32> to vector<96x128xf32>
    %add3A_4009 = vector.broadcast %slice3A_3628 : vector<96x1xf32> to vector<96x128xf32>
    %add3A_4010 = vector.broadcast %slice3A_4007 : vector<1x128xf32> to vector<96x128xf32>
    %add3A_4011 = arith.addf %add3A_4009, %add3A_4010 : vector<96x128xf32>
    %sub3A_4012 = arith.subf %add3A_4011, %slice3A_4008 : vector<96x128xf32>
    %lt3A_4013 = arith.cmpf olt, %sub3A_4012, %select_n3A_4003 : vector<96x128xf32>
    %select_n3A_4014 = arith.select %lt3A_4013, %sub3A_4012, %select_n3A_4003 : vector<96x128xi1>, vector<96x128xf32>
    %jit3A_4015 = arith.constant 3.400000e+01 : f32
    %broadcast_in_dim3A_4016 = vector.broadcast %jit3A_4015 : f32 to vector<96x128xf32>
    %select_n3A_4017 = arith.select %lt3A_4013, %broadcast_in_dim3A_4016, %select_n3A_4006 : vector<96x128xi1>, vector<96x128xf32>
    %slice3A_4018 = vector.extract_strided_slice %get3A_8 {offsets = [0, 4480], sizes = [1, 128], strides = [1, 1]} : vector<1x8192xf32> to vector<1x128xf32>
    %slice3A_4019 = vector.extract_strided_slice %dot_general3A_5 {offsets = [480, 4480], sizes = [96, 128], strides = [1, 1]} : vector<576x8192xf32> to vector<96x128xf32>
    %add3A_4020 = vector.broadcast %slice3A_3628 : vector<96x1xf32> to vector<96x128xf32>
    %add3A_4021 = vector.broadcast %slice3A_4018 : vector<1x128xf32> to vector<96x128xf32>
    %add3A_4022 = arith.addf %add3A_4020, %add3A_4021 : vector<96x128xf32>
    %sub3A_4023 = arith.subf %add3A_4022, %slice3A_4019 : vector<96x128xf32>
    %lt3A_4024 = arith.cmpf olt, %sub3A_4023, %select_n3A_4014 : vector<96x128xf32>
    %select_n3A_4025 = arith.select %lt3A_4024, %sub3A_4023, %select_n3A_4014 : vector<96x128xi1>, vector<96x128xf32>
    %jit3A_4026 = arith.constant 3.500000e+01 : f32
    %broadcast_in_dim3A_4027 = vector.broadcast %jit3A_4026 : f32 to vector<96x128xf32>
    %select_n3A_4028 = arith.select %lt3A_4024, %broadcast_in_dim3A_4027, %select_n3A_4017 : vector<96x128xi1>, vector<96x128xf32>
    %slice3A_4029 = vector.extract_strided_slice %get3A_8 {offsets = [0, 4608], sizes = [1, 128], strides = [1, 1]} : vector<1x8192xf32> to vector<1x128xf32>
    %slice3A_4030 = vector.extract_strided_slice %dot_general3A_5 {offsets = [480, 4608], sizes = [96, 128], strides = [1, 1]} : vector<576x8192xf32> to vector<96x128xf32>
    %add3A_4031 = vector.broadcast %slice3A_3628 : vector<96x1xf32> to vector<96x128xf32>
    %add3A_4032 = vector.broadcast %slice3A_4029 : vector<1x128xf32> to vector<96x128xf32>
    %add3A_4033 = arith.addf %add3A_4031, %add3A_4032 : vector<96x128xf32>
    %sub3A_4034 = arith.subf %add3A_4033, %slice3A_4030 : vector<96x128xf32>
    %lt3A_4035 = arith.cmpf olt, %sub3A_4034, %select_n3A_4025 : vector<96x128xf32>
    %select_n3A_4036 = arith.select %lt3A_4035, %sub3A_4034, %select_n3A_4025 : vector<96x128xi1>, vector<96x128xf32>
    %jit3A_4037 = arith.constant 3.600000e+01 : f32
    %broadcast_in_dim3A_4038 = vector.broadcast %jit3A_4037 : f32 to vector<96x128xf32>
    %select_n3A_4039 = arith.select %lt3A_4035, %broadcast_in_dim3A_4038, %select_n3A_4028 : vector<96x128xi1>, vector<96x128xf32>
    %slice3A_4040 = vector.extract_strided_slice %get3A_8 {offsets = [0, 4736], sizes = [1, 128], strides = [1, 1]} : vector<1x8192xf32> to vector<1x128xf32>
    %slice3A_4041 = vector.extract_strided_slice %dot_general3A_5 {offsets = [480, 4736], sizes = [96, 128], strides = [1, 1]} : vector<576x8192xf32> to vector<96x128xf32>
    %add3A_4042 = vector.broadcast %slice3A_3628 : vector<96x1xf32> to vector<96x128xf32>
    %add3A_4043 = vector.broadcast %slice3A_4040 : vector<1x128xf32> to vector<96x128xf32>
    %add3A_4044 = arith.addf %add3A_4042, %add3A_4043 : vector<96x128xf32>
    %sub3A_4045 = arith.subf %add3A_4044, %slice3A_4041 : vector<96x128xf32>
    %lt3A_4046 = arith.cmpf olt, %sub3A_4045, %select_n3A_4036 : vector<96x128xf32>
    %select_n3A_4047 = arith.select %lt3A_4046, %sub3A_4045, %select_n3A_4036 : vector<96x128xi1>, vector<96x128xf32>
    %jit3A_4048 = arith.constant 3.700000e+01 : f32
    %broadcast_in_dim3A_4049 = vector.broadcast %jit3A_4048 : f32 to vector<96x128xf32>
    %select_n3A_4050 = arith.select %lt3A_4046, %broadcast_in_dim3A_4049, %select_n3A_4039 : vector<96x128xi1>, vector<96x128xf32>
    %slice3A_4051 = vector.extract_strided_slice %get3A_8 {offsets = [0, 4864], sizes = [1, 128], strides = [1, 1]} : vector<1x8192xf32> to vector<1x128xf32>
    %slice3A_4052 = vector.extract_strided_slice %dot_general3A_5 {offsets = [480, 4864], sizes = [96, 128], strides = [1, 1]} : vector<576x8192xf32> to vector<96x128xf32>
    %add3A_4053 = vector.broadcast %slice3A_3628 : vector<96x1xf32> to vector<96x128xf32>
    %add3A_4054 = vector.broadcast %slice3A_4051 : vector<1x128xf32> to vector<96x128xf32>
    %add3A_4055 = arith.addf %add3A_4053, %add3A_4054 : vector<96x128xf32>
    %sub3A_4056 = arith.subf %add3A_4055, %slice3A_4052 : vector<96x128xf32>
    %lt3A_4057 = arith.cmpf olt, %sub3A_4056, %select_n3A_4047 : vector<96x128xf32>
    %select_n3A_4058 = arith.select %lt3A_4057, %sub3A_4056, %select_n3A_4047 : vector<96x128xi1>, vector<96x128xf32>
    %jit3A_4059 = arith.constant 3.800000e+01 : f32
    %broadcast_in_dim3A_4060 = vector.broadcast %jit3A_4059 : f32 to vector<96x128xf32>
    %select_n3A_4061 = arith.select %lt3A_4057, %broadcast_in_dim3A_4060, %select_n3A_4050 : vector<96x128xi1>, vector<96x128xf32>
    %slice3A_4062 = vector.extract_strided_slice %get3A_8 {offsets = [0, 4992], sizes = [1, 128], strides = [1, 1]} : vector<1x8192xf32> to vector<1x128xf32>
    %slice3A_4063 = vector.extract_strided_slice %dot_general3A_5 {offsets = [480, 4992], sizes = [96, 128], strides = [1, 1]} : vector<576x8192xf32> to vector<96x128xf32>
    %add3A_4064 = vector.broadcast %slice3A_3628 : vector<96x1xf32> to vector<96x128xf32>
    %add3A_4065 = vector.broadcast %slice3A_4062 : vector<1x128xf32> to vector<96x128xf32>
    %add3A_4066 = arith.addf %add3A_4064, %add3A_4065 : vector<96x128xf32>
    %sub3A_4067 = arith.subf %add3A_4066, %slice3A_4063 : vector<96x128xf32>
    %lt3A_4068 = arith.cmpf olt, %sub3A_4067, %select_n3A_4058 : vector<96x128xf32>
    %select_n3A_4069 = arith.select %lt3A_4068, %sub3A_4067, %select_n3A_4058 : vector<96x128xi1>, vector<96x128xf32>
    %jit3A_4070 = arith.constant 3.900000e+01 : f32
    %broadcast_in_dim3A_4071 = vector.broadcast %jit3A_4070 : f32 to vector<96x128xf32>
    %select_n3A_4072 = arith.select %lt3A_4068, %broadcast_in_dim3A_4071, %select_n3A_4061 : vector<96x128xi1>, vector<96x128xf32>
    %slice3A_4073 = vector.extract_strided_slice %get3A_8 {offsets = [0, 5120], sizes = [1, 128], strides = [1, 1]} : vector<1x8192xf32> to vector<1x128xf32>
    %slice3A_4074 = vector.extract_strided_slice %dot_general3A_5 {offsets = [480, 5120], sizes = [96, 128], strides = [1, 1]} : vector<576x8192xf32> to vector<96x128xf32>
    %add3A_4075 = vector.broadcast %slice3A_3628 : vector<96x1xf32> to vector<96x128xf32>
    %add3A_4076 = vector.broadcast %slice3A_4073 : vector<1x128xf32> to vector<96x128xf32>
    %add3A_4077 = arith.addf %add3A_4075, %add3A_4076 : vector<96x128xf32>
    %sub3A_4078 = arith.subf %add3A_4077, %slice3A_4074 : vector<96x128xf32>
    %lt3A_4079 = arith.cmpf olt, %sub3A_4078, %select_n3A_4069 : vector<96x128xf32>
    %select_n3A_4080 = arith.select %lt3A_4079, %sub3A_4078, %select_n3A_4069 : vector<96x128xi1>, vector<96x128xf32>
    %jit3A_4081 = arith.constant 4.000000e+01 : f32
    %broadcast_in_dim3A_4082 = vector.broadcast %jit3A_4081 : f32 to vector<96x128xf32>
    %select_n3A_4083 = arith.select %lt3A_4079, %broadcast_in_dim3A_4082, %select_n3A_4072 : vector<96x128xi1>, vector<96x128xf32>
    %slice3A_4084 = vector.extract_strided_slice %get3A_8 {offsets = [0, 5248], sizes = [1, 128], strides = [1, 1]} : vector<1x8192xf32> to vector<1x128xf32>
    %slice3A_4085 = vector.extract_strided_slice %dot_general3A_5 {offsets = [480, 5248], sizes = [96, 128], strides = [1, 1]} : vector<576x8192xf32> to vector<96x128xf32>
    %add3A_4086 = vector.broadcast %slice3A_3628 : vector<96x1xf32> to vector<96x128xf32>
    %add3A_4087 = vector.broadcast %slice3A_4084 : vector<1x128xf32> to vector<96x128xf32>
    %add3A_4088 = arith.addf %add3A_4086, %add3A_4087 : vector<96x128xf32>
    %sub3A_4089 = arith.subf %add3A_4088, %slice3A_4085 : vector<96x128xf32>
    %lt3A_4090 = arith.cmpf olt, %sub3A_4089, %select_n3A_4080 : vector<96x128xf32>
    %select_n3A_4091 = arith.select %lt3A_4090, %sub3A_4089, %select_n3A_4080 : vector<96x128xi1>, vector<96x128xf32>
    %jit3A_4092 = arith.constant 4.100000e+01 : f32
    %broadcast_in_dim3A_4093 = vector.broadcast %jit3A_4092 : f32 to vector<96x128xf32>
    %select_n3A_4094 = arith.select %lt3A_4090, %broadcast_in_dim3A_4093, %select_n3A_4083 : vector<96x128xi1>, vector<96x128xf32>
    %slice3A_4095 = vector.extract_strided_slice %get3A_8 {offsets = [0, 5376], sizes = [1, 128], strides = [1, 1]} : vector<1x8192xf32> to vector<1x128xf32>
    %slice3A_4096 = vector.extract_strided_slice %dot_general3A_5 {offsets = [480, 5376], sizes = [96, 128], strides = [1, 1]} : vector<576x8192xf32> to vector<96x128xf32>
    %add3A_4097 = vector.broadcast %slice3A_3628 : vector<96x1xf32> to vector<96x128xf32>
    %add3A_4098 = vector.broadcast %slice3A_4095 : vector<1x128xf32> to vector<96x128xf32>
    %add3A_4099 = arith.addf %add3A_4097, %add3A_4098 : vector<96x128xf32>
    %sub3A_4100 = arith.subf %add3A_4099, %slice3A_4096 : vector<96x128xf32>
    %lt3A_4101 = arith.cmpf olt, %sub3A_4100, %select_n3A_4091 : vector<96x128xf32>
    %select_n3A_4102 = arith.select %lt3A_4101, %sub3A_4100, %select_n3A_4091 : vector<96x128xi1>, vector<96x128xf32>
    %jit3A_4103 = arith.constant 4.200000e+01 : f32
    %broadcast_in_dim3A_4104 = vector.broadcast %jit3A_4103 : f32 to vector<96x128xf32>
    %select_n3A_4105 = arith.select %lt3A_4101, %broadcast_in_dim3A_4104, %select_n3A_4094 : vector<96x128xi1>, vector<96x128xf32>
    %slice3A_4106 = vector.extract_strided_slice %get3A_8 {offsets = [0, 5504], sizes = [1, 128], strides = [1, 1]} : vector<1x8192xf32> to vector<1x128xf32>
    %slice3A_4107 = vector.extract_strided_slice %dot_general3A_5 {offsets = [480, 5504], sizes = [96, 128], strides = [1, 1]} : vector<576x8192xf32> to vector<96x128xf32>
    %add3A_4108 = vector.broadcast %slice3A_3628 : vector<96x1xf32> to vector<96x128xf32>
    %add3A_4109 = vector.broadcast %slice3A_4106 : vector<1x128xf32> to vector<96x128xf32>
    %add3A_4110 = arith.addf %add3A_4108, %add3A_4109 : vector<96x128xf32>
    %sub3A_4111 = arith.subf %add3A_4110, %slice3A_4107 : vector<96x128xf32>
    %lt3A_4112 = arith.cmpf olt, %sub3A_4111, %select_n3A_4102 : vector<96x128xf32>
    %select_n3A_4113 = arith.select %lt3A_4112, %sub3A_4111, %select_n3A_4102 : vector<96x128xi1>, vector<96x128xf32>
    %jit3A_4114 = arith.constant 4.300000e+01 : f32
    %broadcast_in_dim3A_4115 = vector.broadcast %jit3A_4114 : f32 to vector<96x128xf32>
    %select_n3A_4116 = arith.select %lt3A_4112, %broadcast_in_dim3A_4115, %select_n3A_4105 : vector<96x128xi1>, vector<96x128xf32>
    %slice3A_4117 = vector.extract_strided_slice %get3A_8 {offsets = [0, 5632], sizes = [1, 128], strides = [1, 1]} : vector<1x8192xf32> to vector<1x128xf32>
    %slice3A_4118 = vector.extract_strided_slice %dot_general3A_5 {offsets = [480, 5632], sizes = [96, 128], strides = [1, 1]} : vector<576x8192xf32> to vector<96x128xf32>
    %add3A_4119 = vector.broadcast %slice3A_3628 : vector<96x1xf32> to vector<96x128xf32>
    %add3A_4120 = vector.broadcast %slice3A_4117 : vector<1x128xf32> to vector<96x128xf32>
    %add3A_4121 = arith.addf %add3A_4119, %add3A_4120 : vector<96x128xf32>
    %sub3A_4122 = arith.subf %add3A_4121, %slice3A_4118 : vector<96x128xf32>
    %lt3A_4123 = arith.cmpf olt, %sub3A_4122, %select_n3A_4113 : vector<96x128xf32>
    %select_n3A_4124 = arith.select %lt3A_4123, %sub3A_4122, %select_n3A_4113 : vector<96x128xi1>, vector<96x128xf32>
    %jit3A_4125 = arith.constant 4.400000e+01 : f32
    %broadcast_in_dim3A_4126 = vector.broadcast %jit3A_4125 : f32 to vector<96x128xf32>
    %select_n3A_4127 = arith.select %lt3A_4123, %broadcast_in_dim3A_4126, %select_n3A_4116 : vector<96x128xi1>, vector<96x128xf32>
    %slice3A_4128 = vector.extract_strided_slice %get3A_8 {offsets = [0, 5760], sizes = [1, 128], strides = [1, 1]} : vector<1x8192xf32> to vector<1x128xf32>
    %slice3A_4129 = vector.extract_strided_slice %dot_general3A_5 {offsets = [480, 5760], sizes = [96, 128], strides = [1, 1]} : vector<576x8192xf32> to vector<96x128xf32>
    %add3A_4130 = vector.broadcast %slice3A_3628 : vector<96x1xf32> to vector<96x128xf32>
    %add3A_4131 = vector.broadcast %slice3A_4128 : vector<1x128xf32> to vector<96x128xf32>
    %add3A_4132 = arith.addf %add3A_4130, %add3A_4131 : vector<96x128xf32>
    %sub3A_4133 = arith.subf %add3A_4132, %slice3A_4129 : vector<96x128xf32>
    %lt3A_4134 = arith.cmpf olt, %sub3A_4133, %select_n3A_4124 : vector<96x128xf32>
    %select_n3A_4135 = arith.select %lt3A_4134, %sub3A_4133, %select_n3A_4124 : vector<96x128xi1>, vector<96x128xf32>
    %jit3A_4136 = arith.constant 4.500000e+01 : f32
    %broadcast_in_dim3A_4137 = vector.broadcast %jit3A_4136 : f32 to vector<96x128xf32>
    %select_n3A_4138 = arith.select %lt3A_4134, %broadcast_in_dim3A_4137, %select_n3A_4127 : vector<96x128xi1>, vector<96x128xf32>
    %slice3A_4139 = vector.extract_strided_slice %get3A_8 {offsets = [0, 5888], sizes = [1, 128], strides = [1, 1]} : vector<1x8192xf32> to vector<1x128xf32>
    %slice3A_4140 = vector.extract_strided_slice %dot_general3A_5 {offsets = [480, 5888], sizes = [96, 128], strides = [1, 1]} : vector<576x8192xf32> to vector<96x128xf32>
    %add3A_4141 = vector.broadcast %slice3A_3628 : vector<96x1xf32> to vector<96x128xf32>
    %add3A_4142 = vector.broadcast %slice3A_4139 : vector<1x128xf32> to vector<96x128xf32>
    %add3A_4143 = arith.addf %add3A_4141, %add3A_4142 : vector<96x128xf32>
    %sub3A_4144 = arith.subf %add3A_4143, %slice3A_4140 : vector<96x128xf32>
    %lt3A_4145 = arith.cmpf olt, %sub3A_4144, %select_n3A_4135 : vector<96x128xf32>
    %select_n3A_4146 = arith.select %lt3A_4145, %sub3A_4144, %select_n3A_4135 : vector<96x128xi1>, vector<96x128xf32>
    %jit3A_4147 = arith.constant 4.600000e+01 : f32
    %broadcast_in_dim3A_4148 = vector.broadcast %jit3A_4147 : f32 to vector<96x128xf32>
    %select_n3A_4149 = arith.select %lt3A_4145, %broadcast_in_dim3A_4148, %select_n3A_4138 : vector<96x128xi1>, vector<96x128xf32>
    %slice3A_4150 = vector.extract_strided_slice %get3A_8 {offsets = [0, 6016], sizes = [1, 128], strides = [1, 1]} : vector<1x8192xf32> to vector<1x128xf32>
    %slice3A_4151 = vector.extract_strided_slice %dot_general3A_5 {offsets = [480, 6016], sizes = [96, 128], strides = [1, 1]} : vector<576x8192xf32> to vector<96x128xf32>
    %add3A_4152 = vector.broadcast %slice3A_3628 : vector<96x1xf32> to vector<96x128xf32>
    %add3A_4153 = vector.broadcast %slice3A_4150 : vector<1x128xf32> to vector<96x128xf32>
    %add3A_4154 = arith.addf %add3A_4152, %add3A_4153 : vector<96x128xf32>
    %sub3A_4155 = arith.subf %add3A_4154, %slice3A_4151 : vector<96x128xf32>
    %lt3A_4156 = arith.cmpf olt, %sub3A_4155, %select_n3A_4146 : vector<96x128xf32>
    %select_n3A_4157 = arith.select %lt3A_4156, %sub3A_4155, %select_n3A_4146 : vector<96x128xi1>, vector<96x128xf32>
    %jit3A_4158 = arith.constant 4.700000e+01 : f32
    %broadcast_in_dim3A_4159 = vector.broadcast %jit3A_4158 : f32 to vector<96x128xf32>
    %select_n3A_4160 = arith.select %lt3A_4156, %broadcast_in_dim3A_4159, %select_n3A_4149 : vector<96x128xi1>, vector<96x128xf32>
    %slice3A_4161 = vector.extract_strided_slice %get3A_8 {offsets = [0, 6144], sizes = [1, 128], strides = [1, 1]} : vector<1x8192xf32> to vector<1x128xf32>
    %slice3A_4162 = vector.extract_strided_slice %dot_general3A_5 {offsets = [480, 6144], sizes = [96, 128], strides = [1, 1]} : vector<576x8192xf32> to vector<96x128xf32>
    %add3A_4163 = vector.broadcast %slice3A_3628 : vector<96x1xf32> to vector<96x128xf32>
    %add3A_4164 = vector.broadcast %slice3A_4161 : vector<1x128xf32> to vector<96x128xf32>
    %add3A_4165 = arith.addf %add3A_4163, %add3A_4164 : vector<96x128xf32>
    %sub3A_4166 = arith.subf %add3A_4165, %slice3A_4162 : vector<96x128xf32>
    %lt3A_4167 = arith.cmpf olt, %sub3A_4166, %select_n3A_4157 : vector<96x128xf32>
    %select_n3A_4168 = arith.select %lt3A_4167, %sub3A_4166, %select_n3A_4157 : vector<96x128xi1>, vector<96x128xf32>
    %jit3A_4169 = arith.constant 4.800000e+01 : f32
    %broadcast_in_dim3A_4170 = vector.broadcast %jit3A_4169 : f32 to vector<96x128xf32>
    %select_n3A_4171 = arith.select %lt3A_4167, %broadcast_in_dim3A_4170, %select_n3A_4160 : vector<96x128xi1>, vector<96x128xf32>
    %slice3A_4172 = vector.extract_strided_slice %get3A_8 {offsets = [0, 6272], sizes = [1, 128], strides = [1, 1]} : vector<1x8192xf32> to vector<1x128xf32>
    %slice3A_4173 = vector.extract_strided_slice %dot_general3A_5 {offsets = [480, 6272], sizes = [96, 128], strides = [1, 1]} : vector<576x8192xf32> to vector<96x128xf32>
    %add3A_4174 = vector.broadcast %slice3A_3628 : vector<96x1xf32> to vector<96x128xf32>
    %add3A_4175 = vector.broadcast %slice3A_4172 : vector<1x128xf32> to vector<96x128xf32>
    %add3A_4176 = arith.addf %add3A_4174, %add3A_4175 : vector<96x128xf32>
    %sub3A_4177 = arith.subf %add3A_4176, %slice3A_4173 : vector<96x128xf32>
    %lt3A_4178 = arith.cmpf olt, %sub3A_4177, %select_n3A_4168 : vector<96x128xf32>
    %select_n3A_4179 = arith.select %lt3A_4178, %sub3A_4177, %select_n3A_4168 : vector<96x128xi1>, vector<96x128xf32>
    %jit3A_4180 = arith.constant 4.900000e+01 : f32
    %broadcast_in_dim3A_4181 = vector.broadcast %jit3A_4180 : f32 to vector<96x128xf32>
    %select_n3A_4182 = arith.select %lt3A_4178, %broadcast_in_dim3A_4181, %select_n3A_4171 : vector<96x128xi1>, vector<96x128xf32>
    %slice3A_4183 = vector.extract_strided_slice %get3A_8 {offsets = [0, 6400], sizes = [1, 128], strides = [1, 1]} : vector<1x8192xf32> to vector<1x128xf32>
    %slice3A_4184 = vector.extract_strided_slice %dot_general3A_5 {offsets = [480, 6400], sizes = [96, 128], strides = [1, 1]} : vector<576x8192xf32> to vector<96x128xf32>
    %add3A_4185 = vector.broadcast %slice3A_3628 : vector<96x1xf32> to vector<96x128xf32>
    %add3A_4186 = vector.broadcast %slice3A_4183 : vector<1x128xf32> to vector<96x128xf32>
    %add3A_4187 = arith.addf %add3A_4185, %add3A_4186 : vector<96x128xf32>
    %sub3A_4188 = arith.subf %add3A_4187, %slice3A_4184 : vector<96x128xf32>
    %lt3A_4189 = arith.cmpf olt, %sub3A_4188, %select_n3A_4179 : vector<96x128xf32>
    %select_n3A_4190 = arith.select %lt3A_4189, %sub3A_4188, %select_n3A_4179 : vector<96x128xi1>, vector<96x128xf32>
    %jit3A_4191 = arith.constant 5.000000e+01 : f32
    %broadcast_in_dim3A_4192 = vector.broadcast %jit3A_4191 : f32 to vector<96x128xf32>
    %select_n3A_4193 = arith.select %lt3A_4189, %broadcast_in_dim3A_4192, %select_n3A_4182 : vector<96x128xi1>, vector<96x128xf32>
    %slice3A_4194 = vector.extract_strided_slice %get3A_8 {offsets = [0, 6528], sizes = [1, 128], strides = [1, 1]} : vector<1x8192xf32> to vector<1x128xf32>
    %slice3A_4195 = vector.extract_strided_slice %dot_general3A_5 {offsets = [480, 6528], sizes = [96, 128], strides = [1, 1]} : vector<576x8192xf32> to vector<96x128xf32>
    %add3A_4196 = vector.broadcast %slice3A_3628 : vector<96x1xf32> to vector<96x128xf32>
    %add3A_4197 = vector.broadcast %slice3A_4194 : vector<1x128xf32> to vector<96x128xf32>
    %add3A_4198 = arith.addf %add3A_4196, %add3A_4197 : vector<96x128xf32>
    %sub3A_4199 = arith.subf %add3A_4198, %slice3A_4195 : vector<96x128xf32>
    %lt3A_4200 = arith.cmpf olt, %sub3A_4199, %select_n3A_4190 : vector<96x128xf32>
    %select_n3A_4201 = arith.select %lt3A_4200, %sub3A_4199, %select_n3A_4190 : vector<96x128xi1>, vector<96x128xf32>
    %jit3A_4202 = arith.constant 5.100000e+01 : f32
    %broadcast_in_dim3A_4203 = vector.broadcast %jit3A_4202 : f32 to vector<96x128xf32>
    %select_n3A_4204 = arith.select %lt3A_4200, %broadcast_in_dim3A_4203, %select_n3A_4193 : vector<96x128xi1>, vector<96x128xf32>
    %slice3A_4205 = vector.extract_strided_slice %get3A_8 {offsets = [0, 6656], sizes = [1, 128], strides = [1, 1]} : vector<1x8192xf32> to vector<1x128xf32>
    %slice3A_4206 = vector.extract_strided_slice %dot_general3A_5 {offsets = [480, 6656], sizes = [96, 128], strides = [1, 1]} : vector<576x8192xf32> to vector<96x128xf32>
    %add3A_4207 = vector.broadcast %slice3A_3628 : vector<96x1xf32> to vector<96x128xf32>
    %add3A_4208 = vector.broadcast %slice3A_4205 : vector<1x128xf32> to vector<96x128xf32>
    %add3A_4209 = arith.addf %add3A_4207, %add3A_4208 : vector<96x128xf32>
    %sub3A_4210 = arith.subf %add3A_4209, %slice3A_4206 : vector<96x128xf32>
    %lt3A_4211 = arith.cmpf olt, %sub3A_4210, %select_n3A_4201 : vector<96x128xf32>
    %select_n3A_4212 = arith.select %lt3A_4211, %sub3A_4210, %select_n3A_4201 : vector<96x128xi1>, vector<96x128xf32>
    %jit3A_4213 = arith.constant 5.200000e+01 : f32
    %broadcast_in_dim3A_4214 = vector.broadcast %jit3A_4213 : f32 to vector<96x128xf32>
    %select_n3A_4215 = arith.select %lt3A_4211, %broadcast_in_dim3A_4214, %select_n3A_4204 : vector<96x128xi1>, vector<96x128xf32>
    %slice3A_4216 = vector.extract_strided_slice %get3A_8 {offsets = [0, 6784], sizes = [1, 128], strides = [1, 1]} : vector<1x8192xf32> to vector<1x128xf32>
    %slice3A_4217 = vector.extract_strided_slice %dot_general3A_5 {offsets = [480, 6784], sizes = [96, 128], strides = [1, 1]} : vector<576x8192xf32> to vector<96x128xf32>
    %add3A_4218 = vector.broadcast %slice3A_3628 : vector<96x1xf32> to vector<96x128xf32>
    %add3A_4219 = vector.broadcast %slice3A_4216 : vector<1x128xf32> to vector<96x128xf32>
    %add3A_4220 = arith.addf %add3A_4218, %add3A_4219 : vector<96x128xf32>
    %sub3A_4221 = arith.subf %add3A_4220, %slice3A_4217 : vector<96x128xf32>
    %lt3A_4222 = arith.cmpf olt, %sub3A_4221, %select_n3A_4212 : vector<96x128xf32>
    %select_n3A_4223 = arith.select %lt3A_4222, %sub3A_4221, %select_n3A_4212 : vector<96x128xi1>, vector<96x128xf32>
    %jit3A_4224 = arith.constant 5.300000e+01 : f32
    %broadcast_in_dim3A_4225 = vector.broadcast %jit3A_4224 : f32 to vector<96x128xf32>
    %select_n3A_4226 = arith.select %lt3A_4222, %broadcast_in_dim3A_4225, %select_n3A_4215 : vector<96x128xi1>, vector<96x128xf32>
    %slice3A_4227 = vector.extract_strided_slice %get3A_8 {offsets = [0, 6912], sizes = [1, 128], strides = [1, 1]} : vector<1x8192xf32> to vector<1x128xf32>
    %slice3A_4228 = vector.extract_strided_slice %dot_general3A_5 {offsets = [480, 6912], sizes = [96, 128], strides = [1, 1]} : vector<576x8192xf32> to vector<96x128xf32>
    %add3A_4229 = vector.broadcast %slice3A_3628 : vector<96x1xf32> to vector<96x128xf32>
    %add3A_4230 = vector.broadcast %slice3A_4227 : vector<1x128xf32> to vector<96x128xf32>
    %add3A_4231 = arith.addf %add3A_4229, %add3A_4230 : vector<96x128xf32>
    %sub3A_4232 = arith.subf %add3A_4231, %slice3A_4228 : vector<96x128xf32>
    %lt3A_4233 = arith.cmpf olt, %sub3A_4232, %select_n3A_4223 : vector<96x128xf32>
    %select_n3A_4234 = arith.select %lt3A_4233, %sub3A_4232, %select_n3A_4223 : vector<96x128xi1>, vector<96x128xf32>
    %jit3A_4235 = arith.constant 5.400000e+01 : f32
    %broadcast_in_dim3A_4236 = vector.broadcast %jit3A_4235 : f32 to vector<96x128xf32>
    %select_n3A_4237 = arith.select %lt3A_4233, %broadcast_in_dim3A_4236, %select_n3A_4226 : vector<96x128xi1>, vector<96x128xf32>
    %slice3A_4238 = vector.extract_strided_slice %get3A_8 {offsets = [0, 7040], sizes = [1, 128], strides = [1, 1]} : vector<1x8192xf32> to vector<1x128xf32>
    %slice3A_4239 = vector.extract_strided_slice %dot_general3A_5 {offsets = [480, 7040], sizes = [96, 128], strides = [1, 1]} : vector<576x8192xf32> to vector<96x128xf32>
    %add3A_4240 = vector.broadcast %slice3A_3628 : vector<96x1xf32> to vector<96x128xf32>
    %add3A_4241 = vector.broadcast %slice3A_4238 : vector<1x128xf32> to vector<96x128xf32>
    %add3A_4242 = arith.addf %add3A_4240, %add3A_4241 : vector<96x128xf32>
    %sub3A_4243 = arith.subf %add3A_4242, %slice3A_4239 : vector<96x128xf32>
    %lt3A_4244 = arith.cmpf olt, %sub3A_4243, %select_n3A_4234 : vector<96x128xf32>
    %select_n3A_4245 = arith.select %lt3A_4244, %sub3A_4243, %select_n3A_4234 : vector<96x128xi1>, vector<96x128xf32>
    %jit3A_4246 = arith.constant 5.500000e+01 : f32
    %broadcast_in_dim3A_4247 = vector.broadcast %jit3A_4246 : f32 to vector<96x128xf32>
    %select_n3A_4248 = arith.select %lt3A_4244, %broadcast_in_dim3A_4247, %select_n3A_4237 : vector<96x128xi1>, vector<96x128xf32>
    %slice3A_4249 = vector.extract_strided_slice %get3A_8 {offsets = [0, 7168], sizes = [1, 128], strides = [1, 1]} : vector<1x8192xf32> to vector<1x128xf32>
    %slice3A_4250 = vector.extract_strided_slice %dot_general3A_5 {offsets = [480, 7168], sizes = [96, 128], strides = [1, 1]} : vector<576x8192xf32> to vector<96x128xf32>
    %add3A_4251 = vector.broadcast %slice3A_3628 : vector<96x1xf32> to vector<96x128xf32>
    %add3A_4252 = vector.broadcast %slice3A_4249 : vector<1x128xf32> to vector<96x128xf32>
    %add3A_4253 = arith.addf %add3A_4251, %add3A_4252 : vector<96x128xf32>
    %sub3A_4254 = arith.subf %add3A_4253, %slice3A_4250 : vector<96x128xf32>
    %lt3A_4255 = arith.cmpf olt, %sub3A_4254, %select_n3A_4245 : vector<96x128xf32>
    %select_n3A_4256 = arith.select %lt3A_4255, %sub3A_4254, %select_n3A_4245 : vector<96x128xi1>, vector<96x128xf32>
    %jit3A_4257 = arith.constant 5.600000e+01 : f32
    %broadcast_in_dim3A_4258 = vector.broadcast %jit3A_4257 : f32 to vector<96x128xf32>
    %select_n3A_4259 = arith.select %lt3A_4255, %broadcast_in_dim3A_4258, %select_n3A_4248 : vector<96x128xi1>, vector<96x128xf32>
    %slice3A_4260 = vector.extract_strided_slice %get3A_8 {offsets = [0, 7296], sizes = [1, 128], strides = [1, 1]} : vector<1x8192xf32> to vector<1x128xf32>
    %slice3A_4261 = vector.extract_strided_slice %dot_general3A_5 {offsets = [480, 7296], sizes = [96, 128], strides = [1, 1]} : vector<576x8192xf32> to vector<96x128xf32>
    %add3A_4262 = vector.broadcast %slice3A_3628 : vector<96x1xf32> to vector<96x128xf32>
    %add3A_4263 = vector.broadcast %slice3A_4260 : vector<1x128xf32> to vector<96x128xf32>
    %add3A_4264 = arith.addf %add3A_4262, %add3A_4263 : vector<96x128xf32>
    %sub3A_4265 = arith.subf %add3A_4264, %slice3A_4261 : vector<96x128xf32>
    %lt3A_4266 = arith.cmpf olt, %sub3A_4265, %select_n3A_4256 : vector<96x128xf32>
    %select_n3A_4267 = arith.select %lt3A_4266, %sub3A_4265, %select_n3A_4256 : vector<96x128xi1>, vector<96x128xf32>
    %jit3A_4268 = arith.constant 5.700000e+01 : f32
    %broadcast_in_dim3A_4269 = vector.broadcast %jit3A_4268 : f32 to vector<96x128xf32>
    %select_n3A_4270 = arith.select %lt3A_4266, %broadcast_in_dim3A_4269, %select_n3A_4259 : vector<96x128xi1>, vector<96x128xf32>
    %slice3A_4271 = vector.extract_strided_slice %get3A_8 {offsets = [0, 7424], sizes = [1, 128], strides = [1, 1]} : vector<1x8192xf32> to vector<1x128xf32>
    %slice3A_4272 = vector.extract_strided_slice %dot_general3A_5 {offsets = [480, 7424], sizes = [96, 128], strides = [1, 1]} : vector<576x8192xf32> to vector<96x128xf32>
    %add3A_4273 = vector.broadcast %slice3A_3628 : vector<96x1xf32> to vector<96x128xf32>
    %add3A_4274 = vector.broadcast %slice3A_4271 : vector<1x128xf32> to vector<96x128xf32>
    %add3A_4275 = arith.addf %add3A_4273, %add3A_4274 : vector<96x128xf32>
    %sub3A_4276 = arith.subf %add3A_4275, %slice3A_4272 : vector<96x128xf32>
    %lt3A_4277 = arith.cmpf olt, %sub3A_4276, %select_n3A_4267 : vector<96x128xf32>
    %select_n3A_4278 = arith.select %lt3A_4277, %sub3A_4276, %select_n3A_4267 : vector<96x128xi1>, vector<96x128xf32>
    %jit3A_4279 = arith.constant 5.800000e+01 : f32
    %broadcast_in_dim3A_4280 = vector.broadcast %jit3A_4279 : f32 to vector<96x128xf32>
    %select_n3A_4281 = arith.select %lt3A_4277, %broadcast_in_dim3A_4280, %select_n3A_4270 : vector<96x128xi1>, vector<96x128xf32>
    %slice3A_4282 = vector.extract_strided_slice %get3A_8 {offsets = [0, 7552], sizes = [1, 128], strides = [1, 1]} : vector<1x8192xf32> to vector<1x128xf32>
    %slice3A_4283 = vector.extract_strided_slice %dot_general3A_5 {offsets = [480, 7552], sizes = [96, 128], strides = [1, 1]} : vector<576x8192xf32> to vector<96x128xf32>
    %add3A_4284 = vector.broadcast %slice3A_3628 : vector<96x1xf32> to vector<96x128xf32>
    %add3A_4285 = vector.broadcast %slice3A_4282 : vector<1x128xf32> to vector<96x128xf32>
    %add3A_4286 = arith.addf %add3A_4284, %add3A_4285 : vector<96x128xf32>
    %sub3A_4287 = arith.subf %add3A_4286, %slice3A_4283 : vector<96x128xf32>
    %lt3A_4288 = arith.cmpf olt, %sub3A_4287, %select_n3A_4278 : vector<96x128xf32>
    %select_n3A_4289 = arith.select %lt3A_4288, %sub3A_4287, %select_n3A_4278 : vector<96x128xi1>, vector<96x128xf32>
    %jit3A_4290 = arith.constant 5.900000e+01 : f32
    %broadcast_in_dim3A_4291 = vector.broadcast %jit3A_4290 : f32 to vector<96x128xf32>
    %select_n3A_4292 = arith.select %lt3A_4288, %broadcast_in_dim3A_4291, %select_n3A_4281 : vector<96x128xi1>, vector<96x128xf32>
    %slice3A_4293 = vector.extract_strided_slice %get3A_8 {offsets = [0, 7680], sizes = [1, 128], strides = [1, 1]} : vector<1x8192xf32> to vector<1x128xf32>
    %slice3A_4294 = vector.extract_strided_slice %dot_general3A_5 {offsets = [480, 7680], sizes = [96, 128], strides = [1, 1]} : vector<576x8192xf32> to vector<96x128xf32>
    %add3A_4295 = vector.broadcast %slice3A_3628 : vector<96x1xf32> to vector<96x128xf32>
    %add3A_4296 = vector.broadcast %slice3A_4293 : vector<1x128xf32> to vector<96x128xf32>
    %add3A_4297 = arith.addf %add3A_4295, %add3A_4296 : vector<96x128xf32>
    %sub3A_4298 = arith.subf %add3A_4297, %slice3A_4294 : vector<96x128xf32>
    %lt3A_4299 = arith.cmpf olt, %sub3A_4298, %select_n3A_4289 : vector<96x128xf32>
    %select_n3A_4300 = arith.select %lt3A_4299, %sub3A_4298, %select_n3A_4289 : vector<96x128xi1>, vector<96x128xf32>
    %jit3A_4301 = arith.constant 6.000000e+01 : f32
    %broadcast_in_dim3A_4302 = vector.broadcast %jit3A_4301 : f32 to vector<96x128xf32>
    %select_n3A_4303 = arith.select %lt3A_4299, %broadcast_in_dim3A_4302, %select_n3A_4292 : vector<96x128xi1>, vector<96x128xf32>
    %slice3A_4304 = vector.extract_strided_slice %get3A_8 {offsets = [0, 7808], sizes = [1, 128], strides = [1, 1]} : vector<1x8192xf32> to vector<1x128xf32>
    %slice3A_4305 = vector.extract_strided_slice %dot_general3A_5 {offsets = [480, 7808], sizes = [96, 128], strides = [1, 1]} : vector<576x8192xf32> to vector<96x128xf32>
    %add3A_4306 = vector.broadcast %slice3A_3628 : vector<96x1xf32> to vector<96x128xf32>
    %add3A_4307 = vector.broadcast %slice3A_4304 : vector<1x128xf32> to vector<96x128xf32>
    %add3A_4308 = arith.addf %add3A_4306, %add3A_4307 : vector<96x128xf32>
    %sub3A_4309 = arith.subf %add3A_4308, %slice3A_4305 : vector<96x128xf32>
    %lt3A_4310 = arith.cmpf olt, %sub3A_4309, %select_n3A_4300 : vector<96x128xf32>
    %select_n3A_4311 = arith.select %lt3A_4310, %sub3A_4309, %select_n3A_4300 : vector<96x128xi1>, vector<96x128xf32>
    %jit3A_4312 = arith.constant 6.100000e+01 : f32
    %broadcast_in_dim3A_4313 = vector.broadcast %jit3A_4312 : f32 to vector<96x128xf32>
    %select_n3A_4314 = arith.select %lt3A_4310, %broadcast_in_dim3A_4313, %select_n3A_4303 : vector<96x128xi1>, vector<96x128xf32>
    %slice3A_4315 = vector.extract_strided_slice %get3A_8 {offsets = [0, 7936], sizes = [1, 128], strides = [1, 1]} : vector<1x8192xf32> to vector<1x128xf32>
    %slice3A_4316 = vector.extract_strided_slice %dot_general3A_5 {offsets = [480, 7936], sizes = [96, 128], strides = [1, 1]} : vector<576x8192xf32> to vector<96x128xf32>
    %add3A_4317 = vector.broadcast %slice3A_3628 : vector<96x1xf32> to vector<96x128xf32>
    %add3A_4318 = vector.broadcast %slice3A_4315 : vector<1x128xf32> to vector<96x128xf32>
    %add3A_4319 = arith.addf %add3A_4317, %add3A_4318 : vector<96x128xf32>
    %sub3A_4320 = arith.subf %add3A_4319, %slice3A_4316 : vector<96x128xf32>
    %lt3A_4321 = arith.cmpf olt, %sub3A_4320, %select_n3A_4311 : vector<96x128xf32>
    %select_n3A_4322 = arith.select %lt3A_4321, %sub3A_4320, %select_n3A_4311 : vector<96x128xi1>, vector<96x128xf32>
    %jit3A_4323 = arith.constant 6.200000e+01 : f32
    %broadcast_in_dim3A_4324 = vector.broadcast %jit3A_4323 : f32 to vector<96x128xf32>
    %select_n3A_4325 = arith.select %lt3A_4321, %broadcast_in_dim3A_4324, %select_n3A_4314 : vector<96x128xi1>, vector<96x128xf32>
    %slice3A_4326 = vector.extract_strided_slice %get3A_8 {offsets = [0, 8064], sizes = [1, 128], strides = [1, 1]} : vector<1x8192xf32> to vector<1x128xf32>
    %slice3A_4327 = vector.extract_strided_slice %dot_general3A_5 {offsets = [480, 8064], sizes = [96, 128], strides = [1, 1]} : vector<576x8192xf32> to vector<96x128xf32>
    %add3A_4328 = vector.broadcast %slice3A_3628 : vector<96x1xf32> to vector<96x128xf32>
    %add3A_4329 = vector.broadcast %slice3A_4326 : vector<1x128xf32> to vector<96x128xf32>
    %add3A_4330 = arith.addf %add3A_4328, %add3A_4329 : vector<96x128xf32>
    %sub3A_4331 = arith.subf %add3A_4330, %slice3A_4327 : vector<96x128xf32>
    %lt3A_4332 = arith.cmpf olt, %sub3A_4331, %select_n3A_4322 : vector<96x128xf32>
    %select_n3A_4333 = arith.select %lt3A_4332, %sub3A_4331, %select_n3A_4322 : vector<96x128xi1>, vector<96x128xf32>
    %jit3A_4334 = arith.constant 6.300000e+01 : f32
    %broadcast_in_dim3A_4335 = vector.broadcast %jit3A_4334 : f32 to vector<96x128xf32>
    %select_n3A_4336 = arith.select %lt3A_4332, %broadcast_in_dim3A_4335, %select_n3A_4325 : vector<96x128xi1>, vector<96x128xf32>
    %reduce_min3A_4337 = arith.constant dense<0x7F800000> : vector<96xf32>
    %reduce_min3A_4338 = vector.multi_reduction <minimumf>, %select_n3A_4333, %reduce_min3A_4337 [1] : vector<96x128xf32> to vector<96xf32>
    %broadcast_in_dim3A_4339 = vector.shape_cast %reduce_min3A_4338 : vector<96xf32> to vector<96x1xf32>
    %eq3A_4340 = vector.broadcast %broadcast_in_dim3A_4339 : vector<96x1xf32> to vector<96x128xf32>
    %eq3A_4341 = arith.cmpf oeq, %select_n3A_4333, %eq3A_4340 : vector<96x128xf32>
    %mul3A_4342 = arith.constant 1.280000e+02 : f32
    %mul3A_4343 = vector.broadcast %mul3A_4342 : f32 to vector<96x128xf32>
    %mul3A_4344 = arith.mulf %select_n3A_4336, %mul3A_4343 : vector<96x128xf32>
    %add3A_4345 = arith.addf %mul3A_4344, %convert_element_type3A : vector<96x128xf32>
    %jit3A_4346 = arith.constant 8.192000e+03 : f32
    %broadcast_in_dim3A_4347 = vector.broadcast %jit3A_4346 : f32 to vector<96x128xf32>
    %select_n3A_4348 = arith.select %eq3A_4341, %add3A_4345, %broadcast_in_dim3A_4347 : vector<96x128xi1>, vector<96x128xf32>
    %reduce_min3A_4349 = arith.constant dense<0x7F800000> : vector<96xf32>
    %reduce_min3A_4350 = vector.multi_reduction <minimumf>, %select_n3A_4348, %reduce_min3A_4349 [1] : vector<96x128xf32> to vector<96xf32>
    %broadcast_in_dim3A_4351 = vector.shape_cast %reduce_min3A_4350 : vector<96xf32> to vector<96x1xf32>
    %convert_element_type3A_4352 = arith.fptosi %broadcast_in_dim3A_4351 : vector<96x1xf32> to vector<96x1xi32>
    %concatenate3A = tpu.concatenate %convert_element_type3A_727, %convert_element_type3A_1452, %convert_element_type3A_2177, %convert_element_type3A_2902, %convert_element_type3A_3627, %convert_element_type3A_4352 in 0 : vector<96x1xi32>, vector<96x1xi32>, vector<96x1xi32>, vector<96x1xi32>, vector<96x1xi32>, vector<96x1xi32> -> vector<576x1xi32>
    %concatenate3A_4353 = tpu.concatenate %broadcast_in_dim3A_716, %broadcast_in_dim3A_1439, %broadcast_in_dim3A_2164, %broadcast_in_dim3A_2889, %broadcast_in_dim3A_3614, %broadcast_in_dim3A_4339 in 0 : vector<96x1xf32>, vector<96x1xf32>, vector<96x1xf32>, vector<96x1xf32>, vector<96x1xf32>, vector<96x1xf32> -> vector<576x1xf32>
    %swap3A = arith.constant 0 : index
    %swap3A_4354 = arith.constant 0 : index
    %swap3A_4355 = vector.load %arg5[%swap3A, %swap3A_4354] : memref<576x1xi32, #tpu.memory_space<vmem>>, vector<576x1xi32>
    tpu.vector_store %arg5[%swap3A, %swap3A_4354], %concatenate3A {strides = array<i32>} : memref<576x1xi32, #tpu.memory_space<vmem>>, vector<576x1xi32>,
    %iota3A_4356 = tpu.iota {dimensions = array<i32: 0>} : vector<24x576xi32>
    %iota3A_4357 = tpu.iota {dimensions = array<i32: 1>} : vector<24x576xi32>
    %jit3A_4358 = arith.constant 24 : i32
    %div3A = vector.broadcast %jit3A_4358 : i32 to vector<24x576xi32>
    %div3A_4359 = arith.divsi %iota3A_4357, %div3A : vector<24x576xi32>
    %sign3A = arith.constant 0 : i32
    %sign3A_4360 = vector.broadcast %sign3A : i32 to vector<24x576xi32>
    %sign3A_4361 = arith.cmpi sgt, %iota3A_4357, %sign3A_4360 : vector<24x576xi32>
    %sign3A_4362 = arith.extui %sign3A_4361 : vector<24x576xi1> to vector<24x576xi32>
    %sign3A_4363 = arith.constant 0 : i32
    %sign3A_4364 = vector.broadcast %sign3A_4363 : i32 to vector<24x576xi32>
    %sign3A_4365 = arith.cmpi slt, %iota3A_4357, %sign3A_4364 : vector<24x576xi32>
    %sign3A_4366 = arith.extui %sign3A_4365 : vector<24x576xi1> to vector<24x576xi32>
    %sign3A_4367 = arith.subi %sign3A_4362, %sign3A_4366 : vector<24x576xi32>
    %sign3A_4368 = arith.constant 0 : i32
    %sign3A_4369 = arith.cmpi sgt, %jit3A_4358, %sign3A_4368 : i32
    %sign3A_4370 = arith.extui %sign3A_4369 : i1 to i32
    %sign3A_4371 = arith.constant 0 : i32
    %sign3A_4372 = arith.cmpi slt, %jit3A_4358, %sign3A_4371 : i32
    %sign3A_4373 = arith.extui %sign3A_4372 : i1 to i32
    %sign3A_4374 = arith.subi %sign3A_4370, %sign3A_4373 : i32
    %ne3A = vector.broadcast %sign3A_4374 : i32 to vector<24x576xi32>
    %ne3A_4375 = arith.cmpi ne, %sign3A_4367, %ne3A : vector<24x576xi32>
    %rem3A = vector.broadcast %jit3A_4358 : i32 to vector<24x576xi32>
    %rem3A_4376 = arith.remsi %iota3A_4357, %rem3A : vector<24x576xi32>
    %ne3A_4377 = arith.constant 0 : i32
    %ne3A_4378 = vector.broadcast %ne3A_4377 : i32 to vector<24x576xi32>
    %ne3A_4379 = arith.cmpi ne, %rem3A_4376, %ne3A_4378 : vector<24x576xi32>
    %and3A = arith.andi %ne3A_4375, %ne3A_4379 : vector<24x576xi1>
    %sub3A_4380 = arith.constant 1 : i32
    %sub3A_4381 = vector.broadcast %sub3A_4380 : i32 to vector<24x576xi32>
    %sub3A_4382 = arith.subi %div3A_4359, %sub3A_4381 : vector<24x576xi32>
    %select_n3A_4383 = arith.select %and3A, %sub3A_4382, %div3A_4359 : vector<24x576xi1>, vector<24x576xi32>
    %eq3A_4384 = arith.cmpi eq, %select_n3A_4383, %iota3A_4356 : vector<24x576xi32>
    %convert_element_type3A_4385 = arith.extui %eq3A_4384 : vector<24x576xi1> to vector<24x576xi32>
    %convert_element_type3A_4386 = arith.sitofp %convert_element_type3A_4385 : vector<24x576xi32> to vector<24x576xf32>
    %dot_general3A_4387 = arith.constant dense<0.000000e+00> : vector<24x1xf32>
    %dot_general3A_4388 = tpu.matmul %convert_element_type3A_4386, %concatenate3A_4353, %dot_general3A_4387 {dimension_numbers = #tpu.dot_dimension_numbers<[1], [0], [0], [1], [0, 0, 1, 1], [], []>, precision = #tpu.contract_precision<fp32>, transpose_lhs_hint = false} : vector<24x576xf32>, vector<576x1xf32>, vector<24x1xf32> -> vector<24x1xf32>
    %mul3A_4389 = arith.constant 8.13802064E-4 : f32
    %mul3A_4390 = vector.broadcast %mul3A_4389 : f32 to vector<24x1xf32>
    %mul3A_4391 = arith.mulf %dot_general3A_4388, %mul3A_4390 : vector<24x1xf32>
    %swap3A_4392 = arith.constant 0 : index
    %swap3A_4393 = arith.constant 0 : index
    %swap3A_4394 = vector.load %arg6[%swap3A_4392, %swap3A_4393] : memref<24x1xf32, #tpu.memory_space<vmem>>, vector<24x1xf32>
    tpu.vector_store %arg6[%swap3A_4392, %swap3A_4393], %mul3A_4391 {strides = array<i32>} : memref<24x1xf32, #tpu.memory_space<vmem>>, vector<24x1xf32>,
    return
  }
  func.func @transform_0(%arg0: i32) -> (i32, i32) {
    %c0_i32 = arith.constant 0 : i32
    %c0_i32_0 = arith.constant 0 : i32
    return %arg0, %c0_i32 : i32, i32
  }
  func.func @transform_1(%arg0: i32) -> (i32, i32) {
    %c0_i32 = arith.constant 0 : i32
    %c0_i32_0 = arith.constant 0 : i32
    return %arg0, %c0_i32 : i32, i32
  }
  func.func @transform_2(%arg0: i32) -> (i32, i32) {
    %c0_i32 = arith.constant 0 : i32
    %c0_i32_0 = arith.constant 0 : i32
    %c0_i32_1 = arith.constant 0 : i32
    return %c0_i32, %c0_i32_0 : i32, i32
  }
  func.func @transform_3(%arg0: i32) -> (i32, i32) {
    %c0_i32 = arith.constant 0 : i32
    %c0_i32_0 = arith.constant 0 : i32
    %c0_i32_1 = arith.constant 0 : i32
    return %c0_i32, %c0_i32_0 : i32, i32
  }
  func.func @transform_4(%arg0: i32) -> (i32, i32) {
    %c0_i32 = arith.constant 0 : i32
    %c0_i32_0 = arith.constant 0 : i32
    return %arg0, %c0_i32 : i32, i32
  }
  func.func @transform_5(%arg0: i32) -> (i32, i32) {
    %c0_i32 = arith.constant 0 : i32
    %c0_i32_0 = arith.constant 0 : i32
    return %arg0, %c0_i32 : i32, i32
  }
}

</mosaic_0001>

<sc_bundles>
// kernel: kernel.4.cloned.1.call-start
scs
__scs_entry_jumppad:
0x0: {  	(pc) =	sbr.rel $0x88, $3  }
0x1: {  	(tag) =	ssettag $0x0;
	lr =	simm.s32 $0x1  }
0x2: {  	[smem:$0x3F9F] =	sst lr;
	_ =	strace $0xD0000000  }
0x3: {  	_ = 	snop  }
0x4: {  	_ = 	snop  }
0x5: {  	_ = 	snop  }
0x6: {  	_ = 	snop  }
0x7: {  	_ = 	snop  }
__scs_overlays_trampoline_lowered:
0x8: {  	[smem:$0x3FAE] =	sst s0  }
0x9: {  	[smem:$0x3FAF] =	sst s1  }
0xa: {  	[smem:$0x3FB0] =	sst s2  }
0xb: {  	[smem:$0x3FB1] =	sst s3  }
0xc: {  	[smem:$0x3FB2] =	sst s4  }
0xd: {  	[smem:$0x3FB3] =	sst s5  }
0xe: {  	[smem:$0x3FB4] =	sst s6  }
0xf: {  	[smem:$0x3FB5] =	sst s7  }
0x10: {  	[smem:$0x3FB6] =	sst s8  }
0x11: {  	[smem:$0x3FB7] =	sst s9;
	s0 =	simm.s32 @!p0 $0x0  }
0x12: {  	s1 =	sld [smem:$0x3F9D];
	s0 =	simm.s32 @p0 $0x1  }
0x13: {  	[smem:$0x3FB8] =	sst s0;
	s0 =	simm.s32 @!p1 $0x0  }
0x14: {  	s2 =	sld [smem:$0x3F9C];
	s0 =	simm.s32 @p1 $0x1  }
0x15: {  	[smem:$0x3FB9] =	sst s0;
	s0 =	simm.s32 @!p2 $0x0  }
0x16: {  	s3 =	sld [smem:$0x3FDB];
	s0 =	simm.s32 @p2 $0x1  }
0x17: {  	s4 =	simm.s32 $0x1BF5;
	[smem:$0x3FBB] =	sst s0  }
0x18: {  	s0 =	sld [smem:$0x3F9E];
	_ =	swait.ge [sflag:s4], $0x0  }
0x19: {  	s7 =	sld [smem:$0x3F9F]  }
0x1a: {  	s8 =	sadd.s32 $0xFFFFE003, lr  }
0x1b: {  	s9 =	sadd.s32 $0xFFFFFEF7, lr;
	s5 =	simm.s32 $0xFFFFFFFF;
	p2 =	slt.u32 s8, $0xFFFFF086  }
0x1c: {  	p1 =	slt.u32 s9, $0xF7A;
	s5 =	simm.s32 @!p2 $0x0  }
0x1d: {  	s5 =	simm.s32 @p1 $0x1;
	p0 =	seq.s32 s7, s2  }
0x1e: {  	s7 =	smul.u32 @!p0 $0xF7A, s2;
	p2 =	seq.s32 @!p0 s5, $0x0  }
0x1f: {  	s9 =	smul.u32 $0xF7A, s1;
	s8 =	simm.s32 @!p0 $0x1BF5;
	p2 =	por !p2, p0  }
0x20: {  	[sflag:s8] =	ssyncset.s32 @!p0 $0xFFFFF086;
	s6 =	sadd.s32 @!p0 s3, s7;
	s7 =	simm.s32 @!p0 $0x108  }
0x21: {  	s3 =	sadd.s32 s3, s9;
	s6 =	sadd.s32 @!p0 $0x88, s6;
	s7 =	simm.s32 @p2 $0x1082  }
0x22: {  	[simem:s7], [sflag:s8] =	dma.local @!p0 [hbm:s6], $0xF7A  }
0x23: {  	s9 =	sor.u32 $0xD0000000, s2;
	s6 =	simm.s32 $0x108;
	_ =	swait.ge @!p0 [sflag:s8], $0x0  }
0x24: {  	s3 =	sadd.s32 $0x88, s3;
	s6 =	simm.s32 @!p1 $0x1082;
	[sflag:s4] =	ssyncset.s32 $0xFFFFF086  }
0x25: {  	[simem:s6], [sflag:s4] =	dma.local [hbm:s3], $0xF7A  }
0x26: {  	[smem:$0x3F9F] =	sst s1;
	(tag) =	ssettag s2;
	_ =	strace s9  }
0x27: {  	s1 =	sld [smem:$0x3FAF]  }
0x28: {  	s2 =	sld [smem:$0x3FB0]  }
0x29: {  	s4 =	sld [smem:$0x3FB2]  }
0x2a: {  	p0 =	seq.s32 s5, $0x0;
	s5 =	sld [smem:$0x3FB3]  }
0x2b: {  	s6 =	sld [smem:$0x3FB4]  }
0x2c: {  	s7 =	sld [smem:$0x3FB5]  }
0x2d: {  	s3 =	simm.s32 $0x108;
	s8 =	sld [smem:$0x3FB6]  }
0x2e: {  	s3 =	simm.s32 @!p0 $0x1082;
	s9 =	sld [smem:$0x3FB7]  }
0x2f: {  	lr =	sadd.s32 s0, s3;
	s0 =	sld [smem:$0x3FAE]  }
0x30: {  	s3 =	sld [smem:$0x3FB1]  }
0x31: {  	[smem:$0x3FBA] =	sst s10  }
0x32: {  	s10 =	sld [smem:$0x3FB8];
	_ =	sdelay $0x3  }
0x33: {  	p0 =	seq.s32 s10, $0x1;
	s10 =	sld [smem:$0x3FBA];
	_ =	sdelay $0x3  }
0x34: {  	[smem:$0x3FBA] =	sst s10  }
0x35: {  	s10 =	sld [smem:$0x3FB9];
	_ =	sdelay $0x3  }
0x36: {  	p1 =	seq.s32 s10, $0x1;
	s10 =	sld [smem:$0x3FBA];
	_ =	sdelay $0x3  }
0x37: {  	[smem:$0x3FBA] =	sst s10  }
0x38: {  	s10 =	sld [smem:$0x3FBB]  }
0x39: {  	_ = 	snop;
	(pc) =	sbr.ind lr, $3  }
0x3a: {  	_ = 	snop  }
0x3b: {  	_ = 	snop  }
0x3c: {  	p2 =	seq.s32 s10, $0x1;
	s10 =	sld [smem:$0x3FBA]  }
0x3d: {  	_ =	shalt  }
0x3e: {  	_ =	shalt  }
0x3f: {  	_ =	shalt  }
0x40: {  	_ =	shalt  }
0x41: {  	_ =	shalt  }
0x42: {  	_ =	shalt  }
0x43: {  	_ =	shalt  }
0x44: {  	_ =	shalt  }
0x45: {  	_ =	shalt  }
0x46: {  	_ =	shalt  }
0x47: {  	_ =	shalt  }
0x48: {  	_ =	shalt  }
0x49: {  	_ =	shalt  }
0x4a: {  	_ =	shalt  }
0x4b: {  	_ =	shalt  }
0x4c: {  	_ =	shalt  }
0x4d: {  	_ =	shalt  }
0x4e: {  	_ =	shalt  }
0x4f: {  	_ =	shalt  }
0x50: {  	_ =	shalt  }
0x51: {  	_ =	shalt  }
0x52: {  	_ =	shalt  }
0x53: {  	_ =	shalt  }
0x54: {  	_ =	shalt  }
0x55: {  	_ =	shalt  }
0x56: {  	_ =	shalt  }
0x57: {  	_ =	shalt  }
0x58: {  	_ =	shalt  }
0x59: {  	_ =	shalt  }
0x5a: {  	_ =	shalt  }
0x5b: {  	_ =	shalt  }
0x5c: {  	_ =	shalt  }
0x5d: {  	_ =	shalt  }
0x5e: {  	_ =	shalt  }
0x5f: {  	_ =	shalt  }
0x60: {  	_ =	shalt  }
0x61: {  	_ =	shalt  }
0x62: {  	_ =	shalt  }
0x63: {  	_ =	shalt  }
0x64: {  	_ =	shalt  }
0x65: {  	_ =	shalt  }
0x66: {  	_ =	shalt  }
0x67: {  	_ =	shalt  }
0x68: {  	_ =	shalt  }
0x69: {  	_ =	shalt  }
0x6a: {  	_ =	shalt  }
0x6b: {  	_ =	shalt  }
0x6c: {  	_ =	shalt  }
0x6d: {  	_ =	shalt  }
0x6e: {  	_ =	shalt  }
0x6f: {  	_ =	shalt  }
0x70: {  	_ =	shalt  }
0x71: {  	_ =	shalt  }
0x72: {  	_ =	shalt  }
0x73: {  	_ =	shalt  }
0x74: {  	_ =	shalt  }
0x75: {  	_ =	shalt  }
0x76: {  	_ =	shalt  }
0x77: {  	_ =	shalt  }
0x78: {  	_ =	shalt  }
0x79: {  	_ =	shalt  }
0x7a: {  	_ =	shalt  }
0x7b: {  	_ =	shalt  }
0x7c: {  	_ =	shalt  }
0x7d: {  	_ =	shalt  }
0x7e: {  	_ =	shalt  }
0x7f: {  	_ =	shalt  }
0x80: {  	_ =	shalt  }
0x81: {  	_ =	shalt  }
0x82: {  	_ =	shalt  }
0x83: {  	_ =	shalt  }
0x84: {  	_ =	shalt  }
0x85: {  	_ =	shalt  }
0x86: {  	_ =	shalt  }
0x87: {  	_ =	shalt  }
.Lfunc_end0:
.L_simem_size_0:
called_computation_lowered:
.L_overlay_start_0:
0x88: {  	s2 =	sld [smem:$0x3FD9]  }
0x89: {  	s3 =	sld [smem:$0x3FFE];
	_ =	sdelay $0x1  }
0x8a: {  	s1 =	srdreg.scid  }
0x8b: {  	s0 =	sand.u32 $0x1, s1  }
0x8c: {  	s14 =	sshll.u32 s0, $0xA;
	s2 =	sadd.s32 s3, s2  }
0x8d: {  	s2 =	sadd.s32 s2, s14  }
0x8e: {  	[smem:$0x3FC6] =	sst s2  }
0x8f: {  	_ = 	snop  }
0x90: {  	s2 =	sld [smem:$0x3FD0];
	_ =	sdelay $0x2  }
0x91: {  	s15 =	simm.s32 $0xA;
	s4 =	simm.s32 $0x10  }
0x92: {  	[smem:s4], [sflag:s15] =	dma.local [hbm:s2], $0x1  }
0x93: {  	_ =	swait.eq [sflag:s15], $0x1  }
0x94: {  	[sflag:s15] =	ssyncset.done $0x0  }
0x95: {  	[sflag:s15] =	ssyncadd.s32 $0xFFFFFFFF  }
0x96: {  	s16 =	sld [smem:$0x10];
	(tm) =	ssettm $0x1  }
0x97: {  	s17 =	sld [smem:$0x3FFB];
	_ =	sdelay $0x3  }
0x98: {  	_ =	strace s17  }
0x99: {  	s3 =	sld [smem:$0x3FFC];
	_ =	sdelay $0x3  }
0x9a: {  	_ =	strace s3  }
0x9b: {  	s3 =	sld [smem:$0x3FFD];
	_ =	sdelay $0x3  }
0x9c: {  	_ =	strace s3  }
0x9d: {  	_ =	strace $0x8FFFFFFF  }
0x9e: {  	s18 =	sld [smem:$0x3FDB];
	_ =	sdelay $0x1  }
0x9f: {  	s19 =	simm.s32 $_scs_section_size  }
0xa0: {  	s5 =	simm.s32 $_size__tile_overlayer_lowered;
	s6 =	simm.s32 $_tile_overlayer_lowered  }
0xa1: {  	s22 =	simm.s32 $0x1BFF;
	s21 =	sshll.u32 s6, $0x1;
	s3 =	sadd.s32 s19, s18  }
0xa2: {  	s7 =	simm.s32 $0x0;
	s20 =	sshll.u32 s5, $0x1;
	s5 =	sadd.s32 s21, s3  }
0xa3: {  	[timem:s7], [sflag:s22] =	dma.local [hbm:s5], s20  }
0xa4: {  	_ =	swait.ge [sflag:s22], s20  }
0xa5: {  	s4 =	ssub.s32 $0x0, s20;
	[sflag:s22] =	ssyncset.done $0x0  }
0xa6: {  	[sflag:s22] =	ssyncadd.s32 s4;
	_ =	sdelay $0x1  }
0xa7: {  	s23 =	simm.s32 $0x1B8B  }
0xa8: {  	_ =	swait.ge [sflag:s23], $0x1  }
0xa9: {  	[sflag:s23] =	ssyncset.done $0x0  }
0xaa: {  	s25 =	simm.s32 $0x1B8E;
	s24 =	sld [smem:$0x3FFE];
	[sflag:s23] =	ssyncadd.s32 $0xFFFFFFFF  }
0xab: {  	s26 =	simm.s32 $execute0_lowered;
	[smem:$0x3FD2] =	sst s25  }
0xac: {  	s5 =	sshll.u32 s26, $0x1;
	_ =	strace $0x80000046;
	[dreg:$0x1] =	wrdreg $0xFFFFFFFF  }
0xad: {  	s28 =	simm.s32 $_size_execute0_lowered;
	s3 =	sadd.s32 s3, s5;
	[dreg:$0x0] =	wrdreg $0x0  }
0xae: {  	s5 =	sshll.u32 s28, $0x1;
	[dreg:$0x2] =	wrdreg s3  }
0xaf: {  	[dreg:$0x3] =	wrdreg s5  }
0xb0: {  	[dreg:$0x4] =	wrdreg $0xC0  }
0xb1: {  	_ =	task [dreg:s7], $0x5FFFF  }
0xb2: {  	[dreg:$0x1] =	wrdreg $0xFFFFFFFF  }
0xb3: {  	[dreg:$0x0] =	wrdreg $0x60  }
0xb4: {  	[dreg:$0x2] =	wrdreg s16  }
0xb5: {  	[dreg:$0x3] =	wrdreg s24  }
0xb6: {  	[dreg:$0x4] =	wrdreg $0x9  }
0xb7: {  	_ =	task.clear_ibuf [dreg:s7], $0x5FFFF;
	_ =	strace $0x90000046  }
0xb8: {  	s29 =	simm.s32 $0x9;
	_ =	strace $0x80000048  }
0xb9: {  	_ =	swait.ge [sflag:s29], $0x1  }
0xba: {  	[sflag:s29] =	ssyncadd.s32 $0xFFFFFFFF  }
0xbb: {  	_ =	strace $0x90000048  }
0xbc: {  	_ =	sfence  }
0xbd: {  	s30 =	sld [smem:$0x0];
	_ =	sdelay $0x2  }
0xbe: {  	s31 =	sshll.u32 s1, $0xD;
	s1 =	sshrl.u32 s1, $0x2  }
0xbf: {  	s3 =	sand.u32 $0x4000, s31;
	s1 =	sadd.s32 s1, s30  }
0xc0: {  	s0 =	sor.u32 s3, s0;
	s1 =	sshll.u32 s1, $0x11  }
0xc1: {  	s0 =	sor.u32 s1, s0  }
0xc2: {  	s0 =	sadd.s32 $0x8F2B, s0  }
0xc3: {  	[sflag:s0] =	ssyncadd.remote.s32 $0x1  }
0xc4: {  	_ =	sfence.sel $0xFFFF  }
0xc5: {  	[dreg:$0x0] =	wrdreg $0xFFFFFFFF;
	(pc) =	sbr.abs _section_cstart, $3  }
0xc6: {  	[dreg:$0x1] =	wrdreg $0xFFFFFFFF  }
0xc7: {  	_ =	task.clear_ibuf [dreg:s7], $0x2FFFF;
	_ =	strace $0x9FFFFFFF  }
0xc8: {  	(tm) =	ssettm $0x7FFFFFFF  }
0xc9: {  	_ =	shalt  }
tec
execute0_lowered:
.L_overlay_start_1:
0x0: {  	(tag) =	ssettag $0x1  }
0x1: {  	s1 =	srdreg.scid;
	s0 =	stileid.u32  }
0x2: {  	s12 =	sand.u32 $0x1, s1;
	s30 =	sshll.u32 s0, $0x1  }
0x3: {  	s2 =	rddreg [dreg:$0x0];
	s11 =	sor.u32 s12, s30  }
0x4: {  	s13 =	rddreg [dreg:$0x1];
	s6 =	smul.u32 $0x120, s11  }
0x5: {  	s3 =	simm.s32 $0x0;
	s1 =	rddreg [dreg:$0x2]  }
0x6: {  	[smem:$0x7FF] =	sst s3;
	s4 =	sshrl.u32 s6, $0x3  }
0x7: {  	_ =	strace $0x80000047;
	s5 =	sadd.s32 s13, s4;
	s4 =	simm.s32 $0x3  }
0x8: {  	[tilespmem:s3], [sflag:$0x3] =	stream.linear.gather [hbm4b:s5+s3], $0x90, $0x38;
	[tilespmem:$0x4920] =	vst v63  }
0x9: {  	_ =	swait.ge [sflag:s4], $0x90  }
0xa: {  	s7 =	simm.s32 $0x120;
	s14 =	sadd.s32 $0x90, s6;
	[sflag:s4] =	ssyncset.done $0x0  }
0xb: {  	s6 =	simm.s32 $0x90;
	s8 =	sshrl.u32 s14, $0x3;
	[sflag:s4] =	ssyncadd.s32 $0xFFFFFF70  }
0xc: {  	[tilespmem:s7], [sflag:$0x1] =	stream.indirect.gather [hbm4b:s2+s6], $0x40, s3, s6, $0xb8;
	[tilespmem:$0x4920] =	vst v63  }
0xd: {  	s8 =	sadd.s32 s13, s8  }
0xe: {  	[tilespmem:s6], [sflag:$0x3] =	stream.linear.gather [hbm4b:s8+s3], $0x90, $0x38;
	[tilespmem:$0x4920] =	vst v63  }
0xf: {  	_ =	swait.ge [sflag:s4], $0x90  }
0x10: {  	[sflag:s4] =	ssyncset.done $0x0  }
0x11: {  	s9 =	simm.s32 $0x2520;
	s10 =	simm.s32 $0x1;
	[sflag:s4] =	ssyncadd.s32 $0xFFFFFF70  }
0x12: {  	[tilespmem:s9], [sflag:$0x2] =	stream.indirect.gather [hbm4b:s2+s6], $0x40, s6, s6, $0xb8;
	[tilespmem:$0x4920] =	vst v63  }
0x13: {  	s11 =	smul.u32 $0x900, s11;
	_ =	swait.ge [sflag:s10], $0x2400  }
0x14: {  	s13 =	sadd.s32 $0x600, s13;
	[sflag:s10] =	ssyncset.done $0x0  }
0x15: {  	s15 =	ssub.s32 $0x2, s12;
	s11 =	sadd.s32 s13, s11;
	[sflag:s10] =	ssyncadd.s32 $0xFFFFDC00  }
0x16: {  	[hbm4b:s11+s3] =	stream.linear.scatter [tilespmem:s7], [sflag:$0x3], $0x2400, $0x38;
	[tilespmem:$0x4920] =	vst v63  }
0x17: {  	s16 =	sshrl.u32 s15, $0x1;
	_ =	swait.ge [sflag:s4], $0x2400  }
0x18: {  	s15 =	ssub.s32 s15, s16;
	[sflag:s4] =	ssyncset.done $0x0  }
0x19: {  	s12 =	simm.s32 $0x2;
	s31 =	smax.u32 s15, $0x1;
	[sflag:s4] =	ssyncadd.s32 $0xFFFFDC00  }
0x1a: {  	p0 =	sne.s32 s31, $0x1;
	_ =	swait.ge [sflag:s12], $0x2400  }
.Ltmp0:
0x1b: {  	s14 =	sshll.u32 s14, $0x3;
	[sflag:s12] =	ssyncset.done $0x0;
	(pc) =	sbr.rel @!p0 .LBB2_2-.Ltmp0, $4  }
0x1c: {  	s13 =	sadd.s32 s13, s14;
	[sflag:s12] =	ssyncadd.s32 $0xFFFFDC00  }
0x1d: {  	[hbm4b:s13+s3] =	stream.linear.scatter [tilespmem:s9], [sflag:$0x3], $0x2400, $0x38;
	[tilespmem:$0x4920] =	vst v63  }
0x1e: {  	_ =	swait.ge [sflag:s4], $0x2400  }
0x1f: {  	s14 =	sadd.s32 $0xFFFFFFFF, s31;
	[sflag:s4] =	ssyncset.done $0x0  }
.LBB2_1:
0x20: {  	p0 =	sne.s32 s14, $0x1;
	s14 =	sadd.s32 $0xFFFFFFFF, s14;
	[sflag:s4] =	ssyncadd.s32 $0xFFFFDC00  }
0x21: {  	[tilespmem:s3], [sflag:$0x3] =	stream.linear.gather [hbm4b:s5+s3], $0x90, $0x38;
	[tilespmem:$0x4920] =	vst v63  }
0x22: {  	_ =	swait.ge [sflag:s4], $0x90  }
0x23: {  	[sflag:s4] =	ssyncset.done $0x0  }
0x24: {  	[sflag:s4] =	ssyncadd.s32 $0xFFFFFF70  }
0x25: {  	[tilespmem:s7], [sflag:$0x1] =	stream.indirect.gather [hbm4b:s2+s6], $0x40, s3, s6, $0xb8;
	[tilespmem:$0x4920] =	vst v63  }
0x26: {  	_ = 	snop  }
0x27: {  	[tilespmem:s6], [sflag:$0x3] =	stream.linear.gather [hbm4b:s8+s3], $0x90, $0x38;
	[tilespmem:$0x4920] =	vst v63  }
0x28: {  	_ =	swait.ge [sflag:s4], $0x90  }
0x29: {  	[sflag:s4] =	ssyncset.done $0x0  }
0x2a: {  	[sflag:s4] =	ssyncadd.s32 $0xFFFFFF70  }
0x2b: {  	[tilespmem:s9], [sflag:$0x2] =	stream.indirect.gather [hbm4b:s2+s6], $0x40, s6, s6, $0xb8;
	[tilespmem:$0x4920] =	vst v63  }
0x2c: {  	_ =	swait.ge [sflag:s10], $0x2400  }
0x2d: {  	[sflag:s10] =	ssyncset.done $0x0  }
0x2e: {  	[sflag:s10] =	ssyncadd.s32 $0xFFFFDC00  }
0x2f: {  	[hbm4b:s11+s3] =	stream.linear.scatter [tilespmem:s7], [sflag:$0x3], $0x2400, $0x38;
	[tilespmem:$0x4920] =	vst v63  }
0x30: {  	_ =	swait.ge [sflag:s4], $0x2400  }
0x31: {  	[sflag:s4] =	ssyncset.done $0x0  }
0x32: {  	[sflag:s4] =	ssyncadd.s32 $0xFFFFDC00  }
0x33: {  	_ =	swait.ge [sflag:s12], $0x2400  }
.Ltmp1:
0x34: {  	[sflag:s12] =	ssyncset.done $0x0;
	(pc) =	sbr.rel @p0 .LBB2_1-.Ltmp1, $4  }
0x35: {  	[sflag:s12] =	ssyncadd.s32 $0xFFFFDC00  }
0x36: {  	[hbm4b:s13+s3] =	stream.linear.scatter [tilespmem:s9], [sflag:$0x3], $0x2400, $0x38;
	[tilespmem:$0x4920] =	vst v63  }
0x37: {  	_ =	swait.ge [sflag:s4], $0x2400  }
0x38: {  	[sflag:s4] =	ssyncset.done $0x0  }
.LBB2_2:
0x39: {  	[sflag:s4] =	ssyncadd.s32 $0xFFFFDC00  }
0x3a: {  	_ =	sfence.sel $0x180000  }
0x3b: {  	[bflag:$0x0] =	sbarrier.arrive $0xFFFF  }
0x3c: {  	p0 =	sne.s32 s0, $0x0;
	_ =	strace $0x90000047  }
0x3d: {  	s0 =	sadd.s32 @!p0 $0x100000, s1;
	[bflag:$0x2] =	sbarrier.arrive $0xFFFF  }
0x3e: {  	[sflag:s0] =	ssyncadd.tile.s32 @!p0 $0x1;
	_ =	shalt  }
.Lfunc_end2:
_tile_overlayer_lowered:
.L_overlay_start_2:
0x3f: {  	(tag) =	ssettag $0x2  }
0x40: {  	s0 =	rddreg [dreg:$0x0];
	s2 =	stileid.u32  }
0x41: {  	s1 =	rddreg [dreg:$0x1];
	p0 =	sne.s32 s2, $0x0  }
0x42: {  	s3 =	rddreg [dreg:$0x2];
	[bflag:$0x3] =	sbarrier.arrive $0xFFFF;
	s2 =	simm.s32 @!p0 $0x1C03  }
0x43: {  	[timem:s3], [sflag:s2] =	dma.local @!p0 [hbm:s0], s1  }
0x44: {  	s0 =	simm.s32 @!p0 $0x3  }
0x45: {  	_ =	swait.ge @!p0 [sflag:s0], s1  }
0x46: {  	s1 =	ssub.s32 @!p0 $0x0, s1;
	[sflag:s0] =	ssyncset.done @!p0 $0x0  }
0x47: {  	[sflag:s0] =	ssyncadd.s32 @!p0 s1  }
0x48: {  	[bflag:$0x3] =	sbarrier.arrive $0xFFFF  }
0x49: {  	_ =	shalt  }

</sc_bundles>
